<compile_context>
chip_gen: v7x
topology: tpu7x:2x2x1
jax: 0.10.2.dev20260603
libtpu: 0.0.44.dev20260713+nightly
codegen_flags: <defaults>
</compile_context>

<pallas_src>
import dataclasses

import jax
import jax.numpy as jnp
from jax import lax
from jax.experimental import pallas as pl
from jax.experimental.pallas import tpu as pltpu
from jax.experimental.pallas import tpu_sc as plsc

N = 10000
E = 320000
D = 128
NC = 2
NS = 16
NW = NC * NS
EPT = E // NW
BLK = 40
NBLK = EPT // BLK
NG = 5
NI = 10
ZR = 25
RPT = N // NS


def _sc_body(row_hbm, col_hbm, val_hbm, emb_hbm, part_hbm,
             ridx, cidx, vval, gath_v, zero_v, acc, gsem, ssem, isem):
    c = lax.axis_index("c")
    s = lax.axis_index("s")
    wid = s * NC + c
    blk0 = wid * NBLK

    @pl.loop(0, ZR)
    def _zrow(r):
        @pl.loop(0, D // 16)
        def _zcol(g):
            zero_v[r, pl.ds(g * 16, 16)] = jnp.zeros((16,), jnp.float32)

    @pl.loop(0, RPT // ZR)
    def _zcopy(k):
        pltpu.sync_copy(zero_v.at[pl.ds(0, ZR)],
                        acc.at[pl.ds(s * RPT + k * ZR, ZR)])

    def fetch_idx(blk, islot):
        off = (blk0 + blk) * BLK
        pltpu.async_copy(row_hbm.at[pl.ds(off, BLK)], ridx.at[islot],
                         isem[islot])
        pltpu.async_copy(col_hbm.at[pl.ds(off, BLK)], cidx.at[islot],
                         isem[islot])
        pltpu.async_copy(val_hbm.at[pl.ds(off, BLK)], vval.at[islot],
                         isem[islot])

    def wait_idx(blk, islot):
        off = (blk0 + blk) * BLK
        pltpu.make_async_copy(row_hbm.at[pl.ds(off, BLK)], ridx.at[islot],
                              isem[islot]).wait()
        pltpu.make_async_copy(col_hbm.at[pl.ds(off, BLK)], cidx.at[islot],
                              isem[islot]).wait()
        pltpu.make_async_copy(val_hbm.at[pl.ds(off, BLK)], vval.at[islot],
                              isem[islot]).wait()

    def start_gather(islot, gslot):
        pltpu.async_copy(emb_hbm.at[cidx.at[islot]], gath_v.at[gslot],
                         gsem[gslot])

    def wait_gather(islot, gslot):
        pltpu.make_async_copy(emb_hbm.at[cidx.at[islot]], gath_v.at[gslot],
                              gsem[gslot]).wait()

    def wait_scatter(islot, gslot):
        pltpu.make_async_copy(gath_v.at[gslot], acc.at[ridx.at[islot]],
                              ssem[gslot]).wait()

    for m in range(NI):
        fetch_idx(m, m)
    for m in range(NG):
        wait_idx(m, m)
        start_gather(m, m)

    plsc.subcore_barrier()

    @pl.loop(0, NBLK // NI)
    def _ring(t):
        base = t * NI
        for k in range(NI):
            blk = base + k
            gslot = k % NG
            pgslot = (k - 1) % NG
            pislot = (k - 1) % NI

            wait_gather(k, gslot)
            gb = gath_v.at[gslot]

            @plsc.parallel_loop(0, BLK, unroll=2)
            def _edge(i):
                vv = plsc.load_gather(vval.at[k],
                                      [jnp.full((16,), i, jnp.int32)])
                for g in range(D // 16):
                    sl = pl.ds(g * 16, 16)
                    gb[i, sl] = gb[i, sl] * vv

            pltpu.async_copy(gb, acc.at[ridx.at[k]], ssem[gslot], add=True)

            def _advance():
                wait_scatter(pislot, pgslot)

                @pl.when(blk + NG - 1 < NBLK)
                def _g():
                    wait_idx(blk + NG - 1, (k + NG - 1) % NI)
                    start_gather((k + NG - 1) % NI, pgslot)

                @pl.when(blk + NI - 1 < NBLK)
                def _i():
                    fetch_idx(blk + NI - 1, pislot)

            if k == 0:
                pl.when(t > 0)(_advance)
            else:
                _advance()

    wait_scatter((NBLK - 1) % NI, (NBLK - 1) % NG)

    plsc.subcore_barrier()

    @pl.when(s < 10)
    def _writeout():
        pltpu.sync_copy(acc.at[pl.ds(s * 1000, 1000)],
                        part_hbm.at[c, pl.ds(s * 1000, 1000)])


def _combine_body(p_ref, o_ref):
    o_ref[...] = p_ref[0, :, :] + p_ref[1, :, :]


@jax.jit
def kernel(edge_index, adj_values, embeds):
    row = edge_index[0].astype(jnp.int32)
    col = edge_index[1].astype(jnp.int32)
    val = adj_values.astype(jnp.float32)

    mesh = plsc.VectorSubcoreMesh(core_axis_name="c", subcore_axis_name="s",
                                  num_cores=NC, num_subcores=NS)
    cp = pltpu.CompilerParams()
    if "needs_layout_passes" in pltpu.CompilerParams.__dataclass_fields__:
        cp = dataclasses.replace(cp, needs_layout_passes=False)
    sc_spmm = pl.kernel(
        _sc_body,
        out_type=jax.ShapeDtypeStruct((NC, N, D), jnp.float32),
        mesh=mesh,
        compiler_params=cp,
        scratch_types=[
            pltpu.VMEM((NI, BLK), jnp.int32),
            pltpu.VMEM((NI, BLK), jnp.int32),
            pltpu.VMEM((NI, BLK), jnp.float32),
            pltpu.VMEM((NG, BLK, D), jnp.float32),
            pltpu.VMEM((ZR, D), jnp.float32),
            pltpu.VMEM_SHARED((N, D), jnp.float32),
            [pltpu.SemaphoreType.DMA] * NG,
            [pltpu.SemaphoreType.DMA] * NG,
            [pltpu.SemaphoreType.DMA] * NI,
        ],
    )
    partials = sc_spmm(row, col, val, embeds)

    out = pl.pallas_call(
        _combine_body,
        out_shape=jax.ShapeDtypeStruct((N, D), jnp.float32),
    )(partials)
    return out

# --- scband reference (transcript-rebuilt; emitter-appended) ---
"""Pipeline reference for scband-gcnlayer-social-47785806135346 (READ-ONLY COPY).

The authoritative reference and input builder live on the scoring server;
editing this copy changes nothing except your own understanding.
"""

import jax, jax.numpy as jnp
import numpy as np

N = 10000
E = 320000
D = 128


def setup_inputs(seed: int = 0) -> dict:
    key = jax.random.key(seed)
    k1, k2, k3 = jax.random.split(key, 3)
    # COO representation of the sparse adjacency matrix adj[N, N]
    edge_index = jax.random.randint(k1, (2, E), 0, N)
    adj_values = jax.random.uniform(k2, (E,), dtype=jnp.float32)
    embeds = jax.random.normal(k3, (N, D), dtype=jnp.float32)
    return {"edge_index": edge_index, "adj_values": adj_values, "embeds": embeds}


def reference(edge_index, adj_values, embeds):
    # Faithful translation of torch.spmm(adj, embeds) with adj given in COO form:
    # out[i, :] = sum_{(i, j) in edges} adj_values[(i,j)] * embeds[j, :]
    row = edge_index[0]  # destination rows of the output
    col = edge_index[1]  # source columns, index into embeds
    gathered = jnp.take(embeds, col, axis=0)            # gather  [E, D]
    messages = adj_values[:, None] * gathered           # scale by nonzero values
    out = jax.ops.segment_sum(messages, row, num_segments=N)  # scatter-add [N, D]
    return out

if __name__ == "__main__":
    import jax
    _d = setup_inputs()
    print(jax.jit(kernel)(*tuple(_d.values())))

</pallas_src>

<mosaic_0001>
#map = affine_map<(d0, d1) -> (0)>
#map1 = affine_map<(d0, d1) -> (0, 0)>
#map2 = affine_map<(d0, d1) -> (0, 0, 0)>
module attributes {stable_mosaic.version = 14 : i64} {
  func.func @_sc_body(%arg0: i32, %arg1: i32, %arg2: memref<320000xi32, #tpu.memory_space<hbm>>, %arg3: memref<320000xi32, #tpu.memory_space<hbm>>, %arg4: memref<320000xf32, #tpu.memory_space<hbm>>, %arg5: memref<10000x128xf32, #tpu.memory_space<hbm>>, %arg6: memref<2x10000x128xf32, #tpu.memory_space<hbm>>, %arg7: memref<10x40xi32, #tpu.memory_space<vmem>>, %arg8: memref<10x40xi32, #tpu.memory_space<vmem>>, %arg9: memref<10x40xf32, #tpu.memory_space<vmem>>, %arg10: memref<5x40x128xf32, #tpu.memory_space<vmem>>, %arg11: memref<25x128xf32, #tpu.memory_space<vmem>>, %arg12: memref<10000x128xf32, #tpu.memory_space<vmem_shared>>, %arg13: memref<!tpu.dma_semaphore, #tpu.memory_space<semaphore_mem>>, %arg14: memref<!tpu.dma_semaphore, #tpu.memory_space<semaphore_mem>>, %arg15: memref<!tpu.dma_semaphore, #tpu.memory_space<semaphore_mem>>, %arg16: memref<!tpu.dma_semaphore, #tpu.memory_space<semaphore_mem>>, %arg17: memref<!tpu.dma_semaphore, #tpu.memory_space<semaphore_mem>>, %arg18: memref<!tpu.dma_semaphore, #tpu.memory_space<semaphore_mem>>, %arg19: memref<!tpu.dma_semaphore, #tpu.memory_space<semaphore_mem>>, %arg20: memref<!tpu.dma_semaphore, #tpu.memory_space<semaphore_mem>>, %arg21: memref<!tpu.dma_semaphore, #tpu.memory_space<semaphore_mem>>, %arg22: memref<!tpu.dma_semaphore, #tpu.memory_space<semaphore_mem>>, %arg23: memref<!tpu.dma_semaphore, #tpu.memory_space<semaphore_mem>>, %arg24: memref<!tpu.dma_semaphore, #tpu.memory_space<semaphore_mem>>, %arg25: memref<!tpu.dma_semaphore, #tpu.memory_space<semaphore_mem>>, %arg26: memref<!tpu.dma_semaphore, #tpu.memory_space<semaphore_mem>>, %arg27: memref<!tpu.dma_semaphore, #tpu.memory_space<semaphore_mem>>, %arg28: memref<!tpu.dma_semaphore, #tpu.memory_space<semaphore_mem>>, %arg29: memref<!tpu.dma_semaphore, #tpu.memory_space<semaphore_mem>>, %arg30: memref<!tpu.dma_semaphore, #tpu.memory_space<semaphore_mem>>, %arg31: memref<!tpu.dma_semaphore, #tpu.memory_space<semaphore_mem>>, %arg32: memref<!tpu.dma_semaphore, #tpu.memory_space<semaphore_mem>>) attributes {dimension_semantics = [#tpu.dimension_semantics<core_parallel>, #tpu.dimension_semantics<subcore_parallel>], iteration_bounds = array<i64: 2, 16>, scalar_prefetch = 0 : i64, scratch_operands = 26 : i64, tpu.core_type = #tpu.core_type<sc_vector_subcore>, window_params = [{transform_indices = #map}, {transform_indices = #map}, {transform_indices = #map}, {transform_indices = #map1}, {transform_indices = #map2}]} {
    %mul3A = arith.constant 2 : i32
    %mul3A_0 = arith.muli %arg1, %mul3A : i32
    %add3A = arith.addi %mul3A_0, %arg0 : i32
    %mul3A_1 = arith.constant 250 : i32
    %mul3A_2 = arith.muli %add3A, %mul3A_1 : i32
    %scan3A = arith.constant 0 : i32
    %scan3A_3 = arith.constant 25 : i32
    %scan3A_4 = arith.addi %scan3A, %scan3A_3 : i32
    %scan3A_5 = arith.constant 1 : i32
    scf.for %scan3A_555 = %scan3A to %scan3A_4 step %scan3A_5  : i32 {
      %mul3A_556 = arith.constant 1 : i32
      %mul3A_557 = arith.muli %scan3A_555, %mul3A_556 : i32
      %add3A_558 = arith.constant 0 : i32
      %add3A_559 = arith.addi %add3A_558, %mul3A_557 : i32
      %scan3A_560 = arith.constant 0 : i32
      %scan3A_561 = arith.constant 8 : i32
      %scan3A_562 = arith.addi %scan3A_560, %scan3A_561 : i32
      %scan3A_563 = arith.constant 1 : i32
      scf.for %scan3A_565 = %scan3A_560 to %scan3A_562 step %scan3A_563  : i32 {
        %mul3A_566 = arith.constant 1 : i32
        %mul3A_567 = arith.muli %scan3A_565, %mul3A_566 : i32
        %add3A_568 = arith.constant 0 : i32
        %add3A_569 = arith.addi %add3A_568, %mul3A_567 : i32
        %broadcast_in_dim3A = arith.constant 0.000000e+00 : f32
        %broadcast_in_dim3A_570 = vector.broadcast %broadcast_in_dim3A : f32 to vector<16xf32>
        %mul3A_571 = arith.constant 16 : i32
        %mul3A_572 = arith.muli %add3A_569, %mul3A_571 : i32
        %swap3A = arith.index_cast %add3A_559 : i32 to index
        %swap3A_573 = arith.index_cast %mul3A_572 : i32 to index
        %swap3A_574 = tpu.vector_load %arg11[%swap3A, %swap3A_573] {strides = array<i32>} : memref<25x128xf32, #tpu.memory_space<vmem>>, vector<16xf32>,
        tpu.vector_store %arg11[%swap3A, %swap3A_573], %broadcast_in_dim3A_570 {strides = array<i32>} : memref<25x128xf32, #tpu.memory_space<vmem>>, vector<16xf32>,
      }
      %scan3A_564 = arith.constant 8 : i32
    }
    %scan3A_6 = arith.constant 25 : i32
    %scan3A_7 = arith.constant 0 : i32
    %scan3A_8 = arith.constant 25 : i32
    %scan3A_9 = arith.addi %scan3A_7, %scan3A_8 : i32
    %scan3A_10 = arith.constant 1 : i32
    scf.for %scan3A_555 = %scan3A_7 to %scan3A_9 step %scan3A_10  : i32 {
      %mul3A_556 = arith.constant 1 : i32
      %mul3A_557 = arith.muli %scan3A_555, %mul3A_556 : i32
      %add3A_558 = arith.constant 0 : i32
      %add3A_559 = arith.addi %add3A_558, %mul3A_557 : i32
      %mul3A_560 = arith.constant 625 : i32
      %mul3A_561 = arith.muli %arg1, %mul3A_560 : i32
      %mul3A_562 = arith.constant 25 : i32
      %mul3A_563 = arith.muli %add3A_559, %mul3A_562 : i32
      %add3A_564 = arith.addi %mul3A_561, %mul3A_563 : i32
      "tpu.region"() ({
        %run_scoped3A = tpu.sem_alloc : memref<!tpu.dma_semaphore, #tpu.memory_space<semaphore_mem>>
        %dma_start3A_565 = arith.constant 0 : i32
        %dma_start3A_566 = arith.constant 0 : i32
        %dma_start3A_567 = tpu.memref_slice %arg11[%dma_start3A_565, %dma_start3A_566] : memref<25x128xf32, #tpu.memory_space<vmem>> -> memref<25x128xf32, #tpu.memory_space<vmem>>
        %dma_start3A_568 = arith.constant 0 : i32
        %dma_start3A_569 = tpu.memref_slice %arg12[%add3A_564, %dma_start3A_568] : memref<10000x128xf32, #tpu.memory_space<vmem_shared>> -> memref<25x128xf32, #tpu.memory_space<vmem_shared>>
        %dma_start3A_570 = arith.constant 0 : i32
        %dma_start3A_571 = tpu.memref_slice %arg12[%add3A_564, %dma_start3A_570] : memref<10000x128xf32, #tpu.memory_space<vmem_shared>> -> memref<25x128xf32, #tpu.memory_space<vmem_shared>>
        %dma_start3A_572 = arith.constant 0 : i32
        %dma_start3A_573 = arith.constant 0 : i32
        %dma_start3A_574 = tpu.memref_slice %arg11[%dma_start3A_572, %dma_start3A_573] : memref<25x128xf32, #tpu.memory_space<vmem>> -> memref<25x128xf32, #tpu.memory_space<vmem>>
        tpu.enqueue_dma source(%dma_start3A_574 : memref<25x128xf32, #tpu.memory_space<vmem>>) target(%dma_start3A_571 : memref<25x128xf32, #tpu.memory_space<vmem_shared>>) target_semaphore(%run_scoped3A : memref<!tpu.dma_semaphore, #tpu.memory_space<semaphore_mem>>)
        %dma_wait3A_575 = arith.constant 0 : i32
        %dma_wait3A_576 = arith.constant 0 : i32
        %dma_wait3A_577 = tpu.memref_slice %arg11[%dma_wait3A_575, %dma_wait3A_576] : memref<25x128xf32, #tpu.memory_space<vmem>> -> memref<25x128xf32, #tpu.memory_space<vmem>>
        %dma_wait3A_578 = arith.constant 0 : i32
        %dma_wait3A_579 = tpu.memref_slice %arg12[%add3A_564, %dma_wait3A_578] : memref<10000x128xf32, #tpu.memory_space<vmem_shared>> -> memref<25x128xf32, #tpu.memory_space<vmem_shared>>
        %dma_wait3A_580 = arith.constant 0 : i32
        %dma_wait3A_581 = tpu.memref_slice %arg12[%add3A_564, %dma_wait3A_580] : memref<10000x128xf32, #tpu.memory_space<vmem_shared>> -> memref<25x128xf32, #tpu.memory_space<vmem_shared>>
        %dma_wait3A_582 = arith.constant 0 : i32
        %dma_wait3A_583 = arith.constant 0 : i32
        %dma_wait3A_584 = tpu.memref_slice %arg11[%dma_wait3A_582, %dma_wait3A_583] : memref<25x128xf32, #tpu.memory_space<vmem>> -> memref<25x128xf32, #tpu.memory_space<vmem>>
        tpu.wait_dma2 semaphore(%run_scoped3A : memref<!tpu.dma_semaphore, #tpu.memory_space<semaphore_mem>>) src(%dma_wait3A_584 : memref<25x128xf32, #tpu.memory_space<vmem>>) dst(%dma_wait3A_581 : memref<25x128xf32, #tpu.memory_space<vmem_shared>>)
        tpu.yield
      }) : () -> ()
    }
    %scan3A_11 = arith.constant 25 : i32
    %add3A_12 = arith.constant 0 : i32
    %add3A_13 = arith.addi %mul3A_2, %add3A_12 : i32
    %mul3A_14 = arith.constant 40 : i32
    %mul3A_15 = arith.muli %add3A_13, %mul3A_14 : i32
    %dma_start3A = arith.constant 0 : i32
    %dma_start3A_16 = arith.constant 0 : i32
    %dma_start3A_17 = tpu.memref_slice %arg7[%dma_start3A, %dma_start3A_16] : memref<10x40xi32, #tpu.memory_space<vmem>> -> memref<1x40xi32, #tpu.memory_space<vmem>>
    %dma_start3A_18 = tpu.memref_squeeze %dma_start3A_17 : memref<1x40xi32, #tpu.memory_space<vmem>> -> memref<40xi32, #tpu.memory_space<vmem>>
    %dma_start3A_19 = tpu.memref_slice %arg2[%mul3A_15] : memref<320000xi32, #tpu.memory_space<hbm>> -> memref<40xi32, #tpu.memory_space<hbm>>
    %dma_start3A_20 = arith.constant 0 : i32
    %dma_start3A_21 = tpu.memref_slice %arg7[%dma_start3A, %dma_start3A_20] : memref<10x40xi32, #tpu.memory_space<vmem>> -> memref<1x40xi32, #tpu.memory_space<vmem>>
    %dma_start3A_22 = tpu.memref_squeeze %dma_start3A_21 : memref<1x40xi32, #tpu.memory_space<vmem>> -> memref<40xi32, #tpu.memory_space<vmem>>
    %dma_start3A_23 = tpu.memref_slice %arg2[%mul3A_15] : memref<320000xi32, #tpu.memory_space<hbm>> -> memref<40xi32, #tpu.memory_space<hbm>>
    tpu.enqueue_dma source(%dma_start3A_23 : memref<40xi32, #tpu.memory_space<hbm>>) target(%dma_start3A_22 : memref<40xi32, #tpu.memory_space<vmem>>) target_semaphore(%arg23 : memref<!tpu.dma_semaphore, #tpu.memory_space<semaphore_mem>>)
    %dma_start3A_24 = arith.constant 0 : i32
    %dma_start3A_25 = arith.constant 0 : i32
    %dma_start3A_26 = tpu.memref_slice %arg8[%dma_start3A_24, %dma_start3A_25] : memref<10x40xi32, #tpu.memory_space<vmem>> -> memref<1x40xi32, #tpu.memory_space<vmem>>
    %dma_start3A_27 = tpu.memref_squeeze %dma_start3A_26 : memref<1x40xi32, #tpu.memory_space<vmem>> -> memref<40xi32, #tpu.memory_space<vmem>>
    %dma_start3A_28 = tpu.memref_slice %arg3[%mul3A_15] : memref<320000xi32, #tpu.memory_space<hbm>> -> memref<40xi32, #tpu.memory_space<hbm>>
    %dma_start3A_29 = arith.constant 0 : i32
    %dma_start3A_30 = tpu.memref_slice %arg8[%dma_start3A_24, %dma_start3A_29] : memref<10x40xi32, #tpu.memory_space<vmem>> -> memref<1x40xi32, #tpu.memory_space<vmem>>
    %dma_start3A_31 = tpu.memref_squeeze %dma_start3A_30 : memref<1x40xi32, #tpu.memory_space<vmem>> -> memref<40xi32, #tpu.memory_space<vmem>>
    %dma_start3A_32 = tpu.memref_slice %arg3[%mul3A_15] : memref<320000xi32, #tpu.memory_space<hbm>> -> memref<40xi32, #tpu.memory_space<hbm>>
    tpu.enqueue_dma source(%dma_start3A_32 : memref<40xi32, #tpu.memory_space<hbm>>) target(%dma_start3A_31 : memref<40xi32, #tpu.memory_space<vmem>>) target_semaphore(%arg23 : memref<!tpu.dma_semaphore, #tpu.memory_space<semaphore_mem>>)
    %dma_start3A_33 = arith.constant 0 : i32
    %dma_start3A_34 = arith.constant 0 : i32
    %dma_start3A_35 = tpu.memref_slice %arg9[%dma_start3A_33, %dma_start3A_34] : memref<10x40xf32, #tpu.memory_space<vmem>> -> memref<1x40xf32, #tpu.memory_space<vmem>>
    %dma_start3A_36 = tpu.memref_squeeze %dma_start3A_35 : memref<1x40xf32, #tpu.memory_space<vmem>> -> memref<40xf32, #tpu.memory_space<vmem>>
    %dma_start3A_37 = tpu.memref_slice %arg4[%mul3A_15] : memref<320000xf32, #tpu.memory_space<hbm>> -> memref<40xf32, #tpu.memory_space<hbm>>
    %dma_start3A_38 = arith.constant 0 : i32
    %dma_start3A_39 = tpu.memref_slice %arg9[%dma_start3A_33, %dma_start3A_38] : memref<10x40xf32, #tpu.memory_space<vmem>> -> memref<1x40xf32, #tpu.memory_space<vmem>>
    %dma_start3A_40 = tpu.memref_squeeze %dma_start3A_39 : memref<1x40xf32, #tpu.memory_space<vmem>> -> memref<40xf32, #tpu.memory_space<vmem>>
    %dma_start3A_41 = tpu.memref_slice %arg4[%mul3A_15] : memref<320000xf32, #tpu.memory_space<hbm>> -> memref<40xf32, #tpu.memory_space<hbm>>
    tpu.enqueue_dma source(%dma_start3A_41 : memref<40xf32, #tpu.memory_space<hbm>>) target(%dma_start3A_40 : memref<40xf32, #tpu.memory_space<vmem>>) target_semaphore(%arg23 : memref<!tpu.dma_semaphore, #tpu.memory_space<semaphore_mem>>)
    %add3A_42 = arith.constant 1 : i32
    %add3A_43 = arith.addi %mul3A_2, %add3A_42 : i32
    %mul3A_44 = arith.constant 40 : i32
    %mul3A_45 = arith.muli %add3A_43, %mul3A_44 : i32
    %dma_start3A_46 = arith.constant 1 : i32
    %dma_start3A_47 = arith.constant 0 : i32
    %dma_start3A_48 = tpu.memref_slice %arg7[%dma_start3A_46, %dma_start3A_47] : memref<10x40xi32, #tpu.memory_space<vmem>> -> memref<1x40xi32, #tpu.memory_space<vmem>>
    %dma_start3A_49 = tpu.memref_squeeze %dma_start3A_48 : memref<1x40xi32, #tpu.memory_space<vmem>> -> memref<40xi32, #tpu.memory_space<vmem>>
    %dma_start3A_50 = tpu.memref_slice %arg2[%mul3A_45] : memref<320000xi32, #tpu.memory_space<hbm>> -> memref<40xi32, #tpu.memory_space<hbm>>
    %dma_start3A_51 = arith.constant 0 : i32
    %dma_start3A_52 = tpu.memref_slice %arg7[%dma_start3A_46, %dma_start3A_51] : memref<10x40xi32, #tpu.memory_space<vmem>> -> memref<1x40xi32, #tpu.memory_space<vmem>>
    %dma_start3A_53 = tpu.memref_squeeze %dma_start3A_52 : memref<1x40xi32, #tpu.memory_space<vmem>> -> memref<40xi32, #tpu.memory_space<vmem>>
    %dma_start3A_54 = tpu.memref_slice %arg2[%mul3A_45] : memref<320000xi32, #tpu.memory_space<hbm>> -> memref<40xi32, #tpu.memory_space<hbm>>
    tpu.enqueue_dma source(%dma_start3A_54 : memref<40xi32, #tpu.memory_space<hbm>>) target(%dma_start3A_53 : memref<40xi32, #tpu.memory_space<vmem>>) target_semaphore(%arg24 : memref<!tpu.dma_semaphore, #tpu.memory_space<semaphore_mem>>)
    %dma_start3A_55 = arith.constant 1 : i32
    %dma_start3A_56 = arith.constant 0 : i32
    %dma_start3A_57 = tpu.memref_slice %arg8[%dma_start3A_55, %dma_start3A_56] : memref<10x40xi32, #tpu.memory_space<vmem>> -> memref<1x40xi32, #tpu.memory_space<vmem>>
    %dma_start3A_58 = tpu.memref_squeeze %dma_start3A_57 : memref<1x40xi32, #tpu.memory_space<vmem>> -> memref<40xi32, #tpu.memory_space<vmem>>
    %dma_start3A_59 = tpu.memref_slice %arg3[%mul3A_45] : memref<320000xi32, #tpu.memory_space<hbm>> -> memref<40xi32, #tpu.memory_space<hbm>>
    %dma_start3A_60 = arith.constant 0 : i32
    %dma_start3A_61 = tpu.memref_slice %arg8[%dma_start3A_55, %dma_start3A_60] : memref<10x40xi32, #tpu.memory_space<vmem>> -> memref<1x40xi32, #tpu.memory_space<vmem>>
    %dma_start3A_62 = tpu.memref_squeeze %dma_start3A_61 : memref<1x40xi32, #tpu.memory_space<vmem>> -> memref<40xi32, #tpu.memory_space<vmem>>
    %dma_start3A_63 = tpu.memref_slice %arg3[%mul3A_45] : memref<320000xi32, #tpu.memory_space<hbm>> -> memref<40xi32, #tpu.memory_space<hbm>>
    tpu.enqueue_dma source(%dma_start3A_63 : memref<40xi32, #tpu.memory_space<hbm>>) target(%dma_start3A_62 : memref<40xi32, #tpu.memory_space<vmem>>) target_semaphore(%arg24 : memref<!tpu.dma_semaphore, #tpu.memory_space<semaphore_mem>>)
    %dma_start3A_64 = arith.constant 1 : i32
    %dma_start3A_65 = arith.constant 0 : i32
    %dma_start3A_66 = tpu.memref_slice %arg9[%dma_start3A_64, %dma_start3A_65] : memref<10x40xf32, #tpu.memory_space<vmem>> -> memref<1x40xf32, #tpu.memory_space<vmem>>
    %dma_start3A_67 = tpu.memref_squeeze %dma_start3A_66 : memref<1x40xf32, #tpu.memory_space<vmem>> -> memref<40xf32, #tpu.memory_space<vmem>>
    %dma_start3A_68 = tpu.memref_slice %arg4[%mul3A_45] : memref<320000xf32, #tpu.memory_space<hbm>> -> memref<40xf32, #tpu.memory_space<hbm>>
    %dma_start3A_69 = arith.constant 0 : i32
    %dma_start3A_70 = tpu.memref_slice %arg9[%dma_start3A_64, %dma_start3A_69] : memref<10x40xf32, #tpu.memory_space<vmem>> -> memref<1x40xf32, #tpu.memory_space<vmem>>
    %dma_start3A_71 = tpu.memref_squeeze %dma_start3A_70 : memref<1x40xf32, #tpu.memory_space<vmem>> -> memref<40xf32, #tpu.memory_space<vmem>>
    %dma_start3A_72 = tpu.memref_slice %arg4[%mul3A_45] : memref<320000xf32, #tpu.memory_space<hbm>> -> memref<40xf32, #tpu.memory_space<hbm>>
    tpu.enqueue_dma source(%dma_start3A_72 : memref<40xf32, #tpu.memory_space<hbm>>) target(%dma_start3A_71 : memref<40xf32, #tpu.memory_space<vmem>>) target_semaphore(%arg24 : memref<!tpu.dma_semaphore, #tpu.memory_space<semaphore_mem>>)
    %add3A_73 = arith.constant 2 : i32
    %add3A_74 = arith.addi %mul3A_2, %add3A_73 : i32
    %mul3A_75 = arith.constant 40 : i32
    %mul3A_76 = arith.muli %add3A_74, %mul3A_75 : i32
    %dma_start3A_77 = arith.constant 2 : i32
    %dma_start3A_78 = arith.constant 0 : i32
    %dma_start3A_79 = tpu.memref_slice %arg7[%dma_start3A_77, %dma_start3A_78] : memref<10x40xi32, #tpu.memory_space<vmem>> -> memref<1x40xi32, #tpu.memory_space<vmem>>
    %dma_start3A_80 = tpu.memref_squeeze %dma_start3A_79 : memref<1x40xi32, #tpu.memory_space<vmem>> -> memref<40xi32, #tpu.memory_space<vmem>>
    %dma_start3A_81 = tpu.memref_slice %arg2[%mul3A_76] : memref<320000xi32, #tpu.memory_space<hbm>> -> memref<40xi32, #tpu.memory_space<hbm>>
    %dma_start3A_82 = arith.constant 0 : i32
    %dma_start3A_83 = tpu.memref_slice %arg7[%dma_start3A_77, %dma_start3A_82] : memref<10x40xi32, #tpu.memory_space<vmem>> -> memref<1x40xi32, #tpu.memory_space<vmem>>
    %dma_start3A_84 = tpu.memref_squeeze %dma_start3A_83 : memref<1x40xi32, #tpu.memory_space<vmem>> -> memref<40xi32, #tpu.memory_space<vmem>>
    %dma_start3A_85 = tpu.memref_slice %arg2[%mul3A_76] : memref<320000xi32, #tpu.memory_space<hbm>> -> memref<40xi32, #tpu.memory_space<hbm>>
    tpu.enqueue_dma source(%dma_start3A_85 : memref<40xi32, #tpu.memory_space<hbm>>) target(%dma_start3A_84 : memref<40xi32, #tpu.memory_space<vmem>>) target_semaphore(%arg25 : memref<!tpu.dma_semaphore, #tpu.memory_space<semaphore_mem>>)
    %dma_start3A_86 = arith.constant 2 : i32
    %dma_start3A_87 = arith.constant 0 : i32
    %dma_start3A_88 = tpu.memref_slice %arg8[%dma_start3A_86, %dma_start3A_87] : memref<10x40xi32, #tpu.memory_space<vmem>> -> memref<1x40xi32, #tpu.memory_space<vmem>>
    %dma_start3A_89 = tpu.memref_squeeze %dma_start3A_88 : memref<1x40xi32, #tpu.memory_space<vmem>> -> memref<40xi32, #tpu.memory_space<vmem>>
    %dma_start3A_90 = tpu.memref_slice %arg3[%mul3A_76] : memref<320000xi32, #tpu.memory_space<hbm>> -> memref<40xi32, #tpu.memory_space<hbm>>
    %dma_start3A_91 = arith.constant 0 : i32
    %dma_start3A_92 = tpu.memref_slice %arg8[%dma_start3A_86, %dma_start3A_91] : memref<10x40xi32, #tpu.memory_space<vmem>> -> memref<1x40xi32, #tpu.memory_space<vmem>>
    %dma_start3A_93 = tpu.memref_squeeze %dma_start3A_92 : memref<1x40xi32, #tpu.memory_space<vmem>> -> memref<40xi32, #tpu.memory_space<vmem>>
    %dma_start3A_94 = tpu.memref_slice %arg3[%mul3A_76] : memref<320000xi32, #tpu.memory_space<hbm>> -> memref<40xi32, #tpu.memory_space<hbm>>
    tpu.enqueue_dma source(%dma_start3A_94 : memref<40xi32, #tpu.memory_space<hbm>>) target(%dma_start3A_93 : memref<40xi32, #tpu.memory_space<vmem>>) target_semaphore(%arg25 : memref<!tpu.dma_semaphore, #tpu.memory_space<semaphore_mem>>)
    %dma_start3A_95 = arith.constant 2 : i32
    %dma_start3A_96 = arith.constant 0 : i32
    %dma_start3A_97 = tpu.memref_slice %arg9[%dma_start3A_95, %dma_start3A_96] : memref<10x40xf32, #tpu.memory_space<vmem>> -> memref<1x40xf32, #tpu.memory_space<vmem>>
    %dma_start3A_98 = tpu.memref_squeeze %dma_start3A_97 : memref<1x40xf32, #tpu.memory_space<vmem>> -> memref<40xf32, #tpu.memory_space<vmem>>
    %dma_start3A_99 = tpu.memref_slice %arg4[%mul3A_76] : memref<320000xf32, #tpu.memory_space<hbm>> -> memref<40xf32, #tpu.memory_space<hbm>>
    %dma_start3A_100 = arith.constant 0 : i32
    %dma_start3A_101 = tpu.memref_slice %arg9[%dma_start3A_95, %dma_start3A_100] : memref<10x40xf32, #tpu.memory_space<vmem>> -> memref<1x40xf32, #tpu.memory_space<vmem>>
    %dma_start3A_102 = tpu.memref_squeeze %dma_start3A_101 : memref<1x40xf32, #tpu.memory_space<vmem>> -> memref<40xf32, #tpu.memory_space<vmem>>
    %dma_start3A_103 = tpu.memref_slice %arg4[%mul3A_76] : memref<320000xf32, #tpu.memory_space<hbm>> -> memref<40xf32, #tpu.memory_space<hbm>>
    tpu.enqueue_dma source(%dma_start3A_103 : memref<40xf32, #tpu.memory_space<hbm>>) target(%dma_start3A_102 : memref<40xf32, #tpu.memory_space<vmem>>) target_semaphore(%arg25 : memref<!tpu.dma_semaphore, #tpu.memory_space<semaphore_mem>>)
    %add3A_104 = arith.constant 3 : i32
    %add3A_105 = arith.addi %mul3A_2, %add3A_104 : i32
    %mul3A_106 = arith.constant 40 : i32
    %mul3A_107 = arith.muli %add3A_105, %mul3A_106 : i32
    %dma_start3A_108 = arith.constant 3 : i32
    %dma_start3A_109 = arith.constant 0 : i32
    %dma_start3A_110 = tpu.memref_slice %arg7[%dma_start3A_108, %dma_start3A_109] : memref<10x40xi32, #tpu.memory_space<vmem>> -> memref<1x40xi32, #tpu.memory_space<vmem>>
    %dma_start3A_111 = tpu.memref_squeeze %dma_start3A_110 : memref<1x40xi32, #tpu.memory_space<vmem>> -> memref<40xi32, #tpu.memory_space<vmem>>
    %dma_start3A_112 = tpu.memref_slice %arg2[%mul3A_107] : memref<320000xi32, #tpu.memory_space<hbm>> -> memref<40xi32, #tpu.memory_space<hbm>>
    %dma_start3A_113 = arith.constant 0 : i32
    %dma_start3A_114 = tpu.memref_slice %arg7[%dma_start3A_108, %dma_start3A_113] : memref<10x40xi32, #tpu.memory_space<vmem>> -> memref<1x40xi32, #tpu.memory_space<vmem>>
    %dma_start3A_115 = tpu.memref_squeeze %dma_start3A_114 : memref<1x40xi32, #tpu.memory_space<vmem>> -> memref<40xi32, #tpu.memory_space<vmem>>
    %dma_start3A_116 = tpu.memref_slice %arg2[%mul3A_107] : memref<320000xi32, #tpu.memory_space<hbm>> -> memref<40xi32, #tpu.memory_space<hbm>>
    tpu.enqueue_dma source(%dma_start3A_116 : memref<40xi32, #tpu.memory_space<hbm>>) target(%dma_start3A_115 : memref<40xi32, #tpu.memory_space<vmem>>) target_semaphore(%arg26 : memref<!tpu.dma_semaphore, #tpu.memory_space<semaphore_mem>>)
    %dma_start3A_117 = arith.constant 3 : i32
    %dma_start3A_118 = arith.constant 0 : i32
    %dma_start3A_119 = tpu.memref_slice %arg8[%dma_start3A_117, %dma_start3A_118] : memref<10x40xi32, #tpu.memory_space<vmem>> -> memref<1x40xi32, #tpu.memory_space<vmem>>
    %dma_start3A_120 = tpu.memref_squeeze %dma_start3A_119 : memref<1x40xi32, #tpu.memory_space<vmem>> -> memref<40xi32, #tpu.memory_space<vmem>>
    %dma_start3A_121 = tpu.memref_slice %arg3[%mul3A_107] : memref<320000xi32, #tpu.memory_space<hbm>> -> memref<40xi32, #tpu.memory_space<hbm>>
    %dma_start3A_122 = arith.constant 0 : i32
    %dma_start3A_123 = tpu.memref_slice %arg8[%dma_start3A_117, %dma_start3A_122] : memref<10x40xi32, #tpu.memory_space<vmem>> -> memref<1x40xi32, #tpu.memory_space<vmem>>
    %dma_start3A_124 = tpu.memref_squeeze %dma_start3A_123 : memref<1x40xi32, #tpu.memory_space<vmem>> -> memref<40xi32, #tpu.memory_space<vmem>>
    %dma_start3A_125 = tpu.memref_slice %arg3[%mul3A_107] : memref<320000xi32, #tpu.memory_space<hbm>> -> memref<40xi32, #tpu.memory_space<hbm>>
    tpu.enqueue_dma source(%dma_start3A_125 : memref<40xi32, #tpu.memory_space<hbm>>) target(%dma_start3A_124 : memref<40xi32, #tpu.memory_space<vmem>>) target_semaphore(%arg26 : memref<!tpu.dma_semaphore, #tpu.memory_space<semaphore_mem>>)
    %dma_start3A_126 = arith.constant 3 : i32
    %dma_start3A_127 = arith.constant 0 : i32
    %dma_start3A_128 = tpu.memref_slice %arg9[%dma_start3A_126, %dma_start3A_127] : memref<10x40xf32, #tpu.memory_space<vmem>> -> memref<1x40xf32, #tpu.memory_space<vmem>>
    %dma_start3A_129 = tpu.memref_squeeze %dma_start3A_128 : memref<1x40xf32, #tpu.memory_space<vmem>> -> memref<40xf32, #tpu.memory_space<vmem>>
    %dma_start3A_130 = tpu.memref_slice %arg4[%mul3A_107] : memref<320000xf32, #tpu.memory_space<hbm>> -> memref<40xf32, #tpu.memory_space<hbm>>
    %dma_start3A_131 = arith.constant 0 : i32
    %dma_start3A_132 = tpu.memref_slice %arg9[%dma_start3A_126, %dma_start3A_131] : memref<10x40xf32, #tpu.memory_space<vmem>> -> memref<1x40xf32, #tpu.memory_space<vmem>>
    %dma_start3A_133 = tpu.memref_squeeze %dma_start3A_132 : memref<1x40xf32, #tpu.memory_space<vmem>> -> memref<40xf32, #tpu.memory_space<vmem>>
    %dma_start3A_134 = tpu.memref_slice %arg4[%mul3A_107] : memref<320000xf32, #tpu.memory_space<hbm>> -> memref<40xf32, #tpu.memory_space<hbm>>
    tpu.enqueue_dma source(%dma_start3A_134 : memref<40xf32, #tpu.memory_space<hbm>>) target(%dma_start3A_133 : memref<40xf32, #tpu.memory_space<vmem>>) target_semaphore(%arg26 : memref<!tpu.dma_semaphore, #tpu.memory_space<semaphore_mem>>)
    %add3A_135 = arith.constant 4 : i32
    %add3A_136 = arith.addi %mul3A_2, %add3A_135 : i32
    %mul3A_137 = arith.constant 40 : i32
    %mul3A_138 = arith.muli %add3A_136, %mul3A_137 : i32
    %dma_start3A_139 = arith.constant 4 : i32
    %dma_start3A_140 = arith.constant 0 : i32
    %dma_start3A_141 = tpu.memref_slice %arg7[%dma_start3A_139, %dma_start3A_140] : memref<10x40xi32, #tpu.memory_space<vmem>> -> memref<1x40xi32, #tpu.memory_space<vmem>>
    %dma_start3A_142 = tpu.memref_squeeze %dma_start3A_141 : memref<1x40xi32, #tpu.memory_space<vmem>> -> memref<40xi32, #tpu.memory_space<vmem>>
    %dma_start3A_143 = tpu.memref_slice %arg2[%mul3A_138] : memref<320000xi32, #tpu.memory_space<hbm>> -> memref<40xi32, #tpu.memory_space<hbm>>
    %dma_start3A_144 = arith.constant 0 : i32
    %dma_start3A_145 = tpu.memref_slice %arg7[%dma_start3A_139, %dma_start3A_144] : memref<10x40xi32, #tpu.memory_space<vmem>> -> memref<1x40xi32, #tpu.memory_space<vmem>>
    %dma_start3A_146 = tpu.memref_squeeze %dma_start3A_145 : memref<1x40xi32, #tpu.memory_space<vmem>> -> memref<40xi32, #tpu.memory_space<vmem>>
    %dma_start3A_147 = tpu.memref_slice %arg2[%mul3A_138] : memref<320000xi32, #tpu.memory_space<hbm>> -> memref<40xi32, #tpu.memory_space<hbm>>
    tpu.enqueue_dma source(%dma_start3A_147 : memref<40xi32, #tpu.memory_space<hbm>>) target(%dma_start3A_146 : memref<40xi32, #tpu.memory_space<vmem>>) target_semaphore(%arg27 : memref<!tpu.dma_semaphore, #tpu.memory_space<semaphore_mem>>)
    %dma_start3A_148 = arith.constant 4 : i32
    %dma_start3A_149 = arith.constant 0 : i32
    %dma_start3A_150 = tpu.memref_slice %arg8[%dma_start3A_148, %dma_start3A_149] : memref<10x40xi32, #tpu.memory_space<vmem>> -> memref<1x40xi32, #tpu.memory_space<vmem>>
    %dma_start3A_151 = tpu.memref_squeeze %dma_start3A_150 : memref<1x40xi32, #tpu.memory_space<vmem>> -> memref<40xi32, #tpu.memory_space<vmem>>
    %dma_start3A_152 = tpu.memref_slice %arg3[%mul3A_138] : memref<320000xi32, #tpu.memory_space<hbm>> -> memref<40xi32, #tpu.memory_space<hbm>>
    %dma_start3A_153 = arith.constant 0 : i32
    %dma_start3A_154 = tpu.memref_slice %arg8[%dma_start3A_148, %dma_start3A_153] : memref<10x40xi32, #tpu.memory_space<vmem>> -> memref<1x40xi32, #tpu.memory_space<vmem>>
    %dma_start3A_155 = tpu.memref_squeeze %dma_start3A_154 : memref<1x40xi32, #tpu.memory_space<vmem>> -> memref<40xi32, #tpu.memory_space<vmem>>
    %dma_start3A_156 = tpu.memref_slice %arg3[%mul3A_138] : memref<320000xi32, #tpu.memory_space<hbm>> -> memref<40xi32, #tpu.memory_space<hbm>>
    tpu.enqueue_dma source(%dma_start3A_156 : memref<40xi32, #tpu.memory_space<hbm>>) target(%dma_start3A_155 : memref<40xi32, #tpu.memory_space<vmem>>) target_semaphore(%arg27 : memref<!tpu.dma_semaphore, #tpu.memory_space<semaphore_mem>>)
    %dma_start3A_157 = arith.constant 4 : i32
    %dma_start3A_158 = arith.constant 0 : i32
    %dma_start3A_159 = tpu.memref_slice %arg9[%dma_start3A_157, %dma_start3A_158] : memref<10x40xf32, #tpu.memory_space<vmem>> -> memref<1x40xf32, #tpu.memory_space<vmem>>
    %dma_start3A_160 = tpu.memref_squeeze %dma_start3A_159 : memref<1x40xf32, #tpu.memory_space<vmem>> -> memref<40xf32, #tpu.memory_space<vmem>>
    %dma_start3A_161 = tpu.memref_slice %arg4[%mul3A_138] : memref<320000xf32, #tpu.memory_space<hbm>> -> memref<40xf32, #tpu.memory_space<hbm>>
    %dma_start3A_162 = arith.constant 0 : i32
    %dma_start3A_163 = tpu.memref_slice %arg9[%dma_start3A_157, %dma_start3A_162] : memref<10x40xf32, #tpu.memory_space<vmem>> -> memref<1x40xf32, #tpu.memory_space<vmem>>
    %dma_start3A_164 = tpu.memref_squeeze %dma_start3A_163 : memref<1x40xf32, #tpu.memory_space<vmem>> -> memref<40xf32, #tpu.memory_space<vmem>>
    %dma_start3A_165 = tpu.memref_slice %arg4[%mul3A_138] : memref<320000xf32, #tpu.memory_space<hbm>> -> memref<40xf32, #tpu.memory_space<hbm>>
    tpu.enqueue_dma source(%dma_start3A_165 : memref<40xf32, #tpu.memory_space<hbm>>) target(%dma_start3A_164 : memref<40xf32, #tpu.memory_space<vmem>>) target_semaphore(%arg27 : memref<!tpu.dma_semaphore, #tpu.memory_space<semaphore_mem>>)
    %add3A_166 = arith.constant 5 : i32
    %add3A_167 = arith.addi %mul3A_2, %add3A_166 : i32
    %mul3A_168 = arith.constant 40 : i32
    %mul3A_169 = arith.muli %add3A_167, %mul3A_168 : i32
    %dma_start3A_170 = arith.constant 5 : i32
    %dma_start3A_171 = arith.constant 0 : i32
    %dma_start3A_172 = tpu.memref_slice %arg7[%dma_start3A_170, %dma_start3A_171] : memref<10x40xi32, #tpu.memory_space<vmem>> -> memref<1x40xi32, #tpu.memory_space<vmem>>
    %dma_start3A_173 = tpu.memref_squeeze %dma_start3A_172 : memref<1x40xi32, #tpu.memory_space<vmem>> -> memref<40xi32, #tpu.memory_space<vmem>>
    %dma_start3A_174 = tpu.memref_slice %arg2[%mul3A_169] : memref<320000xi32, #tpu.memory_space<hbm>> -> memref<40xi32, #tpu.memory_space<hbm>>
    %dma_start3A_175 = arith.constant 0 : i32
    %dma_start3A_176 = tpu.memref_slice %arg7[%dma_start3A_170, %dma_start3A_175] : memref<10x40xi32, #tpu.memory_space<vmem>> -> memref<1x40xi32, #tpu.memory_space<vmem>>
    %dma_start3A_177 = tpu.memref_squeeze %dma_start3A_176 : memref<1x40xi32, #tpu.memory_space<vmem>> -> memref<40xi32, #tpu.memory_space<vmem>>
    %dma_start3A_178 = tpu.memref_slice %arg2[%mul3A_169] : memref<320000xi32, #tpu.memory_space<hbm>> -> memref<40xi32, #tpu.memory_space<hbm>>
    tpu.enqueue_dma source(%dma_start3A_178 : memref<40xi32, #tpu.memory_space<hbm>>) target(%dma_start3A_177 : memref<40xi32, #tpu.memory_space<vmem>>) target_semaphore(%arg28 : memref<!tpu.dma_semaphore, #tpu.memory_space<semaphore_mem>>)
    %dma_start3A_179 = arith.constant 5 : i32
    %dma_start3A_180 = arith.constant 0 : i32
    %dma_start3A_181 = tpu.memref_slice %arg8[%dma_start3A_179, %dma_start3A_180] : memref<10x40xi32, #tpu.memory_space<vmem>> -> memref<1x40xi32, #tpu.memory_space<vmem>>
    %dma_start3A_182 = tpu.memref_squeeze %dma_start3A_181 : memref<1x40xi32, #tpu.memory_space<vmem>> -> memref<40xi32, #tpu.memory_space<vmem>>
    %dma_start3A_183 = tpu.memref_slice %arg3[%mul3A_169] : memref<320000xi32, #tpu.memory_space<hbm>> -> memref<40xi32, #tpu.memory_space<hbm>>
    %dma_start3A_184 = arith.constant 0 : i32
    %dma_start3A_185 = tpu.memref_slice %arg8[%dma_start3A_179, %dma_start3A_184] : memref<10x40xi32, #tpu.memory_space<vmem>> -> memref<1x40xi32, #tpu.memory_space<vmem>>
    %dma_start3A_186 = tpu.memref_squeeze %dma_start3A_185 : memref<1x40xi32, #tpu.memory_space<vmem>> -> memref<40xi32, #tpu.memory_space<vmem>>
    %dma_start3A_187 = tpu.memref_slice %arg3[%mul3A_169] : memref<320000xi32, #tpu.memory_space<hbm>> -> memref<40xi32, #tpu.memory_space<hbm>>
    tpu.enqueue_dma source(%dma_start3A_187 : memref<40xi32, #tpu.memory_space<hbm>>) target(%dma_start3A_186 : memref<40xi32, #tpu.memory_space<vmem>>) target_semaphore(%arg28 : memref<!tpu.dma_semaphore, #tpu.memory_space<semaphore_mem>>)
    %dma_start3A_188 = arith.constant 5 : i32
    %dma_start3A_189 = arith.constant 0 : i32
    %dma_start3A_190 = tpu.memref_slice %arg9[%dma_start3A_188, %dma_start3A_189] : memref<10x40xf32, #tpu.memory_space<vmem>> -> memref<1x40xf32, #tpu.memory_space<vmem>>
    %dma_start3A_191 = tpu.memref_squeeze %dma_start3A_190 : memref<1x40xf32, #tpu.memory_space<vmem>> -> memref<40xf32, #tpu.memory_space<vmem>>
    %dma_start3A_192 = tpu.memref_slice %arg4[%mul3A_169] : memref<320000xf32, #tpu.memory_space<hbm>> -> memref<40xf32, #tpu.memory_space<hbm>>
    %dma_start3A_193 = arith.constant 0 : i32
    %dma_start3A_194 = tpu.memref_slice %arg9[%dma_start3A_188, %dma_start3A_193] : memref<10x40xf32, #tpu.memory_space<vmem>> -> memref<1x40xf32, #tpu.memory_space<vmem>>
    %dma_start3A_195 = tpu.memref_squeeze %dma_start3A_194 : memref<1x40xf32, #tpu.memory_space<vmem>> -> memref<40xf32, #tpu.memory_space<vmem>>
    %dma_start3A_196 = tpu.memref_slice %arg4[%mul3A_169] : memref<320000xf32, #tpu.memory_space<hbm>> -> memref<40xf32, #tpu.memory_space<hbm>>
    tpu.enqueue_dma source(%dma_start3A_196 : memref<40xf32, #tpu.memory_space<hbm>>) target(%dma_start3A_195 : memref<40xf32, #tpu.memory_space<vmem>>) target_semaphore(%arg28 : memref<!tpu.dma_semaphore, #tpu.memory_space<semaphore_mem>>)
    %add3A_197 = arith.constant 6 : i32
    %add3A_198 = arith.addi %mul3A_2, %add3A_197 : i32
    %mul3A_199 = arith.constant 40 : i32
    %mul3A_200 = arith.muli %add3A_198, %mul3A_199 : i32
    %dma_start3A_201 = arith.constant 6 : i32
    %dma_start3A_202 = arith.constant 0 : i32
    %dma_start3A_203 = tpu.memref_slice %arg7[%dma_start3A_201, %dma_start3A_202] : memref<10x40xi32, #tpu.memory_space<vmem>> -> memref<1x40xi32, #tpu.memory_space<vmem>>
    %dma_start3A_204 = tpu.memref_squeeze %dma_start3A_203 : memref<1x40xi32, #tpu.memory_space<vmem>> -> memref<40xi32, #tpu.memory_space<vmem>>
    %dma_start3A_205 = tpu.memref_slice %arg2[%mul3A_200] : memref<320000xi32, #tpu.memory_space<hbm>> -> memref<40xi32, #tpu.memory_space<hbm>>
    %dma_start3A_206 = arith.constant 0 : i32
    %dma_start3A_207 = tpu.memref_slice %arg7[%dma_start3A_201, %dma_start3A_206] : memref<10x40xi32, #tpu.memory_space<vmem>> -> memref<1x40xi32, #tpu.memory_space<vmem>>
    %dma_start3A_208 = tpu.memref_squeeze %dma_start3A_207 : memref<1x40xi32, #tpu.memory_space<vmem>> -> memref<40xi32, #tpu.memory_space<vmem>>
    %dma_start3A_209 = tpu.memref_slice %arg2[%mul3A_200] : memref<320000xi32, #tpu.memory_space<hbm>> -> memref<40xi32, #tpu.memory_space<hbm>>
    tpu.enqueue_dma source(%dma_start3A_209 : memref<40xi32, #tpu.memory_space<hbm>>) target(%dma_start3A_208 : memref<40xi32, #tpu.memory_space<vmem>>) target_semaphore(%arg29 : memref<!tpu.dma_semaphore, #tpu.memory_space<semaphore_mem>>)
    %dma_start3A_210 = arith.constant 6 : i32
    %dma_start3A_211 = arith.constant 0 : i32
    %dma_start3A_212 = tpu.memref_slice %arg8[%dma_start3A_210, %dma_start3A_211] : memref<10x40xi32, #tpu.memory_space<vmem>> -> memref<1x40xi32, #tpu.memory_space<vmem>>
    %dma_start3A_213 = tpu.memref_squeeze %dma_start3A_212 : memref<1x40xi32, #tpu.memory_space<vmem>> -> memref<40xi32, #tpu.memory_space<vmem>>
    %dma_start3A_214 = tpu.memref_slice %arg3[%mul3A_200] : memref<320000xi32, #tpu.memory_space<hbm>> -> memref<40xi32, #tpu.memory_space<hbm>>
    %dma_start3A_215 = arith.constant 0 : i32
    %dma_start3A_216 = tpu.memref_slice %arg8[%dma_start3A_210, %dma_start3A_215] : memref<10x40xi32, #tpu.memory_space<vmem>> -> memref<1x40xi32, #tpu.memory_space<vmem>>
    %dma_start3A_217 = tpu.memref_squeeze %dma_start3A_216 : memref<1x40xi32, #tpu.memory_space<vmem>> -> memref<40xi32, #tpu.memory_space<vmem>>
    %dma_start3A_218 = tpu.memref_slice %arg3[%mul3A_200] : memref<320000xi32, #tpu.memory_space<hbm>> -> memref<40xi32, #tpu.memory_space<hbm>>
    tpu.enqueue_dma source(%dma_start3A_218 : memref<40xi32, #tpu.memory_space<hbm>>) target(%dma_start3A_217 : memref<40xi32, #tpu.memory_space<vmem>>) target_semaphore(%arg29 : memref<!tpu.dma_semaphore, #tpu.memory_space<semaphore_mem>>)
    %dma_start3A_219 = arith.constant 6 : i32
    %dma_start3A_220 = arith.constant 0 : i32
    %dma_start3A_221 = tpu.memref_slice %arg9[%dma_start3A_219, %dma_start3A_220] : memref<10x40xf32, #tpu.memory_space<vmem>> -> memref<1x40xf32, #tpu.memory_space<vmem>>
    %dma_start3A_222 = tpu.memref_squeeze %dma_start3A_221 : memref<1x40xf32, #tpu.memory_space<vmem>> -> memref<40xf32, #tpu.memory_space<vmem>>
    %dma_start3A_223 = tpu.memref_slice %arg4[%mul3A_200] : memref<320000xf32, #tpu.memory_space<hbm>> -> memref<40xf32, #tpu.memory_space<hbm>>
    %dma_start3A_224 = arith.constant 0 : i32
    %dma_start3A_225 = tpu.memref_slice %arg9[%dma_start3A_219, %dma_start3A_224] : memref<10x40xf32, #tpu.memory_space<vmem>> -> memref<1x40xf32, #tpu.memory_space<vmem>>
    %dma_start3A_226 = tpu.memref_squeeze %dma_start3A_225 : memref<1x40xf32, #tpu.memory_space<vmem>> -> memref<40xf32, #tpu.memory_space<vmem>>
    %dma_start3A_227 = tpu.memref_slice %arg4[%mul3A_200] : memref<320000xf32, #tpu.memory_space<hbm>> -> memref<40xf32, #tpu.memory_space<hbm>>
    tpu.enqueue_dma source(%dma_start3A_227 : memref<40xf32, #tpu.memory_space<hbm>>) target(%dma_start3A_226 : memref<40xf32, #tpu.memory_space<vmem>>) target_semaphore(%arg29 : memref<!tpu.dma_semaphore, #tpu.memory_space<semaphore_mem>>)
    %add3A_228 = arith.constant 7 : i32
    %add3A_229 = arith.addi %mul3A_2, %add3A_228 : i32
    %mul3A_230 = arith.constant 40 : i32
    %mul3A_231 = arith.muli %add3A_229, %mul3A_230 : i32
    %dma_start3A_232 = arith.constant 7 : i32
    %dma_start3A_233 = arith.constant 0 : i32
    %dma_start3A_234 = tpu.memref_slice %arg7[%dma_start3A_232, %dma_start3A_233] : memref<10x40xi32, #tpu.memory_space<vmem>> -> memref<1x40xi32, #tpu.memory_space<vmem>>
    %dma_start3A_235 = tpu.memref_squeeze %dma_start3A_234 : memref<1x40xi32, #tpu.memory_space<vmem>> -> memref<40xi32, #tpu.memory_space<vmem>>
    %dma_start3A_236 = tpu.memref_slice %arg2[%mul3A_231] : memref<320000xi32, #tpu.memory_space<hbm>> -> memref<40xi32, #tpu.memory_space<hbm>>
    %dma_start3A_237 = arith.constant 0 : i32
    %dma_start3A_238 = tpu.memref_slice %arg7[%dma_start3A_232, %dma_start3A_237] : memref<10x40xi32, #tpu.memory_space<vmem>> -> memref<1x40xi32, #tpu.memory_space<vmem>>
    %dma_start3A_239 = tpu.memref_squeeze %dma_start3A_238 : memref<1x40xi32, #tpu.memory_space<vmem>> -> memref<40xi32, #tpu.memory_space<vmem>>
    %dma_start3A_240 = tpu.memref_slice %arg2[%mul3A_231] : memref<320000xi32, #tpu.memory_space<hbm>> -> memref<40xi32, #tpu.memory_space<hbm>>
    tpu.enqueue_dma source(%dma_start3A_240 : memref<40xi32, #tpu.memory_space<hbm>>) target(%dma_start3A_239 : memref<40xi32, #tpu.memory_space<vmem>>) target_semaphore(%arg30 : memref<!tpu.dma_semaphore, #tpu.memory_space<semaphore_mem>>)
    %dma_start3A_241 = arith.constant 7 : i32
    %dma_start3A_242 = arith.constant 0 : i32
    %dma_start3A_243 = tpu.memref_slice %arg8[%dma_start3A_241, %dma_start3A_242] : memref<10x40xi32, #tpu.memory_space<vmem>> -> memref<1x40xi32, #tpu.memory_space<vmem>>
    %dma_start3A_244 = tpu.memref_squeeze %dma_start3A_243 : memref<1x40xi32, #tpu.memory_space<vmem>> -> memref<40xi32, #tpu.memory_space<vmem>>
    %dma_start3A_245 = tpu.memref_slice %arg3[%mul3A_231] : memref<320000xi32, #tpu.memory_space<hbm>> -> memref<40xi32, #tpu.memory_space<hbm>>
    %dma_start3A_246 = arith.constant 0 : i32
    %dma_start3A_247 = tpu.memref_slice %arg8[%dma_start3A_241, %dma_start3A_246] : memref<10x40xi32, #tpu.memory_space<vmem>> -> memref<1x40xi32, #tpu.memory_space<vmem>>
    %dma_start3A_248 = tpu.memref_squeeze %dma_start3A_247 : memref<1x40xi32, #tpu.memory_space<vmem>> -> memref<40xi32, #tpu.memory_space<vmem>>
    %dma_start3A_249 = tpu.memref_slice %arg3[%mul3A_231] : memref<320000xi32, #tpu.memory_space<hbm>> -> memref<40xi32, #tpu.memory_space<hbm>>
    tpu.enqueue_dma source(%dma_start3A_249 : memref<40xi32, #tpu.memory_space<hbm>>) target(%dma_start3A_248 : memref<40xi32, #tpu.memory_space<vmem>>) target_semaphore(%arg30 : memref<!tpu.dma_semaphore, #tpu.memory_space<semaphore_mem>>)
    %dma_start3A_250 = arith.constant 7 : i32
    %dma_start3A_251 = arith.constant 0 : i32
    %dma_start3A_252 = tpu.memref_slice %arg9[%dma_start3A_250, %dma_start3A_251] : memref<10x40xf32, #tpu.memory_space<vmem>> -> memref<1x40xf32, #tpu.memory_space<vmem>>
    %dma_start3A_253 = tpu.memref_squeeze %dma_start3A_252 : memref<1x40xf32, #tpu.memory_space<vmem>> -> memref<40xf32, #tpu.memory_space<vmem>>
    %dma_start3A_254 = tpu.memref_slice %arg4[%mul3A_231] : memref<320000xf32, #tpu.memory_space<hbm>> -> memref<40xf32, #tpu.memory_space<hbm>>
    %dma_start3A_255 = arith.constant 0 : i32
    %dma_start3A_256 = tpu.memref_slice %arg9[%dma_start3A_250, %dma_start3A_255] : memref<10x40xf32, #tpu.memory_space<vmem>> -> memref<1x40xf32, #tpu.memory_space<vmem>>
    %dma_start3A_257 = tpu.memref_squeeze %dma_start3A_256 : memref<1x40xf32, #tpu.memory_space<vmem>> -> memref<40xf32, #tpu.memory_space<vmem>>
    %dma_start3A_258 = tpu.memref_slice %arg4[%mul3A_231] : memref<320000xf32, #tpu.memory_space<hbm>> -> memref<40xf32, #tpu.memory_space<hbm>>
    tpu.enqueue_dma source(%dma_start3A_258 : memref<40xf32, #tpu.memory_space<hbm>>) target(%dma_start3A_257 : memref<40xf32, #tpu.memory_space<vmem>>) target_semaphore(%arg30 : memref<!tpu.dma_semaphore, #tpu.memory_space<semaphore_mem>>)
    %add3A_259 = arith.constant 8 : i32
    %add3A_260 = arith.addi %mul3A_2, %add3A_259 : i32
    %mul3A_261 = arith.constant 40 : i32
    %mul3A_262 = arith.muli %add3A_260, %mul3A_261 : i32
    %dma_start3A_263 = arith.constant 8 : i32
    %dma_start3A_264 = arith.constant 0 : i32
    %dma_start3A_265 = tpu.memref_slice %arg7[%dma_start3A_263, %dma_start3A_264] : memref<10x40xi32, #tpu.memory_space<vmem>> -> memref<1x40xi32, #tpu.memory_space<vmem>>
    %dma_start3A_266 = tpu.memref_squeeze %dma_start3A_265 : memref<1x40xi32, #tpu.memory_space<vmem>> -> memref<40xi32, #tpu.memory_space<vmem>>
    %dma_start3A_267 = tpu.memref_slice %arg2[%mul3A_262] : memref<320000xi32, #tpu.memory_space<hbm>> -> memref<40xi32, #tpu.memory_space<hbm>>
    %dma_start3A_268 = arith.constant 0 : i32
    %dma_start3A_269 = tpu.memref_slice %arg7[%dma_start3A_263, %dma_start3A_268] : memref<10x40xi32, #tpu.memory_space<vmem>> -> memref<1x40xi32, #tpu.memory_space<vmem>>
    %dma_start3A_270 = tpu.memref_squeeze %dma_start3A_269 : memref<1x40xi32, #tpu.memory_space<vmem>> -> memref<40xi32, #tpu.memory_space<vmem>>
    %dma_start3A_271 = tpu.memref_slice %arg2[%mul3A_262] : memref<320000xi32, #tpu.memory_space<hbm>> -> memref<40xi32, #tpu.memory_space<hbm>>
    tpu.enqueue_dma source(%dma_start3A_271 : memref<40xi32, #tpu.memory_space<hbm>>) target(%dma_start3A_270 : memref<40xi32, #tpu.memory_space<vmem>>) target_semaphore(%arg31 : memref<!tpu.dma_semaphore, #tpu.memory_space<semaphore_mem>>)
    %dma_start3A_272 = arith.constant 8 : i32
    %dma_start3A_273 = arith.constant 0 : i32
    %dma_start3A_274 = tpu.memref_slice %arg8[%dma_start3A_272, %dma_start3A_273] : memref<10x40xi32, #tpu.memory_space<vmem>> -> memref<1x40xi32, #tpu.memory_space<vmem>>
    %dma_start3A_275 = tpu.memref_squeeze %dma_start3A_274 : memref<1x40xi32, #tpu.memory_space<vmem>> -> memref<40xi32, #tpu.memory_space<vmem>>
    %dma_start3A_276 = tpu.memref_slice %arg3[%mul3A_262] : memref<320000xi32, #tpu.memory_space<hbm>> -> memref<40xi32, #tpu.memory_space<hbm>>
    %dma_start3A_277 = arith.constant 0 : i32
    %dma_start3A_278 = tpu.memref_slice %arg8[%dma_start3A_272, %dma_start3A_277] : memref<10x40xi32, #tpu.memory_space<vmem>> -> memref<1x40xi32, #tpu.memory_space<vmem>>
    %dma_start3A_279 = tpu.memref_squeeze %dma_start3A_278 : memref<1x40xi32, #tpu.memory_space<vmem>> -> memref<40xi32, #tpu.memory_space<vmem>>
    %dma_start3A_280 = tpu.memref_slice %arg3[%mul3A_262] : memref<320000xi32, #tpu.memory_space<hbm>> -> memref<40xi32, #tpu.memory_space<hbm>>
    tpu.enqueue_dma source(%dma_start3A_280 : memref<40xi32, #tpu.memory_space<hbm>>) target(%dma_start3A_279 : memref<40xi32, #tpu.memory_space<vmem>>) target_semaphore(%arg31 : memref<!tpu.dma_semaphore, #tpu.memory_space<semaphore_mem>>)
    %dma_start3A_281 = arith.constant 8 : i32
    %dma_start3A_282 = arith.constant 0 : i32
    %dma_start3A_283 = tpu.memref_slice %arg9[%dma_start3A_281, %dma_start3A_282] : memref<10x40xf32, #tpu.memory_space<vmem>> -> memref<1x40xf32, #tpu.memory_space<vmem>>
    %dma_start3A_284 = tpu.memref_squeeze %dma_start3A_283 : memref<1x40xf32, #tpu.memory_space<vmem>> -> memref<40xf32, #tpu.memory_space<vmem>>
    %dma_start3A_285 = tpu.memref_slice %arg4[%mul3A_262] : memref<320000xf32, #tpu.memory_space<hbm>> -> memref<40xf32, #tpu.memory_space<hbm>>
    %dma_start3A_286 = arith.constant 0 : i32
    %dma_start3A_287 = tpu.memref_slice %arg9[%dma_start3A_281, %dma_start3A_286] : memref<10x40xf32, #tpu.memory_space<vmem>> -> memref<1x40xf32, #tpu.memory_space<vmem>>
    %dma_start3A_288 = tpu.memref_squeeze %dma_start3A_287 : memref<1x40xf32, #tpu.memory_space<vmem>> -> memref<40xf32, #tpu.memory_space<vmem>>
    %dma_start3A_289 = tpu.memref_slice %arg4[%mul3A_262] : memref<320000xf32, #tpu.memory_space<hbm>> -> memref<40xf32, #tpu.memory_space<hbm>>
    tpu.enqueue_dma source(%dma_start3A_289 : memref<40xf32, #tpu.memory_space<hbm>>) target(%dma_start3A_288 : memref<40xf32, #tpu.memory_space<vmem>>) target_semaphore(%arg31 : memref<!tpu.dma_semaphore, #tpu.memory_space<semaphore_mem>>)
    %add3A_290 = arith.constant 9 : i32
    %add3A_291 = arith.addi %mul3A_2, %add3A_290 : i32
    %mul3A_292 = arith.constant 40 : i32
    %mul3A_293 = arith.muli %add3A_291, %mul3A_292 : i32
    %dma_start3A_294 = arith.constant 9 : i32
    %dma_start3A_295 = arith.constant 0 : i32
    %dma_start3A_296 = tpu.memref_slice %arg7[%dma_start3A_294, %dma_start3A_295] : memref<10x40xi32, #tpu.memory_space<vmem>> -> memref<1x40xi32, #tpu.memory_space<vmem>>
    %dma_start3A_297 = tpu.memref_squeeze %dma_start3A_296 : memref<1x40xi32, #tpu.memory_space<vmem>> -> memref<40xi32, #tpu.memory_space<vmem>>
    %dma_start3A_298 = tpu.memref_slice %arg2[%mul3A_293] : memref<320000xi32, #tpu.memory_space<hbm>> -> memref<40xi32, #tpu.memory_space<hbm>>
    %dma_start3A_299 = arith.constant 0 : i32
    %dma_start3A_300 = tpu.memref_slice %arg7[%dma_start3A_294, %dma_start3A_299] : memref<10x40xi32, #tpu.memory_space<vmem>> -> memref<1x40xi32, #tpu.memory_space<vmem>>
    %dma_start3A_301 = tpu.memref_squeeze %dma_start3A_300 : memref<1x40xi32, #tpu.memory_space<vmem>> -> memref<40xi32, #tpu.memory_space<vmem>>
    %dma_start3A_302 = tpu.memref_slice %arg2[%mul3A_293] : memref<320000xi32, #tpu.memory_space<hbm>> -> memref<40xi32, #tpu.memory_space<hbm>>
    tpu.enqueue_dma source(%dma_start3A_302 : memref<40xi32, #tpu.memory_space<hbm>>) target(%dma_start3A_301 : memref<40xi32, #tpu.memory_space<vmem>>) target_semaphore(%arg32 : memref<!tpu.dma_semaphore, #tpu.memory_space<semaphore_mem>>)
    %dma_start3A_303 = arith.constant 9 : i32
    %dma_start3A_304 = arith.constant 0 : i32
    %dma_start3A_305 = tpu.memref_slice %arg8[%dma_start3A_303, %dma_start3A_304] : memref<10x40xi32, #tpu.memory_space<vmem>> -> memref<1x40xi32, #tpu.memory_space<vmem>>
    %dma_start3A_306 = tpu.memref_squeeze %dma_start3A_305 : memref<1x40xi32, #tpu.memory_space<vmem>> -> memref<40xi32, #tpu.memory_space<vmem>>
    %dma_start3A_307 = tpu.memref_slice %arg3[%mul3A_293] : memref<320000xi32, #tpu.memory_space<hbm>> -> memref<40xi32, #tpu.memory_space<hbm>>
    %dma_start3A_308 = arith.constant 0 : i32
    %dma_start3A_309 = tpu.memref_slice %arg8[%dma_start3A_303, %dma_start3A_308] : memref<10x40xi32, #tpu.memory_space<vmem>> -> memref<1x40xi32, #tpu.memory_space<vmem>>
    %dma_start3A_310 = tpu.memref_squeeze %dma_start3A_309 : memref<1x40xi32, #tpu.memory_space<vmem>> -> memref<40xi32, #tpu.memory_space<vmem>>
    %dma_start3A_311 = tpu.memref_slice %arg3[%mul3A_293] : memref<320000xi32, #tpu.memory_space<hbm>> -> memref<40xi32, #tpu.memory_space<hbm>>
    tpu.enqueue_dma source(%dma_start3A_311 : memref<40xi32, #tpu.memory_space<hbm>>) target(%dma_start3A_310 : memref<40xi32, #tpu.memory_space<vmem>>) target_semaphore(%arg32 : memref<!tpu.dma_semaphore, #tpu.memory_space<semaphore_mem>>)
    %dma_start3A_312 = arith.constant 9 : i32
    %dma_start3A_313 = arith.constant 0 : i32
    %dma_start3A_314 = tpu.memref_slice %arg9[%dma_start3A_312, %dma_start3A_313] : memref<10x40xf32, #tpu.memory_space<vmem>> -> memref<1x40xf32, #tpu.memory_space<vmem>>
    %dma_start3A_315 = tpu.memref_squeeze %dma_start3A_314 : memref<1x40xf32, #tpu.memory_space<vmem>> -> memref<40xf32, #tpu.memory_space<vmem>>
    %dma_start3A_316 = tpu.memref_slice %arg4[%mul3A_293] : memref<320000xf32, #tpu.memory_space<hbm>> -> memref<40xf32, #tpu.memory_space<hbm>>
    %dma_start3A_317 = arith.constant 0 : i32
    %dma_start3A_318 = tpu.memref_slice %arg9[%dma_start3A_312, %dma_start3A_317] : memref<10x40xf32, #tpu.memory_space<vmem>> -> memref<1x40xf32, #tpu.memory_space<vmem>>
    %dma_start3A_319 = tpu.memref_squeeze %dma_start3A_318 : memref<1x40xf32, #tpu.memory_space<vmem>> -> memref<40xf32, #tpu.memory_space<vmem>>
    %dma_start3A_320 = tpu.memref_slice %arg4[%mul3A_293] : memref<320000xf32, #tpu.memory_space<hbm>> -> memref<40xf32, #tpu.memory_space<hbm>>
    tpu.enqueue_dma source(%dma_start3A_320 : memref<40xf32, #tpu.memory_space<hbm>>) target(%dma_start3A_319 : memref<40xf32, #tpu.memory_space<vmem>>) target_semaphore(%arg32 : memref<!tpu.dma_semaphore, #tpu.memory_space<semaphore_mem>>)
    %add3A_321 = arith.constant 0 : i32
    %add3A_322 = arith.addi %mul3A_2, %add3A_321 : i32
    %mul3A_323 = arith.constant 40 : i32
    %mul3A_324 = arith.muli %add3A_322, %mul3A_323 : i32
    %dma_wait3A = arith.constant 0 : i32
    %dma_wait3A_325 = arith.constant 0 : i32
    %dma_wait3A_326 = tpu.memref_slice %arg7[%dma_wait3A, %dma_wait3A_325] : memref<10x40xi32, #tpu.memory_space<vmem>> -> memref<1x40xi32, #tpu.memory_space<vmem>>
    %dma_wait3A_327 = tpu.memref_squeeze %dma_wait3A_326 : memref<1x40xi32, #tpu.memory_space<vmem>> -> memref<40xi32, #tpu.memory_space<vmem>>
    %dma_wait3A_328 = tpu.memref_slice %arg2[%mul3A_324] : memref<320000xi32, #tpu.memory_space<hbm>> -> memref<40xi32, #tpu.memory_space<hbm>>
    %dma_wait3A_329 = arith.constant 0 : i32
    %dma_wait3A_330 = tpu.memref_slice %arg7[%dma_wait3A, %dma_wait3A_329] : memref<10x40xi32, #tpu.memory_space<vmem>> -> memref<1x40xi32, #tpu.memory_space<vmem>>
    %dma_wait3A_331 = tpu.memref_squeeze %dma_wait3A_330 : memref<1x40xi32, #tpu.memory_space<vmem>> -> memref<40xi32, #tpu.memory_space<vmem>>
    %dma_wait3A_332 = tpu.memref_slice %arg2[%mul3A_324] : memref<320000xi32, #tpu.memory_space<hbm>> -> memref<40xi32, #tpu.memory_space<hbm>>
    tpu.wait_dma2 semaphore(%arg23 : memref<!tpu.dma_semaphore, #tpu.memory_space<semaphore_mem>>) src(%dma_wait3A_332 : memref<40xi32, #tpu.memory_space<hbm>>) dst(%dma_wait3A_331 : memref<40xi32, #tpu.memory_space<vmem>>)
    %dma_wait3A_333 = arith.constant 0 : i32
    %dma_wait3A_334 = arith.constant 0 : i32
    %dma_wait3A_335 = tpu.memref_slice %arg8[%dma_wait3A_333, %dma_wait3A_334] : memref<10x40xi32, #tpu.memory_space<vmem>> -> memref<1x40xi32, #tpu.memory_space<vmem>>
    %dma_wait3A_336 = tpu.memref_squeeze %dma_wait3A_335 : memref<1x40xi32, #tpu.memory_space<vmem>> -> memref<40xi32, #tpu.memory_space<vmem>>
    %dma_wait3A_337 = tpu.memref_slice %arg3[%mul3A_324] : memref<320000xi32, #tpu.memory_space<hbm>> -> memref<40xi32, #tpu.memory_space<hbm>>
    %dma_wait3A_338 = arith.constant 0 : i32
    %dma_wait3A_339 = tpu.memref_slice %arg8[%dma_wait3A_333, %dma_wait3A_338] : memref<10x40xi32, #tpu.memory_space<vmem>> -> memref<1x40xi32, #tpu.memory_space<vmem>>
    %dma_wait3A_340 = tpu.memref_squeeze %dma_wait3A_339 : memref<1x40xi32, #tpu.memory_space<vmem>> -> memref<40xi32, #tpu.memory_space<vmem>>
    %dma_wait3A_341 = tpu.memref_slice %arg3[%mul3A_324] : memref<320000xi32, #tpu.memory_space<hbm>> -> memref<40xi32, #tpu.memory_space<hbm>>
    tpu.wait_dma2 semaphore(%arg23 : memref<!tpu.dma_semaphore, #tpu.memory_space<semaphore_mem>>) src(%dma_wait3A_341 : memref<40xi32, #tpu.memory_space<hbm>>) dst(%dma_wait3A_340 : memref<40xi32, #tpu.memory_space<vmem>>)
    %dma_wait3A_342 = arith.constant 0 : i32
    %dma_wait3A_343 = arith.constant 0 : i32
    %dma_wait3A_344 = tpu.memref_slice %arg9[%dma_wait3A_342, %dma_wait3A_343] : memref<10x40xf32, #tpu.memory_space<vmem>> -> memref<1x40xf32, #tpu.memory_space<vmem>>
    %dma_wait3A_345 = tpu.memref_squeeze %dma_wait3A_344 : memref<1x40xf32, #tpu.memory_space<vmem>> -> memref<40xf32, #tpu.memory_space<vmem>>
    %dma_wait3A_346 = tpu.memref_slice %arg4[%mul3A_324] : memref<320000xf32, #tpu.memory_space<hbm>> -> memref<40xf32, #tpu.memory_space<hbm>>
    %dma_wait3A_347 = arith.constant 0 : i32
    %dma_wait3A_348 = tpu.memref_slice %arg9[%dma_wait3A_342, %dma_wait3A_347] : memref<10x40xf32, #tpu.memory_space<vmem>> -> memref<1x40xf32, #tpu.memory_space<vmem>>
    %dma_wait3A_349 = tpu.memref_squeeze %dma_wait3A_348 : memref<1x40xf32, #tpu.memory_space<vmem>> -> memref<40xf32, #tpu.memory_space<vmem>>
    %dma_wait3A_350 = tpu.memref_slice %arg4[%mul3A_324] : memref<320000xf32, #tpu.memory_space<hbm>> -> memref<40xf32, #tpu.memory_space<hbm>>
    tpu.wait_dma2 semaphore(%arg23 : memref<!tpu.dma_semaphore, #tpu.memory_space<semaphore_mem>>) src(%dma_wait3A_350 : memref<40xf32, #tpu.memory_space<hbm>>) dst(%dma_wait3A_349 : memref<40xf32, #tpu.memory_space<vmem>>)
    %dma_start3A_351 = arith.constant 0 : i32
    %dma_start3A_352 = arith.constant 0 : i32
    %dma_start3A_353 = arith.constant 0 : i32
    %dma_start3A_354 = arith.constant 0 : i32
    %dma_start3A_355 = tpu.memref_slice %arg10[%dma_start3A_352, %dma_start3A_353, %dma_start3A_354] : memref<5x40x128xf32, #tpu.memory_space<vmem>> -> memref<1x40x128xf32, #tpu.memory_space<vmem>>
    %dma_start3A_356 = tpu.memref_squeeze %dma_start3A_355 : memref<1x40x128xf32, #tpu.memory_space<vmem>> -> memref<40x128xf32, #tpu.memory_space<vmem>>
    %dma_start3A_357 = arith.constant 0 : i32
    %dma_start3A_358 = tpu.memref_slice %arg8[%dma_start3A_351, %dma_start3A_357] : memref<10x40xi32, #tpu.memory_space<vmem>> -> memref<1x40xi32, #tpu.memory_space<vmem>>
    %dma_start3A_359 = tpu.memref_squeeze %dma_start3A_358 : memref<1x40xi32, #tpu.memory_space<vmem>> -> memref<40xi32, #tpu.memory_space<vmem>>
    %dma_start3A_360 = arith.constant 0 : i32
    %dma_start3A_361 = arith.constant 0 : i32
    %dma_start3A_362 = tpu.memref_slice %arg5[%dma_start3A_360, %dma_start3A_361] : memref<10000x128xf32, #tpu.memory_space<hbm>> -> memref<10000x128xf32, #tpu.memory_space<hbm>>
    tpu.enqueue_indirect_dma source(%dma_start3A_362 : memref<10000x128xf32, #tpu.memory_space<hbm>>) target(%dma_start3A_356 : memref<40x128xf32, #tpu.memory_space<vmem>>) offsets(%dma_start3A_359 : memref<40xi32, #tpu.memory_space<vmem>>) semaphore(%arg13 : memref<!tpu.dma_semaphore, #tpu.memory_space<semaphore_mem>>)
    %add3A_363 = arith.constant 1 : i32
    %add3A_364 = arith.addi %mul3A_2, %add3A_363 : i32
    %mul3A_365 = arith.constant 40 : i32
    %mul3A_366 = arith.muli %add3A_364, %mul3A_365 : i32
    %dma_wait3A_367 = arith.constant 1 : i32
    %dma_wait3A_368 = arith.constant 0 : i32
    %dma_wait3A_369 = tpu.memref_slice %arg7[%dma_wait3A_367, %dma_wait3A_368] : memref<10x40xi32, #tpu.memory_space<vmem>> -> memref<1x40xi32, #tpu.memory_space<vmem>>
    %dma_wait3A_370 = tpu.memref_squeeze %dma_wait3A_369 : memref<1x40xi32, #tpu.memory_space<vmem>> -> memref<40xi32, #tpu.memory_space<vmem>>
    %dma_wait3A_371 = tpu.memref_slice %arg2[%mul3A_366] : memref<320000xi32, #tpu.memory_space<hbm>> -> memref<40xi32, #tpu.memory_space<hbm>>
    %dma_wait3A_372 = arith.constant 0 : i32
    %dma_wait3A_373 = tpu.memref_slice %arg7[%dma_wait3A_367, %dma_wait3A_372] : memref<10x40xi32, #tpu.memory_space<vmem>> -> memref<1x40xi32, #tpu.memory_space<vmem>>
    %dma_wait3A_374 = tpu.memref_squeeze %dma_wait3A_373 : memref<1x40xi32, #tpu.memory_space<vmem>> -> memref<40xi32, #tpu.memory_space<vmem>>
    %dma_wait3A_375 = tpu.memref_slice %arg2[%mul3A_366] : memref<320000xi32, #tpu.memory_space<hbm>> -> memref<40xi32, #tpu.memory_space<hbm>>
    tpu.wait_dma2 semaphore(%arg24 : memref<!tpu.dma_semaphore, #tpu.memory_space<semaphore_mem>>) src(%dma_wait3A_375 : memref<40xi32, #tpu.memory_space<hbm>>) dst(%dma_wait3A_374 : memref<40xi32, #tpu.memory_space<vmem>>)
    %dma_wait3A_376 = arith.constant 1 : i32
    %dma_wait3A_377 = arith.constant 0 : i32
    %dma_wait3A_378 = tpu.memref_slice %arg8[%dma_wait3A_376, %dma_wait3A_377] : memref<10x40xi32, #tpu.memory_space<vmem>> -> memref<1x40xi32, #tpu.memory_space<vmem>>
    %dma_wait3A_379 = tpu.memref_squeeze %dma_wait3A_378 : memref<1x40xi32, #tpu.memory_space<vmem>> -> memref<40xi32, #tpu.memory_space<vmem>>
    %dma_wait3A_380 = tpu.memref_slice %arg3[%mul3A_366] : memref<320000xi32, #tpu.memory_space<hbm>> -> memref<40xi32, #tpu.memory_space<hbm>>
    %dma_wait3A_381 = arith.constant 0 : i32
    %dma_wait3A_382 = tpu.memref_slice %arg8[%dma_wait3A_376, %dma_wait3A_381] : memref<10x40xi32, #tpu.memory_space<vmem>> -> memref<1x40xi32, #tpu.memory_space<vmem>>
    %dma_wait3A_383 = tpu.memref_squeeze %dma_wait3A_382 : memref<1x40xi32, #tpu.memory_space<vmem>> -> memref<40xi32, #tpu.memory_space<vmem>>
    %dma_wait3A_384 = tpu.memref_slice %arg3[%mul3A_366] : memref<320000xi32, #tpu.memory_space<hbm>> -> memref<40xi32, #tpu.memory_space<hbm>>
    tpu.wait_dma2 semaphore(%arg24 : memref<!tpu.dma_semaphore, #tpu.memory_space<semaphore_mem>>) src(%dma_wait3A_384 : memref<40xi32, #tpu.memory_space<hbm>>) dst(%dma_wait3A_383 : memref<40xi32, #tpu.memory_space<vmem>>)
    %dma_wait3A_385 = arith.constant 1 : i32
    %dma_wait3A_386 = arith.constant 0 : i32
    %dma_wait3A_387 = tpu.memref_slice %arg9[%dma_wait3A_385, %dma_wait3A_386] : memref<10x40xf32, #tpu.memory_space<vmem>> -> memref<1x40xf32, #tpu.memory_space<vmem>>
    %dma_wait3A_388 = tpu.memref_squeeze %dma_wait3A_387 : memref<1x40xf32, #tpu.memory_space<vmem>> -> memref<40xf32, #tpu.memory_space<vmem>>
    %dma_wait3A_389 = tpu.memref_slice %arg4[%mul3A_366] : memref<320000xf32, #tpu.memory_space<hbm>> -> memref<40xf32, #tpu.memory_space<hbm>>
    %dma_wait3A_390 = arith.constant 0 : i32
    %dma_wait3A_391 = tpu.memref_slice %arg9[%dma_wait3A_385, %dma_wait3A_390] : memref<10x40xf32, #tpu.memory_space<vmem>> -> memref<1x40xf32, #tpu.memory_space<vmem>>
    %dma_wait3A_392 = tpu.memref_squeeze %dma_wait3A_391 : memref<1x40xf32, #tpu.memory_space<vmem>> -> memref<40xf32, #tpu.memory_space<vmem>>
    %dma_wait3A_393 = tpu.memref_slice %arg4[%mul3A_366] : memref<320000xf32, #tpu.memory_space<hbm>> -> memref<40xf32, #tpu.memory_space<hbm>>
    tpu.wait_dma2 semaphore(%arg24 : memref<!tpu.dma_semaphore, #tpu.memory_space<semaphore_mem>>) src(%dma_wait3A_393 : memref<40xf32, #tpu.memory_space<hbm>>) dst(%dma_wait3A_392 : memref<40xf32, #tpu.memory_space<vmem>>)
    %dma_start3A_394 = arith.constant 1 : i32
    %dma_start3A_395 = arith.constant 1 : i32
    %dma_start3A_396 = arith.constant 0 : i32
    %dma_start3A_397 = arith.constant 0 : i32
    %dma_start3A_398 = tpu.memref_slice %arg10[%dma_start3A_395, %dma_start3A_396, %dma_start3A_397] : memref<5x40x128xf32, #tpu.memory_space<vmem>> -> memref<1x40x128xf32, #tpu.memory_space<vmem>>
    %dma_start3A_399 = tpu.memref_squeeze %dma_start3A_398 : memref<1x40x128xf32, #tpu.memory_space<vmem>> -> memref<40x128xf32, #tpu.memory_space<vmem>>
    %dma_start3A_400 = arith.constant 0 : i32
    %dma_start3A_401 = tpu.memref_slice %arg8[%dma_start3A_394, %dma_start3A_400] : memref<10x40xi32, #tpu.memory_space<vmem>> -> memref<1x40xi32, #tpu.memory_space<vmem>>
    %dma_start3A_402 = tpu.memref_squeeze %dma_start3A_401 : memref<1x40xi32, #tpu.memory_space<vmem>> -> memref<40xi32, #tpu.memory_space<vmem>>
    %dma_start3A_403 = arith.constant 0 : i32
    %dma_start3A_404 = arith.constant 0 : i32
    %dma_start3A_405 = tpu.memref_slice %arg5[%dma_start3A_403, %dma_start3A_404] : memref<10000x128xf32, #tpu.memory_space<hbm>> -> memref<10000x128xf32, #tpu.memory_space<hbm>>
    tpu.enqueue_indirect_dma source(%dma_start3A_405 : memref<10000x128xf32, #tpu.memory_space<hbm>>) target(%dma_start3A_399 : memref<40x128xf32, #tpu.memory_space<vmem>>) offsets(%dma_start3A_402 : memref<40xi32, #tpu.memory_space<vmem>>) semaphore(%arg14 : memref<!tpu.dma_semaphore, #tpu.memory_space<semaphore_mem>>)
    %add3A_406 = arith.constant 2 : i32
    %add3A_407 = arith.addi %mul3A_2, %add3A_406 : i32
    %mul3A_408 = arith.constant 40 : i32
    %mul3A_409 = arith.muli %add3A_407, %mul3A_408 : i32
    %dma_wait3A_410 = arith.constant 2 : i32
    %dma_wait3A_411 = arith.constant 0 : i32
    %dma_wait3A_412 = tpu.memref_slice %arg7[%dma_wait3A_410, %dma_wait3A_411] : memref<10x40xi32, #tpu.memory_space<vmem>> -> memref<1x40xi32, #tpu.memory_space<vmem>>
    %dma_wait3A_413 = tpu.memref_squeeze %dma_wait3A_412 : memref<1x40xi32, #tpu.memory_space<vmem>> -> memref<40xi32, #tpu.memory_space<vmem>>
    %dma_wait3A_414 = tpu.memref_slice %arg2[%mul3A_409] : memref<320000xi32, #tpu.memory_space<hbm>> -> memref<40xi32, #tpu.memory_space<hbm>>
    %dma_wait3A_415 = arith.constant 0 : i32
    %dma_wait3A_416 = tpu.memref_slice %arg7[%dma_wait3A_410, %dma_wait3A_415] : memref<10x40xi32, #tpu.memory_space<vmem>> -> memref<1x40xi32, #tpu.memory_space<vmem>>
    %dma_wait3A_417 = tpu.memref_squeeze %dma_wait3A_416 : memref<1x40xi32, #tpu.memory_space<vmem>> -> memref<40xi32, #tpu.memory_space<vmem>>
    %dma_wait3A_418 = tpu.memref_slice %arg2[%mul3A_409] : memref<320000xi32, #tpu.memory_space<hbm>> -> memref<40xi32, #tpu.memory_space<hbm>>
    tpu.wait_dma2 semaphore(%arg25 : memref<!tpu.dma_semaphore, #tpu.memory_space<semaphore_mem>>) src(%dma_wait3A_418 : memref<40xi32, #tpu.memory_space<hbm>>) dst(%dma_wait3A_417 : memref<40xi32, #tpu.memory_space<vmem>>)
    %dma_wait3A_419 = arith.constant 2 : i32
    %dma_wait3A_420 = arith.constant 0 : i32
    %dma_wait3A_421 = tpu.memref_slice %arg8[%dma_wait3A_419, %dma_wait3A_420] : memref<10x40xi32, #tpu.memory_space<vmem>> -> memref<1x40xi32, #tpu.memory_space<vmem>>
    %dma_wait3A_422 = tpu.memref_squeeze %dma_wait3A_421 : memref<1x40xi32, #tpu.memory_space<vmem>> -> memref<40xi32, #tpu.memory_space<vmem>>
    %dma_wait3A_423 = tpu.memref_slice %arg3[%mul3A_409] : memref<320000xi32, #tpu.memory_space<hbm>> -> memref<40xi32, #tpu.memory_space<hbm>>
    %dma_wait3A_424 = arith.constant 0 : i32
    %dma_wait3A_425 = tpu.memref_slice %arg8[%dma_wait3A_419, %dma_wait3A_424] : memref<10x40xi32, #tpu.memory_space<vmem>> -> memref<1x40xi32, #tpu.memory_space<vmem>>
    %dma_wait3A_426 = tpu.memref_squeeze %dma_wait3A_425 : memref<1x40xi32, #tpu.memory_space<vmem>> -> memref<40xi32, #tpu.memory_space<vmem>>
    %dma_wait3A_427 = tpu.memref_slice %arg3[%mul3A_409] : memref<320000xi32, #tpu.memory_space<hbm>> -> memref<40xi32, #tpu.memory_space<hbm>>
    tpu.wait_dma2 semaphore(%arg25 : memref<!tpu.dma_semaphore, #tpu.memory_space<semaphore_mem>>) src(%dma_wait3A_427 : memref<40xi32, #tpu.memory_space<hbm>>) dst(%dma_wait3A_426 : memref<40xi32, #tpu.memory_space<vmem>>)
    %dma_wait3A_428 = arith.constant 2 : i32
    %dma_wait3A_429 = arith.constant 0 : i32
    %dma_wait3A_430 = tpu.memref_slice %arg9[%dma_wait3A_428, %dma_wait3A_429] : memref<10x40xf32, #tpu.memory_space<vmem>> -> memref<1x40xf32, #tpu.memory_space<vmem>>
    %dma_wait3A_431 = tpu.memref_squeeze %dma_wait3A_430 : memref<1x40xf32, #tpu.memory_space<vmem>> -> memref<40xf32, #tpu.memory_space<vmem>>
    %dma_wait3A_432 = tpu.memref_slice %arg4[%mul3A_409] : memref<320000xf32, #tpu.memory_space<hbm>> -> memref<40xf32, #tpu.memory_space<hbm>>
    %dma_wait3A_433 = arith.constant 0 : i32
    %dma_wait3A_434 = tpu.memref_slice %arg9[%dma_wait3A_428, %dma_wait3A_433] : memref<10x40xf32, #tpu.memory_space<vmem>> -> memref<1x40xf32, #tpu.memory_space<vmem>>
    %dma_wait3A_435 = tpu.memref_squeeze %dma_wait3A_434 : memref<1x40xf32, #tpu.memory_space<vmem>> -> memref<40xf32, #tpu.memory_space<vmem>>
    %dma_wait3A_436 = tpu.memref_slice %arg4[%mul3A_409] : memref<320000xf32, #tpu.memory_space<hbm>> -> memref<40xf32, #tpu.memory_space<hbm>>
    tpu.wait_dma2 semaphore(%arg25 : memref<!tpu.dma_semaphore, #tpu.memory_space<semaphore_mem>>) src(%dma_wait3A_436 : memref<40xf32, #tpu.memory_space<hbm>>) dst(%dma_wait3A_435 : memref<40xf32, #tpu.memory_space<vmem>>)
    %dma_start3A_437 = arith.constant 2 : i32
    %dma_start3A_438 = arith.constant 2 : i32
    %dma_start3A_439 = arith.constant 0 : i32
    %dma_start3A_440 = arith.constant 0 : i32
    %dma_start3A_441 = tpu.memref_slice %arg10[%dma_start3A_438, %dma_start3A_439, %dma_start3A_440] : memref<5x40x128xf32, #tpu.memory_space<vmem>> -> memref<1x40x128xf32, #tpu.memory_space<vmem>>
    %dma_start3A_442 = tpu.memref_squeeze %dma_start3A_441 : memref<1x40x128xf32, #tpu.memory_space<vmem>> -> memref<40x128xf32, #tpu.memory_space<vmem>>
    %dma_start3A_443 = arith.constant 0 : i32
    %dma_start3A_444 = tpu.memref_slice %arg8[%dma_start3A_437, %dma_start3A_443] : memref<10x40xi32, #tpu.memory_space<vmem>> -> memref<1x40xi32, #tpu.memory_space<vmem>>
    %dma_start3A_445 = tpu.memref_squeeze %dma_start3A_444 : memref<1x40xi32, #tpu.memory_space<vmem>> -> memref<40xi32, #tpu.memory_space<vmem>>
    %dma_start3A_446 = arith.constant 0 : i32
    %dma_start3A_447 = arith.constant 0 : i32
    %dma_start3A_448 = tpu.memref_slice %arg5[%dma_start3A_446, %dma_start3A_447] : memref<10000x128xf32, #tpu.memory_space<hbm>> -> memref<10000x128xf32, #tpu.memory_space<hbm>>
    tpu.enqueue_indirect_dma source(%dma_start3A_448 : memref<10000x128xf32, #tpu.memory_space<hbm>>) target(%dma_start3A_442 : memref<40x128xf32, #tpu.memory_space<vmem>>) offsets(%dma_start3A_445 : memref<40xi32, #tpu.memory_space<vmem>>) semaphore(%arg15 : memref<!tpu.dma_semaphore, #tpu.memory_space<semaphore_mem>>)
    %add3A_449 = arith.constant 3 : i32
    %add3A_450 = arith.addi %mul3A_2, %add3A_449 : i32
    %mul3A_451 = arith.constant 40 : i32
    %mul3A_452 = arith.muli %add3A_450, %mul3A_451 : i32
    %dma_wait3A_453 = arith.constant 3 : i32
    %dma_wait3A_454 = arith.constant 0 : i32
    %dma_wait3A_455 = tpu.memref_slice %arg7[%dma_wait3A_453, %dma_wait3A_454] : memref<10x40xi32, #tpu.memory_space<vmem>> -> memref<1x40xi32, #tpu.memory_space<vmem>>
    %dma_wait3A_456 = tpu.memref_squeeze %dma_wait3A_455 : memref<1x40xi32, #tpu.memory_space<vmem>> -> memref<40xi32, #tpu.memory_space<vmem>>
    %dma_wait3A_457 = tpu.memref_slice %arg2[%mul3A_452] : memref<320000xi32, #tpu.memory_space<hbm>> -> memref<40xi32, #tpu.memory_space<hbm>>
    %dma_wait3A_458 = arith.constant 0 : i32
    %dma_wait3A_459 = tpu.memref_slice %arg7[%dma_wait3A_453, %dma_wait3A_458] : memref<10x40xi32, #tpu.memory_space<vmem>> -> memref<1x40xi32, #tpu.memory_space<vmem>>
    %dma_wait3A_460 = tpu.memref_squeeze %dma_wait3A_459 : memref<1x40xi32, #tpu.memory_space<vmem>> -> memref<40xi32, #tpu.memory_space<vmem>>
    %dma_wait3A_461 = tpu.memref_slice %arg2[%mul3A_452] : memref<320000xi32, #tpu.memory_space<hbm>> -> memref<40xi32, #tpu.memory_space<hbm>>
    tpu.wait_dma2 semaphore(%arg26 : memref<!tpu.dma_semaphore, #tpu.memory_space<semaphore_mem>>) src(%dma_wait3A_461 : memref<40xi32, #tpu.memory_space<hbm>>) dst(%dma_wait3A_460 : memref<40xi32, #tpu.memory_space<vmem>>)
    %dma_wait3A_462 = arith.constant 3 : i32
    %dma_wait3A_463 = arith.constant 0 : i32
    %dma_wait3A_464 = tpu.memref_slice %arg8[%dma_wait3A_462, %dma_wait3A_463] : memref<10x40xi32, #tpu.memory_space<vmem>> -> memref<1x40xi32, #tpu.memory_space<vmem>>
    %dma_wait3A_465 = tpu.memref_squeeze %dma_wait3A_464 : memref<1x40xi32, #tpu.memory_space<vmem>> -> memref<40xi32, #tpu.memory_space<vmem>>
    %dma_wait3A_466 = tpu.memref_slice %arg3[%mul3A_452] : memref<320000xi32, #tpu.memory_space<hbm>> -> memref<40xi32, #tpu.memory_space<hbm>>
    %dma_wait3A_467 = arith.constant 0 : i32
    %dma_wait3A_468 = tpu.memref_slice %arg8[%dma_wait3A_462, %dma_wait3A_467] : memref<10x40xi32, #tpu.memory_space<vmem>> -> memref<1x40xi32, #tpu.memory_space<vmem>>
    %dma_wait3A_469 = tpu.memref_squeeze %dma_wait3A_468 : memref<1x40xi32, #tpu.memory_space<vmem>> -> memref<40xi32, #tpu.memory_space<vmem>>
    %dma_wait3A_470 = tpu.memref_slice %arg3[%mul3A_452] : memref<320000xi32, #tpu.memory_space<hbm>> -> memref<40xi32, #tpu.memory_space<hbm>>
    tpu.wait_dma2 semaphore(%arg26 : memref<!tpu.dma_semaphore, #tpu.memory_space<semaphore_mem>>) src(%dma_wait3A_470 : memref<40xi32, #tpu.memory_space<hbm>>) dst(%dma_wait3A_469 : memref<40xi32, #tpu.memory_space<vmem>>)
    %dma_wait3A_471 = arith.constant 3 : i32
    %dma_wait3A_472 = arith.constant 0 : i32
    %dma_wait3A_473 = tpu.memref_slice %arg9[%dma_wait3A_471, %dma_wait3A_472] : memref<10x40xf32, #tpu.memory_space<vmem>> -> memref<1x40xf32, #tpu.memory_space<vmem>>
    %dma_wait3A_474 = tpu.memref_squeeze %dma_wait3A_473 : memref<1x40xf32, #tpu.memory_space<vmem>> -> memref<40xf32, #tpu.memory_space<vmem>>
    %dma_wait3A_475 = tpu.memref_slice %arg4[%mul3A_452] : memref<320000xf32, #tpu.memory_space<hbm>> -> memref<40xf32, #tpu.memory_space<hbm>>
    %dma_wait3A_476 = arith.constant 0 : i32
    %dma_wait3A_477 = tpu.memref_slice %arg9[%dma_wait3A_471, %dma_wait3A_476] : memref<10x40xf32, #tpu.memory_space<vmem>> -> memref<1x40xf32, #tpu.memory_space<vmem>>
    %dma_wait3A_478 = tpu.memref_squeeze %dma_wait3A_477 : memref<1x40xf32, #tpu.memory_space<vmem>> -> memref<40xf32, #tpu.memory_space<vmem>>
    %dma_wait3A_479 = tpu.memref_slice %arg4[%mul3A_452] : memref<320000xf32, #tpu.memory_space<hbm>> -> memref<40xf32, #tpu.memory_space<hbm>>
    tpu.wait_dma2 semaphore(%arg26 : memref<!tpu.dma_semaphore, #tpu.memory_space<semaphore_mem>>) src(%dma_wait3A_479 : memref<40xf32, #tpu.memory_space<hbm>>) dst(%dma_wait3A_478 : memref<40xf32, #tpu.memory_space<vmem>>)
    %dma_start3A_480 = arith.constant 3 : i32
    %dma_start3A_481 = arith.constant 3 : i32
    %dma_start3A_482 = arith.constant 0 : i32
    %dma_start3A_483 = arith.constant 0 : i32
    %dma_start3A_484 = tpu.memref_slice %arg10[%dma_start3A_481, %dma_start3A_482, %dma_start3A_483] : memref<5x40x128xf32, #tpu.memory_space<vmem>> -> memref<1x40x128xf32, #tpu.memory_space<vmem>>
    %dma_start3A_485 = tpu.memref_squeeze %dma_start3A_484 : memref<1x40x128xf32, #tpu.memory_space<vmem>> -> memref<40x128xf32, #tpu.memory_space<vmem>>
    %dma_start3A_486 = arith.constant 0 : i32
    %dma_start3A_487 = tpu.memref_slice %arg8[%dma_start3A_480, %dma_start3A_486] : memref<10x40xi32, #tpu.memory_space<vmem>> -> memref<1x40xi32, #tpu.memory_space<vmem>>
    %dma_start3A_488 = tpu.memref_squeeze %dma_start3A_487 : memref<1x40xi32, #tpu.memory_space<vmem>> -> memref<40xi32, #tpu.memory_space<vmem>>
    %dma_start3A_489 = arith.constant 0 : i32
    %dma_start3A_490 = arith.constant 0 : i32
    %dma_start3A_491 = tpu.memref_slice %arg5[%dma_start3A_489, %dma_start3A_490] : memref<10000x128xf32, #tpu.memory_space<hbm>> -> memref<10000x128xf32, #tpu.memory_space<hbm>>
    tpu.enqueue_indirect_dma source(%dma_start3A_491 : memref<10000x128xf32, #tpu.memory_space<hbm>>) target(%dma_start3A_485 : memref<40x128xf32, #tpu.memory_space<vmem>>) offsets(%dma_start3A_488 : memref<40xi32, #tpu.memory_space<vmem>>) semaphore(%arg16 : memref<!tpu.dma_semaphore, #tpu.memory_space<semaphore_mem>>)
    %add3A_492 = arith.constant 4 : i32
    %add3A_493 = arith.addi %mul3A_2, %add3A_492 : i32
    %mul3A_494 = arith.constant 40 : i32
    %mul3A_495 = arith.muli %add3A_493, %mul3A_494 : i32
    %dma_wait3A_496 = arith.constant 4 : i32
    %dma_wait3A_497 = arith.constant 0 : i32
    %dma_wait3A_498 = tpu.memref_slice %arg7[%dma_wait3A_496, %dma_wait3A_497] : memref<10x40xi32, #tpu.memory_space<vmem>> -> memref<1x40xi32, #tpu.memory_space<vmem>>
    %dma_wait3A_499 = tpu.memref_squeeze %dma_wait3A_498 : memref<1x40xi32, #tpu.memory_space<vmem>> -> memref<40xi32, #tpu.memory_space<vmem>>
    %dma_wait3A_500 = tpu.memref_slice %arg2[%mul3A_495] : memref<320000xi32, #tpu.memory_space<hbm>> -> memref<40xi32, #tpu.memory_space<hbm>>
    %dma_wait3A_501 = arith.constant 0 : i32
    %dma_wait3A_502 = tpu.memref_slice %arg7[%dma_wait3A_496, %dma_wait3A_501] : memref<10x40xi32, #tpu.memory_space<vmem>> -> memref<1x40xi32, #tpu.memory_space<vmem>>
    %dma_wait3A_503 = tpu.memref_squeeze %dma_wait3A_502 : memref<1x40xi32, #tpu.memory_space<vmem>> -> memref<40xi32, #tpu.memory_space<vmem>>
    %dma_wait3A_504 = tpu.memref_slice %arg2[%mul3A_495] : memref<320000xi32, #tpu.memory_space<hbm>> -> memref<40xi32, #tpu.memory_space<hbm>>
    tpu.wait_dma2 semaphore(%arg27 : memref<!tpu.dma_semaphore, #tpu.memory_space<semaphore_mem>>) src(%dma_wait3A_504 : memref<40xi32, #tpu.memory_space<hbm>>) dst(%dma_wait3A_503 : memref<40xi32, #tpu.memory_space<vmem>>)
    %dma_wait3A_505 = arith.constant 4 : i32
    %dma_wait3A_506 = arith.constant 0 : i32
    %dma_wait3A_507 = tpu.memref_slice %arg8[%dma_wait3A_505, %dma_wait3A_506] : memref<10x40xi32, #tpu.memory_space<vmem>> -> memref<1x40xi32, #tpu.memory_space<vmem>>
    %dma_wait3A_508 = tpu.memref_squeeze %dma_wait3A_507 : memref<1x40xi32, #tpu.memory_space<vmem>> -> memref<40xi32, #tpu.memory_space<vmem>>
    %dma_wait3A_509 = tpu.memref_slice %arg3[%mul3A_495] : memref<320000xi32, #tpu.memory_space<hbm>> -> memref<40xi32, #tpu.memory_space<hbm>>
    %dma_wait3A_510 = arith.constant 0 : i32
    %dma_wait3A_511 = tpu.memref_slice %arg8[%dma_wait3A_505, %dma_wait3A_510] : memref<10x40xi32, #tpu.memory_space<vmem>> -> memref<1x40xi32, #tpu.memory_space<vmem>>
    %dma_wait3A_512 = tpu.memref_squeeze %dma_wait3A_511 : memref<1x40xi32, #tpu.memory_space<vmem>> -> memref<40xi32, #tpu.memory_space<vmem>>
    %dma_wait3A_513 = tpu.memref_slice %arg3[%mul3A_495] : memref<320000xi32, #tpu.memory_space<hbm>> -> memref<40xi32, #tpu.memory_space<hbm>>
    tpu.wait_dma2 semaphore(%arg27 : memref<!tpu.dma_semaphore, #tpu.memory_space<semaphore_mem>>) src(%dma_wait3A_513 : memref<40xi32, #tpu.memory_space<hbm>>) dst(%dma_wait3A_512 : memref<40xi32, #tpu.memory_space<vmem>>)
    %dma_wait3A_514 = arith.constant 4 : i32
    %dma_wait3A_515 = arith.constant 0 : i32
    %dma_wait3A_516 = tpu.memref_slice %arg9[%dma_wait3A_514, %dma_wait3A_515] : memref<10x40xf32, #tpu.memory_space<vmem>> -> memref<1x40xf32, #tpu.memory_space<vmem>>
    %dma_wait3A_517 = tpu.memref_squeeze %dma_wait3A_516 : memref<1x40xf32, #tpu.memory_space<vmem>> -> memref<40xf32, #tpu.memory_space<vmem>>
    %dma_wait3A_518 = tpu.memref_slice %arg4[%mul3A_495] : memref<320000xf32, #tpu.memory_space<hbm>> -> memref<40xf32, #tpu.memory_space<hbm>>
    %dma_wait3A_519 = arith.constant 0 : i32
    %dma_wait3A_520 = tpu.memref_slice %arg9[%dma_wait3A_514, %dma_wait3A_519] : memref<10x40xf32, #tpu.memory_space<vmem>> -> memref<1x40xf32, #tpu.memory_space<vmem>>
    %dma_wait3A_521 = tpu.memref_squeeze %dma_wait3A_520 : memref<1x40xf32, #tpu.memory_space<vmem>> -> memref<40xf32, #tpu.memory_space<vmem>>
    %dma_wait3A_522 = tpu.memref_slice %arg4[%mul3A_495] : memref<320000xf32, #tpu.memory_space<hbm>> -> memref<40xf32, #tpu.memory_space<hbm>>
    tpu.wait_dma2 semaphore(%arg27 : memref<!tpu.dma_semaphore, #tpu.memory_space<semaphore_mem>>) src(%dma_wait3A_522 : memref<40xf32, #tpu.memory_space<hbm>>) dst(%dma_wait3A_521 : memref<40xf32, #tpu.memory_space<vmem>>)
    %dma_start3A_523 = arith.constant 4 : i32
    %dma_start3A_524 = arith.constant 4 : i32
    %dma_start3A_525 = arith.constant 0 : i32
    %dma_start3A_526 = arith.constant 0 : i32
    %dma_start3A_527 = tpu.memref_slice %arg10[%dma_start3A_524, %dma_start3A_525, %dma_start3A_526] : memref<5x40x128xf32, #tpu.memory_space<vmem>> -> memref<1x40x128xf32, #tpu.memory_space<vmem>>
    %dma_start3A_528 = tpu.memref_squeeze %dma_start3A_527 : memref<1x40x128xf32, #tpu.memory_space<vmem>> -> memref<40x128xf32, #tpu.memory_space<vmem>>
    %dma_start3A_529 = arith.constant 0 : i32
    %dma_start3A_530 = tpu.memref_slice %arg8[%dma_start3A_523, %dma_start3A_529] : memref<10x40xi32, #tpu.memory_space<vmem>> -> memref<1x40xi32, #tpu.memory_space<vmem>>
    %dma_start3A_531 = tpu.memref_squeeze %dma_start3A_530 : memref<1x40xi32, #tpu.memory_space<vmem>> -> memref<40xi32, #tpu.memory_space<vmem>>
    %dma_start3A_532 = arith.constant 0 : i32
    %dma_start3A_533 = arith.constant 0 : i32
    %dma_start3A_534 = tpu.memref_slice %arg5[%dma_start3A_532, %dma_start3A_533] : memref<10000x128xf32, #tpu.memory_space<hbm>> -> memref<10000x128xf32, #tpu.memory_space<hbm>>
    tpu.enqueue_indirect_dma source(%dma_start3A_534 : memref<10000x128xf32, #tpu.memory_space<hbm>>) target(%dma_start3A_528 : memref<40x128xf32, #tpu.memory_space<vmem>>) offsets(%dma_start3A_531 : memref<40xi32, #tpu.memory_space<vmem>>) semaphore(%arg17 : memref<!tpu.dma_semaphore, #tpu.memory_space<semaphore_mem>>)
    %barrier3A = arith.constant 0 : index
    tpu.barrier barrier_id(%barrier3A)
    %scan3A_535 = arith.constant 0 : i32
    %scan3A_536 = arith.constant 25 : i32
    %scan3A_537 = arith.addi %scan3A_535, %scan3A_536 : i32
    %scan3A_538 = arith.constant 1 : i32
    scf.for %scan3A_555 = %scan3A_535 to %scan3A_537 step %scan3A_538  : i32 {
      %mul3A_556 = arith.constant 1 : i32
      %mul3A_557 = arith.muli %scan3A_555, %mul3A_556 : i32
      %add3A_558 = arith.constant 0 : i32
      %add3A_559 = arith.addi %add3A_558, %mul3A_557 : i32
      %mul3A_560 = arith.constant 10 : i32
      %mul3A_561 = arith.muli %add3A_559, %mul3A_560 : i32
      %add3A_562 = arith.constant 0 : i32
      %add3A_563 = arith.addi %mul3A_561, %add3A_562 : i32
      %dma_wait3A_564 = arith.constant 0 : i32
      %dma_wait3A_565 = arith.constant 0 : i32
      %dma_wait3A_566 = arith.constant 0 : i32
      %dma_wait3A_567 = arith.constant 0 : i32
      %dma_wait3A_568 = tpu.memref_slice %arg10[%dma_wait3A_565, %dma_wait3A_566, %dma_wait3A_567] : memref<5x40x128xf32, #tpu.memory_space<vmem>> -> memref<1x40x128xf32, #tpu.memory_space<vmem>>
      %dma_wait3A_569 = tpu.memref_squeeze %dma_wait3A_568 : memref<1x40x128xf32, #tpu.memory_space<vmem>> -> memref<40x128xf32, #tpu.memory_space<vmem>>
      %dma_wait3A_570 = arith.constant 0 : i32
      %dma_wait3A_571 = tpu.memref_slice %arg8[%dma_wait3A_564, %dma_wait3A_570] : memref<10x40xi32, #tpu.memory_space<vmem>> -> memref<1x40xi32, #tpu.memory_space<vmem>>
      %dma_wait3A_572 = tpu.memref_squeeze %dma_wait3A_571 : memref<1x40xi32, #tpu.memory_space<vmem>> -> memref<40xi32, #tpu.memory_space<vmem>>
      %dma_wait3A_573 = arith.constant 0 : i32
      %dma_wait3A_574 = arith.constant 0 : i32
      %dma_wait3A_575 = tpu.memref_slice %arg5[%dma_wait3A_573, %dma_wait3A_574] : memref<10000x128xf32, #tpu.memory_space<hbm>> -> memref<10000x128xf32, #tpu.memory_space<hbm>>
      tpu.wait_indirect_dma semaphore(%arg13 : memref<!tpu.dma_semaphore, #tpu.memory_space<semaphore_mem>>) src(%dma_wait3A_575 : memref<10000x128xf32, #tpu.memory_space<hbm>>) dst(%dma_wait3A_569 : memref<40x128xf32, #tpu.memory_space<vmem>>)
      %parallel_loop3A = arith.constant 0 : i32
      %parallel_loop3A_576 = arith.constant 40 : i32
      %parallel_loop3A_577 = arith.constant 1 : i32
      %parallel_loop3A_578 = arith.constant 0 : i32
      scf.for %parallel_loop3A_1134 = %parallel_loop3A to %parallel_loop3A_576 step %parallel_loop3A_577  : i32 {
        %parallel_loop3A_1135 = vector.broadcast %parallel_loop3A_1134 : i32 to vector<16xi32>
        %parallel_loop3A_1136 = arith.constant 0 : i32
        %parallel_loop3A_1137 = arith.constant 0 : i32
        %parallel_loop3A_1138 = tpu.memref_slice %arg9[%parallel_loop3A_1136, %parallel_loop3A_1137] : memref<10x40xf32, #tpu.memory_space<vmem>> -> memref<1x40xf32, #tpu.memory_space<vmem>>
        %parallel_loop3A_1139 = tpu.memref_squeeze %parallel_loop3A_1138 : memref<1x40xf32, #tpu.memory_space<vmem>> -> memref<40xf32, #tpu.memory_space<vmem>>
        %parallel_loop3A_1140 = tpu.vector_load_idx %parallel_loop3A_1139[%parallel_loop3A_1135] : memref<40xf32, #tpu.memory_space<vmem>>[vector<16xi32>], vector<16xf32>,
        %parallel_loop3A_1141 = arith.constant 0 : i32
        %parallel_loop3A_1142 = arith.constant 0 : i32
        %parallel_loop3A_1143 = tpu.memref_slice %arg10[%parallel_loop3A_578, %parallel_loop3A_1141, %parallel_loop3A_1142] : memref<5x40x128xf32, #tpu.memory_space<vmem>> -> memref<1x40x128xf32, #tpu.memory_space<vmem>>
        %parallel_loop3A_1144 = tpu.memref_squeeze %parallel_loop3A_1143 : memref<1x40x128xf32, #tpu.memory_space<vmem>> -> memref<40x128xf32, #tpu.memory_space<vmem>>
        %parallel_loop3A_1145 = arith.index_cast %parallel_loop3A_1134 : i32 to index
        %parallel_loop3A_1146 = arith.constant 0 : index
        %parallel_loop3A_1147 = tpu.vector_load %parallel_loop3A_1144[%parallel_loop3A_1145, %parallel_loop3A_1146] {strides = array<i32>} : memref<40x128xf32, #tpu.memory_space<vmem>>, vector<16xf32>,
        %parallel_loop3A_1148 = arith.mulf %parallel_loop3A_1147, %parallel_loop3A_1140 : vector<16xf32>
        %parallel_loop3A_1149 = arith.constant 0 : i32
        %parallel_loop3A_1150 = arith.constant 0 : i32
        %parallel_loop3A_1151 = tpu.memref_slice %arg10[%parallel_loop3A_578, %parallel_loop3A_1149, %parallel_loop3A_1150] : memref<5x40x128xf32, #tpu.memory_space<vmem>> -> memref<1x40x128xf32, #tpu.memory_space<vmem>>
        %parallel_loop3A_1152 = tpu.memref_squeeze %parallel_loop3A_1151 : memref<1x40x128xf32, #tpu.memory_space<vmem>> -> memref<40x128xf32, #tpu.memory_space<vmem>>
        %parallel_loop3A_1153 = arith.index_cast %parallel_loop3A_1134 : i32 to index
        %parallel_loop3A_1154 = arith.constant 0 : index
        %parallel_loop3A_1155 = tpu.vector_load %parallel_loop3A_1152[%parallel_loop3A_1153, %parallel_loop3A_1154] {strides = array<i32>} : memref<40x128xf32, #tpu.memory_space<vmem>>, vector<16xf32>,
        tpu.vector_store %parallel_loop3A_1152[%parallel_loop3A_1153, %parallel_loop3A_1154], %parallel_loop3A_1148 {strides = array<i32>} : memref<40x128xf32, #tpu.memory_space<vmem>>, vector<16xf32>,
        %parallel_loop3A_1156 = arith.constant 0 : i32
        %parallel_loop3A_1157 = arith.constant 0 : i32
        %parallel_loop3A_1158 = tpu.memref_slice %arg10[%parallel_loop3A_578, %parallel_loop3A_1156, %parallel_loop3A_1157] : memref<5x40x128xf32, #tpu.memory_space<vmem>> -> memref<1x40x128xf32, #tpu.memory_space<vmem>>
        %parallel_loop3A_1159 = tpu.memref_squeeze %parallel_loop3A_1158 : memref<1x40x128xf32, #tpu.memory_space<vmem>> -> memref<40x128xf32, #tpu.memory_space<vmem>>
        %parallel_loop3A_1160 = arith.index_cast %parallel_loop3A_1134 : i32 to index
        %parallel_loop3A_1161 = arith.constant 16 : index
        %parallel_loop3A_1162 = tpu.vector_load %parallel_loop3A_1159[%parallel_loop3A_1160, %parallel_loop3A_1161] {strides = array<i32>} : memref<40x128xf32, #tpu.memory_space<vmem>>, vector<16xf32>,
        %parallel_loop3A_1163 = arith.mulf %parallel_loop3A_1162, %parallel_loop3A_1140 : vector<16xf32>
        %parallel_loop3A_1164 = arith.constant 0 : i32
        %parallel_loop3A_1165 = arith.constant 0 : i32
        %parallel_loop3A_1166 = tpu.memref_slice %arg10[%parallel_loop3A_578, %parallel_loop3A_1164, %parallel_loop3A_1165] : memref<5x40x128xf32, #tpu.memory_space<vmem>> -> memref<1x40x128xf32, #tpu.memory_space<vmem>>
        %parallel_loop3A_1167 = tpu.memref_squeeze %parallel_loop3A_1166 : memref<1x40x128xf32, #tpu.memory_space<vmem>> -> memref<40x128xf32, #tpu.memory_space<vmem>>
        %parallel_loop3A_1168 = arith.index_cast %parallel_loop3A_1134 : i32 to index
        %parallel_loop3A_1169 = arith.constant 16 : index
        %parallel_loop3A_1170 = tpu.vector_load %parallel_loop3A_1167[%parallel_loop3A_1168, %parallel_loop3A_1169] {strides = array<i32>} : memref<40x128xf32, #tpu.memory_space<vmem>>, vector<16xf32>,
        tpu.vector_store %parallel_loop3A_1167[%parallel_loop3A_1168, %parallel_loop3A_1169], %parallel_loop3A_1163 {strides = array<i32>} : memref<40x128xf32, #tpu.memory_space<vmem>>, vector<16xf32>,
        %parallel_loop3A_1171 = arith.constant 0 : i32
        %parallel_loop3A_1172 = arith.constant 0 : i32
        %parallel_loop3A_1173 = tpu.memref_slice %arg10[%parallel_loop3A_578, %parallel_loop3A_1171, %parallel_loop3A_1172] : memref<5x40x128xf32, #tpu.memory_space<vmem>> -> memref<1x40x128xf32, #tpu.memory_space<vmem>>
        %parallel_loop3A_1174 = tpu.memref_squeeze %parallel_loop3A_1173 : memref<1x40x128xf32, #tpu.memory_space<vmem>> -> memref<40x128xf32, #tpu.memory_space<vmem>>
        %parallel_loop3A_1175 = arith.index_cast %parallel_loop3A_1134 : i32 to index
        %parallel_loop3A_1176 = arith.constant 32 : index
        %parallel_loop3A_1177 = tpu.vector_load %parallel_loop3A_1174[%parallel_loop3A_1175, %parallel_loop3A_1176] {strides = array<i32>} : memref<40x128xf32, #tpu.memory_space<vmem>>, vector<16xf32>,
        %parallel_loop3A_1178 = arith.mulf %parallel_loop3A_1177, %parallel_loop3A_1140 : vector<16xf32>
        %parallel_loop3A_1179 = arith.constant 0 : i32
        %parallel_loop3A_1180 = arith.constant 0 : i32
        %parallel_loop3A_1181 = tpu.memref_slice %arg10[%parallel_loop3A_578, %parallel_loop3A_1179, %parallel_loop3A_1180] : memref<5x40x128xf32, #tpu.memory_space<vmem>> -> memref<1x40x128xf32, #tpu.memory_space<vmem>>
        %parallel_loop3A_1182 = tpu.memref_squeeze %parallel_loop3A_1181 : memref<1x40x128xf32, #tpu.memory_space<vmem>> -> memref<40x128xf32, #tpu.memory_space<vmem>>
        %parallel_loop3A_1183 = arith.index_cast %parallel_loop3A_1134 : i32 to index
        %parallel_loop3A_1184 = arith.constant 32 : index
        %parallel_loop3A_1185 = tpu.vector_load %parallel_loop3A_1182[%parallel_loop3A_1183, %parallel_loop3A_1184] {strides = array<i32>} : memref<40x128xf32, #tpu.memory_space<vmem>>, vector<16xf32>,
        tpu.vector_store %parallel_loop3A_1182[%parallel_loop3A_1183, %parallel_loop3A_1184], %parallel_loop3A_1178 {strides = array<i32>} : memref<40x128xf32, #tpu.memory_space<vmem>>, vector<16xf32>,
        %parallel_loop3A_1186 = arith.constant 0 : i32
        %parallel_loop3A_1187 = arith.constant 0 : i32
        %parallel_loop3A_1188 = tpu.memref_slice %arg10[%parallel_loop3A_578, %parallel_loop3A_1186, %parallel_loop3A_1187] : memref<5x40x128xf32, #tpu.memory_space<vmem>> -> memref<1x40x128xf32, #tpu.memory_space<vmem>>
        %parallel_loop3A_1189 = tpu.memref_squeeze %parallel_loop3A_1188 : memref<1x40x128xf32, #tpu.memory_space<vmem>> -> memref<40x128xf32, #tpu.memory_space<vmem>>
        %parallel_loop3A_1190 = arith.index_cast %parallel_loop3A_1134 : i32 to index
        %parallel_loop3A_1191 = arith.constant 48 : index
        %parallel_loop3A_1192 = tpu.vector_load %parallel_loop3A_1189[%parallel_loop3A_1190, %parallel_loop3A_1191] {strides = array<i32>} : memref<40x128xf32, #tpu.memory_space<vmem>>, vector<16xf32>,
        %parallel_loop3A_1193 = arith.mulf %parallel_loop3A_1192, %parallel_loop3A_1140 : vector<16xf32>
        %parallel_loop3A_1194 = arith.constant 0 : i32
        %parallel_loop3A_1195 = arith.constant 0 : i32
        %parallel_loop3A_1196 = tpu.memref_slice %arg10[%parallel_loop3A_578, %parallel_loop3A_1194, %parallel_loop3A_1195] : memref<5x40x128xf32, #tpu.memory_space<vmem>> -> memref<1x40x128xf32, #tpu.memory_space<vmem>>
        %parallel_loop3A_1197 = tpu.memref_squeeze %parallel_loop3A_1196 : memref<1x40x128xf32, #tpu.memory_space<vmem>> -> memref<40x128xf32, #tpu.memory_space<vmem>>
        %parallel_loop3A_1198 = arith.index_cast %parallel_loop3A_1134 : i32 to index
        %parallel_loop3A_1199 = arith.constant 48 : index
        %parallel_loop3A_1200 = tpu.vector_load %parallel_loop3A_1197[%parallel_loop3A_1198, %parallel_loop3A_1199] {strides = array<i32>} : memref<40x128xf32, #tpu.memory_space<vmem>>, vector<16xf32>,
        tpu.vector_store %parallel_loop3A_1197[%parallel_loop3A_1198, %parallel_loop3A_1199], %parallel_loop3A_1193 {strides = array<i32>} : memref<40x128xf32, #tpu.memory_space<vmem>>, vector<16xf32>,
        %parallel_loop3A_1201 = arith.constant 0 : i32
        %parallel_loop3A_1202 = arith.constant 0 : i32
        %parallel_loop3A_1203 = tpu.memref_slice %arg10[%parallel_loop3A_578, %parallel_loop3A_1201, %parallel_loop3A_1202] : memref<5x40x128xf32, #tpu.memory_space<vmem>> -> memref<1x40x128xf32, #tpu.memory_space<vmem>>
        %parallel_loop3A_1204 = tpu.memref_squeeze %parallel_loop3A_1203 : memref<1x40x128xf32, #tpu.memory_space<vmem>> -> memref<40x128xf32, #tpu.memory_space<vmem>>
        %parallel_loop3A_1205 = arith.index_cast %parallel_loop3A_1134 : i32 to index
        %parallel_loop3A_1206 = arith.constant 64 : index
        %parallel_loop3A_1207 = tpu.vector_load %parallel_loop3A_1204[%parallel_loop3A_1205, %parallel_loop3A_1206] {strides = array<i32>} : memref<40x128xf32, #tpu.memory_space<vmem>>, vector<16xf32>,
        %parallel_loop3A_1208 = arith.mulf %parallel_loop3A_1207, %parallel_loop3A_1140 : vector<16xf32>
        %parallel_loop3A_1209 = arith.constant 0 : i32
        %parallel_loop3A_1210 = arith.constant 0 : i32
        %parallel_loop3A_1211 = tpu.memref_slice %arg10[%parallel_loop3A_578, %parallel_loop3A_1209, %parallel_loop3A_1210] : memref<5x40x128xf32, #tpu.memory_space<vmem>> -> memref<1x40x128xf32, #tpu.memory_space<vmem>>
        %parallel_loop3A_1212 = tpu.memref_squeeze %parallel_loop3A_1211 : memref<1x40x128xf32, #tpu.memory_space<vmem>> -> memref<40x128xf32, #tpu.memory_space<vmem>>
        %parallel_loop3A_1213 = arith.index_cast %parallel_loop3A_1134 : i32 to index
        %parallel_loop3A_1214 = arith.constant 64 : index
        %parallel_loop3A_1215 = tpu.vector_load %parallel_loop3A_1212[%parallel_loop3A_1213, %parallel_loop3A_1214] {strides = array<i32>} : memref<40x128xf32, #tpu.memory_space<vmem>>, vector<16xf32>,
        tpu.vector_store %parallel_loop3A_1212[%parallel_loop3A_1213, %parallel_loop3A_1214], %parallel_loop3A_1208 {strides = array<i32>} : memref<40x128xf32, #tpu.memory_space<vmem>>, vector<16xf32>,
        %parallel_loop3A_1216 = arith.constant 0 : i32
        %parallel_loop3A_1217 = arith.constant 0 : i32
        %parallel_loop3A_1218 = tpu.memref_slice %arg10[%parallel_loop3A_578, %parallel_loop3A_1216, %parallel_loop3A_1217] : memref<5x40x128xf32, #tpu.memory_space<vmem>> -> memref<1x40x128xf32, #tpu.memory_space<vmem>>
        %parallel_loop3A_1219 = tpu.memref_squeeze %parallel_loop3A_1218 : memref<1x40x128xf32, #tpu.memory_space<vmem>> -> memref<40x128xf32, #tpu.memory_space<vmem>>
        %parallel_loop3A_1220 = arith.index_cast %parallel_loop3A_1134 : i32 to index
        %parallel_loop3A_1221 = arith.constant 80 : index
        %parallel_loop3A_1222 = tpu.vector_load %parallel_loop3A_1219[%parallel_loop3A_1220, %parallel_loop3A_1221] {strides = array<i32>} : memref<40x128xf32, #tpu.memory_space<vmem>>, vector<16xf32>,
        %parallel_loop3A_1223 = arith.mulf %parallel_loop3A_1222, %parallel_loop3A_1140 : vector<16xf32>
        %parallel_loop3A_1224 = arith.constant 0 : i32
        %parallel_loop3A_1225 = arith.constant 0 : i32
        %parallel_loop3A_1226 = tpu.memref_slice %arg10[%parallel_loop3A_578, %parallel_loop3A_1224, %parallel_loop3A_1225] : memref<5x40x128xf32, #tpu.memory_space<vmem>> -> memref<1x40x128xf32, #tpu.memory_space<vmem>>
        %parallel_loop3A_1227 = tpu.memref_squeeze %parallel_loop3A_1226 : memref<1x40x128xf32, #tpu.memory_space<vmem>> -> memref<40x128xf32, #tpu.memory_space<vmem>>
        %parallel_loop3A_1228 = arith.index_cast %parallel_loop3A_1134 : i32 to index
        %parallel_loop3A_1229 = arith.constant 80 : index
        %parallel_loop3A_1230 = tpu.vector_load %parallel_loop3A_1227[%parallel_loop3A_1228, %parallel_loop3A_1229] {strides = array<i32>} : memref<40x128xf32, #tpu.memory_space<vmem>>, vector<16xf32>,
        tpu.vector_store %parallel_loop3A_1227[%parallel_loop3A_1228, %parallel_loop3A_1229], %parallel_loop3A_1223 {strides = array<i32>} : memref<40x128xf32, #tpu.memory_space<vmem>>, vector<16xf32>,
        %parallel_loop3A_1231 = arith.constant 0 : i32
        %parallel_loop3A_1232 = arith.constant 0 : i32
        %parallel_loop3A_1233 = tpu.memref_slice %arg10[%parallel_loop3A_578, %parallel_loop3A_1231, %parallel_loop3A_1232] : memref<5x40x128xf32, #tpu.memory_space<vmem>> -> memref<1x40x128xf32, #tpu.memory_space<vmem>>
        %parallel_loop3A_1234 = tpu.memref_squeeze %parallel_loop3A_1233 : memref<1x40x128xf32, #tpu.memory_space<vmem>> -> memref<40x128xf32, #tpu.memory_space<vmem>>
        %parallel_loop3A_1235 = arith.index_cast %parallel_loop3A_1134 : i32 to index
        %parallel_loop3A_1236 = arith.constant 96 : index
        %parallel_loop3A_1237 = tpu.vector_load %parallel_loop3A_1234[%parallel_loop3A_1235, %parallel_loop3A_1236] {strides = array<i32>} : memref<40x128xf32, #tpu.memory_space<vmem>>, vector<16xf32>,
        %parallel_loop3A_1238 = arith.mulf %parallel_loop3A_1237, %parallel_loop3A_1140 : vector<16xf32>
        %parallel_loop3A_1239 = arith.constant 0 : i32
        %parallel_loop3A_1240 = arith.constant 0 : i32
        %parallel_loop3A_1241 = tpu.memref_slice %arg10[%parallel_loop3A_578, %parallel_loop3A_1239, %parallel_loop3A_1240] : memref<5x40x128xf32, #tpu.memory_space<vmem>> -> memref<1x40x128xf32, #tpu.memory_space<vmem>>
        %parallel_loop3A_1242 = tpu.memref_squeeze %parallel_loop3A_1241 : memref<1x40x128xf32, #tpu.memory_space<vmem>> -> memref<40x128xf32, #tpu.memory_space<vmem>>
        %parallel_loop3A_1243 = arith.index_cast %parallel_loop3A_1134 : i32 to index
        %parallel_loop3A_1244 = arith.constant 96 : index
        %parallel_loop3A_1245 = tpu.vector_load %parallel_loop3A_1242[%parallel_loop3A_1243, %parallel_loop3A_1244] {strides = array<i32>} : memref<40x128xf32, #tpu.memory_space<vmem>>, vector<16xf32>,
        tpu.vector_store %parallel_loop3A_1242[%parallel_loop3A_1243, %parallel_loop3A_1244], %parallel_loop3A_1238 {strides = array<i32>} : memref<40x128xf32, #tpu.memory_space<vmem>>, vector<16xf32>,
        %parallel_loop3A_1246 = arith.constant 0 : i32
        %parallel_loop3A_1247 = arith.constant 0 : i32
        %parallel_loop3A_1248 = tpu.memref_slice %arg10[%parallel_loop3A_578, %parallel_loop3A_1246, %parallel_loop3A_1247] : memref<5x40x128xf32, #tpu.memory_space<vmem>> -> memref<1x40x128xf32, #tpu.memory_space<vmem>>
        %parallel_loop3A_1249 = tpu.memref_squeeze %parallel_loop3A_1248 : memref<1x40x128xf32, #tpu.memory_space<vmem>> -> memref<40x128xf32, #tpu.memory_space<vmem>>
        %parallel_loop3A_1250 = arith.index_cast %parallel_loop3A_1134 : i32 to index
        %parallel_loop3A_1251 = arith.constant 112 : index
        %parallel_loop3A_1252 = tpu.vector_load %parallel_loop3A_1249[%parallel_loop3A_1250, %parallel_loop3A_1251] {strides = array<i32>} : memref<40x128xf32, #tpu.memory_space<vmem>>, vector<16xf32>,
        %parallel_loop3A_1253 = arith.mulf %parallel_loop3A_1252, %parallel_loop3A_1140 : vector<16xf32>
        %parallel_loop3A_1254 = arith.constant 0 : i32
        %parallel_loop3A_1255 = arith.constant 0 : i32
        %parallel_loop3A_1256 = tpu.memref_slice %arg10[%parallel_loop3A_578, %parallel_loop3A_1254, %parallel_loop3A_1255] : memref<5x40x128xf32, #tpu.memory_space<vmem>> -> memref<1x40x128xf32, #tpu.memory_space<vmem>>
        %parallel_loop3A_1257 = tpu.memref_squeeze %parallel_loop3A_1256 : memref<1x40x128xf32, #tpu.memory_space<vmem>> -> memref<40x128xf32, #tpu.memory_space<vmem>>
        %parallel_loop3A_1258 = arith.index_cast %parallel_loop3A_1134 : i32 to index
        %parallel_loop3A_1259 = arith.constant 112 : index
        %parallel_loop3A_1260 = tpu.vector_load %parallel_loop3A_1257[%parallel_loop3A_1258, %parallel_loop3A_1259] {strides = array<i32>} : memref<40x128xf32, #tpu.memory_space<vmem>>, vector<16xf32>,
        tpu.vector_store %parallel_loop3A_1257[%parallel_loop3A_1258, %parallel_loop3A_1259], %parallel_loop3A_1253 {strides = array<i32>} : memref<40x128xf32, #tpu.memory_space<vmem>>, vector<16xf32>,
      } {sc.loop_unroll_factor = 2 : i64, sc.parallel_access}
      %dma_start3A_579 = arith.constant 0 : i32
      %dma_start3A_580 = arith.constant 0 : i32
      %dma_start3A_581 = arith.constant 0 : i32
      %dma_start3A_582 = arith.constant 0 : i32
      %dma_start3A_583 = tpu.memref_slice %arg10[%dma_start3A_579, %dma_start3A_581, %dma_start3A_582] : memref<5x40x128xf32, #tpu.memory_space<vmem>> -> memref<1x40x128xf32, #tpu.memory_space<vmem>>
      %dma_start3A_584 = tpu.memref_squeeze %dma_start3A_583 : memref<1x40x128xf32, #tpu.memory_space<vmem>> -> memref<40x128xf32, #tpu.memory_space<vmem>>
      %dma_start3A_585 = arith.constant 0 : i32
      %dma_start3A_586 = tpu.memref_slice %arg7[%dma_start3A_580, %dma_start3A_585] : memref<10x40xi32, #tpu.memory_space<vmem>> -> memref<1x40xi32, #tpu.memory_space<vmem>>
      %dma_start3A_587 = tpu.memref_squeeze %dma_start3A_586 : memref<1x40xi32, #tpu.memory_space<vmem>> -> memref<40xi32, #tpu.memory_space<vmem>>
      %dma_start3A_588 = arith.constant 0 : i32
      %dma_start3A_589 = arith.constant 0 : i32
      %dma_start3A_590 = tpu.memref_slice %arg12[%dma_start3A_588, %dma_start3A_589] : memref<10000x128xf32, #tpu.memory_space<vmem_shared>> -> memref<10000x128xf32, #tpu.memory_space<vmem_shared>>
      tpu.enqueue_indirect_dma source(%dma_start3A_584 : memref<40x128xf32, #tpu.memory_space<vmem>>) target(%dma_start3A_590 : memref<10000x128xf32, #tpu.memory_space<vmem_shared>>) offsets(%dma_start3A_587 : memref<40xi32, #tpu.memory_space<vmem>>) semaphore(%arg18 : memref<!tpu.dma_semaphore, #tpu.memory_space<semaphore_mem>>) {add = true}
      %gt3A = arith.constant 0 : i32
      %gt3A_591 = arith.cmpi sgt, %add3A_559, %gt3A : i32
      %convert_element_type3A_592 = arith.extui %gt3A_591 : i1 to i32
      %cond3A_593 = arith.constant 0 : i32
      %cond3A_594 = arith.cmpi ne, %convert_element_type3A_592, %cond3A_593 : i32
      scf.if %cond3A_594 {
        %dma_wait3A_1134 = arith.constant 4 : i32
        %dma_wait3A_1135 = arith.constant 9 : i32
        %dma_wait3A_1136 = arith.constant 0 : i32
        %dma_wait3A_1137 = arith.constant 0 : i32
        %dma_wait3A_1138 = tpu.memref_slice %arg10[%dma_wait3A_1134, %dma_wait3A_1136, %dma_wait3A_1137] : memref<5x40x128xf32, #tpu.memory_space<vmem>> -> memref<1x40x128xf32, #tpu.memory_space<vmem>>
        %dma_wait3A_1139 = tpu.memref_squeeze %dma_wait3A_1138 : memref<1x40x128xf32, #tpu.memory_space<vmem>> -> memref<40x128xf32, #tpu.memory_space<vmem>>
        %dma_wait3A_1140 = arith.constant 0 : i32
        %dma_wait3A_1141 = tpu.memref_slice %arg7[%dma_wait3A_1135, %dma_wait3A_1140] : memref<10x40xi32, #tpu.memory_space<vmem>> -> memref<1x40xi32, #tpu.memory_space<vmem>>
        %dma_wait3A_1142 = tpu.memref_squeeze %dma_wait3A_1141 : memref<1x40xi32, #tpu.memory_space<vmem>> -> memref<40xi32, #tpu.memory_space<vmem>>
        %dma_wait3A_1143 = arith.constant 0 : i32
        %dma_wait3A_1144 = arith.constant 0 : i32
        %dma_wait3A_1145 = tpu.memref_slice %arg12[%dma_wait3A_1143, %dma_wait3A_1144] : memref<10000x128xf32, #tpu.memory_space<vmem_shared>> -> memref<10000x128xf32, #tpu.memory_space<vmem_shared>>
        tpu.wait_indirect_dma semaphore(%arg22 : memref<!tpu.dma_semaphore, #tpu.memory_space<semaphore_mem>>) src(%dma_wait3A_1139 : memref<40x128xf32, #tpu.memory_space<vmem>>) dst(%dma_wait3A_1145 : memref<10000x128xf32, #tpu.memory_space<vmem_shared>>)
        %add3A_1146 = arith.constant 5 : i32
        %add3A_1147 = arith.addi %add3A_563, %add3A_1146 : i32
        %sub3A_1148 = arith.constant 1 : i32
        %sub3A_1149 = arith.subi %add3A_1147, %sub3A_1148 : i32
        %lt3A_1150 = arith.constant 250 : i32
        %lt3A_1151 = arith.cmpi slt, %sub3A_1149, %lt3A_1150 : i32
        %convert_element_type3A_1152 = arith.extui %lt3A_1151 : i1 to i32
        %cond3A_1153 = arith.constant 0 : i32
        %cond3A_1154 = arith.cmpi ne, %convert_element_type3A_1152, %cond3A_1153 : i32
        scf.if %cond3A_1154 {
          %add3A_1164 = arith.constant 5 : i32
          %add3A_1165 = arith.addi %add3A_563, %add3A_1164 : i32
          %sub3A_1166 = arith.constant 1 : i32
          %sub3A_1167 = arith.subi %add3A_1165, %sub3A_1166 : i32
          %add3A_1168 = arith.addi %mul3A_2, %sub3A_1167 : i32
          %mul3A_1169 = arith.constant 40 : i32
          %mul3A_1170 = arith.muli %add3A_1168, %mul3A_1169 : i32
          %dma_wait3A_1171 = arith.constant 4 : i32
          %dma_wait3A_1172 = arith.constant 0 : i32
          %dma_wait3A_1173 = tpu.memref_slice %arg7[%dma_wait3A_1171, %dma_wait3A_1172] : memref<10x40xi32, #tpu.memory_space<vmem>> -> memref<1x40xi32, #tpu.memory_space<vmem>>
          %dma_wait3A_1174 = tpu.memref_squeeze %dma_wait3A_1173 : memref<1x40xi32, #tpu.memory_space<vmem>> -> memref<40xi32, #tpu.memory_space<vmem>>
          %dma_wait3A_1175 = tpu.memref_slice %arg2[%mul3A_1170] : memref<320000xi32, #tpu.memory_space<hbm>> -> memref<40xi32, #tpu.memory_space<hbm>>
          %dma_wait3A_1176 = arith.constant 0 : i32
          %dma_wait3A_1177 = tpu.memref_slice %arg7[%dma_wait3A_1171, %dma_wait3A_1176] : memref<10x40xi32, #tpu.memory_space<vmem>> -> memref<1x40xi32, #tpu.memory_space<vmem>>
          %dma_wait3A_1178 = tpu.memref_squeeze %dma_wait3A_1177 : memref<1x40xi32, #tpu.memory_space<vmem>> -> memref<40xi32, #tpu.memory_space<vmem>>
          %dma_wait3A_1179 = tpu.memref_slice %arg2[%mul3A_1170] : memref<320000xi32, #tpu.memory_space<hbm>> -> memref<40xi32, #tpu.memory_space<hbm>>
          tpu.wait_dma2 semaphore(%arg27 : memref<!tpu.dma_semaphore, #tpu.memory_space<semaphore_mem>>) src(%dma_wait3A_1179 : memref<40xi32, #tpu.memory_space<hbm>>) dst(%dma_wait3A_1178 : memref<40xi32, #tpu.memory_space<vmem>>)
          %dma_wait3A_1180 = arith.constant 4 : i32
          %dma_wait3A_1181 = arith.constant 0 : i32
          %dma_wait3A_1182 = tpu.memref_slice %arg8[%dma_wait3A_1180, %dma_wait3A_1181] : memref<10x40xi32, #tpu.memory_space<vmem>> -> memref<1x40xi32, #tpu.memory_space<vmem>>
          %dma_wait3A_1183 = tpu.memref_squeeze %dma_wait3A_1182 : memref<1x40xi32, #tpu.memory_space<vmem>> -> memref<40xi32, #tpu.memory_space<vmem>>
          %dma_wait3A_1184 = tpu.memref_slice %arg3[%mul3A_1170] : memref<320000xi32, #tpu.memory_space<hbm>> -> memref<40xi32, #tpu.memory_space<hbm>>
          %dma_wait3A_1185 = arith.constant 0 : i32
          %dma_wait3A_1186 = tpu.memref_slice %arg8[%dma_wait3A_1180, %dma_wait3A_1185] : memref<10x40xi32, #tpu.memory_space<vmem>> -> memref<1x40xi32, #tpu.memory_space<vmem>>
          %dma_wait3A_1187 = tpu.memref_squeeze %dma_wait3A_1186 : memref<1x40xi32, #tpu.memory_space<vmem>> -> memref<40xi32, #tpu.memory_space<vmem>>
          %dma_wait3A_1188 = tpu.memref_slice %arg3[%mul3A_1170] : memref<320000xi32, #tpu.memory_space<hbm>> -> memref<40xi32, #tpu.memory_space<hbm>>
          tpu.wait_dma2 semaphore(%arg27 : memref<!tpu.dma_semaphore, #tpu.memory_space<semaphore_mem>>) src(%dma_wait3A_1188 : memref<40xi32, #tpu.memory_space<hbm>>) dst(%dma_wait3A_1187 : memref<40xi32, #tpu.memory_space<vmem>>)
          %dma_wait3A_1189 = arith.constant 4 : i32
          %dma_wait3A_1190 = arith.constant 0 : i32
          %dma_wait3A_1191 = tpu.memref_slice %arg9[%dma_wait3A_1189, %dma_wait3A_1190] : memref<10x40xf32, #tpu.memory_space<vmem>> -> memref<1x40xf32, #tpu.memory_space<vmem>>
          %dma_wait3A_1192 = tpu.memref_squeeze %dma_wait3A_1191 : memref<1x40xf32, #tpu.memory_space<vmem>> -> memref<40xf32, #tpu.memory_space<vmem>>
          %dma_wait3A_1193 = tpu.memref_slice %arg4[%mul3A_1170] : memref<320000xf32, #tpu.memory_space<hbm>> -> memref<40xf32, #tpu.memory_space<hbm>>
          %dma_wait3A_1194 = arith.constant 0 : i32
          %dma_wait3A_1195 = tpu.memref_slice %arg9[%dma_wait3A_1189, %dma_wait3A_1194] : memref<10x40xf32, #tpu.memory_space<vmem>> -> memref<1x40xf32, #tpu.memory_space<vmem>>
          %dma_wait3A_1196 = tpu.memref_squeeze %dma_wait3A_1195 : memref<1x40xf32, #tpu.memory_space<vmem>> -> memref<40xf32, #tpu.memory_space<vmem>>
          %dma_wait3A_1197 = tpu.memref_slice %arg4[%mul3A_1170] : memref<320000xf32, #tpu.memory_space<hbm>> -> memref<40xf32, #tpu.memory_space<hbm>>
          tpu.wait_dma2 semaphore(%arg27 : memref<!tpu.dma_semaphore, #tpu.memory_space<semaphore_mem>>) src(%dma_wait3A_1197 : memref<40xf32, #tpu.memory_space<hbm>>) dst(%dma_wait3A_1196 : memref<40xf32, #tpu.memory_space<vmem>>)
          %dma_start3A_1198 = arith.constant 4 : i32
          %dma_start3A_1199 = arith.constant 4 : i32
          %dma_start3A_1200 = arith.constant 0 : i32
          %dma_start3A_1201 = arith.constant 0 : i32
          %dma_start3A_1202 = tpu.memref_slice %arg10[%dma_start3A_1199, %dma_start3A_1200, %dma_start3A_1201] : memref<5x40x128xf32, #tpu.memory_space<vmem>> -> memref<1x40x128xf32, #tpu.memory_space<vmem>>
          %dma_start3A_1203 = tpu.memref_squeeze %dma_start3A_1202 : memref<1x40x128xf32, #tpu.memory_space<vmem>> -> memref<40x128xf32, #tpu.memory_space<vmem>>
          %dma_start3A_1204 = arith.constant 0 : i32
          %dma_start3A_1205 = tpu.memref_slice %arg8[%dma_start3A_1198, %dma_start3A_1204] : memref<10x40xi32, #tpu.memory_space<vmem>> -> memref<1x40xi32, #tpu.memory_space<vmem>>
          %dma_start3A_1206 = tpu.memref_squeeze %dma_start3A_1205 : memref<1x40xi32, #tpu.memory_space<vmem>> -> memref<40xi32, #tpu.memory_space<vmem>>
          %dma_start3A_1207 = arith.constant 0 : i32
          %dma_start3A_1208 = arith.constant 0 : i32
          %dma_start3A_1209 = tpu.memref_slice %arg5[%dma_start3A_1207, %dma_start3A_1208] : memref<10000x128xf32, #tpu.memory_space<hbm>> -> memref<10000x128xf32, #tpu.memory_space<hbm>>
          tpu.enqueue_indirect_dma source(%dma_start3A_1209 : memref<10000x128xf32, #tpu.memory_space<hbm>>) target(%dma_start3A_1203 : memref<40x128xf32, #tpu.memory_space<vmem>>) offsets(%dma_start3A_1206 : memref<40xi32, #tpu.memory_space<vmem>>) semaphore(%arg17 : memref<!tpu.dma_semaphore, #tpu.memory_space<semaphore_mem>>)
        } else {
        }
        %add3A_1155 = arith.constant 10 : i32
        %add3A_1156 = arith.addi %add3A_563, %add3A_1155 : i32
        %sub3A_1157 = arith.constant 1 : i32
        %sub3A_1158 = arith.subi %add3A_1156, %sub3A_1157 : i32
        %lt3A_1159 = arith.constant 250 : i32
        %lt3A_1160 = arith.cmpi slt, %sub3A_1158, %lt3A_1159 : i32
        %convert_element_type3A_1161 = arith.extui %lt3A_1160 : i1 to i32
        %cond3A_1162 = arith.constant 0 : i32
        %cond3A_1163 = arith.cmpi ne, %convert_element_type3A_1161, %cond3A_1162 : i32
        scf.if %cond3A_1163 {
          %add3A_1164 = arith.constant 10 : i32
          %add3A_1165 = arith.addi %add3A_563, %add3A_1164 : i32
          %sub3A_1166 = arith.constant 1 : i32
          %sub3A_1167 = arith.subi %add3A_1165, %sub3A_1166 : i32
          %add3A_1168 = arith.addi %mul3A_2, %sub3A_1167 : i32
          %mul3A_1169 = arith.constant 40 : i32
          %mul3A_1170 = arith.muli %add3A_1168, %mul3A_1169 : i32
          %dma_start3A_1171 = arith.constant 9 : i32
          %dma_start3A_1172 = arith.constant 0 : i32
          %dma_start3A_1173 = tpu.memref_slice %arg7[%dma_start3A_1171, %dma_start3A_1172] : memref<10x40xi32, #tpu.memory_space<vmem>> -> memref<1x40xi32, #tpu.memory_space<vmem>>
          %dma_start3A_1174 = tpu.memref_squeeze %dma_start3A_1173 : memref<1x40xi32, #tpu.memory_space<vmem>> -> memref<40xi32, #tpu.memory_space<vmem>>
          %dma_start3A_1175 = tpu.memref_slice %arg2[%mul3A_1170] : memref<320000xi32, #tpu.memory_space<hbm>> -> memref<40xi32, #tpu.memory_space<hbm>>
          %dma_start3A_1176 = arith.constant 0 : i32
          %dma_start3A_1177 = tpu.memref_slice %arg7[%dma_start3A_1171, %dma_start3A_1176] : memref<10x40xi32, #tpu.memory_space<vmem>> -> memref<1x40xi32, #tpu.memory_space<vmem>>
          %dma_start3A_1178 = tpu.memref_squeeze %dma_start3A_1177 : memref<1x40xi32, #tpu.memory_space<vmem>> -> memref<40xi32, #tpu.memory_space<vmem>>
          %dma_start3A_1179 = tpu.memref_slice %arg2[%mul3A_1170] : memref<320000xi32, #tpu.memory_space<hbm>> -> memref<40xi32, #tpu.memory_space<hbm>>
          tpu.enqueue_dma source(%dma_start3A_1179 : memref<40xi32, #tpu.memory_space<hbm>>) target(%dma_start3A_1178 : memref<40xi32, #tpu.memory_space<vmem>>) target_semaphore(%arg32 : memref<!tpu.dma_semaphore, #tpu.memory_space<semaphore_mem>>)
          %dma_start3A_1180 = arith.constant 9 : i32
          %dma_start3A_1181 = arith.constant 0 : i32
          %dma_start3A_1182 = tpu.memref_slice %arg8[%dma_start3A_1180, %dma_start3A_1181] : memref<10x40xi32, #tpu.memory_space<vmem>> -> memref<1x40xi32, #tpu.memory_space<vmem>>
          %dma_start3A_1183 = tpu.memref_squeeze %dma_start3A_1182 : memref<1x40xi32, #tpu.memory_space<vmem>> -> memref<40xi32, #tpu.memory_space<vmem>>
          %dma_start3A_1184 = tpu.memref_slice %arg3[%mul3A_1170] : memref<320000xi32, #tpu.memory_space<hbm>> -> memref<40xi32, #tpu.memory_space<hbm>>
          %dma_start3A_1185 = arith.constant 0 : i32
          %dma_start3A_1186 = tpu.memref_slice %arg8[%dma_start3A_1180, %dma_start3A_1185] : memref<10x40xi32, #tpu.memory_space<vmem>> -> memref<1x40xi32, #tpu.memory_space<vmem>>
          %dma_start3A_1187 = tpu.memref_squeeze %dma_start3A_1186 : memref<1x40xi32, #tpu.memory_space<vmem>> -> memref<40xi32, #tpu.memory_space<vmem>>
          %dma_start3A_1188 = tpu.memref_slice %arg3[%mul3A_1170] : memref<320000xi32, #tpu.memory_space<hbm>> -> memref<40xi32, #tpu.memory_space<hbm>>
          tpu.enqueue_dma source(%dma_start3A_1188 : memref<40xi32, #tpu.memory_space<hbm>>) target(%dma_start3A_1187 : memref<40xi32, #tpu.memory_space<vmem>>) target_semaphore(%arg32 : memref<!tpu.dma_semaphore, #tpu.memory_space<semaphore_mem>>)
          %dma_start3A_1189 = arith.constant 9 : i32
          %dma_start3A_1190 = arith.constant 0 : i32
          %dma_start3A_1191 = tpu.memref_slice %arg9[%dma_start3A_1189, %dma_start3A_1190] : memref<10x40xf32, #tpu.memory_space<vmem>> -> memref<1x40xf32, #tpu.memory_space<vmem>>
          %dma_start3A_1192 = tpu.memref_squeeze %dma_start3A_1191 : memref<1x40xf32, #tpu.memory_space<vmem>> -> memref<40xf32, #tpu.memory_space<vmem>>
          %dma_start3A_1193 = tpu.memref_slice %arg4[%mul3A_1170] : memref<320000xf32, #tpu.memory_space<hbm>> -> memref<40xf32, #tpu.memory_space<hbm>>
          %dma_start3A_1194 = arith.constant 0 : i32
          %dma_start3A_1195 = tpu.memref_slice %arg9[%dma_start3A_1189, %dma_start3A_1194] : memref<10x40xf32, #tpu.memory_space<vmem>> -> memref<1x40xf32, #tpu.memory_space<vmem>>
          %dma_start3A_1196 = tpu.memref_squeeze %dma_start3A_1195 : memref<1x40xf32, #tpu.memory_space<vmem>> -> memref<40xf32, #tpu.memory_space<vmem>>
          %dma_start3A_1197 = tpu.memref_slice %arg4[%mul3A_1170] : memref<320000xf32, #tpu.memory_space<hbm>> -> memref<40xf32, #tpu.memory_space<hbm>>
          tpu.enqueue_dma source(%dma_start3A_1197 : memref<40xf32, #tpu.memory_space<hbm>>) target(%dma_start3A_1196 : memref<40xf32, #tpu.memory_space<vmem>>) target_semaphore(%arg32 : memref<!tpu.dma_semaphore, #tpu.memory_space<semaphore_mem>>)
        } else {
        }
      } else {
      }
      %add3A_595 = arith.constant 1 : i32
      %add3A_596 = arith.addi %mul3A_561, %add3A_595 : i32
      %dma_wait3A_597 = arith.constant 1 : i32
      %dma_wait3A_598 = arith.constant 1 : i32
      %dma_wait3A_599 = arith.constant 0 : i32
      %dma_wait3A_600 = arith.constant 0 : i32
      %dma_wait3A_601 = tpu.memref_slice %arg10[%dma_wait3A_598, %dma_wait3A_599, %dma_wait3A_600] : memref<5x40x128xf32, #tpu.memory_space<vmem>> -> memref<1x40x128xf32, #tpu.memory_space<vmem>>
      %dma_wait3A_602 = tpu.memref_squeeze %dma_wait3A_601 : memref<1x40x128xf32, #tpu.memory_space<vmem>> -> memref<40x128xf32, #tpu.memory_space<vmem>>
      %dma_wait3A_603 = arith.constant 0 : i32
      %dma_wait3A_604 = tpu.memref_slice %arg8[%dma_wait3A_597, %dma_wait3A_603] : memref<10x40xi32, #tpu.memory_space<vmem>> -> memref<1x40xi32, #tpu.memory_space<vmem>>
      %dma_wait3A_605 = tpu.memref_squeeze %dma_wait3A_604 : memref<1x40xi32, #tpu.memory_space<vmem>> -> memref<40xi32, #tpu.memory_space<vmem>>
      %dma_wait3A_606 = arith.constant 0 : i32
      %dma_wait3A_607 = arith.constant 0 : i32
      %dma_wait3A_608 = tpu.memref_slice %arg5[%dma_wait3A_606, %dma_wait3A_607] : memref<10000x128xf32, #tpu.memory_space<hbm>> -> memref<10000x128xf32, #tpu.memory_space<hbm>>
      tpu.wait_indirect_dma semaphore(%arg14 : memref<!tpu.dma_semaphore, #tpu.memory_space<semaphore_mem>>) src(%dma_wait3A_608 : memref<10000x128xf32, #tpu.memory_space<hbm>>) dst(%dma_wait3A_602 : memref<40x128xf32, #tpu.memory_space<vmem>>)
      %parallel_loop3A_609 = arith.constant 0 : i32
      %parallel_loop3A_610 = arith.constant 40 : i32
      %parallel_loop3A_611 = arith.constant 1 : i32
      %parallel_loop3A_612 = arith.constant 1 : i32
      scf.for %parallel_loop3A_1134 = %parallel_loop3A_609 to %parallel_loop3A_610 step %parallel_loop3A_611  : i32 {
        %parallel_loop3A_1135 = vector.broadcast %parallel_loop3A_1134 : i32 to vector<16xi32>
        %parallel_loop3A_1136 = arith.constant 1 : i32
        %parallel_loop3A_1137 = arith.constant 0 : i32
        %parallel_loop3A_1138 = tpu.memref_slice %arg9[%parallel_loop3A_1136, %parallel_loop3A_1137] : memref<10x40xf32, #tpu.memory_space<vmem>> -> memref<1x40xf32, #tpu.memory_space<vmem>>
        %parallel_loop3A_1139 = tpu.memref_squeeze %parallel_loop3A_1138 : memref<1x40xf32, #tpu.memory_space<vmem>> -> memref<40xf32, #tpu.memory_space<vmem>>
        %parallel_loop3A_1140 = tpu.vector_load_idx %parallel_loop3A_1139[%parallel_loop3A_1135] : memref<40xf32, #tpu.memory_space<vmem>>[vector<16xi32>], vector<16xf32>,
        %parallel_loop3A_1141 = arith.constant 0 : i32
        %parallel_loop3A_1142 = arith.constant 0 : i32
        %parallel_loop3A_1143 = tpu.memref_slice %arg10[%parallel_loop3A_612, %parallel_loop3A_1141, %parallel_loop3A_1142] : memref<5x40x128xf32, #tpu.memory_space<vmem>> -> memref<1x40x128xf32, #tpu.memory_space<vmem>>
        %parallel_loop3A_1144 = tpu.memref_squeeze %parallel_loop3A_1143 : memref<1x40x128xf32, #tpu.memory_space<vmem>> -> memref<40x128xf32, #tpu.memory_space<vmem>>
        %parallel_loop3A_1145 = arith.index_cast %parallel_loop3A_1134 : i32 to index
        %parallel_loop3A_1146 = arith.constant 0 : index
        %parallel_loop3A_1147 = tpu.vector_load %parallel_loop3A_1144[%parallel_loop3A_1145, %parallel_loop3A_1146] {strides = array<i32>} : memref<40x128xf32, #tpu.memory_space<vmem>>, vector<16xf32>,
        %parallel_loop3A_1148 = arith.mulf %parallel_loop3A_1147, %parallel_loop3A_1140 : vector<16xf32>
        %parallel_loop3A_1149 = arith.constant 0 : i32
        %parallel_loop3A_1150 = arith.constant 0 : i32
        %parallel_loop3A_1151 = tpu.memref_slice %arg10[%parallel_loop3A_612, %parallel_loop3A_1149, %parallel_loop3A_1150] : memref<5x40x128xf32, #tpu.memory_space<vmem>> -> memref<1x40x128xf32, #tpu.memory_space<vmem>>
        %parallel_loop3A_1152 = tpu.memref_squeeze %parallel_loop3A_1151 : memref<1x40x128xf32, #tpu.memory_space<vmem>> -> memref<40x128xf32, #tpu.memory_space<vmem>>
        %parallel_loop3A_1153 = arith.index_cast %parallel_loop3A_1134 : i32 to index
        %parallel_loop3A_1154 = arith.constant 0 : index
        %parallel_loop3A_1155 = tpu.vector_load %parallel_loop3A_1152[%parallel_loop3A_1153, %parallel_loop3A_1154] {strides = array<i32>} : memref<40x128xf32, #tpu.memory_space<vmem>>, vector<16xf32>,
        tpu.vector_store %parallel_loop3A_1152[%parallel_loop3A_1153, %parallel_loop3A_1154], %parallel_loop3A_1148 {strides = array<i32>} : memref<40x128xf32, #tpu.memory_space<vmem>>, vector<16xf32>,
        %parallel_loop3A_1156 = arith.constant 0 : i32
        %parallel_loop3A_1157 = arith.constant 0 : i32
        %parallel_loop3A_1158 = tpu.memref_slice %arg10[%parallel_loop3A_612, %parallel_loop3A_1156, %parallel_loop3A_1157] : memref<5x40x128xf32, #tpu.memory_space<vmem>> -> memref<1x40x128xf32, #tpu.memory_space<vmem>>
        %parallel_loop3A_1159 = tpu.memref_squeeze %parallel_loop3A_1158 : memref<1x40x128xf32, #tpu.memory_space<vmem>> -> memref<40x128xf32, #tpu.memory_space<vmem>>
        %parallel_loop3A_1160 = arith.index_cast %parallel_loop3A_1134 : i32 to index
        %parallel_loop3A_1161 = arith.constant 16 : index
        %parallel_loop3A_1162 = tpu.vector_load %parallel_loop3A_1159[%parallel_loop3A_1160, %parallel_loop3A_1161] {strides = array<i32>} : memref<40x128xf32, #tpu.memory_space<vmem>>, vector<16xf32>,
        %parallel_loop3A_1163 = arith.mulf %parallel_loop3A_1162, %parallel_loop3A_1140 : vector<16xf32>
        %parallel_loop3A_1164 = arith.constant 0 : i32
        %parallel_loop3A_1165 = arith.constant 0 : i32
        %parallel_loop3A_1166 = tpu.memref_slice %arg10[%parallel_loop3A_612, %parallel_loop3A_1164, %parallel_loop3A_1165] : memref<5x40x128xf32, #tpu.memory_space<vmem>> -> memref<1x40x128xf32, #tpu.memory_space<vmem>>
        %parallel_loop3A_1167 = tpu.memref_squeeze %parallel_loop3A_1166 : memref<1x40x128xf32, #tpu.memory_space<vmem>> -> memref<40x128xf32, #tpu.memory_space<vmem>>
        %parallel_loop3A_1168 = arith.index_cast %parallel_loop3A_1134 : i32 to index
        %parallel_loop3A_1169 = arith.constant 16 : index
        %parallel_loop3A_1170 = tpu.vector_load %parallel_loop3A_1167[%parallel_loop3A_1168, %parallel_loop3A_1169] {strides = array<i32>} : memref<40x128xf32, #tpu.memory_space<vmem>>, vector<16xf32>,
        tpu.vector_store %parallel_loop3A_1167[%parallel_loop3A_1168, %parallel_loop3A_1169], %parallel_loop3A_1163 {strides = array<i32>} : memref<40x128xf32, #tpu.memory_space<vmem>>, vector<16xf32>,
        %parallel_loop3A_1171 = arith.constant 0 : i32
        %parallel_loop3A_1172 = arith.constant 0 : i32
        %parallel_loop3A_1173 = tpu.memref_slice %arg10[%parallel_loop3A_612, %parallel_loop3A_1171, %parallel_loop3A_1172] : memref<5x40x128xf32, #tpu.memory_space<vmem>> -> memref<1x40x128xf32, #tpu.memory_space<vmem>>
        %parallel_loop3A_1174 = tpu.memref_squeeze %parallel_loop3A_1173 : memref<1x40x128xf32, #tpu.memory_space<vmem>> -> memref<40x128xf32, #tpu.memory_space<vmem>>
        %parallel_loop3A_1175 = arith.index_cast %parallel_loop3A_1134 : i32 to index
        %parallel_loop3A_1176 = arith.constant 32 : index
        %parallel_loop3A_1177 = tpu.vector_load %parallel_loop3A_1174[%parallel_loop3A_1175, %parallel_loop3A_1176] {strides = array<i32>} : memref<40x128xf32, #tpu.memory_space<vmem>>, vector<16xf32>,
        %parallel_loop3A_1178 = arith.mulf %parallel_loop3A_1177, %parallel_loop3A_1140 : vector<16xf32>
        %parallel_loop3A_1179 = arith.constant 0 : i32
        %parallel_loop3A_1180 = arith.constant 0 : i32
        %parallel_loop3A_1181 = tpu.memref_slice %arg10[%parallel_loop3A_612, %parallel_loop3A_1179, %parallel_loop3A_1180] : memref<5x40x128xf32, #tpu.memory_space<vmem>> -> memref<1x40x128xf32, #tpu.memory_space<vmem>>
        %parallel_loop3A_1182 = tpu.memref_squeeze %parallel_loop3A_1181 : memref<1x40x128xf32, #tpu.memory_space<vmem>> -> memref<40x128xf32, #tpu.memory_space<vmem>>
        %parallel_loop3A_1183 = arith.index_cast %parallel_loop3A_1134 : i32 to index
        %parallel_loop3A_1184 = arith.constant 32 : index
        %parallel_loop3A_1185 = tpu.vector_load %parallel_loop3A_1182[%parallel_loop3A_1183, %parallel_loop3A_1184] {strides = array<i32>} : memref<40x128xf32, #tpu.memory_space<vmem>>, vector<16xf32>,
        tpu.vector_store %parallel_loop3A_1182[%parallel_loop3A_1183, %parallel_loop3A_1184], %parallel_loop3A_1178 {strides = array<i32>} : memref<40x128xf32, #tpu.memory_space<vmem>>, vector<16xf32>,
        %parallel_loop3A_1186 = arith.constant 0 : i32
        %parallel_loop3A_1187 = arith.constant 0 : i32
        %parallel_loop3A_1188 = tpu.memref_slice %arg10[%parallel_loop3A_612, %parallel_loop3A_1186, %parallel_loop3A_1187] : memref<5x40x128xf32, #tpu.memory_space<vmem>> -> memref<1x40x128xf32, #tpu.memory_space<vmem>>
        %parallel_loop3A_1189 = tpu.memref_squeeze %parallel_loop3A_1188 : memref<1x40x128xf32, #tpu.memory_space<vmem>> -> memref<40x128xf32, #tpu.memory_space<vmem>>
        %parallel_loop3A_1190 = arith.index_cast %parallel_loop3A_1134 : i32 to index
        %parallel_loop3A_1191 = arith.constant 48 : index
        %parallel_loop3A_1192 = tpu.vector_load %parallel_loop3A_1189[%parallel_loop3A_1190, %parallel_loop3A_1191] {strides = array<i32>} : memref<40x128xf32, #tpu.memory_space<vmem>>, vector<16xf32>,
        %parallel_loop3A_1193 = arith.mulf %parallel_loop3A_1192, %parallel_loop3A_1140 : vector<16xf32>
        %parallel_loop3A_1194 = arith.constant 0 : i32
        %parallel_loop3A_1195 = arith.constant 0 : i32
        %parallel_loop3A_1196 = tpu.memref_slice %arg10[%parallel_loop3A_612, %parallel_loop3A_1194, %parallel_loop3A_1195] : memref<5x40x128xf32, #tpu.memory_space<vmem>> -> memref<1x40x128xf32, #tpu.memory_space<vmem>>
        %parallel_loop3A_1197 = tpu.memref_squeeze %parallel_loop3A_1196 : memref<1x40x128xf32, #tpu.memory_space<vmem>> -> memref<40x128xf32, #tpu.memory_space<vmem>>
        %parallel_loop3A_1198 = arith.index_cast %parallel_loop3A_1134 : i32 to index
        %parallel_loop3A_1199 = arith.constant 48 : index
        %parallel_loop3A_1200 = tpu.vector_load %parallel_loop3A_1197[%parallel_loop3A_1198, %parallel_loop3A_1199] {strides = array<i32>} : memref<40x128xf32, #tpu.memory_space<vmem>>, vector<16xf32>,
        tpu.vector_store %parallel_loop3A_1197[%parallel_loop3A_1198, %parallel_loop3A_1199], %parallel_loop3A_1193 {strides = array<i32>} : memref<40x128xf32, #tpu.memory_space<vmem>>, vector<16xf32>,
        %parallel_loop3A_1201 = arith.constant 0 : i32
        %parallel_loop3A_1202 = arith.constant 0 : i32
        %parallel_loop3A_1203 = tpu.memref_slice %arg10[%parallel_loop3A_612, %parallel_loop3A_1201, %parallel_loop3A_1202] : memref<5x40x128xf32, #tpu.memory_space<vmem>> -> memref<1x40x128xf32, #tpu.memory_space<vmem>>
        %parallel_loop3A_1204 = tpu.memref_squeeze %parallel_loop3A_1203 : memref<1x40x128xf32, #tpu.memory_space<vmem>> -> memref<40x128xf32, #tpu.memory_space<vmem>>
        %parallel_loop3A_1205 = arith.index_cast %parallel_loop3A_1134 : i32 to index
        %parallel_loop3A_1206 = arith.constant 64 : index
        %parallel_loop3A_1207 = tpu.vector_load %parallel_loop3A_1204[%parallel_loop3A_1205, %parallel_loop3A_1206] {strides = array<i32>} : memref<40x128xf32, #tpu.memory_space<vmem>>, vector<16xf32>,
        %parallel_loop3A_1208 = arith.mulf %parallel_loop3A_1207, %parallel_loop3A_1140 : vector<16xf32>
        %parallel_loop3A_1209 = arith.constant 0 : i32
        %parallel_loop3A_1210 = arith.constant 0 : i32
        %parallel_loop3A_1211 = tpu.memref_slice %arg10[%parallel_loop3A_612, %parallel_loop3A_1209, %parallel_loop3A_1210] : memref<5x40x128xf32, #tpu.memory_space<vmem>> -> memref<1x40x128xf32, #tpu.memory_space<vmem>>
        %parallel_loop3A_1212 = tpu.memref_squeeze %parallel_loop3A_1211 : memref<1x40x128xf32, #tpu.memory_space<vmem>> -> memref<40x128xf32, #tpu.memory_space<vmem>>
        %parallel_loop3A_1213 = arith.index_cast %parallel_loop3A_1134 : i32 to index
        %parallel_loop3A_1214 = arith.constant 64 : index
        %parallel_loop3A_1215 = tpu.vector_load %parallel_loop3A_1212[%parallel_loop3A_1213, %parallel_loop3A_1214] {strides = array<i32>} : memref<40x128xf32, #tpu.memory_space<vmem>>, vector<16xf32>,
        tpu.vector_store %parallel_loop3A_1212[%parallel_loop3A_1213, %parallel_loop3A_1214], %parallel_loop3A_1208 {strides = array<i32>} : memref<40x128xf32, #tpu.memory_space<vmem>>, vector<16xf32>,
        %parallel_loop3A_1216 = arith.constant 0 : i32
        %parallel_loop3A_1217 = arith.constant 0 : i32
        %parallel_loop3A_1218 = tpu.memref_slice %arg10[%parallel_loop3A_612, %parallel_loop3A_1216, %parallel_loop3A_1217] : memref<5x40x128xf32, #tpu.memory_space<vmem>> -> memref<1x40x128xf32, #tpu.memory_space<vmem>>
        %parallel_loop3A_1219 = tpu.memref_squeeze %parallel_loop3A_1218 : memref<1x40x128xf32, #tpu.memory_space<vmem>> -> memref<40x128xf32, #tpu.memory_space<vmem>>
        %parallel_loop3A_1220 = arith.index_cast %parallel_loop3A_1134 : i32 to index
        %parallel_loop3A_1221 = arith.constant 80 : index
        %parallel_loop3A_1222 = tpu.vector_load %parallel_loop3A_1219[%parallel_loop3A_1220, %parallel_loop3A_1221] {strides = array<i32>} : memref<40x128xf32, #tpu.memory_space<vmem>>, vector<16xf32>,
        %parallel_loop3A_1223 = arith.mulf %parallel_loop3A_1222, %parallel_loop3A_1140 : vector<16xf32>
        %parallel_loop3A_1224 = arith.constant 0 : i32
        %parallel_loop3A_1225 = arith.constant 0 : i32
        %parallel_loop3A_1226 = tpu.memref_slice %arg10[%parallel_loop3A_612, %parallel_loop3A_1224, %parallel_loop3A_1225] : memref<5x40x128xf32, #tpu.memory_space<vmem>> -> memref<1x40x128xf32, #tpu.memory_space<vmem>>
        %parallel_loop3A_1227 = tpu.memref_squeeze %parallel_loop3A_1226 : memref<1x40x128xf32, #tpu.memory_space<vmem>> -> memref<40x128xf32, #tpu.memory_space<vmem>>
        %parallel_loop3A_1228 = arith.index_cast %parallel_loop3A_1134 : i32 to index
        %parallel_loop3A_1229 = arith.constant 80 : index
        %parallel_loop3A_1230 = tpu.vector_load %parallel_loop3A_1227[%parallel_loop3A_1228, %parallel_loop3A_1229] {strides = array<i32>} : memref<40x128xf32, #tpu.memory_space<vmem>>, vector<16xf32>,
        tpu.vector_store %parallel_loop3A_1227[%parallel_loop3A_1228, %parallel_loop3A_1229], %parallel_loop3A_1223 {strides = array<i32>} : memref<40x128xf32, #tpu.memory_space<vmem>>, vector<16xf32>,
        %parallel_loop3A_1231 = arith.constant 0 : i32
        %parallel_loop3A_1232 = arith.constant 0 : i32
        %parallel_loop3A_1233 = tpu.memref_slice %arg10[%parallel_loop3A_612, %parallel_loop3A_1231, %parallel_loop3A_1232] : memref<5x40x128xf32, #tpu.memory_space<vmem>> -> memref<1x40x128xf32, #tpu.memory_space<vmem>>
        %parallel_loop3A_1234 = tpu.memref_squeeze %parallel_loop3A_1233 : memref<1x40x128xf32, #tpu.memory_space<vmem>> -> memref<40x128xf32, #tpu.memory_space<vmem>>
        %parallel_loop3A_1235 = arith.index_cast %parallel_loop3A_1134 : i32 to index
        %parallel_loop3A_1236 = arith.constant 96 : index
        %parallel_loop3A_1237 = tpu.vector_load %parallel_loop3A_1234[%parallel_loop3A_1235, %parallel_loop3A_1236] {strides = array<i32>} : memref<40x128xf32, #tpu.memory_space<vmem>>, vector<16xf32>,
        %parallel_loop3A_1238 = arith.mulf %parallel_loop3A_1237, %parallel_loop3A_1140 : vector<16xf32>
        %parallel_loop3A_1239 = arith.constant 0 : i32
        %parallel_loop3A_1240 = arith.constant 0 : i32
        %parallel_loop3A_1241 = tpu.memref_slice %arg10[%parallel_loop3A_612, %parallel_loop3A_1239, %parallel_loop3A_1240] : memref<5x40x128xf32, #tpu.memory_space<vmem>> -> memref<1x40x128xf32, #tpu.memory_space<vmem>>
        %parallel_loop3A_1242 = tpu.memref_squeeze %parallel_loop3A_1241 : memref<1x40x128xf32, #tpu.memory_space<vmem>> -> memref<40x128xf32, #tpu.memory_space<vmem>>
        %parallel_loop3A_1243 = arith.index_cast %parallel_loop3A_1134 : i32 to index
        %parallel_loop3A_1244 = arith.constant 96 : index
        %parallel_loop3A_1245 = tpu.vector_load %parallel_loop3A_1242[%parallel_loop3A_1243, %parallel_loop3A_1244] {strides = array<i32>} : memref<40x128xf32, #tpu.memory_space<vmem>>, vector<16xf32>,
        tpu.vector_store %parallel_loop3A_1242[%parallel_loop3A_1243, %parallel_loop3A_1244], %parallel_loop3A_1238 {strides = array<i32>} : memref<40x128xf32, #tpu.memory_space<vmem>>, vector<16xf32>,
        %parallel_loop3A_1246 = arith.constant 0 : i32
        %parallel_loop3A_1247 = arith.constant 0 : i32
        %parallel_loop3A_1248 = tpu.memref_slice %arg10[%parallel_loop3A_612, %parallel_loop3A_1246, %parallel_loop3A_1247] : memref<5x40x128xf32, #tpu.memory_space<vmem>> -> memref<1x40x128xf32, #tpu.memory_space<vmem>>
        %parallel_loop3A_1249 = tpu.memref_squeeze %parallel_loop3A_1248 : memref<1x40x128xf32, #tpu.memory_space<vmem>> -> memref<40x128xf32, #tpu.memory_space<vmem>>
        %parallel_loop3A_1250 = arith.index_cast %parallel_loop3A_1134 : i32 to index
        %parallel_loop3A_1251 = arith.constant 112 : index
        %parallel_loop3A_1252 = tpu.vector_load %parallel_loop3A_1249[%parallel_loop3A_1250, %parallel_loop3A_1251] {strides = array<i32>} : memref<40x128xf32, #tpu.memory_space<vmem>>, vector<16xf32>,
        %parallel_loop3A_1253 = arith.mulf %parallel_loop3A_1252, %parallel_loop3A_1140 : vector<16xf32>
        %parallel_loop3A_1254 = arith.constant 0 : i32
        %parallel_loop3A_1255 = arith.constant 0 : i32
        %parallel_loop3A_1256 = tpu.memref_slice %arg10[%parallel_loop3A_612, %parallel_loop3A_1254, %parallel_loop3A_1255] : memref<5x40x128xf32, #tpu.memory_space<vmem>> -> memref<1x40x128xf32, #tpu.memory_space<vmem>>
        %parallel_loop3A_1257 = tpu.memref_squeeze %parallel_loop3A_1256 : memref<1x40x128xf32, #tpu.memory_space<vmem>> -> memref<40x128xf32, #tpu.memory_space<vmem>>
        %parallel_loop3A_1258 = arith.index_cast %parallel_loop3A_1134 : i32 to index
        %parallel_loop3A_1259 = arith.constant 112 : index
        %parallel_loop3A_1260 = tpu.vector_load %parallel_loop3A_1257[%parallel_loop3A_1258, %parallel_loop3A_1259] {strides = array<i32>} : memref<40x128xf32, #tpu.memory_space<vmem>>, vector<16xf32>,
        tpu.vector_store %parallel_loop3A_1257[%parallel_loop3A_1258, %parallel_loop3A_1259], %parallel_loop3A_1253 {strides = array<i32>} : memref<40x128xf32, #tpu.memory_space<vmem>>, vector<16xf32>,
      } {sc.loop_unroll_factor = 2 : i64, sc.parallel_access}
      %dma_start3A_613 = arith.constant 1 : i32
      %dma_start3A_614 = arith.constant 1 : i32
      %dma_start3A_615 = arith.constant 0 : i32
      %dma_start3A_616 = arith.constant 0 : i32
      %dma_start3A_617 = tpu.memref_slice %arg10[%dma_start3A_613, %dma_start3A_615, %dma_start3A_616] : memref<5x40x128xf32, #tpu.memory_space<vmem>> -> memref<1x40x128xf32, #tpu.memory_space<vmem>>
      %dma_start3A_618 = tpu.memref_squeeze %dma_start3A_617 : memref<1x40x128xf32, #tpu.memory_space<vmem>> -> memref<40x128xf32, #tpu.memory_space<vmem>>
      %dma_start3A_619 = arith.constant 0 : i32
      %dma_start3A_620 = tpu.memref_slice %arg7[%dma_start3A_614, %dma_start3A_619] : memref<10x40xi32, #tpu.memory_space<vmem>> -> memref<1x40xi32, #tpu.memory_space<vmem>>
      %dma_start3A_621 = tpu.memref_squeeze %dma_start3A_620 : memref<1x40xi32, #tpu.memory_space<vmem>> -> memref<40xi32, #tpu.memory_space<vmem>>
      %dma_start3A_622 = arith.constant 0 : i32
      %dma_start3A_623 = arith.constant 0 : i32
      %dma_start3A_624 = tpu.memref_slice %arg12[%dma_start3A_622, %dma_start3A_623] : memref<10000x128xf32, #tpu.memory_space<vmem_shared>> -> memref<10000x128xf32, #tpu.memory_space<vmem_shared>>
      tpu.enqueue_indirect_dma source(%dma_start3A_618 : memref<40x128xf32, #tpu.memory_space<vmem>>) target(%dma_start3A_624 : memref<10000x128xf32, #tpu.memory_space<vmem_shared>>) offsets(%dma_start3A_621 : memref<40xi32, #tpu.memory_space<vmem>>) semaphore(%arg19 : memref<!tpu.dma_semaphore, #tpu.memory_space<semaphore_mem>>) {add = true}
      %dma_wait3A_625 = arith.constant 0 : i32
      %dma_wait3A_626 = arith.constant 0 : i32
      %dma_wait3A_627 = arith.constant 0 : i32
      %dma_wait3A_628 = arith.constant 0 : i32
      %dma_wait3A_629 = tpu.memref_slice %arg10[%dma_wait3A_625, %dma_wait3A_627, %dma_wait3A_628] : memref<5x40x128xf32, #tpu.memory_space<vmem>> -> memref<1x40x128xf32, #tpu.memory_space<vmem>>
      %dma_wait3A_630 = tpu.memref_squeeze %dma_wait3A_629 : memref<1x40x128xf32, #tpu.memory_space<vmem>> -> memref<40x128xf32, #tpu.memory_space<vmem>>
      %dma_wait3A_631 = arith.constant 0 : i32
      %dma_wait3A_632 = tpu.memref_slice %arg7[%dma_wait3A_626, %dma_wait3A_631] : memref<10x40xi32, #tpu.memory_space<vmem>> -> memref<1x40xi32, #tpu.memory_space<vmem>>
      %dma_wait3A_633 = tpu.memref_squeeze %dma_wait3A_632 : memref<1x40xi32, #tpu.memory_space<vmem>> -> memref<40xi32, #tpu.memory_space<vmem>>
      %dma_wait3A_634 = arith.constant 0 : i32
      %dma_wait3A_635 = arith.constant 0 : i32
      %dma_wait3A_636 = tpu.memref_slice %arg12[%dma_wait3A_634, %dma_wait3A_635] : memref<10000x128xf32, #tpu.memory_space<vmem_shared>> -> memref<10000x128xf32, #tpu.memory_space<vmem_shared>>
      tpu.wait_indirect_dma semaphore(%arg18 : memref<!tpu.dma_semaphore, #tpu.memory_space<semaphore_mem>>) src(%dma_wait3A_630 : memref<40x128xf32, #tpu.memory_space<vmem>>) dst(%dma_wait3A_636 : memref<10000x128xf32, #tpu.memory_space<vmem_shared>>)
      %add3A_637 = arith.constant 5 : i32
      %add3A_638 = arith.addi %add3A_596, %add3A_637 : i32
      %sub3A = arith.constant 1 : i32
      %sub3A_639 = arith.subi %add3A_638, %sub3A : i32
      %lt3A_640 = arith.constant 250 : i32
      %lt3A_641 = arith.cmpi slt, %sub3A_639, %lt3A_640 : i32
      %convert_element_type3A_642 = arith.extui %lt3A_641 : i1 to i32
      %cond3A_643 = arith.constant 0 : i32
      %cond3A_644 = arith.cmpi ne, %convert_element_type3A_642, %cond3A_643 : i32
      scf.if %cond3A_644 {
        %add3A_1134 = arith.constant 5 : i32
        %add3A_1135 = arith.addi %add3A_596, %add3A_1134 : i32
        %sub3A_1136 = arith.constant 1 : i32
        %sub3A_1137 = arith.subi %add3A_1135, %sub3A_1136 : i32
        %add3A_1138 = arith.addi %mul3A_2, %sub3A_1137 : i32
        %mul3A_1139 = arith.constant 40 : i32
        %mul3A_1140 = arith.muli %add3A_1138, %mul3A_1139 : i32
        %dma_wait3A_1141 = arith.constant 5 : i32
        %dma_wait3A_1142 = arith.constant 0 : i32
        %dma_wait3A_1143 = tpu.memref_slice %arg7[%dma_wait3A_1141, %dma_wait3A_1142] : memref<10x40xi32, #tpu.memory_space<vmem>> -> memref<1x40xi32, #tpu.memory_space<vmem>>
        %dma_wait3A_1144 = tpu.memref_squeeze %dma_wait3A_1143 : memref<1x40xi32, #tpu.memory_space<vmem>> -> memref<40xi32, #tpu.memory_space<vmem>>
        %dma_wait3A_1145 = tpu.memref_slice %arg2[%mul3A_1140] : memref<320000xi32, #tpu.memory_space<hbm>> -> memref<40xi32, #tpu.memory_space<hbm>>
        %dma_wait3A_1146 = arith.constant 0 : i32
        %dma_wait3A_1147 = tpu.memref_slice %arg7[%dma_wait3A_1141, %dma_wait3A_1146] : memref<10x40xi32, #tpu.memory_space<vmem>> -> memref<1x40xi32, #tpu.memory_space<vmem>>
        %dma_wait3A_1148 = tpu.memref_squeeze %dma_wait3A_1147 : memref<1x40xi32, #tpu.memory_space<vmem>> -> memref<40xi32, #tpu.memory_space<vmem>>
        %dma_wait3A_1149 = tpu.memref_slice %arg2[%mul3A_1140] : memref<320000xi32, #tpu.memory_space<hbm>> -> memref<40xi32, #tpu.memory_space<hbm>>
        tpu.wait_dma2 semaphore(%arg28 : memref<!tpu.dma_semaphore, #tpu.memory_space<semaphore_mem>>) src(%dma_wait3A_1149 : memref<40xi32, #tpu.memory_space<hbm>>) dst(%dma_wait3A_1148 : memref<40xi32, #tpu.memory_space<vmem>>)
        %dma_wait3A_1150 = arith.constant 5 : i32
        %dma_wait3A_1151 = arith.constant 0 : i32
        %dma_wait3A_1152 = tpu.memref_slice %arg8[%dma_wait3A_1150, %dma_wait3A_1151] : memref<10x40xi32, #tpu.memory_space<vmem>> -> memref<1x40xi32, #tpu.memory_space<vmem>>
        %dma_wait3A_1153 = tpu.memref_squeeze %dma_wait3A_1152 : memref<1x40xi32, #tpu.memory_space<vmem>> -> memref<40xi32, #tpu.memory_space<vmem>>
        %dma_wait3A_1154 = tpu.memref_slice %arg3[%mul3A_1140] : memref<320000xi32, #tpu.memory_space<hbm>> -> memref<40xi32, #tpu.memory_space<hbm>>
        %dma_wait3A_1155 = arith.constant 0 : i32
        %dma_wait3A_1156 = tpu.memref_slice %arg8[%dma_wait3A_1150, %dma_wait3A_1155] : memref<10x40xi32, #tpu.memory_space<vmem>> -> memref<1x40xi32, #tpu.memory_space<vmem>>
        %dma_wait3A_1157 = tpu.memref_squeeze %dma_wait3A_1156 : memref<1x40xi32, #tpu.memory_space<vmem>> -> memref<40xi32, #tpu.memory_space<vmem>>
        %dma_wait3A_1158 = tpu.memref_slice %arg3[%mul3A_1140] : memref<320000xi32, #tpu.memory_space<hbm>> -> memref<40xi32, #tpu.memory_space<hbm>>
        tpu.wait_dma2 semaphore(%arg28 : memref<!tpu.dma_semaphore, #tpu.memory_space<semaphore_mem>>) src(%dma_wait3A_1158 : memref<40xi32, #tpu.memory_space<hbm>>) dst(%dma_wait3A_1157 : memref<40xi32, #tpu.memory_space<vmem>>)
        %dma_wait3A_1159 = arith.constant 5 : i32
        %dma_wait3A_1160 = arith.constant 0 : i32
        %dma_wait3A_1161 = tpu.memref_slice %arg9[%dma_wait3A_1159, %dma_wait3A_1160] : memref<10x40xf32, #tpu.memory_space<vmem>> -> memref<1x40xf32, #tpu.memory_space<vmem>>
        %dma_wait3A_1162 = tpu.memref_squeeze %dma_wait3A_1161 : memref<1x40xf32, #tpu.memory_space<vmem>> -> memref<40xf32, #tpu.memory_space<vmem>>
        %dma_wait3A_1163 = tpu.memref_slice %arg4[%mul3A_1140] : memref<320000xf32, #tpu.memory_space<hbm>> -> memref<40xf32, #tpu.memory_space<hbm>>
        %dma_wait3A_1164 = arith.constant 0 : i32
        %dma_wait3A_1165 = tpu.memref_slice %arg9[%dma_wait3A_1159, %dma_wait3A_1164] : memref<10x40xf32, #tpu.memory_space<vmem>> -> memref<1x40xf32, #tpu.memory_space<vmem>>
        %dma_wait3A_1166 = tpu.memref_squeeze %dma_wait3A_1165 : memref<1x40xf32, #tpu.memory_space<vmem>> -> memref<40xf32, #tpu.memory_space<vmem>>
        %dma_wait3A_1167 = tpu.memref_slice %arg4[%mul3A_1140] : memref<320000xf32, #tpu.memory_space<hbm>> -> memref<40xf32, #tpu.memory_space<hbm>>
        tpu.wait_dma2 semaphore(%arg28 : memref<!tpu.dma_semaphore, #tpu.memory_space<semaphore_mem>>) src(%dma_wait3A_1167 : memref<40xf32, #tpu.memory_space<hbm>>) dst(%dma_wait3A_1166 : memref<40xf32, #tpu.memory_space<vmem>>)
        %dma_start3A_1168 = arith.constant 5 : i32
        %dma_start3A_1169 = arith.constant 0 : i32
        %dma_start3A_1170 = arith.constant 0 : i32
        %dma_start3A_1171 = arith.constant 0 : i32
        %dma_start3A_1172 = tpu.memref_slice %arg10[%dma_start3A_1169, %dma_start3A_1170, %dma_start3A_1171] : memref<5x40x128xf32, #tpu.memory_space<vmem>> -> memref<1x40x128xf32, #tpu.memory_space<vmem>>
        %dma_start3A_1173 = tpu.memref_squeeze %dma_start3A_1172 : memref<1x40x128xf32, #tpu.memory_space<vmem>> -> memref<40x128xf32, #tpu.memory_space<vmem>>
        %dma_start3A_1174 = arith.constant 0 : i32
        %dma_start3A_1175 = tpu.memref_slice %arg8[%dma_start3A_1168, %dma_start3A_1174] : memref<10x40xi32, #tpu.memory_space<vmem>> -> memref<1x40xi32, #tpu.memory_space<vmem>>
        %dma_start3A_1176 = tpu.memref_squeeze %dma_start3A_1175 : memref<1x40xi32, #tpu.memory_space<vmem>> -> memref<40xi32, #tpu.memory_space<vmem>>
        %dma_start3A_1177 = arith.constant 0 : i32
        %dma_start3A_1178 = arith.constant 0 : i32
        %dma_start3A_1179 = tpu.memref_slice %arg5[%dma_start3A_1177, %dma_start3A_1178] : memref<10000x128xf32, #tpu.memory_space<hbm>> -> memref<10000x128xf32, #tpu.memory_space<hbm>>
        tpu.enqueue_indirect_dma source(%dma_start3A_1179 : memref<10000x128xf32, #tpu.memory_space<hbm>>) target(%dma_start3A_1173 : memref<40x128xf32, #tpu.memory_space<vmem>>) offsets(%dma_start3A_1176 : memref<40xi32, #tpu.memory_space<vmem>>) semaphore(%arg13 : memref<!tpu.dma_semaphore, #tpu.memory_space<semaphore_mem>>)
      } else {
      }
      %add3A_645 = arith.constant 10 : i32
      %add3A_646 = arith.addi %add3A_596, %add3A_645 : i32
      %sub3A_647 = arith.constant 1 : i32
      %sub3A_648 = arith.subi %add3A_646, %sub3A_647 : i32
      %lt3A_649 = arith.constant 250 : i32
      %lt3A_650 = arith.cmpi slt, %sub3A_648, %lt3A_649 : i32
      %convert_element_type3A_651 = arith.extui %lt3A_650 : i1 to i32
      %cond3A_652 = arith.constant 0 : i32
      %cond3A_653 = arith.cmpi ne, %convert_element_type3A_651, %cond3A_652 : i32
      scf.if %cond3A_653 {
        %add3A_1134 = arith.constant 10 : i32
        %add3A_1135 = arith.addi %add3A_596, %add3A_1134 : i32
        %sub3A_1136 = arith.constant 1 : i32
        %sub3A_1137 = arith.subi %add3A_1135, %sub3A_1136 : i32
        %add3A_1138 = arith.addi %mul3A_2, %sub3A_1137 : i32
        %mul3A_1139 = arith.constant 40 : i32
        %mul3A_1140 = arith.muli %add3A_1138, %mul3A_1139 : i32
        %dma_start3A_1141 = arith.constant 0 : i32
        %dma_start3A_1142 = arith.constant 0 : i32
        %dma_start3A_1143 = tpu.memref_slice %arg7[%dma_start3A_1141, %dma_start3A_1142] : memref<10x40xi32, #tpu.memory_space<vmem>> -> memref<1x40xi32, #tpu.memory_space<vmem>>
        %dma_start3A_1144 = tpu.memref_squeeze %dma_start3A_1143 : memref<1x40xi32, #tpu.memory_space<vmem>> -> memref<40xi32, #tpu.memory_space<vmem>>
        %dma_start3A_1145 = tpu.memref_slice %arg2[%mul3A_1140] : memref<320000xi32, #tpu.memory_space<hbm>> -> memref<40xi32, #tpu.memory_space<hbm>>
        %dma_start3A_1146 = arith.constant 0 : i32
        %dma_start3A_1147 = tpu.memref_slice %arg7[%dma_start3A_1141, %dma_start3A_1146] : memref<10x40xi32, #tpu.memory_space<vmem>> -> memref<1x40xi32, #tpu.memory_space<vmem>>
        %dma_start3A_1148 = tpu.memref_squeeze %dma_start3A_1147 : memref<1x40xi32, #tpu.memory_space<vmem>> -> memref<40xi32, #tpu.memory_space<vmem>>
        %dma_start3A_1149 = tpu.memref_slice %arg2[%mul3A_1140] : memref<320000xi32, #tpu.memory_space<hbm>> -> memref<40xi32, #tpu.memory_space<hbm>>
        tpu.enqueue_dma source(%dma_start3A_1149 : memref<40xi32, #tpu.memory_space<hbm>>) target(%dma_start3A_1148 : memref<40xi32, #tpu.memory_space<vmem>>) target_semaphore(%arg23 : memref<!tpu.dma_semaphore, #tpu.memory_space<semaphore_mem>>)
        %dma_start3A_1150 = arith.constant 0 : i32
        %dma_start3A_1151 = arith.constant 0 : i32
        %dma_start3A_1152 = tpu.memref_slice %arg8[%dma_start3A_1150, %dma_start3A_1151] : memref<10x40xi32, #tpu.memory_space<vmem>> -> memref<1x40xi32, #tpu.memory_space<vmem>>
        %dma_start3A_1153 = tpu.memref_squeeze %dma_start3A_1152 : memref<1x40xi32, #tpu.memory_space<vmem>> -> memref<40xi32, #tpu.memory_space<vmem>>
        %dma_start3A_1154 = tpu.memref_slice %arg3[%mul3A_1140] : memref<320000xi32, #tpu.memory_space<hbm>> -> memref<40xi32, #tpu.memory_space<hbm>>
        %dma_start3A_1155 = arith.constant 0 : i32
        %dma_start3A_1156 = tpu.memref_slice %arg8[%dma_start3A_1150, %dma_start3A_1155] : memref<10x40xi32, #tpu.memory_space<vmem>> -> memref<1x40xi32, #tpu.memory_space<vmem>>
        %dma_start3A_1157 = tpu.memref_squeeze %dma_start3A_1156 : memref<1x40xi32, #tpu.memory_space<vmem>> -> memref<40xi32, #tpu.memory_space<vmem>>
        %dma_start3A_1158 = tpu.memref_slice %arg3[%mul3A_1140] : memref<320000xi32, #tpu.memory_space<hbm>> -> memref<40xi32, #tpu.memory_space<hbm>>
        tpu.enqueue_dma source(%dma_start3A_1158 : memref<40xi32, #tpu.memory_space<hbm>>) target(%dma_start3A_1157 : memref<40xi32, #tpu.memory_space<vmem>>) target_semaphore(%arg23 : memref<!tpu.dma_semaphore, #tpu.memory_space<semaphore_mem>>)
        %dma_start3A_1159 = arith.constant 0 : i32
        %dma_start3A_1160 = arith.constant 0 : i32
        %dma_start3A_1161 = tpu.memref_slice %arg9[%dma_start3A_1159, %dma_start3A_1160] : memref<10x40xf32, #tpu.memory_space<vmem>> -> memref<1x40xf32, #tpu.memory_space<vmem>>
        %dma_start3A_1162 = tpu.memref_squeeze %dma_start3A_1161 : memref<1x40xf32, #tpu.memory_space<vmem>> -> memref<40xf32, #tpu.memory_space<vmem>>
        %dma_start3A_1163 = tpu.memref_slice %arg4[%mul3A_1140] : memref<320000xf32, #tpu.memory_space<hbm>> -> memref<40xf32, #tpu.memory_space<hbm>>
        %dma_start3A_1164 = arith.constant 0 : i32
        %dma_start3A_1165 = tpu.memref_slice %arg9[%dma_start3A_1159, %dma_start3A_1164] : memref<10x40xf32, #tpu.memory_space<vmem>> -> memref<1x40xf32, #tpu.memory_space<vmem>>
        %dma_start3A_1166 = tpu.memref_squeeze %dma_start3A_1165 : memref<1x40xf32, #tpu.memory_space<vmem>> -> memref<40xf32, #tpu.memory_space<vmem>>
        %dma_start3A_1167 = tpu.memref_slice %arg4[%mul3A_1140] : memref<320000xf32, #tpu.memory_space<hbm>> -> memref<40xf32, #tpu.memory_space<hbm>>
        tpu.enqueue_dma source(%dma_start3A_1167 : memref<40xf32, #tpu.memory_space<hbm>>) target(%dma_start3A_1166 : memref<40xf32, #tpu.memory_space<vmem>>) target_semaphore(%arg23 : memref<!tpu.dma_semaphore, #tpu.memory_space<semaphore_mem>>)
      } else {
      }
      %add3A_654 = arith.constant 2 : i32
      %add3A_655 = arith.addi %mul3A_561, %add3A_654 : i32
      %dma_wait3A_656 = arith.constant 2 : i32
      %dma_wait3A_657 = arith.constant 2 : i32
      %dma_wait3A_658 = arith.constant 0 : i32
      %dma_wait3A_659 = arith.constant 0 : i32
      %dma_wait3A_660 = tpu.memref_slice %arg10[%dma_wait3A_657, %dma_wait3A_658, %dma_wait3A_659] : memref<5x40x128xf32, #tpu.memory_space<vmem>> -> memref<1x40x128xf32, #tpu.memory_space<vmem>>
      %dma_wait3A_661 = tpu.memref_squeeze %dma_wait3A_660 : memref<1x40x128xf32, #tpu.memory_space<vmem>> -> memref<40x128xf32, #tpu.memory_space<vmem>>
      %dma_wait3A_662 = arith.constant 0 : i32
      %dma_wait3A_663 = tpu.memref_slice %arg8[%dma_wait3A_656, %dma_wait3A_662] : memref<10x40xi32, #tpu.memory_space<vmem>> -> memref<1x40xi32, #tpu.memory_space<vmem>>
      %dma_wait3A_664 = tpu.memref_squeeze %dma_wait3A_663 : memref<1x40xi32, #tpu.memory_space<vmem>> -> memref<40xi32, #tpu.memory_space<vmem>>
      %dma_wait3A_665 = arith.constant 0 : i32
      %dma_wait3A_666 = arith.constant 0 : i32
      %dma_wait3A_667 = tpu.memref_slice %arg5[%dma_wait3A_665, %dma_wait3A_666] : memref<10000x128xf32, #tpu.memory_space<hbm>> -> memref<10000x128xf32, #tpu.memory_space<hbm>>
      tpu.wait_indirect_dma semaphore(%arg15 : memref<!tpu.dma_semaphore, #tpu.memory_space<semaphore_mem>>) src(%dma_wait3A_667 : memref<10000x128xf32, #tpu.memory_space<hbm>>) dst(%dma_wait3A_661 : memref<40x128xf32, #tpu.memory_space<vmem>>)
      %parallel_loop3A_668 = arith.constant 0 : i32
      %parallel_loop3A_669 = arith.constant 40 : i32
      %parallel_loop3A_670 = arith.constant 1 : i32
      %parallel_loop3A_671 = arith.constant 2 : i32
      scf.for %parallel_loop3A_1134 = %parallel_loop3A_668 to %parallel_loop3A_669 step %parallel_loop3A_670  : i32 {
        %parallel_loop3A_1135 = vector.broadcast %parallel_loop3A_1134 : i32 to vector<16xi32>
        %parallel_loop3A_1136 = arith.constant 2 : i32
        %parallel_loop3A_1137 = arith.constant 0 : i32
        %parallel_loop3A_1138 = tpu.memref_slice %arg9[%parallel_loop3A_1136, %parallel_loop3A_1137] : memref<10x40xf32, #tpu.memory_space<vmem>> -> memref<1x40xf32, #tpu.memory_space<vmem>>
        %parallel_loop3A_1139 = tpu.memref_squeeze %parallel_loop3A_1138 : memref<1x40xf32, #tpu.memory_space<vmem>> -> memref<40xf32, #tpu.memory_space<vmem>>
        %parallel_loop3A_1140 = tpu.vector_load_idx %parallel_loop3A_1139[%parallel_loop3A_1135] : memref<40xf32, #tpu.memory_space<vmem>>[vector<16xi32>], vector<16xf32>,
        %parallel_loop3A_1141 = arith.constant 0 : i32
        %parallel_loop3A_1142 = arith.constant 0 : i32
        %parallel_loop3A_1143 = tpu.memref_slice %arg10[%parallel_loop3A_671, %parallel_loop3A_1141, %parallel_loop3A_1142] : memref<5x40x128xf32, #tpu.memory_space<vmem>> -> memref<1x40x128xf32, #tpu.memory_space<vmem>>
        %parallel_loop3A_1144 = tpu.memref_squeeze %parallel_loop3A_1143 : memref<1x40x128xf32, #tpu.memory_space<vmem>> -> memref<40x128xf32, #tpu.memory_space<vmem>>
        %parallel_loop3A_1145 = arith.index_cast %parallel_loop3A_1134 : i32 to index
        %parallel_loop3A_1146 = arith.constant 0 : index
        %parallel_loop3A_1147 = tpu.vector_load %parallel_loop3A_1144[%parallel_loop3A_1145, %parallel_loop3A_1146] {strides = array<i32>} : memref<40x128xf32, #tpu.memory_space<vmem>>, vector<16xf32>,
        %parallel_loop3A_1148 = arith.mulf %parallel_loop3A_1147, %parallel_loop3A_1140 : vector<16xf32>
        %parallel_loop3A_1149 = arith.constant 0 : i32
        %parallel_loop3A_1150 = arith.constant 0 : i32
        %parallel_loop3A_1151 = tpu.memref_slice %arg10[%parallel_loop3A_671, %parallel_loop3A_1149, %parallel_loop3A_1150] : memref<5x40x128xf32, #tpu.memory_space<vmem>> -> memref<1x40x128xf32, #tpu.memory_space<vmem>>
        %parallel_loop3A_1152 = tpu.memref_squeeze %parallel_loop3A_1151 : memref<1x40x128xf32, #tpu.memory_space<vmem>> -> memref<40x128xf32, #tpu.memory_space<vmem>>
        %parallel_loop3A_1153 = arith.index_cast %parallel_loop3A_1134 : i32 to index
        %parallel_loop3A_1154 = arith.constant 0 : index
        %parallel_loop3A_1155 = tpu.vector_load %parallel_loop3A_1152[%parallel_loop3A_1153, %parallel_loop3A_1154] {strides = array<i32>} : memref<40x128xf32, #tpu.memory_space<vmem>>, vector<16xf32>,
        tpu.vector_store %parallel_loop3A_1152[%parallel_loop3A_1153, %parallel_loop3A_1154], %parallel_loop3A_1148 {strides = array<i32>} : memref<40x128xf32, #tpu.memory_space<vmem>>, vector<16xf32>,
        %parallel_loop3A_1156 = arith.constant 0 : i32
        %parallel_loop3A_1157 = arith.constant 0 : i32
        %parallel_loop3A_1158 = tpu.memref_slice %arg10[%parallel_loop3A_671, %parallel_loop3A_1156, %parallel_loop3A_1157] : memref<5x40x128xf32, #tpu.memory_space<vmem>> -> memref<1x40x128xf32, #tpu.memory_space<vmem>>
        %parallel_loop3A_1159 = tpu.memref_squeeze %parallel_loop3A_1158 : memref<1x40x128xf32, #tpu.memory_space<vmem>> -> memref<40x128xf32, #tpu.memory_space<vmem>>
        %parallel_loop3A_1160 = arith.index_cast %parallel_loop3A_1134 : i32 to index
        %parallel_loop3A_1161 = arith.constant 16 : index
        %parallel_loop3A_1162 = tpu.vector_load %parallel_loop3A_1159[%parallel_loop3A_1160, %parallel_loop3A_1161] {strides = array<i32>} : memref<40x128xf32, #tpu.memory_space<vmem>>, vector<16xf32>,
        %parallel_loop3A_1163 = arith.mulf %parallel_loop3A_1162, %parallel_loop3A_1140 : vector<16xf32>
        %parallel_loop3A_1164 = arith.constant 0 : i32
        %parallel_loop3A_1165 = arith.constant 0 : i32
        %parallel_loop3A_1166 = tpu.memref_slice %arg10[%parallel_loop3A_671, %parallel_loop3A_1164, %parallel_loop3A_1165] : memref<5x40x128xf32, #tpu.memory_space<vmem>> -> memref<1x40x128xf32, #tpu.memory_space<vmem>>
        %parallel_loop3A_1167 = tpu.memref_squeeze %parallel_loop3A_1166 : memref<1x40x128xf32, #tpu.memory_space<vmem>> -> memref<40x128xf32, #tpu.memory_space<vmem>>
        %parallel_loop3A_1168 = arith.index_cast %parallel_loop3A_1134 : i32 to index
        %parallel_loop3A_1169 = arith.constant 16 : index
        %parallel_loop3A_1170 = tpu.vector_load %parallel_loop3A_1167[%parallel_loop3A_1168, %parallel_loop3A_1169] {strides = array<i32>} : memref<40x128xf32, #tpu.memory_space<vmem>>, vector<16xf32>,
        tpu.vector_store %parallel_loop3A_1167[%parallel_loop3A_1168, %parallel_loop3A_1169], %parallel_loop3A_1163 {strides = array<i32>} : memref<40x128xf32, #tpu.memory_space<vmem>>, vector<16xf32>,
        %parallel_loop3A_1171 = arith.constant 0 : i32
        %parallel_loop3A_1172 = arith.constant 0 : i32
        %parallel_loop3A_1173 = tpu.memref_slice %arg10[%parallel_loop3A_671, %parallel_loop3A_1171, %parallel_loop3A_1172] : memref<5x40x128xf32, #tpu.memory_space<vmem>> -> memref<1x40x128xf32, #tpu.memory_space<vmem>>
        %parallel_loop3A_1174 = tpu.memref_squeeze %parallel_loop3A_1173 : memref<1x40x128xf32, #tpu.memory_space<vmem>> -> memref<40x128xf32, #tpu.memory_space<vmem>>
        %parallel_loop3A_1175 = arith.index_cast %parallel_loop3A_1134 : i32 to index
        %parallel_loop3A_1176 = arith.constant 32 : index
        %parallel_loop3A_1177 = tpu.vector_load %parallel_loop3A_1174[%parallel_loop3A_1175, %parallel_loop3A_1176] {strides = array<i32>} : memref<40x128xf32, #tpu.memory_space<vmem>>, vector<16xf32>,
        %parallel_loop3A_1178 = arith.mulf %parallel_loop3A_1177, %parallel_loop3A_1140 : vector<16xf32>
        %parallel_loop3A_1179 = arith.constant 0 : i32
        %parallel_loop3A_1180 = arith.constant 0 : i32
        %parallel_loop3A_1181 = tpu.memref_slice %arg10[%parallel_loop3A_671, %parallel_loop3A_1179, %parallel_loop3A_1180] : memref<5x40x128xf32, #tpu.memory_space<vmem>> -> memref<1x40x128xf32, #tpu.memory_space<vmem>>
        %parallel_loop3A_1182 = tpu.memref_squeeze %parallel_loop3A_1181 : memref<1x40x128xf32, #tpu.memory_space<vmem>> -> memref<40x128xf32, #tpu.memory_space<vmem>>
        %parallel_loop3A_1183 = arith.index_cast %parallel_loop3A_1134 : i32 to index
        %parallel_loop3A_1184 = arith.constant 32 : index
        %parallel_loop3A_1185 = tpu.vector_load %parallel_loop3A_1182[%parallel_loop3A_1183, %parallel_loop3A_1184] {strides = array<i32>} : memref<40x128xf32, #tpu.memory_space<vmem>>, vector<16xf32>,
        tpu.vector_store %parallel_loop3A_1182[%parallel_loop3A_1183, %parallel_loop3A_1184], %parallel_loop3A_1178 {strides = array<i32>} : memref<40x128xf32, #tpu.memory_space<vmem>>, vector<16xf32>,
        %parallel_loop3A_1186 = arith.constant 0 : i32
        %parallel_loop3A_1187 = arith.constant 0 : i32
        %parallel_loop3A_1188 = tpu.memref_slice %arg10[%parallel_loop3A_671, %parallel_loop3A_1186, %parallel_loop3A_1187] : memref<5x40x128xf32, #tpu.memory_space<vmem>> -> memref<1x40x128xf32, #tpu.memory_space<vmem>>
        %parallel_loop3A_1189 = tpu.memref_squeeze %parallel_loop3A_1188 : memref<1x40x128xf32, #tpu.memory_space<vmem>> -> memref<40x128xf32, #tpu.memory_space<vmem>>
        %parallel_loop3A_1190 = arith.index_cast %parallel_loop3A_1134 : i32 to index
        %parallel_loop3A_1191 = arith.constant 48 : index
        %parallel_loop3A_1192 = tpu.vector_load %parallel_loop3A_1189[%parallel_loop3A_1190, %parallel_loop3A_1191] {strides = array<i32>} : memref<40x128xf32, #tpu.memory_space<vmem>>, vector<16xf32>,
        %parallel_loop3A_1193 = arith.mulf %parallel_loop3A_1192, %parallel_loop3A_1140 : vector<16xf32>
        %parallel_loop3A_1194 = arith.constant 0 : i32
        %parallel_loop3A_1195 = arith.constant 0 : i32
        %parallel_loop3A_1196 = tpu.memref_slice %arg10[%parallel_loop3A_671, %parallel_loop3A_1194, %parallel_loop3A_1195] : memref<5x40x128xf32, #tpu.memory_space<vmem>> -> memref<1x40x128xf32, #tpu.memory_space<vmem>>
        %parallel_loop3A_1197 = tpu.memref_squeeze %parallel_loop3A_1196 : memref<1x40x128xf32, #tpu.memory_space<vmem>> -> memref<40x128xf32, #tpu.memory_space<vmem>>
        %parallel_loop3A_1198 = arith.index_cast %parallel_loop3A_1134 : i32 to index
        %parallel_loop3A_1199 = arith.constant 48 : index
        %parallel_loop3A_1200 = tpu.vector_load %parallel_loop3A_1197[%parallel_loop3A_1198, %parallel_loop3A_1199] {strides = array<i32>} : memref<40x128xf32, #tpu.memory_space<vmem>>, vector<16xf32>,
        tpu.vector_store %parallel_loop3A_1197[%parallel_loop3A_1198, %parallel_loop3A_1199], %parallel_loop3A_1193 {strides = array<i32>} : memref<40x128xf32, #tpu.memory_space<vmem>>, vector<16xf32>,
        %parallel_loop3A_1201 = arith.constant 0 : i32
        %parallel_loop3A_1202 = arith.constant 0 : i32
        %parallel_loop3A_1203 = tpu.memref_slice %arg10[%parallel_loop3A_671, %parallel_loop3A_1201, %parallel_loop3A_1202] : memref<5x40x128xf32, #tpu.memory_space<vmem>> -> memref<1x40x128xf32, #tpu.memory_space<vmem>>
        %parallel_loop3A_1204 = tpu.memref_squeeze %parallel_loop3A_1203 : memref<1x40x128xf32, #tpu.memory_space<vmem>> -> memref<40x128xf32, #tpu.memory_space<vmem>>
        %parallel_loop3A_1205 = arith.index_cast %parallel_loop3A_1134 : i32 to index
        %parallel_loop3A_1206 = arith.constant 64 : index
        %parallel_loop3A_1207 = tpu.vector_load %parallel_loop3A_1204[%parallel_loop3A_1205, %parallel_loop3A_1206] {strides = array<i32>} : memref<40x128xf32, #tpu.memory_space<vmem>>, vector<16xf32>,
        %parallel_loop3A_1208 = arith.mulf %parallel_loop3A_1207, %parallel_loop3A_1140 : vector<16xf32>
        %parallel_loop3A_1209 = arith.constant 0 : i32
        %parallel_loop3A_1210 = arith.constant 0 : i32
        %parallel_loop3A_1211 = tpu.memref_slice %arg10[%parallel_loop3A_671, %parallel_loop3A_1209, %parallel_loop3A_1210] : memref<5x40x128xf32, #tpu.memory_space<vmem>> -> memref<1x40x128xf32, #tpu.memory_space<vmem>>
        %parallel_loop3A_1212 = tpu.memref_squeeze %parallel_loop3A_1211 : memref<1x40x128xf32, #tpu.memory_space<vmem>> -> memref<40x128xf32, #tpu.memory_space<vmem>>
        %parallel_loop3A_1213 = arith.index_cast %parallel_loop3A_1134 : i32 to index
        %parallel_loop3A_1214 = arith.constant 64 : index
        %parallel_loop3A_1215 = tpu.vector_load %parallel_loop3A_1212[%parallel_loop3A_1213, %parallel_loop3A_1214] {strides = array<i32>} : memref<40x128xf32, #tpu.memory_space<vmem>>, vector<16xf32>,
        tpu.vector_store %parallel_loop3A_1212[%parallel_loop3A_1213, %parallel_loop3A_1214], %parallel_loop3A_1208 {strides = array<i32>} : memref<40x128xf32, #tpu.memory_space<vmem>>, vector<16xf32>,
        %parallel_loop3A_1216 = arith.constant 0 : i32
        %parallel_loop3A_1217 = arith.constant 0 : i32
        %parallel_loop3A_1218 = tpu.memref_slice %arg10[%parallel_loop3A_671, %parallel_loop3A_1216, %parallel_loop3A_1217] : memref<5x40x128xf32, #tpu.memory_space<vmem>> -> memref<1x40x128xf32, #tpu.memory_space<vmem>>
        %parallel_loop3A_1219 = tpu.memref_squeeze %parallel_loop3A_1218 : memref<1x40x128xf32, #tpu.memory_space<vmem>> -> memref<40x128xf32, #tpu.memory_space<vmem>>
        %parallel_loop3A_1220 = arith.index_cast %parallel_loop3A_1134 : i32 to index
        %parallel_loop3A_1221 = arith.constant 80 : index
        %parallel_loop3A_1222 = tpu.vector_load %parallel_loop3A_1219[%parallel_loop3A_1220, %parallel_loop3A_1221] {strides = array<i32>} : memref<40x128xf32, #tpu.memory_space<vmem>>, vector<16xf32>,
        %parallel_loop3A_1223 = arith.mulf %parallel_loop3A_1222, %parallel_loop3A_1140 : vector<16xf32>
        %parallel_loop3A_1224 = arith.constant 0 : i32
        %parallel_loop3A_1225 = arith.constant 0 : i32
        %parallel_loop3A_1226 = tpu.memref_slice %arg10[%parallel_loop3A_671, %parallel_loop3A_1224, %parallel_loop3A_1225] : memref<5x40x128xf32, #tpu.memory_space<vmem>> -> memref<1x40x128xf32, #tpu.memory_space<vmem>>
        %parallel_loop3A_1227 = tpu.memref_squeeze %parallel_loop3A_1226 : memref<1x40x128xf32, #tpu.memory_space<vmem>> -> memref<40x128xf32, #tpu.memory_space<vmem>>
        %parallel_loop3A_1228 = arith.index_cast %parallel_loop3A_1134 : i32 to index
        %parallel_loop3A_1229 = arith.constant 80 : index
        %parallel_loop3A_1230 = tpu.vector_load %parallel_loop3A_1227[%parallel_loop3A_1228, %parallel_loop3A_1229] {strides = array<i32>} : memref<40x128xf32, #tpu.memory_space<vmem>>, vector<16xf32>,
        tpu.vector_store %parallel_loop3A_1227[%parallel_loop3A_1228, %parallel_loop3A_1229], %parallel_loop3A_1223 {strides = array<i32>} : memref<40x128xf32, #tpu.memory_space<vmem>>, vector<16xf32>,
        %parallel_loop3A_1231 = arith.constant 0 : i32
        %parallel_loop3A_1232 = arith.constant 0 : i32
        %parallel_loop3A_1233 = tpu.memref_slice %arg10[%parallel_loop3A_671, %parallel_loop3A_1231, %parallel_loop3A_1232] : memref<5x40x128xf32, #tpu.memory_space<vmem>> -> memref<1x40x128xf32, #tpu.memory_space<vmem>>
        %parallel_loop3A_1234 = tpu.memref_squeeze %parallel_loop3A_1233 : memref<1x40x128xf32, #tpu.memory_space<vmem>> -> memref<40x128xf32, #tpu.memory_space<vmem>>
        %parallel_loop3A_1235 = arith.index_cast %parallel_loop3A_1134 : i32 to index
        %parallel_loop3A_1236 = arith.constant 96 : index
        %parallel_loop3A_1237 = tpu.vector_load %parallel_loop3A_1234[%parallel_loop3A_1235, %parallel_loop3A_1236] {strides = array<i32>} : memref<40x128xf32, #tpu.memory_space<vmem>>, vector<16xf32>,
        %parallel_loop3A_1238 = arith.mulf %parallel_loop3A_1237, %parallel_loop3A_1140 : vector<16xf32>
        %parallel_loop3A_1239 = arith.constant 0 : i32
        %parallel_loop3A_1240 = arith.constant 0 : i32
        %parallel_loop3A_1241 = tpu.memref_slice %arg10[%parallel_loop3A_671, %parallel_loop3A_1239, %parallel_loop3A_1240] : memref<5x40x128xf32, #tpu.memory_space<vmem>> -> memref<1x40x128xf32, #tpu.memory_space<vmem>>
        %parallel_loop3A_1242 = tpu.memref_squeeze %parallel_loop3A_1241 : memref<1x40x128xf32, #tpu.memory_space<vmem>> -> memref<40x128xf32, #tpu.memory_space<vmem>>
        %parallel_loop3A_1243 = arith.index_cast %parallel_loop3A_1134 : i32 to index
        %parallel_loop3A_1244 = arith.constant 96 : index
        %parallel_loop3A_1245 = tpu.vector_load %parallel_loop3A_1242[%parallel_loop3A_1243, %parallel_loop3A_1244] {strides = array<i32>} : memref<40x128xf32, #tpu.memory_space<vmem>>, vector<16xf32>,
        tpu.vector_store %parallel_loop3A_1242[%parallel_loop3A_1243, %parallel_loop3A_1244], %parallel_loop3A_1238 {strides = array<i32>} : memref<40x128xf32, #tpu.memory_space<vmem>>, vector<16xf32>,
        %parallel_loop3A_1246 = arith.constant 0 : i32
        %parallel_loop3A_1247 = arith.constant 0 : i32
        %parallel_loop3A_1248 = tpu.memref_slice %arg10[%parallel_loop3A_671, %parallel_loop3A_1246, %parallel_loop3A_1247] : memref<5x40x128xf32, #tpu.memory_space<vmem>> -> memref<1x40x128xf32, #tpu.memory_space<vmem>>
        %parallel_loop3A_1249 = tpu.memref_squeeze %parallel_loop3A_1248 : memref<1x40x128xf32, #tpu.memory_space<vmem>> -> memref<40x128xf32, #tpu.memory_space<vmem>>
        %parallel_loop3A_1250 = arith.index_cast %parallel_loop3A_1134 : i32 to index
        %parallel_loop3A_1251 = arith.constant 112 : index
        %parallel_loop3A_1252 = tpu.vector_load %parallel_loop3A_1249[%parallel_loop3A_1250, %parallel_loop3A_1251] {strides = array<i32>} : memref<40x128xf32, #tpu.memory_space<vmem>>, vector<16xf32>,
        %parallel_loop3A_1253 = arith.mulf %parallel_loop3A_1252, %parallel_loop3A_1140 : vector<16xf32>
        %parallel_loop3A_1254 = arith.constant 0 : i32
        %parallel_loop3A_1255 = arith.constant 0 : i32
        %parallel_loop3A_1256 = tpu.memref_slice %arg10[%parallel_loop3A_671, %parallel_loop3A_1254, %parallel_loop3A_1255] : memref<5x40x128xf32, #tpu.memory_space<vmem>> -> memref<1x40x128xf32, #tpu.memory_space<vmem>>
        %parallel_loop3A_1257 = tpu.memref_squeeze %parallel_loop3A_1256 : memref<1x40x128xf32, #tpu.memory_space<vmem>> -> memref<40x128xf32, #tpu.memory_space<vmem>>
        %parallel_loop3A_1258 = arith.index_cast %parallel_loop3A_1134 : i32 to index
        %parallel_loop3A_1259 = arith.constant 112 : index
        %parallel_loop3A_1260 = tpu.vector_load %parallel_loop3A_1257[%parallel_loop3A_1258, %parallel_loop3A_1259] {strides = array<i32>} : memref<40x128xf32, #tpu.memory_space<vmem>>, vector<16xf32>,
        tpu.vector_store %parallel_loop3A_1257[%parallel_loop3A_1258, %parallel_loop3A_1259], %parallel_loop3A_1253 {strides = array<i32>} : memref<40x128xf32, #tpu.memory_space<vmem>>, vector<16xf32>,
      } {sc.loop_unroll_factor = 2 : i64, sc.parallel_access}
      %dma_start3A_672 = arith.constant 2 : i32
      %dma_start3A_673 = arith.constant 2 : i32
      %dma_start3A_674 = arith.constant 0 : i32
      %dma_start3A_675 = arith.constant 0 : i32
      %dma_start3A_676 = tpu.memref_slice %arg10[%dma_start3A_672, %dma_start3A_674, %dma_start3A_675] : memref<5x40x128xf32, #tpu.memory_space<vmem>> -> memref<1x40x128xf32, #tpu.memory_space<vmem>>
      %dma_start3A_677 = tpu.memref_squeeze %dma_start3A_676 : memref<1x40x128xf32, #tpu.memory_space<vmem>> -> memref<40x128xf32, #tpu.memory_space<vmem>>
      %dma_start3A_678 = arith.constant 0 : i32
      %dma_start3A_679 = tpu.memref_slice %arg7[%dma_start3A_673, %dma_start3A_678] : memref<10x40xi32, #tpu.memory_space<vmem>> -> memref<1x40xi32, #tpu.memory_space<vmem>>
      %dma_start3A_680 = tpu.memref_squeeze %dma_start3A_679 : memref<1x40xi32, #tpu.memory_space<vmem>> -> memref<40xi32, #tpu.memory_space<vmem>>
      %dma_start3A_681 = arith.constant 0 : i32
      %dma_start3A_682 = arith.constant 0 : i32
      %dma_start3A_683 = tpu.memref_slice %arg12[%dma_start3A_681, %dma_start3A_682] : memref<10000x128xf32, #tpu.memory_space<vmem_shared>> -> memref<10000x128xf32, #tpu.memory_space<vmem_shared>>
      tpu.enqueue_indirect_dma source(%dma_start3A_677 : memref<40x128xf32, #tpu.memory_space<vmem>>) target(%dma_start3A_683 : memref<10000x128xf32, #tpu.memory_space<vmem_shared>>) offsets(%dma_start3A_680 : memref<40xi32, #tpu.memory_space<vmem>>) semaphore(%arg20 : memref<!tpu.dma_semaphore, #tpu.memory_space<semaphore_mem>>) {add = true}
      %dma_wait3A_684 = arith.constant 1 : i32
      %dma_wait3A_685 = arith.constant 1 : i32
      %dma_wait3A_686 = arith.constant 0 : i32
      %dma_wait3A_687 = arith.constant 0 : i32
      %dma_wait3A_688 = tpu.memref_slice %arg10[%dma_wait3A_684, %dma_wait3A_686, %dma_wait3A_687] : memref<5x40x128xf32, #tpu.memory_space<vmem>> -> memref<1x40x128xf32, #tpu.memory_space<vmem>>
      %dma_wait3A_689 = tpu.memref_squeeze %dma_wait3A_688 : memref<1x40x128xf32, #tpu.memory_space<vmem>> -> memref<40x128xf32, #tpu.memory_space<vmem>>
      %dma_wait3A_690 = arith.constant 0 : i32
      %dma_wait3A_691 = tpu.memref_slice %arg7[%dma_wait3A_685, %dma_wait3A_690] : memref<10x40xi32, #tpu.memory_space<vmem>> -> memref<1x40xi32, #tpu.memory_space<vmem>>
      %dma_wait3A_692 = tpu.memref_squeeze %dma_wait3A_691 : memref<1x40xi32, #tpu.memory_space<vmem>> -> memref<40xi32, #tpu.memory_space<vmem>>
      %dma_wait3A_693 = arith.constant 0 : i32
      %dma_wait3A_694 = arith.constant 0 : i32
      %dma_wait3A_695 = tpu.memref_slice %arg12[%dma_wait3A_693, %dma_wait3A_694] : memref<10000x128xf32, #tpu.memory_space<vmem_shared>> -> memref<10000x128xf32, #tpu.memory_space<vmem_shared>>
      tpu.wait_indirect_dma semaphore(%arg19 : memref<!tpu.dma_semaphore, #tpu.memory_space<semaphore_mem>>) src(%dma_wait3A_689 : memref<40x128xf32, #tpu.memory_space<vmem>>) dst(%dma_wait3A_695 : memref<10000x128xf32, #tpu.memory_space<vmem_shared>>)
      %add3A_696 = arith.constant 5 : i32
      %add3A_697 = arith.addi %add3A_655, %add3A_696 : i32
      %sub3A_698 = arith.constant 1 : i32
      %sub3A_699 = arith.subi %add3A_697, %sub3A_698 : i32
      %lt3A_700 = arith.constant 250 : i32
      %lt3A_701 = arith.cmpi slt, %sub3A_699, %lt3A_700 : i32
      %convert_element_type3A_702 = arith.extui %lt3A_701 : i1 to i32
      %cond3A_703 = arith.constant 0 : i32
      %cond3A_704 = arith.cmpi ne, %convert_element_type3A_702, %cond3A_703 : i32
      scf.if %cond3A_704 {
        %add3A_1134 = arith.constant 5 : i32
        %add3A_1135 = arith.addi %add3A_655, %add3A_1134 : i32
        %sub3A_1136 = arith.constant 1 : i32
        %sub3A_1137 = arith.subi %add3A_1135, %sub3A_1136 : i32
        %add3A_1138 = arith.addi %mul3A_2, %sub3A_1137 : i32
        %mul3A_1139 = arith.constant 40 : i32
        %mul3A_1140 = arith.muli %add3A_1138, %mul3A_1139 : i32
        %dma_wait3A_1141 = arith.constant 6 : i32
        %dma_wait3A_1142 = arith.constant 0 : i32
        %dma_wait3A_1143 = tpu.memref_slice %arg7[%dma_wait3A_1141, %dma_wait3A_1142] : memref<10x40xi32, #tpu.memory_space<vmem>> -> memref<1x40xi32, #tpu.memory_space<vmem>>
        %dma_wait3A_1144 = tpu.memref_squeeze %dma_wait3A_1143 : memref<1x40xi32, #tpu.memory_space<vmem>> -> memref<40xi32, #tpu.memory_space<vmem>>
        %dma_wait3A_1145 = tpu.memref_slice %arg2[%mul3A_1140] : memref<320000xi32, #tpu.memory_space<hbm>> -> memref<40xi32, #tpu.memory_space<hbm>>
        %dma_wait3A_1146 = arith.constant 0 : i32
        %dma_wait3A_1147 = tpu.memref_slice %arg7[%dma_wait3A_1141, %dma_wait3A_1146] : memref<10x40xi32, #tpu.memory_space<vmem>> -> memref<1x40xi32, #tpu.memory_space<vmem>>
        %dma_wait3A_1148 = tpu.memref_squeeze %dma_wait3A_1147 : memref<1x40xi32, #tpu.memory_space<vmem>> -> memref<40xi32, #tpu.memory_space<vmem>>
        %dma_wait3A_1149 = tpu.memref_slice %arg2[%mul3A_1140] : memref<320000xi32, #tpu.memory_space<hbm>> -> memref<40xi32, #tpu.memory_space<hbm>>
        tpu.wait_dma2 semaphore(%arg29 : memref<!tpu.dma_semaphore, #tpu.memory_space<semaphore_mem>>) src(%dma_wait3A_1149 : memref<40xi32, #tpu.memory_space<hbm>>) dst(%dma_wait3A_1148 : memref<40xi32, #tpu.memory_space<vmem>>)
        %dma_wait3A_1150 = arith.constant 6 : i32
        %dma_wait3A_1151 = arith.constant 0 : i32
        %dma_wait3A_1152 = tpu.memref_slice %arg8[%dma_wait3A_1150, %dma_wait3A_1151] : memref<10x40xi32, #tpu.memory_space<vmem>> -> memref<1x40xi32, #tpu.memory_space<vmem>>
        %dma_wait3A_1153 = tpu.memref_squeeze %dma_wait3A_1152 : memref<1x40xi32, #tpu.memory_space<vmem>> -> memref<40xi32, #tpu.memory_space<vmem>>
        %dma_wait3A_1154 = tpu.memref_slice %arg3[%mul3A_1140] : memref<320000xi32, #tpu.memory_space<hbm>> -> memref<40xi32, #tpu.memory_space<hbm>>
        %dma_wait3A_1155 = arith.constant 0 : i32
        %dma_wait3A_1156 = tpu.memref_slice %arg8[%dma_wait3A_1150, %dma_wait3A_1155] : memref<10x40xi32, #tpu.memory_space<vmem>> -> memref<1x40xi32, #tpu.memory_space<vmem>>
        %dma_wait3A_1157 = tpu.memref_squeeze %dma_wait3A_1156 : memref<1x40xi32, #tpu.memory_space<vmem>> -> memref<40xi32, #tpu.memory_space<vmem>>
        %dma_wait3A_1158 = tpu.memref_slice %arg3[%mul3A_1140] : memref<320000xi32, #tpu.memory_space<hbm>> -> memref<40xi32, #tpu.memory_space<hbm>>
        tpu.wait_dma2 semaphore(%arg29 : memref<!tpu.dma_semaphore, #tpu.memory_space<semaphore_mem>>) src(%dma_wait3A_1158 : memref<40xi32, #tpu.memory_space<hbm>>) dst(%dma_wait3A_1157 : memref<40xi32, #tpu.memory_space<vmem>>)
        %dma_wait3A_1159 = arith.constant 6 : i32
        %dma_wait3A_1160 = arith.constant 0 : i32
        %dma_wait3A_1161 = tpu.memref_slice %arg9[%dma_wait3A_1159, %dma_wait3A_1160] : memref<10x40xf32, #tpu.memory_space<vmem>> -> memref<1x40xf32, #tpu.memory_space<vmem>>
        %dma_wait3A_1162 = tpu.memref_squeeze %dma_wait3A_1161 : memref<1x40xf32, #tpu.memory_space<vmem>> -> memref<40xf32, #tpu.memory_space<vmem>>
        %dma_wait3A_1163 = tpu.memref_slice %arg4[%mul3A_1140] : memref<320000xf32, #tpu.memory_space<hbm>> -> memref<40xf32, #tpu.memory_space<hbm>>
        %dma_wait3A_1164 = arith.constant 0 : i32
        %dma_wait3A_1165 = tpu.memref_slice %arg9[%dma_wait3A_1159, %dma_wait3A_1164] : memref<10x40xf32, #tpu.memory_space<vmem>> -> memref<1x40xf32, #tpu.memory_space<vmem>>
        %dma_wait3A_1166 = tpu.memref_squeeze %dma_wait3A_1165 : memref<1x40xf32, #tpu.memory_space<vmem>> -> memref<40xf32, #tpu.memory_space<vmem>>
        %dma_wait3A_1167 = tpu.memref_slice %arg4[%mul3A_1140] : memref<320000xf32, #tpu.memory_space<hbm>> -> memref<40xf32, #tpu.memory_space<hbm>>
        tpu.wait_dma2 semaphore(%arg29 : memref<!tpu.dma_semaphore, #tpu.memory_space<semaphore_mem>>) src(%dma_wait3A_1167 : memref<40xf32, #tpu.memory_space<hbm>>) dst(%dma_wait3A_1166 : memref<40xf32, #tpu.memory_space<vmem>>)
        %dma_start3A_1168 = arith.constant 6 : i32
        %dma_start3A_1169 = arith.constant 1 : i32
        %dma_start3A_1170 = arith.constant 0 : i32
        %dma_start3A_1171 = arith.constant 0 : i32
        %dma_start3A_1172 = tpu.memref_slice %arg10[%dma_start3A_1169, %dma_start3A_1170, %dma_start3A_1171] : memref<5x40x128xf32, #tpu.memory_space<vmem>> -> memref<1x40x128xf32, #tpu.memory_space<vmem>>
        %dma_start3A_1173 = tpu.memref_squeeze %dma_start3A_1172 : memref<1x40x128xf32, #tpu.memory_space<vmem>> -> memref<40x128xf32, #tpu.memory_space<vmem>>
        %dma_start3A_1174 = arith.constant 0 : i32
        %dma_start3A_1175 = tpu.memref_slice %arg8[%dma_start3A_1168, %dma_start3A_1174] : memref<10x40xi32, #tpu.memory_space<vmem>> -> memref<1x40xi32, #tpu.memory_space<vmem>>
        %dma_start3A_1176 = tpu.memref_squeeze %dma_start3A_1175 : memref<1x40xi32, #tpu.memory_space<vmem>> -> memref<40xi32, #tpu.memory_space<vmem>>
        %dma_start3A_1177 = arith.constant 0 : i32
        %dma_start3A_1178 = arith.constant 0 : i32
        %dma_start3A_1179 = tpu.memref_slice %arg5[%dma_start3A_1177, %dma_start3A_1178] : memref<10000x128xf32, #tpu.memory_space<hbm>> -> memref<10000x128xf32, #tpu.memory_space<hbm>>
        tpu.enqueue_indirect_dma source(%dma_start3A_1179 : memref<10000x128xf32, #tpu.memory_space<hbm>>) target(%dma_start3A_1173 : memref<40x128xf32, #tpu.memory_space<vmem>>) offsets(%dma_start3A_1176 : memref<40xi32, #tpu.memory_space<vmem>>) semaphore(%arg14 : memref<!tpu.dma_semaphore, #tpu.memory_space<semaphore_mem>>)
      } else {
      }
      %add3A_705 = arith.constant 10 : i32
      %add3A_706 = arith.addi %add3A_655, %add3A_705 : i32
      %sub3A_707 = arith.constant 1 : i32
      %sub3A_708 = arith.subi %add3A_706, %sub3A_707 : i32
      %lt3A_709 = arith.constant 250 : i32
      %lt3A_710 = arith.cmpi slt, %sub3A_708, %lt3A_709 : i32
      %convert_element_type3A_711 = arith.extui %lt3A_710 : i1 to i32
      %cond3A_712 = arith.constant 0 : i32
      %cond3A_713 = arith.cmpi ne, %convert_element_type3A_711, %cond3A_712 : i32
      scf.if %cond3A_713 {
        %add3A_1134 = arith.constant 10 : i32
        %add3A_1135 = arith.addi %add3A_655, %add3A_1134 : i32
        %sub3A_1136 = arith.constant 1 : i32
        %sub3A_1137 = arith.subi %add3A_1135, %sub3A_1136 : i32
        %add3A_1138 = arith.addi %mul3A_2, %sub3A_1137 : i32
        %mul3A_1139 = arith.constant 40 : i32
        %mul3A_1140 = arith.muli %add3A_1138, %mul3A_1139 : i32
        %dma_start3A_1141 = arith.constant 1 : i32
        %dma_start3A_1142 = arith.constant 0 : i32
        %dma_start3A_1143 = tpu.memref_slice %arg7[%dma_start3A_1141, %dma_start3A_1142] : memref<10x40xi32, #tpu.memory_space<vmem>> -> memref<1x40xi32, #tpu.memory_space<vmem>>
        %dma_start3A_1144 = tpu.memref_squeeze %dma_start3A_1143 : memref<1x40xi32, #tpu.memory_space<vmem>> -> memref<40xi32, #tpu.memory_space<vmem>>
        %dma_start3A_1145 = tpu.memref_slice %arg2[%mul3A_1140] : memref<320000xi32, #tpu.memory_space<hbm>> -> memref<40xi32, #tpu.memory_space<hbm>>
        %dma_start3A_1146 = arith.constant 0 : i32
        %dma_start3A_1147 = tpu.memref_slice %arg7[%dma_start3A_1141, %dma_start3A_1146] : memref<10x40xi32, #tpu.memory_space<vmem>> -> memref<1x40xi32, #tpu.memory_space<vmem>>
        %dma_start3A_1148 = tpu.memref_squeeze %dma_start3A_1147 : memref<1x40xi32, #tpu.memory_space<vmem>> -> memref<40xi32, #tpu.memory_space<vmem>>
        %dma_start3A_1149 = tpu.memref_slice %arg2[%mul3A_1140] : memref<320000xi32, #tpu.memory_space<hbm>> -> memref<40xi32, #tpu.memory_space<hbm>>
        tpu.enqueue_dma source(%dma_start3A_1149 : memref<40xi32, #tpu.memory_space<hbm>>) target(%dma_start3A_1148 : memref<40xi32, #tpu.memory_space<vmem>>) target_semaphore(%arg24 : memref<!tpu.dma_semaphore, #tpu.memory_space<semaphore_mem>>)
        %dma_start3A_1150 = arith.constant 1 : i32
        %dma_start3A_1151 = arith.constant 0 : i32
        %dma_start3A_1152 = tpu.memref_slice %arg8[%dma_start3A_1150, %dma_start3A_1151] : memref<10x40xi32, #tpu.memory_space<vmem>> -> memref<1x40xi32, #tpu.memory_space<vmem>>
        %dma_start3A_1153 = tpu.memref_squeeze %dma_start3A_1152 : memref<1x40xi32, #tpu.memory_space<vmem>> -> memref<40xi32, #tpu.memory_space<vmem>>
        %dma_start3A_1154 = tpu.memref_slice %arg3[%mul3A_1140] : memref<320000xi32, #tpu.memory_space<hbm>> -> memref<40xi32, #tpu.memory_space<hbm>>
        %dma_start3A_1155 = arith.constant 0 : i32
        %dma_start3A_1156 = tpu.memref_slice %arg8[%dma_start3A_1150, %dma_start3A_1155] : memref<10x40xi32, #tpu.memory_space<vmem>> -> memref<1x40xi32, #tpu.memory_space<vmem>>
        %dma_start3A_1157 = tpu.memref_squeeze %dma_start3A_1156 : memref<1x40xi32, #tpu.memory_space<vmem>> -> memref<40xi32, #tpu.memory_space<vmem>>
        %dma_start3A_1158 = tpu.memref_slice %arg3[%mul3A_1140] : memref<320000xi32, #tpu.memory_space<hbm>> -> memref<40xi32, #tpu.memory_space<hbm>>
        tpu.enqueue_dma source(%dma_start3A_1158 : memref<40xi32, #tpu.memory_space<hbm>>) target(%dma_start3A_1157 : memref<40xi32, #tpu.memory_space<vmem>>) target_semaphore(%arg24 : memref<!tpu.dma_semaphore, #tpu.memory_space<semaphore_mem>>)
        %dma_start3A_1159 = arith.constant 1 : i32
        %dma_start3A_1160 = arith.constant 0 : i32
        %dma_start3A_1161 = tpu.memref_slice %arg9[%dma_start3A_1159, %dma_start3A_1160] : memref<10x40xf32, #tpu.memory_space<vmem>> -> memref<1x40xf32, #tpu.memory_space<vmem>>
        %dma_start3A_1162 = tpu.memref_squeeze %dma_start3A_1161 : memref<1x40xf32, #tpu.memory_space<vmem>> -> memref<40xf32, #tpu.memory_space<vmem>>
        %dma_start3A_1163 = tpu.memref_slice %arg4[%mul3A_1140] : memref<320000xf32, #tpu.memory_space<hbm>> -> memref<40xf32, #tpu.memory_space<hbm>>
        %dma_start3A_1164 = arith.constant 0 : i32
        %dma_start3A_1165 = tpu.memref_slice %arg9[%dma_start3A_1159, %dma_start3A_1164] : memref<10x40xf32, #tpu.memory_space<vmem>> -> memref<1x40xf32, #tpu.memory_space<vmem>>
        %dma_start3A_1166 = tpu.memref_squeeze %dma_start3A_1165 : memref<1x40xf32, #tpu.memory_space<vmem>> -> memref<40xf32, #tpu.memory_space<vmem>>
        %dma_start3A_1167 = tpu.memref_slice %arg4[%mul3A_1140] : memref<320000xf32, #tpu.memory_space<hbm>> -> memref<40xf32, #tpu.memory_space<hbm>>
        tpu.enqueue_dma source(%dma_start3A_1167 : memref<40xf32, #tpu.memory_space<hbm>>) target(%dma_start3A_1166 : memref<40xf32, #tpu.memory_space<vmem>>) target_semaphore(%arg24 : memref<!tpu.dma_semaphore, #tpu.memory_space<semaphore_mem>>)
      } else {
      }
      %add3A_714 = arith.constant 3 : i32
      %add3A_715 = arith.addi %mul3A_561, %add3A_714 : i32
      %dma_wait3A_716 = arith.constant 3 : i32
      %dma_wait3A_717 = arith.constant 3 : i32
      %dma_wait3A_718 = arith.constant 0 : i32
      %dma_wait3A_719 = arith.constant 0 : i32
      %dma_wait3A_720 = tpu.memref_slice %arg10[%dma_wait3A_717, %dma_wait3A_718, %dma_wait3A_719] : memref<5x40x128xf32, #tpu.memory_space<vmem>> -> memref<1x40x128xf32, #tpu.memory_space<vmem>>
      %dma_wait3A_721 = tpu.memref_squeeze %dma_wait3A_720 : memref<1x40x128xf32, #tpu.memory_space<vmem>> -> memref<40x128xf32, #tpu.memory_space<vmem>>
      %dma_wait3A_722 = arith.constant 0 : i32
      %dma_wait3A_723 = tpu.memref_slice %arg8[%dma_wait3A_716, %dma_wait3A_722] : memref<10x40xi32, #tpu.memory_space<vmem>> -> memref<1x40xi32, #tpu.memory_space<vmem>>
      %dma_wait3A_724 = tpu.memref_squeeze %dma_wait3A_723 : memref<1x40xi32, #tpu.memory_space<vmem>> -> memref<40xi32, #tpu.memory_space<vmem>>
      %dma_wait3A_725 = arith.constant 0 : i32
      %dma_wait3A_726 = arith.constant 0 : i32
      %dma_wait3A_727 = tpu.memref_slice %arg5[%dma_wait3A_725, %dma_wait3A_726] : memref<10000x128xf32, #tpu.memory_space<hbm>> -> memref<10000x128xf32, #tpu.memory_space<hbm>>
      tpu.wait_indirect_dma semaphore(%arg16 : memref<!tpu.dma_semaphore, #tpu.memory_space<semaphore_mem>>) src(%dma_wait3A_727 : memref<10000x128xf32, #tpu.memory_space<hbm>>) dst(%dma_wait3A_721 : memref<40x128xf32, #tpu.memory_space<vmem>>)
      %parallel_loop3A_728 = arith.constant 0 : i32
      %parallel_loop3A_729 = arith.constant 40 : i32
      %parallel_loop3A_730 = arith.constant 1 : i32
      %parallel_loop3A_731 = arith.constant 3 : i32
      scf.for %parallel_loop3A_1134 = %parallel_loop3A_728 to %parallel_loop3A_729 step %parallel_loop3A_730  : i32 {
        %parallel_loop3A_1135 = vector.broadcast %parallel_loop3A_1134 : i32 to vector<16xi32>
        %parallel_loop3A_1136 = arith.constant 3 : i32
        %parallel_loop3A_1137 = arith.constant 0 : i32
        %parallel_loop3A_1138 = tpu.memref_slice %arg9[%parallel_loop3A_1136, %parallel_loop3A_1137] : memref<10x40xf32, #tpu.memory_space<vmem>> -> memref<1x40xf32, #tpu.memory_space<vmem>>
        %parallel_loop3A_1139 = tpu.memref_squeeze %parallel_loop3A_1138 : memref<1x40xf32, #tpu.memory_space<vmem>> -> memref<40xf32, #tpu.memory_space<vmem>>
        %parallel_loop3A_1140 = tpu.vector_load_idx %parallel_loop3A_1139[%parallel_loop3A_1135] : memref<40xf32, #tpu.memory_space<vmem>>[vector<16xi32>], vector<16xf32>,
        %parallel_loop3A_1141 = arith.constant 0 : i32
        %parallel_loop3A_1142 = arith.constant 0 : i32
        %parallel_loop3A_1143 = tpu.memref_slice %arg10[%parallel_loop3A_731, %parallel_loop3A_1141, %parallel_loop3A_1142] : memref<5x40x128xf32, #tpu.memory_space<vmem>> -> memref<1x40x128xf32, #tpu.memory_space<vmem>>
        %parallel_loop3A_1144 = tpu.memref_squeeze %parallel_loop3A_1143 : memref<1x40x128xf32, #tpu.memory_space<vmem>> -> memref<40x128xf32, #tpu.memory_space<vmem>>
        %parallel_loop3A_1145 = arith.index_cast %parallel_loop3A_1134 : i32 to index
        %parallel_loop3A_1146 = arith.constant 0 : index
        %parallel_loop3A_1147 = tpu.vector_load %parallel_loop3A_1144[%parallel_loop3A_1145, %parallel_loop3A_1146] {strides = array<i32>} : memref<40x128xf32, #tpu.memory_space<vmem>>, vector<16xf32>,
        %parallel_loop3A_1148 = arith.mulf %parallel_loop3A_1147, %parallel_loop3A_1140 : vector<16xf32>
        %parallel_loop3A_1149 = arith.constant 0 : i32
        %parallel_loop3A_1150 = arith.constant 0 : i32
        %parallel_loop3A_1151 = tpu.memref_slice %arg10[%parallel_loop3A_731, %parallel_loop3A_1149, %parallel_loop3A_1150] : memref<5x40x128xf32, #tpu.memory_space<vmem>> -> memref<1x40x128xf32, #tpu.memory_space<vmem>>
        %parallel_loop3A_1152 = tpu.memref_squeeze %parallel_loop3A_1151 : memref<1x40x128xf32, #tpu.memory_space<vmem>> -> memref<40x128xf32, #tpu.memory_space<vmem>>
        %parallel_loop3A_1153 = arith.index_cast %parallel_loop3A_1134 : i32 to index
        %parallel_loop3A_1154 = arith.constant 0 : index
        %parallel_loop3A_1155 = tpu.vector_load %parallel_loop3A_1152[%parallel_loop3A_1153, %parallel_loop3A_1154] {strides = array<i32>} : memref<40x128xf32, #tpu.memory_space<vmem>>, vector<16xf32>,
        tpu.vector_store %parallel_loop3A_1152[%parallel_loop3A_1153, %parallel_loop3A_1154], %parallel_loop3A_1148 {strides = array<i32>} : memref<40x128xf32, #tpu.memory_space<vmem>>, vector<16xf32>,
        %parallel_loop3A_1156 = arith.constant 0 : i32
        %parallel_loop3A_1157 = arith.constant 0 : i32
        %parallel_loop3A_1158 = tpu.memref_slice %arg10[%parallel_loop3A_731, %parallel_loop3A_1156, %parallel_loop3A_1157] : memref<5x40x128xf32, #tpu.memory_space<vmem>> -> memref<1x40x128xf32, #tpu.memory_space<vmem>>
        %parallel_loop3A_1159 = tpu.memref_squeeze %parallel_loop3A_1158 : memref<1x40x128xf32, #tpu.memory_space<vmem>> -> memref<40x128xf32, #tpu.memory_space<vmem>>
        %parallel_loop3A_1160 = arith.index_cast %parallel_loop3A_1134 : i32 to index
        %parallel_loop3A_1161 = arith.constant 16 : index
        %parallel_loop3A_1162 = tpu.vector_load %parallel_loop3A_1159[%parallel_loop3A_1160, %parallel_loop3A_1161] {strides = array<i32>} : memref<40x128xf32, #tpu.memory_space<vmem>>, vector<16xf32>,
        %parallel_loop3A_1163 = arith.mulf %parallel_loop3A_1162, %parallel_loop3A_1140 : vector<16xf32>
        %parallel_loop3A_1164 = arith.constant 0 : i32
        %parallel_loop3A_1165 = arith.constant 0 : i32
        %parallel_loop3A_1166 = tpu.memref_slice %arg10[%parallel_loop3A_731, %parallel_loop3A_1164, %parallel_loop3A_1165] : memref<5x40x128xf32, #tpu.memory_space<vmem>> -> memref<1x40x128xf32, #tpu.memory_space<vmem>>
        %parallel_loop3A_1167 = tpu.memref_squeeze %parallel_loop3A_1166 : memref<1x40x128xf32, #tpu.memory_space<vmem>> -> memref<40x128xf32, #tpu.memory_space<vmem>>
        %parallel_loop3A_1168 = arith.index_cast %parallel_loop3A_1134 : i32 to index
        %parallel_loop3A_1169 = arith.constant 16 : index
        %parallel_loop3A_1170 = tpu.vector_load %parallel_loop3A_1167[%parallel_loop3A_1168, %parallel_loop3A_1169] {strides = array<i32>} : memref<40x128xf32, #tpu.memory_space<vmem>>, vector<16xf32>,
        tpu.vector_store %parallel_loop3A_1167[%parallel_loop3A_1168, %parallel_loop3A_1169], %parallel_loop3A_1163 {strides = array<i32>} : memref<40x128xf32, #tpu.memory_space<vmem>>, vector<16xf32>,
        %parallel_loop3A_1171 = arith.constant 0 : i32
        %parallel_loop3A_1172 = arith.constant 0 : i32
        %parallel_loop3A_1173 = tpu.memref_slice %arg10[%parallel_loop3A_731, %parallel_loop3A_1171, %parallel_loop3A_1172] : memref<5x40x128xf32, #tpu.memory_space<vmem>> -> memref<1x40x128xf32, #tpu.memory_space<vmem>>
        %parallel_loop3A_1174 = tpu.memref_squeeze %parallel_loop3A_1173 : memref<1x40x128xf32, #tpu.memory_space<vmem>> -> memref<40x128xf32, #tpu.memory_space<vmem>>
        %parallel_loop3A_1175 = arith.index_cast %parallel_loop3A_1134 : i32 to index
        %parallel_loop3A_1176 = arith.constant 32 : index
        %parallel_loop3A_1177 = tpu.vector_load %parallel_loop3A_1174[%parallel_loop3A_1175, %parallel_loop3A_1176] {strides = array<i32>} : memref<40x128xf32, #tpu.memory_space<vmem>>, vector<16xf32>,
        %parallel_loop3A_1178 = arith.mulf %parallel_loop3A_1177, %parallel_loop3A_1140 : vector<16xf32>
        %parallel_loop3A_1179 = arith.constant 0 : i32
        %parallel_loop3A_1180 = arith.constant 0 : i32
        %parallel_loop3A_1181 = tpu.memref_slice %arg10[%parallel_loop3A_731, %parallel_loop3A_1179, %parallel_loop3A_1180] : memref<5x40x128xf32, #tpu.memory_space<vmem>> -> memref<1x40x128xf32, #tpu.memory_space<vmem>>
        %parallel_loop3A_1182 = tpu.memref_squeeze %parallel_loop3A_1181 : memref<1x40x128xf32, #tpu.memory_space<vmem>> -> memref<40x128xf32, #tpu.memory_space<vmem>>
        %parallel_loop3A_1183 = arith.index_cast %parallel_loop3A_1134 : i32 to index
        %parallel_loop3A_1184 = arith.constant 32 : index
        %parallel_loop3A_1185 = tpu.vector_load %parallel_loop3A_1182[%parallel_loop3A_1183, %parallel_loop3A_1184] {strides = array<i32>} : memref<40x128xf32, #tpu.memory_space<vmem>>, vector<16xf32>,
        tpu.vector_store %parallel_loop3A_1182[%parallel_loop3A_1183, %parallel_loop3A_1184], %parallel_loop3A_1178 {strides = array<i32>} : memref<40x128xf32, #tpu.memory_space<vmem>>, vector<16xf32>,
        %parallel_loop3A_1186 = arith.constant 0 : i32
        %parallel_loop3A_1187 = arith.constant 0 : i32
        %parallel_loop3A_1188 = tpu.memref_slice %arg10[%parallel_loop3A_731, %parallel_loop3A_1186, %parallel_loop3A_1187] : memref<5x40x128xf32, #tpu.memory_space<vmem>> -> memref<1x40x128xf32, #tpu.memory_space<vmem>>
        %parallel_loop3A_1189 = tpu.memref_squeeze %parallel_loop3A_1188 : memref<1x40x128xf32, #tpu.memory_space<vmem>> -> memref<40x128xf32, #tpu.memory_space<vmem>>
        %parallel_loop3A_1190 = arith.index_cast %parallel_loop3A_1134 : i32 to index
        %parallel_loop3A_1191 = arith.constant 48 : index
        %parallel_loop3A_1192 = tpu.vector_load %parallel_loop3A_1189[%parallel_loop3A_1190, %parallel_loop3A_1191] {strides = array<i32>} : memref<40x128xf32, #tpu.memory_space<vmem>>, vector<16xf32>,
        %parallel_loop3A_1193 = arith.mulf %parallel_loop3A_1192, %parallel_loop3A_1140 : vector<16xf32>
        %parallel_loop3A_1194 = arith.constant 0 : i32
        %parallel_loop3A_1195 = arith.constant 0 : i32
        %parallel_loop3A_1196 = tpu.memref_slice %arg10[%parallel_loop3A_731, %parallel_loop3A_1194, %parallel_loop3A_1195] : memref<5x40x128xf32, #tpu.memory_space<vmem>> -> memref<1x40x128xf32, #tpu.memory_space<vmem>>
        %parallel_loop3A_1197 = tpu.memref_squeeze %parallel_loop3A_1196 : memref<1x40x128xf32, #tpu.memory_space<vmem>> -> memref<40x128xf32, #tpu.memory_space<vmem>>
        %parallel_loop3A_1198 = arith.index_cast %parallel_loop3A_1134 : i32 to index
        %parallel_loop3A_1199 = arith.constant 48 : index
        %parallel_loop3A_1200 = tpu.vector_load %parallel_loop3A_1197[%parallel_loop3A_1198, %parallel_loop3A_1199] {strides = array<i32>} : memref<40x128xf32, #tpu.memory_space<vmem>>, vector<16xf32>,
        tpu.vector_store %parallel_loop3A_1197[%parallel_loop3A_1198, %parallel_loop3A_1199], %parallel_loop3A_1193 {strides = array<i32>} : memref<40x128xf32, #tpu.memory_space<vmem>>, vector<16xf32>,
        %parallel_loop3A_1201 = arith.constant 0 : i32
        %parallel_loop3A_1202 = arith.constant 0 : i32
        %parallel_loop3A_1203 = tpu.memref_slice %arg10[%parallel_loop3A_731, %parallel_loop3A_1201, %parallel_loop3A_1202] : memref<5x40x128xf32, #tpu.memory_space<vmem>> -> memref<1x40x128xf32, #tpu.memory_space<vmem>>
        %parallel_loop3A_1204 = tpu.memref_squeeze %parallel_loop3A_1203 : memref<1x40x128xf32, #tpu.memory_space<vmem>> -> memref<40x128xf32, #tpu.memory_space<vmem>>
        %parallel_loop3A_1205 = arith.index_cast %parallel_loop3A_1134 : i32 to index
        %parallel_loop3A_1206 = arith.constant 64 : index
        %parallel_loop3A_1207 = tpu.vector_load %parallel_loop3A_1204[%parallel_loop3A_1205, %parallel_loop3A_1206] {strides = array<i32>} : memref<40x128xf32, #tpu.memory_space<vmem>>, vector<16xf32>,
        %parallel_loop3A_1208 = arith.mulf %parallel_loop3A_1207, %parallel_loop3A_1140 : vector<16xf32>
        %parallel_loop3A_1209 = arith.constant 0 : i32
        %parallel_loop3A_1210 = arith.constant 0 : i32
        %parallel_loop3A_1211 = tpu.memref_slice %arg10[%parallel_loop3A_731, %parallel_loop3A_1209, %parallel_loop3A_1210] : memref<5x40x128xf32, #tpu.memory_space<vmem>> -> memref<1x40x128xf32, #tpu.memory_space<vmem>>
        %parallel_loop3A_1212 = tpu.memref_squeeze %parallel_loop3A_1211 : memref<1x40x128xf32, #tpu.memory_space<vmem>> -> memref<40x128xf32, #tpu.memory_space<vmem>>
        %parallel_loop3A_1213 = arith.index_cast %parallel_loop3A_1134 : i32 to index
        %parallel_loop3A_1214 = arith.constant 64 : index
        %parallel_loop3A_1215 = tpu.vector_load %parallel_loop3A_1212[%parallel_loop3A_1213, %parallel_loop3A_1214] {strides = array<i32>} : memref<40x128xf32, #tpu.memory_space<vmem>>, vector<16xf32>,
        tpu.vector_store %parallel_loop3A_1212[%parallel_loop3A_1213, %parallel_loop3A_1214], %parallel_loop3A_1208 {strides = array<i32>} : memref<40x128xf32, #tpu.memory_space<vmem>>, vector<16xf32>,
        %parallel_loop3A_1216 = arith.constant 0 : i32
        %parallel_loop3A_1217 = arith.constant 0 : i32
        %parallel_loop3A_1218 = tpu.memref_slice %arg10[%parallel_loop3A_731, %parallel_loop3A_1216, %parallel_loop3A_1217] : memref<5x40x128xf32, #tpu.memory_space<vmem>> -> memref<1x40x128xf32, #tpu.memory_space<vmem>>
        %parallel_loop3A_1219 = tpu.memref_squeeze %parallel_loop3A_1218 : memref<1x40x128xf32, #tpu.memory_space<vmem>> -> memref<40x128xf32, #tpu.memory_space<vmem>>
        %parallel_loop3A_1220 = arith.index_cast %parallel_loop3A_1134 : i32 to index
        %parallel_loop3A_1221 = arith.constant 80 : index
        %parallel_loop3A_1222 = tpu.vector_load %parallel_loop3A_1219[%parallel_loop3A_1220, %parallel_loop3A_1221] {strides = array<i32>} : memref<40x128xf32, #tpu.memory_space<vmem>>, vector<16xf32>,
        %parallel_loop3A_1223 = arith.mulf %parallel_loop3A_1222, %parallel_loop3A_1140 : vector<16xf32>
        %parallel_loop3A_1224 = arith.constant 0 : i32
        %parallel_loop3A_1225 = arith.constant 0 : i32
        %parallel_loop3A_1226 = tpu.memref_slice %arg10[%parallel_loop3A_731, %parallel_loop3A_1224, %parallel_loop3A_1225] : memref<5x40x128xf32, #tpu.memory_space<vmem>> -> memref<1x40x128xf32, #tpu.memory_space<vmem>>
        %parallel_loop3A_1227 = tpu.memref_squeeze %parallel_loop3A_1226 : memref<1x40x128xf32, #tpu.memory_space<vmem>> -> memref<40x128xf32, #tpu.memory_space<vmem>>
        %parallel_loop3A_1228 = arith.index_cast %parallel_loop3A_1134 : i32 to index
        %parallel_loop3A_1229 = arith.constant 80 : index
        %parallel_loop3A_1230 = tpu.vector_load %parallel_loop3A_1227[%parallel_loop3A_1228, %parallel_loop3A_1229] {strides = array<i32>} : memref<40x128xf32, #tpu.memory_space<vmem>>, vector<16xf32>,
        tpu.vector_store %parallel_loop3A_1227[%parallel_loop3A_1228, %parallel_loop3A_1229], %parallel_loop3A_1223 {strides = array<i32>} : memref<40x128xf32, #tpu.memory_space<vmem>>, vector<16xf32>,
        %parallel_loop3A_1231 = arith.constant 0 : i32
        %parallel_loop3A_1232 = arith.constant 0 : i32
        %parallel_loop3A_1233 = tpu.memref_slice %arg10[%parallel_loop3A_731, %parallel_loop3A_1231, %parallel_loop3A_1232] : memref<5x40x128xf32, #tpu.memory_space<vmem>> -> memref<1x40x128xf32, #tpu.memory_space<vmem>>
        %parallel_loop3A_1234 = tpu.memref_squeeze %parallel_loop3A_1233 : memref<1x40x128xf32, #tpu.memory_space<vmem>> -> memref<40x128xf32, #tpu.memory_space<vmem>>
        %parallel_loop3A_1235 = arith.index_cast %parallel_loop3A_1134 : i32 to index
        %parallel_loop3A_1236 = arith.constant 96 : index
        %parallel_loop3A_1237 = tpu.vector_load %parallel_loop3A_1234[%parallel_loop3A_1235, %parallel_loop3A_1236] {strides = array<i32>} : memref<40x128xf32, #tpu.memory_space<vmem>>, vector<16xf32>,
        %parallel_loop3A_1238 = arith.mulf %parallel_loop3A_1237, %parallel_loop3A_1140 : vector<16xf32>
        %parallel_loop3A_1239 = arith.constant 0 : i32
        %parallel_loop3A_1240 = arith.constant 0 : i32
        %parallel_loop3A_1241 = tpu.memref_slice %arg10[%parallel_loop3A_731, %parallel_loop3A_1239, %parallel_loop3A_1240] : memref<5x40x128xf32, #tpu.memory_space<vmem>> -> memref<1x40x128xf32, #tpu.memory_space<vmem>>
        %parallel_loop3A_1242 = tpu.memref_squeeze %parallel_loop3A_1241 : memref<1x40x128xf32, #tpu.memory_space<vmem>> -> memref<40x128xf32, #tpu.memory_space<vmem>>
        %parallel_loop3A_1243 = arith.index_cast %parallel_loop3A_1134 : i32 to index
        %parallel_loop3A_1244 = arith.constant 96 : index
        %parallel_loop3A_1245 = tpu.vector_load %parallel_loop3A_1242[%parallel_loop3A_1243, %parallel_loop3A_1244] {strides = array<i32>} : memref<40x128xf32, #tpu.memory_space<vmem>>, vector<16xf32>,
        tpu.vector_store %parallel_loop3A_1242[%parallel_loop3A_1243, %parallel_loop3A_1244], %parallel_loop3A_1238 {strides = array<i32>} : memref<40x128xf32, #tpu.memory_space<vmem>>, vector<16xf32>,
        %parallel_loop3A_1246 = arith.constant 0 : i32
        %parallel_loop3A_1247 = arith.constant 0 : i32
        %parallel_loop3A_1248 = tpu.memref_slice %arg10[%parallel_loop3A_731, %parallel_loop3A_1246, %parallel_loop3A_1247] : memref<5x40x128xf32, #tpu.memory_space<vmem>> -> memref<1x40x128xf32, #tpu.memory_space<vmem>>
        %parallel_loop3A_1249 = tpu.memref_squeeze %parallel_loop3A_1248 : memref<1x40x128xf32, #tpu.memory_space<vmem>> -> memref<40x128xf32, #tpu.memory_space<vmem>>
        %parallel_loop3A_1250 = arith.index_cast %parallel_loop3A_1134 : i32 to index
        %parallel_loop3A_1251 = arith.constant 112 : index
        %parallel_loop3A_1252 = tpu.vector_load %parallel_loop3A_1249[%parallel_loop3A_1250, %parallel_loop3A_1251] {strides = array<i32>} : memref<40x128xf32, #tpu.memory_space<vmem>>, vector<16xf32>,
        %parallel_loop3A_1253 = arith.mulf %parallel_loop3A_1252, %parallel_loop3A_1140 : vector<16xf32>
        %parallel_loop3A_1254 = arith.constant 0 : i32
        %parallel_loop3A_1255 = arith.constant 0 : i32
        %parallel_loop3A_1256 = tpu.memref_slice %arg10[%parallel_loop3A_731, %parallel_loop3A_1254, %parallel_loop3A_1255] : memref<5x40x128xf32, #tpu.memory_space<vmem>> -> memref<1x40x128xf32, #tpu.memory_space<vmem>>
        %parallel_loop3A_1257 = tpu.memref_squeeze %parallel_loop3A_1256 : memref<1x40x128xf32, #tpu.memory_space<vmem>> -> memref<40x128xf32, #tpu.memory_space<vmem>>
        %parallel_loop3A_1258 = arith.index_cast %parallel_loop3A_1134 : i32 to index
        %parallel_loop3A_1259 = arith.constant 112 : index
        %parallel_loop3A_1260 = tpu.vector_load %parallel_loop3A_1257[%parallel_loop3A_1258, %parallel_loop3A_1259] {strides = array<i32>} : memref<40x128xf32, #tpu.memory_space<vmem>>, vector<16xf32>,
        tpu.vector_store %parallel_loop3A_1257[%parallel_loop3A_1258, %parallel_loop3A_1259], %parallel_loop3A_1253 {strides = array<i32>} : memref<40x128xf32, #tpu.memory_space<vmem>>, vector<16xf32>,
      } {sc.loop_unroll_factor = 2 : i64, sc.parallel_access}
      %dma_start3A_732 = arith.constant 3 : i32
      %dma_start3A_733 = arith.constant 3 : i32
      %dma_start3A_734 = arith.constant 0 : i32
      %dma_start3A_735 = arith.constant 0 : i32
      %dma_start3A_736 = tpu.memref_slice %arg10[%dma_start3A_732, %dma_start3A_734, %dma_start3A_735] : memref<5x40x128xf32, #tpu.memory_space<vmem>> -> memref<1x40x128xf32, #tpu.memory_space<vmem>>
      %dma_start3A_737 = tpu.memref_squeeze %dma_start3A_736 : memref<1x40x128xf32, #tpu.memory_space<vmem>> -> memref<40x128xf32, #tpu.memory_space<vmem>>
      %dma_start3A_738 = arith.constant 0 : i32
      %dma_start3A_739 = tpu.memref_slice %arg7[%dma_start3A_733, %dma_start3A_738] : memref<10x40xi32, #tpu.memory_space<vmem>> -> memref<1x40xi32, #tpu.memory_space<vmem>>
      %dma_start3A_740 = tpu.memref_squeeze %dma_start3A_739 : memref<1x40xi32, #tpu.memory_space<vmem>> -> memref<40xi32, #tpu.memory_space<vmem>>
      %dma_start3A_741 = arith.constant 0 : i32
      %dma_start3A_742 = arith.constant 0 : i32
      %dma_start3A_743 = tpu.memref_slice %arg12[%dma_start3A_741, %dma_start3A_742] : memref<10000x128xf32, #tpu.memory_space<vmem_shared>> -> memref<10000x128xf32, #tpu.memory_space<vmem_shared>>
      tpu.enqueue_indirect_dma source(%dma_start3A_737 : memref<40x128xf32, #tpu.memory_space<vmem>>) target(%dma_start3A_743 : memref<10000x128xf32, #tpu.memory_space<vmem_shared>>) offsets(%dma_start3A_740 : memref<40xi32, #tpu.memory_space<vmem>>) semaphore(%arg21 : memref<!tpu.dma_semaphore, #tpu.memory_space<semaphore_mem>>) {add = true}
      %dma_wait3A_744 = arith.constant 2 : i32
      %dma_wait3A_745 = arith.constant 2 : i32
      %dma_wait3A_746 = arith.constant 0 : i32
      %dma_wait3A_747 = arith.constant 0 : i32
      %dma_wait3A_748 = tpu.memref_slice %arg10[%dma_wait3A_744, %dma_wait3A_746, %dma_wait3A_747] : memref<5x40x128xf32, #tpu.memory_space<vmem>> -> memref<1x40x128xf32, #tpu.memory_space<vmem>>
      %dma_wait3A_749 = tpu.memref_squeeze %dma_wait3A_748 : memref<1x40x128xf32, #tpu.memory_space<vmem>> -> memref<40x128xf32, #tpu.memory_space<vmem>>
      %dma_wait3A_750 = arith.constant 0 : i32
      %dma_wait3A_751 = tpu.memref_slice %arg7[%dma_wait3A_745, %dma_wait3A_750] : memref<10x40xi32, #tpu.memory_space<vmem>> -> memref<1x40xi32, #tpu.memory_space<vmem>>
      %dma_wait3A_752 = tpu.memref_squeeze %dma_wait3A_751 : memref<1x40xi32, #tpu.memory_space<vmem>> -> memref<40xi32, #tpu.memory_space<vmem>>
      %dma_wait3A_753 = arith.constant 0 : i32
      %dma_wait3A_754 = arith.constant 0 : i32
      %dma_wait3A_755 = tpu.memref_slice %arg12[%dma_wait3A_753, %dma_wait3A_754] : memref<10000x128xf32, #tpu.memory_space<vmem_shared>> -> memref<10000x128xf32, #tpu.memory_space<vmem_shared>>
      tpu.wait_indirect_dma semaphore(%arg20 : memref<!tpu.dma_semaphore, #tpu.memory_space<semaphore_mem>>) src(%dma_wait3A_749 : memref<40x128xf32, #tpu.memory_space<vmem>>) dst(%dma_wait3A_755 : memref<10000x128xf32, #tpu.memory_space<vmem_shared>>)
      %add3A_756 = arith.constant 5 : i32
      %add3A_757 = arith.addi %add3A_715, %add3A_756 : i32
      %sub3A_758 = arith.constant 1 : i32
      %sub3A_759 = arith.subi %add3A_757, %sub3A_758 : i32
      %lt3A_760 = arith.constant 250 : i32
      %lt3A_761 = arith.cmpi slt, %sub3A_759, %lt3A_760 : i32
      %convert_element_type3A_762 = arith.extui %lt3A_761 : i1 to i32
      %cond3A_763 = arith.constant 0 : i32
      %cond3A_764 = arith.cmpi ne, %convert_element_type3A_762, %cond3A_763 : i32
      scf.if %cond3A_764 {
        %add3A_1134 = arith.constant 5 : i32
        %add3A_1135 = arith.addi %add3A_715, %add3A_1134 : i32
        %sub3A_1136 = arith.constant 1 : i32
        %sub3A_1137 = arith.subi %add3A_1135, %sub3A_1136 : i32
        %add3A_1138 = arith.addi %mul3A_2, %sub3A_1137 : i32
        %mul3A_1139 = arith.constant 40 : i32
        %mul3A_1140 = arith.muli %add3A_1138, %mul3A_1139 : i32
        %dma_wait3A_1141 = arith.constant 7 : i32
        %dma_wait3A_1142 = arith.constant 0 : i32
        %dma_wait3A_1143 = tpu.memref_slice %arg7[%dma_wait3A_1141, %dma_wait3A_1142] : memref<10x40xi32, #tpu.memory_space<vmem>> -> memref<1x40xi32, #tpu.memory_space<vmem>>
        %dma_wait3A_1144 = tpu.memref_squeeze %dma_wait3A_1143 : memref<1x40xi32, #tpu.memory_space<vmem>> -> memref<40xi32, #tpu.memory_space<vmem>>
        %dma_wait3A_1145 = tpu.memref_slice %arg2[%mul3A_1140] : memref<320000xi32, #tpu.memory_space<hbm>> -> memref<40xi32, #tpu.memory_space<hbm>>
        %dma_wait3A_1146 = arith.constant 0 : i32
        %dma_wait3A_1147 = tpu.memref_slice %arg7[%dma_wait3A_1141, %dma_wait3A_1146] : memref<10x40xi32, #tpu.memory_space<vmem>> -> memref<1x40xi32, #tpu.memory_space<vmem>>
        %dma_wait3A_1148 = tpu.memref_squeeze %dma_wait3A_1147 : memref<1x40xi32, #tpu.memory_space<vmem>> -> memref<40xi32, #tpu.memory_space<vmem>>
        %dma_wait3A_1149 = tpu.memref_slice %arg2[%mul3A_1140] : memref<320000xi32, #tpu.memory_space<hbm>> -> memref<40xi32, #tpu.memory_space<hbm>>
        tpu.wait_dma2 semaphore(%arg30 : memref<!tpu.dma_semaphore, #tpu.memory_space<semaphore_mem>>) src(%dma_wait3A_1149 : memref<40xi32, #tpu.memory_space<hbm>>) dst(%dma_wait3A_1148 : memref<40xi32, #tpu.memory_space<vmem>>)
        %dma_wait3A_1150 = arith.constant 7 : i32
        %dma_wait3A_1151 = arith.constant 0 : i32
        %dma_wait3A_1152 = tpu.memref_slice %arg8[%dma_wait3A_1150, %dma_wait3A_1151] : memref<10x40xi32, #tpu.memory_space<vmem>> -> memref<1x40xi32, #tpu.memory_space<vmem>>
        %dma_wait3A_1153 = tpu.memref_squeeze %dma_wait3A_1152 : memref<1x40xi32, #tpu.memory_space<vmem>> -> memref<40xi32, #tpu.memory_space<vmem>>
        %dma_wait3A_1154 = tpu.memref_slice %arg3[%mul3A_1140] : memref<320000xi32, #tpu.memory_space<hbm>> -> memref<40xi32, #tpu.memory_space<hbm>>
        %dma_wait3A_1155 = arith.constant 0 : i32
        %dma_wait3A_1156 = tpu.memref_slice %arg8[%dma_wait3A_1150, %dma_wait3A_1155] : memref<10x40xi32, #tpu.memory_space<vmem>> -> memref<1x40xi32, #tpu.memory_space<vmem>>
        %dma_wait3A_1157 = tpu.memref_squeeze %dma_wait3A_1156 : memref<1x40xi32, #tpu.memory_space<vmem>> -> memref<40xi32, #tpu.memory_space<vmem>>
        %dma_wait3A_1158 = tpu.memref_slice %arg3[%mul3A_1140] : memref<320000xi32, #tpu.memory_space<hbm>> -> memref<40xi32, #tpu.memory_space<hbm>>
        tpu.wait_dma2 semaphore(%arg30 : memref<!tpu.dma_semaphore, #tpu.memory_space<semaphore_mem>>) src(%dma_wait3A_1158 : memref<40xi32, #tpu.memory_space<hbm>>) dst(%dma_wait3A_1157 : memref<40xi32, #tpu.memory_space<vmem>>)
        %dma_wait3A_1159 = arith.constant 7 : i32
        %dma_wait3A_1160 = arith.constant 0 : i32
        %dma_wait3A_1161 = tpu.memref_slice %arg9[%dma_wait3A_1159, %dma_wait3A_1160] : memref<10x40xf32, #tpu.memory_space<vmem>> -> memref<1x40xf32, #tpu.memory_space<vmem>>
        %dma_wait3A_1162 = tpu.memref_squeeze %dma_wait3A_1161 : memref<1x40xf32, #tpu.memory_space<vmem>> -> memref<40xf32, #tpu.memory_space<vmem>>
        %dma_wait3A_1163 = tpu.memref_slice %arg4[%mul3A_1140] : memref<320000xf32, #tpu.memory_space<hbm>> -> memref<40xf32, #tpu.memory_space<hbm>>
        %dma_wait3A_1164 = arith.constant 0 : i32
        %dma_wait3A_1165 = tpu.memref_slice %arg9[%dma_wait3A_1159, %dma_wait3A_1164] : memref<10x40xf32, #tpu.memory_space<vmem>> -> memref<1x40xf32, #tpu.memory_space<vmem>>
        %dma_wait3A_1166 = tpu.memref_squeeze %dma_wait3A_1165 : memref<1x40xf32, #tpu.memory_space<vmem>> -> memref<40xf32, #tpu.memory_space<vmem>>
        %dma_wait3A_1167 = tpu.memref_slice %arg4[%mul3A_1140] : memref<320000xf32, #tpu.memory_space<hbm>> -> memref<40xf32, #tpu.memory_space<hbm>>
        tpu.wait_dma2 semaphore(%arg30 : memref<!tpu.dma_semaphore, #tpu.memory_space<semaphore_mem>>) src(%dma_wait3A_1167 : memref<40xf32, #tpu.memory_space<hbm>>) dst(%dma_wait3A_1166 : memref<40xf32, #tpu.memory_space<vmem>>)
        %dma_start3A_1168 = arith.constant 7 : i32
        %dma_start3A_1169 = arith.constant 2 : i32
        %dma_start3A_1170 = arith.constant 0 : i32
        %dma_start3A_1171 = arith.constant 0 : i32
        %dma_start3A_1172 = tpu.memref_slice %arg10[%dma_start3A_1169, %dma_start3A_1170, %dma_start3A_1171] : memref<5x40x128xf32, #tpu.memory_space<vmem>> -> memref<1x40x128xf32, #tpu.memory_space<vmem>>
        %dma_start3A_1173 = tpu.memref_squeeze %dma_start3A_1172 : memref<1x40x128xf32, #tpu.memory_space<vmem>> -> memref<40x128xf32, #tpu.memory_space<vmem>>
        %dma_start3A_1174 = arith.constant 0 : i32
        %dma_start3A_1175 = tpu.memref_slice %arg8[%dma_start3A_1168, %dma_start3A_1174] : memref<10x40xi32, #tpu.memory_space<vmem>> -> memref<1x40xi32, #tpu.memory_space<vmem>>
        %dma_start3A_1176 = tpu.memref_squeeze %dma_start3A_1175 : memref<1x40xi32, #tpu.memory_space<vmem>> -> memref<40xi32, #tpu.memory_space<vmem>>
        %dma_start3A_1177 = arith.constant 0 : i32
        %dma_start3A_1178 = arith.constant 0 : i32
        %dma_start3A_1179 = tpu.memref_slice %arg5[%dma_start3A_1177, %dma_start3A_1178] : memref<10000x128xf32, #tpu.memory_space<hbm>> -> memref<10000x128xf32, #tpu.memory_space<hbm>>
        tpu.enqueue_indirect_dma source(%dma_start3A_1179 : memref<10000x128xf32, #tpu.memory_space<hbm>>) target(%dma_start3A_1173 : memref<40x128xf32, #tpu.memory_space<vmem>>) offsets(%dma_start3A_1176 : memref<40xi32, #tpu.memory_space<vmem>>) semaphore(%arg15 : memref<!tpu.dma_semaphore, #tpu.memory_space<semaphore_mem>>)
      } else {
      }
      %add3A_765 = arith.constant 10 : i32
      %add3A_766 = arith.addi %add3A_715, %add3A_765 : i32
      %sub3A_767 = arith.constant 1 : i32
      %sub3A_768 = arith.subi %add3A_766, %sub3A_767 : i32
      %lt3A_769 = arith.constant 250 : i32
      %lt3A_770 = arith.cmpi slt, %sub3A_768, %lt3A_769 : i32
      %convert_element_type3A_771 = arith.extui %lt3A_770 : i1 to i32
      %cond3A_772 = arith.constant 0 : i32
      %cond3A_773 = arith.cmpi ne, %convert_element_type3A_771, %cond3A_772 : i32
      scf.if %cond3A_773 {
        %add3A_1134 = arith.constant 10 : i32
        %add3A_1135 = arith.addi %add3A_715, %add3A_1134 : i32
        %sub3A_1136 = arith.constant 1 : i32
        %sub3A_1137 = arith.subi %add3A_1135, %sub3A_1136 : i32
        %add3A_1138 = arith.addi %mul3A_2, %sub3A_1137 : i32
        %mul3A_1139 = arith.constant 40 : i32
        %mul3A_1140 = arith.muli %add3A_1138, %mul3A_1139 : i32
        %dma_start3A_1141 = arith.constant 2 : i32
        %dma_start3A_1142 = arith.constant 0 : i32
        %dma_start3A_1143 = tpu.memref_slice %arg7[%dma_start3A_1141, %dma_start3A_1142] : memref<10x40xi32, #tpu.memory_space<vmem>> -> memref<1x40xi32, #tpu.memory_space<vmem>>
        %dma_start3A_1144 = tpu.memref_squeeze %dma_start3A_1143 : memref<1x40xi32, #tpu.memory_space<vmem>> -> memref<40xi32, #tpu.memory_space<vmem>>
        %dma_start3A_1145 = tpu.memref_slice %arg2[%mul3A_1140] : memref<320000xi32, #tpu.memory_space<hbm>> -> memref<40xi32, #tpu.memory_space<hbm>>
        %dma_start3A_1146 = arith.constant 0 : i32
        %dma_start3A_1147 = tpu.memref_slice %arg7[%dma_start3A_1141, %dma_start3A_1146] : memref<10x40xi32, #tpu.memory_space<vmem>> -> memref<1x40xi32, #tpu.memory_space<vmem>>
        %dma_start3A_1148 = tpu.memref_squeeze %dma_start3A_1147 : memref<1x40xi32, #tpu.memory_space<vmem>> -> memref<40xi32, #tpu.memory_space<vmem>>
        %dma_start3A_1149 = tpu.memref_slice %arg2[%mul3A_1140] : memref<320000xi32, #tpu.memory_space<hbm>> -> memref<40xi32, #tpu.memory_space<hbm>>
        tpu.enqueue_dma source(%dma_start3A_1149 : memref<40xi32, #tpu.memory_space<hbm>>) target(%dma_start3A_1148 : memref<40xi32, #tpu.memory_space<vmem>>) target_semaphore(%arg25 : memref<!tpu.dma_semaphore, #tpu.memory_space<semaphore_mem>>)
        %dma_start3A_1150 = arith.constant 2 : i32
        %dma_start3A_1151 = arith.constant 0 : i32
        %dma_start3A_1152 = tpu.memref_slice %arg8[%dma_start3A_1150, %dma_start3A_1151] : memref<10x40xi32, #tpu.memory_space<vmem>> -> memref<1x40xi32, #tpu.memory_space<vmem>>
        %dma_start3A_1153 = tpu.memref_squeeze %dma_start3A_1152 : memref<1x40xi32, #tpu.memory_space<vmem>> -> memref<40xi32, #tpu.memory_space<vmem>>
        %dma_start3A_1154 = tpu.memref_slice %arg3[%mul3A_1140] : memref<320000xi32, #tpu.memory_space<hbm>> -> memref<40xi32, #tpu.memory_space<hbm>>
        %dma_start3A_1155 = arith.constant 0 : i32
        %dma_start3A_1156 = tpu.memref_slice %arg8[%dma_start3A_1150, %dma_start3A_1155] : memref<10x40xi32, #tpu.memory_space<vmem>> -> memref<1x40xi32, #tpu.memory_space<vmem>>
        %dma_start3A_1157 = tpu.memref_squeeze %dma_start3A_1156 : memref<1x40xi32, #tpu.memory_space<vmem>> -> memref<40xi32, #tpu.memory_space<vmem>>
        %dma_start3A_1158 = tpu.memref_slice %arg3[%mul3A_1140] : memref<320000xi32, #tpu.memory_space<hbm>> -> memref<40xi32, #tpu.memory_space<hbm>>
        tpu.enqueue_dma source(%dma_start3A_1158 : memref<40xi32, #tpu.memory_space<hbm>>) target(%dma_start3A_1157 : memref<40xi32, #tpu.memory_space<vmem>>) target_semaphore(%arg25 : memref<!tpu.dma_semaphore, #tpu.memory_space<semaphore_mem>>)
        %dma_start3A_1159 = arith.constant 2 : i32
        %dma_start3A_1160 = arith.constant 0 : i32
        %dma_start3A_1161 = tpu.memref_slice %arg9[%dma_start3A_1159, %dma_start3A_1160] : memref<10x40xf32, #tpu.memory_space<vmem>> -> memref<1x40xf32, #tpu.memory_space<vmem>>
        %dma_start3A_1162 = tpu.memref_squeeze %dma_start3A_1161 : memref<1x40xf32, #tpu.memory_space<vmem>> -> memref<40xf32, #tpu.memory_space<vmem>>
        %dma_start3A_1163 = tpu.memref_slice %arg4[%mul3A_1140] : memref<320000xf32, #tpu.memory_space<hbm>> -> memref<40xf32, #tpu.memory_space<hbm>>
        %dma_start3A_1164 = arith.constant 0 : i32
        %dma_start3A_1165 = tpu.memref_slice %arg9[%dma_start3A_1159, %dma_start3A_1164] : memref<10x40xf32, #tpu.memory_space<vmem>> -> memref<1x40xf32, #tpu.memory_space<vmem>>
        %dma_start3A_1166 = tpu.memref_squeeze %dma_start3A_1165 : memref<1x40xf32, #tpu.memory_space<vmem>> -> memref<40xf32, #tpu.memory_space<vmem>>
        %dma_start3A_1167 = tpu.memref_slice %arg4[%mul3A_1140] : memref<320000xf32, #tpu.memory_space<hbm>> -> memref<40xf32, #tpu.memory_space<hbm>>
        tpu.enqueue_dma source(%dma_start3A_1167 : memref<40xf32, #tpu.memory_space<hbm>>) target(%dma_start3A_1166 : memref<40xf32, #tpu.memory_space<vmem>>) target_semaphore(%arg25 : memref<!tpu.dma_semaphore, #tpu.memory_space<semaphore_mem>>)
      } else {
      }
      %add3A_774 = arith.constant 4 : i32
      %add3A_775 = arith.addi %mul3A_561, %add3A_774 : i32
      %dma_wait3A_776 = arith.constant 4 : i32
      %dma_wait3A_777 = arith.constant 4 : i32
      %dma_wait3A_778 = arith.constant 0 : i32
      %dma_wait3A_779 = arith.constant 0 : i32
      %dma_wait3A_780 = tpu.memref_slice %arg10[%dma_wait3A_777, %dma_wait3A_778, %dma_wait3A_779] : memref<5x40x128xf32, #tpu.memory_space<vmem>> -> memref<1x40x128xf32, #tpu.memory_space<vmem>>
      %dma_wait3A_781 = tpu.memref_squeeze %dma_wait3A_780 : memref<1x40x128xf32, #tpu.memory_space<vmem>> -> memref<40x128xf32, #tpu.memory_space<vmem>>
      %dma_wait3A_782 = arith.constant 0 : i32
      %dma_wait3A_783 = tpu.memref_slice %arg8[%dma_wait3A_776, %dma_wait3A_782] : memref<10x40xi32, #tpu.memory_space<vmem>> -> memref<1x40xi32, #tpu.memory_space<vmem>>
      %dma_wait3A_784 = tpu.memref_squeeze %dma_wait3A_783 : memref<1x40xi32, #tpu.memory_space<vmem>> -> memref<40xi32, #tpu.memory_space<vmem>>
      %dma_wait3A_785 = arith.constant 0 : i32
      %dma_wait3A_786 = arith.constant 0 : i32
      %dma_wait3A_787 = tpu.memref_slice %arg5[%dma_wait3A_785, %dma_wait3A_786] : memref<10000x128xf32, #tpu.memory_space<hbm>> -> memref<10000x128xf32, #tpu.memory_space<hbm>>
      tpu.wait_indirect_dma semaphore(%arg17 : memref<!tpu.dma_semaphore, #tpu.memory_space<semaphore_mem>>) src(%dma_wait3A_787 : memref<10000x128xf32, #tpu.memory_space<hbm>>) dst(%dma_wait3A_781 : memref<40x128xf32, #tpu.memory_space<vmem>>)
      %parallel_loop3A_788 = arith.constant 0 : i32
      %parallel_loop3A_789 = arith.constant 40 : i32
      %parallel_loop3A_790 = arith.constant 1 : i32
      %parallel_loop3A_791 = arith.constant 4 : i32
      scf.for %parallel_loop3A_1134 = %parallel_loop3A_788 to %parallel_loop3A_789 step %parallel_loop3A_790  : i32 {
        %parallel_loop3A_1135 = vector.broadcast %parallel_loop3A_1134 : i32 to vector<16xi32>
        %parallel_loop3A_1136 = arith.constant 4 : i32
        %parallel_loop3A_1137 = arith.constant 0 : i32
        %parallel_loop3A_1138 = tpu.memref_slice %arg9[%parallel_loop3A_1136, %parallel_loop3A_1137] : memref<10x40xf32, #tpu.memory_space<vmem>> -> memref<1x40xf32, #tpu.memory_space<vmem>>
        %parallel_loop3A_1139 = tpu.memref_squeeze %parallel_loop3A_1138 : memref<1x40xf32, #tpu.memory_space<vmem>> -> memref<40xf32, #tpu.memory_space<vmem>>
        %parallel_loop3A_1140 = tpu.vector_load_idx %parallel_loop3A_1139[%parallel_loop3A_1135] : memref<40xf32, #tpu.memory_space<vmem>>[vector<16xi32>], vector<16xf32>,
        %parallel_loop3A_1141 = arith.constant 0 : i32
        %parallel_loop3A_1142 = arith.constant 0 : i32
        %parallel_loop3A_1143 = tpu.memref_slice %arg10[%parallel_loop3A_791, %parallel_loop3A_1141, %parallel_loop3A_1142] : memref<5x40x128xf32, #tpu.memory_space<vmem>> -> memref<1x40x128xf32, #tpu.memory_space<vmem>>
        %parallel_loop3A_1144 = tpu.memref_squeeze %parallel_loop3A_1143 : memref<1x40x128xf32, #tpu.memory_space<vmem>> -> memref<40x128xf32, #tpu.memory_space<vmem>>
        %parallel_loop3A_1145 = arith.index_cast %parallel_loop3A_1134 : i32 to index
        %parallel_loop3A_1146 = arith.constant 0 : index
        %parallel_loop3A_1147 = tpu.vector_load %parallel_loop3A_1144[%parallel_loop3A_1145, %parallel_loop3A_1146] {strides = array<i32>} : memref<40x128xf32, #tpu.memory_space<vmem>>, vector<16xf32>,
        %parallel_loop3A_1148 = arith.mulf %parallel_loop3A_1147, %parallel_loop3A_1140 : vector<16xf32>
        %parallel_loop3A_1149 = arith.constant 0 : i32
        %parallel_loop3A_1150 = arith.constant 0 : i32
        %parallel_loop3A_1151 = tpu.memref_slice %arg10[%parallel_loop3A_791, %parallel_loop3A_1149, %parallel_loop3A_1150] : memref<5x40x128xf32, #tpu.memory_space<vmem>> -> memref<1x40x128xf32, #tpu.memory_space<vmem>>
        %parallel_loop3A_1152 = tpu.memref_squeeze %parallel_loop3A_1151 : memref<1x40x128xf32, #tpu.memory_space<vmem>> -> memref<40x128xf32, #tpu.memory_space<vmem>>
        %parallel_loop3A_1153 = arith.index_cast %parallel_loop3A_1134 : i32 to index
        %parallel_loop3A_1154 = arith.constant 0 : index
        %parallel_loop3A_1155 = tpu.vector_load %parallel_loop3A_1152[%parallel_loop3A_1153, %parallel_loop3A_1154] {strides = array<i32>} : memref<40x128xf32, #tpu.memory_space<vmem>>, vector<16xf32>,
        tpu.vector_store %parallel_loop3A_1152[%parallel_loop3A_1153, %parallel_loop3A_1154], %parallel_loop3A_1148 {strides = array<i32>} : memref<40x128xf32, #tpu.memory_space<vmem>>, vector<16xf32>,
        %parallel_loop3A_1156 = arith.constant 0 : i32
        %parallel_loop3A_1157 = arith.constant 0 : i32
        %parallel_loop3A_1158 = tpu.memref_slice %arg10[%parallel_loop3A_791, %parallel_loop3A_1156, %parallel_loop3A_1157] : memref<5x40x128xf32, #tpu.memory_space<vmem>> -> memref<1x40x128xf32, #tpu.memory_space<vmem>>
        %parallel_loop3A_1159 = tpu.memref_squeeze %parallel_loop3A_1158 : memref<1x40x128xf32, #tpu.memory_space<vmem>> -> memref<40x128xf32, #tpu.memory_space<vmem>>
        %parallel_loop3A_1160 = arith.index_cast %parallel_loop3A_1134 : i32 to index
        %parallel_loop3A_1161 = arith.constant 16 : index
        %parallel_loop3A_1162 = tpu.vector_load %parallel_loop3A_1159[%parallel_loop3A_1160, %parallel_loop3A_1161] {strides = array<i32>} : memref<40x128xf32, #tpu.memory_space<vmem>>, vector<16xf32>,
        %parallel_loop3A_1163 = arith.mulf %parallel_loop3A_1162, %parallel_loop3A_1140 : vector<16xf32>
        %parallel_loop3A_1164 = arith.constant 0 : i32
        %parallel_loop3A_1165 = arith.constant 0 : i32
        %parallel_loop3A_1166 = tpu.memref_slice %arg10[%parallel_loop3A_791, %parallel_loop3A_1164, %parallel_loop3A_1165] : memref<5x40x128xf32, #tpu.memory_space<vmem>> -> memref<1x40x128xf32, #tpu.memory_space<vmem>>
        %parallel_loop3A_1167 = tpu.memref_squeeze %parallel_loop3A_1166 : memref<1x40x128xf32, #tpu.memory_space<vmem>> -> memref<40x128xf32, #tpu.memory_space<vmem>>
        %parallel_loop3A_1168 = arith.index_cast %parallel_loop3A_1134 : i32 to index
        %parallel_loop3A_1169 = arith.constant 16 : index
        %parallel_loop3A_1170 = tpu.vector_load %parallel_loop3A_1167[%parallel_loop3A_1168, %parallel_loop3A_1169] {strides = array<i32>} : memref<40x128xf32, #tpu.memory_space<vmem>>, vector<16xf32>,
        tpu.vector_store %parallel_loop3A_1167[%parallel_loop3A_1168, %parallel_loop3A_1169], %parallel_loop3A_1163 {strides = array<i32>} : memref<40x128xf32, #tpu.memory_space<vmem>>, vector<16xf32>,
        %parallel_loop3A_1171 = arith.constant 0 : i32
        %parallel_loop3A_1172 = arith.constant 0 : i32
        %parallel_loop3A_1173 = tpu.memref_slice %arg10[%parallel_loop3A_791, %parallel_loop3A_1171, %parallel_loop3A_1172] : memref<5x40x128xf32, #tpu.memory_space<vmem>> -> memref<1x40x128xf32, #tpu.memory_space<vmem>>
        %parallel_loop3A_1174 = tpu.memref_squeeze %parallel_loop3A_1173 : memref<1x40x128xf32, #tpu.memory_space<vmem>> -> memref<40x128xf32, #tpu.memory_space<vmem>>
        %parallel_loop3A_1175 = arith.index_cast %parallel_loop3A_1134 : i32 to index
        %parallel_loop3A_1176 = arith.constant 32 : index
        %parallel_loop3A_1177 = tpu.vector_load %parallel_loop3A_1174[%parallel_loop3A_1175, %parallel_loop3A_1176] {strides = array<i32>} : memref<40x128xf32, #tpu.memory_space<vmem>>, vector<16xf32>,
        %parallel_loop3A_1178 = arith.mulf %parallel_loop3A_1177, %parallel_loop3A_1140 : vector<16xf32>
        %parallel_loop3A_1179 = arith.constant 0 : i32
        %parallel_loop3A_1180 = arith.constant 0 : i32
        %parallel_loop3A_1181 = tpu.memref_slice %arg10[%parallel_loop3A_791, %parallel_loop3A_1179, %parallel_loop3A_1180] : memref<5x40x128xf32, #tpu.memory_space<vmem>> -> memref<1x40x128xf32, #tpu.memory_space<vmem>>
        %parallel_loop3A_1182 = tpu.memref_squeeze %parallel_loop3A_1181 : memref<1x40x128xf32, #tpu.memory_space<vmem>> -> memref<40x128xf32, #tpu.memory_space<vmem>>
        %parallel_loop3A_1183 = arith.index_cast %parallel_loop3A_1134 : i32 to index
        %parallel_loop3A_1184 = arith.constant 32 : index
        %parallel_loop3A_1185 = tpu.vector_load %parallel_loop3A_1182[%parallel_loop3A_1183, %parallel_loop3A_1184] {strides = array<i32>} : memref<40x128xf32, #tpu.memory_space<vmem>>, vector<16xf32>,
        tpu.vector_store %parallel_loop3A_1182[%parallel_loop3A_1183, %parallel_loop3A_1184], %parallel_loop3A_1178 {strides = array<i32>} : memref<40x128xf32, #tpu.memory_space<vmem>>, vector<16xf32>,
        %parallel_loop3A_1186 = arith.constant 0 : i32
        %parallel_loop3A_1187 = arith.constant 0 : i32
        %parallel_loop3A_1188 = tpu.memref_slice %arg10[%parallel_loop3A_791, %parallel_loop3A_1186, %parallel_loop3A_1187] : memref<5x40x128xf32, #tpu.memory_space<vmem>> -> memref<1x40x128xf32, #tpu.memory_space<vmem>>
        %parallel_loop3A_1189 = tpu.memref_squeeze %parallel_loop3A_1188 : memref<1x40x128xf32, #tpu.memory_space<vmem>> -> memref<40x128xf32, #tpu.memory_space<vmem>>
        %parallel_loop3A_1190 = arith.index_cast %parallel_loop3A_1134 : i32 to index
        %parallel_loop3A_1191 = arith.constant 48 : index
        %parallel_loop3A_1192 = tpu.vector_load %parallel_loop3A_1189[%parallel_loop3A_1190, %parallel_loop3A_1191] {strides = array<i32>} : memref<40x128xf32, #tpu.memory_space<vmem>>, vector<16xf32>,
        %parallel_loop3A_1193 = arith.mulf %parallel_loop3A_1192, %parallel_loop3A_1140 : vector<16xf32>
        %parallel_loop3A_1194 = arith.constant 0 : i32
        %parallel_loop3A_1195 = arith.constant 0 : i32
        %parallel_loop3A_1196 = tpu.memref_slice %arg10[%parallel_loop3A_791, %parallel_loop3A_1194, %parallel_loop3A_1195] : memref<5x40x128xf32, #tpu.memory_space<vmem>> -> memref<1x40x128xf32, #tpu.memory_space<vmem>>
        %parallel_loop3A_1197 = tpu.memref_squeeze %parallel_loop3A_1196 : memref<1x40x128xf32, #tpu.memory_space<vmem>> -> memref<40x128xf32, #tpu.memory_space<vmem>>
        %parallel_loop3A_1198 = arith.index_cast %parallel_loop3A_1134 : i32 to index
        %parallel_loop3A_1199 = arith.constant 48 : index
        %parallel_loop3A_1200 = tpu.vector_load %parallel_loop3A_1197[%parallel_loop3A_1198, %parallel_loop3A_1199] {strides = array<i32>} : memref<40x128xf32, #tpu.memory_space<vmem>>, vector<16xf32>,
        tpu.vector_store %parallel_loop3A_1197[%parallel_loop3A_1198, %parallel_loop3A_1199], %parallel_loop3A_1193 {strides = array<i32>} : memref<40x128xf32, #tpu.memory_space<vmem>>, vector<16xf32>,
        %parallel_loop3A_1201 = arith.constant 0 : i32
        %parallel_loop3A_1202 = arith.constant 0 : i32
        %parallel_loop3A_1203 = tpu.memref_slice %arg10[%parallel_loop3A_791, %parallel_loop3A_1201, %parallel_loop3A_1202] : memref<5x40x128xf32, #tpu.memory_space<vmem>> -> memref<1x40x128xf32, #tpu.memory_space<vmem>>
        %parallel_loop3A_1204 = tpu.memref_squeeze %parallel_loop3A_1203 : memref<1x40x128xf32, #tpu.memory_space<vmem>> -> memref<40x128xf32, #tpu.memory_space<vmem>>
        %parallel_loop3A_1205 = arith.index_cast %parallel_loop3A_1134 : i32 to index
        %parallel_loop3A_1206 = arith.constant 64 : index
        %parallel_loop3A_1207 = tpu.vector_load %parallel_loop3A_1204[%parallel_loop3A_1205, %parallel_loop3A_1206] {strides = array<i32>} : memref<40x128xf32, #tpu.memory_space<vmem>>, vector<16xf32>,
        %parallel_loop3A_1208 = arith.mulf %parallel_loop3A_1207, %parallel_loop3A_1140 : vector<16xf32>
        %parallel_loop3A_1209 = arith.constant 0 : i32
        %parallel_loop3A_1210 = arith.constant 0 : i32
        %parallel_loop3A_1211 = tpu.memref_slice %arg10[%parallel_loop3A_791, %parallel_loop3A_1209, %parallel_loop3A_1210] : memref<5x40x128xf32, #tpu.memory_space<vmem>> -> memref<1x40x128xf32, #tpu.memory_space<vmem>>
        %parallel_loop3A_1212 = tpu.memref_squeeze %parallel_loop3A_1211 : memref<1x40x128xf32, #tpu.memory_space<vmem>> -> memref<40x128xf32, #tpu.memory_space<vmem>>
        %parallel_loop3A_1213 = arith.index_cast %parallel_loop3A_1134 : i32 to index
        %parallel_loop3A_1214 = arith.constant 64 : index
        %parallel_loop3A_1215 = tpu.vector_load %parallel_loop3A_1212[%parallel_loop3A_1213, %parallel_loop3A_1214] {strides = array<i32>} : memref<40x128xf32, #tpu.memory_space<vmem>>, vector<16xf32>,
        tpu.vector_store %parallel_loop3A_1212[%parallel_loop3A_1213, %parallel_loop3A_1214], %parallel_loop3A_1208 {strides = array<i32>} : memref<40x128xf32, #tpu.memory_space<vmem>>, vector<16xf32>,
        %parallel_loop3A_1216 = arith.constant 0 : i32
        %parallel_loop3A_1217 = arith.constant 0 : i32
        %parallel_loop3A_1218 = tpu.memref_slice %arg10[%parallel_loop3A_791, %parallel_loop3A_1216, %parallel_loop3A_1217] : memref<5x40x128xf32, #tpu.memory_space<vmem>> -> memref<1x40x128xf32, #tpu.memory_space<vmem>>
        %parallel_loop3A_1219 = tpu.memref_squeeze %parallel_loop3A_1218 : memref<1x40x128xf32, #tpu.memory_space<vmem>> -> memref<40x128xf32, #tpu.memory_space<vmem>>
        %parallel_loop3A_1220 = arith.index_cast %parallel_loop3A_1134 : i32 to index
        %parallel_loop3A_1221 = arith.constant 80 : index
        %parallel_loop3A_1222 = tpu.vector_load %parallel_loop3A_1219[%parallel_loop3A_1220, %parallel_loop3A_1221] {strides = array<i32>} : memref<40x128xf32, #tpu.memory_space<vmem>>, vector<16xf32>,
        %parallel_loop3A_1223 = arith.mulf %parallel_loop3A_1222, %parallel_loop3A_1140 : vector<16xf32>
        %parallel_loop3A_1224 = arith.constant 0 : i32
        %parallel_loop3A_1225 = arith.constant 0 : i32
        %parallel_loop3A_1226 = tpu.memref_slice %arg10[%parallel_loop3A_791, %parallel_loop3A_1224, %parallel_loop3A_1225] : memref<5x40x128xf32, #tpu.memory_space<vmem>> -> memref<1x40x128xf32, #tpu.memory_space<vmem>>
        %parallel_loop3A_1227 = tpu.memref_squeeze %parallel_loop3A_1226 : memref<1x40x128xf32, #tpu.memory_space<vmem>> -> memref<40x128xf32, #tpu.memory_space<vmem>>
        %parallel_loop3A_1228 = arith.index_cast %parallel_loop3A_1134 : i32 to index
        %parallel_loop3A_1229 = arith.constant 80 : index
        %parallel_loop3A_1230 = tpu.vector_load %parallel_loop3A_1227[%parallel_loop3A_1228, %parallel_loop3A_1229] {strides = array<i32>} : memref<40x128xf32, #tpu.memory_space<vmem>>, vector<16xf32>,
        tpu.vector_store %parallel_loop3A_1227[%parallel_loop3A_1228, %parallel_loop3A_1229], %parallel_loop3A_1223 {strides = array<i32>} : memref<40x128xf32, #tpu.memory_space<vmem>>, vector<16xf32>,
        %parallel_loop3A_1231 = arith.constant 0 : i32
        %parallel_loop3A_1232 = arith.constant 0 : i32
        %parallel_loop3A_1233 = tpu.memref_slice %arg10[%parallel_loop3A_791, %parallel_loop3A_1231, %parallel_loop3A_1232] : memref<5x40x128xf32, #tpu.memory_space<vmem>> -> memref<1x40x128xf32, #tpu.memory_space<vmem>>
        %parallel_loop3A_1234 = tpu.memref_squeeze %parallel_loop3A_1233 : memref<1x40x128xf32, #tpu.memory_space<vmem>> -> memref<40x128xf32, #tpu.memory_space<vmem>>
        %parallel_loop3A_1235 = arith.index_cast %parallel_loop3A_1134 : i32 to index
        %parallel_loop3A_1236 = arith.constant 96 : index
        %parallel_loop3A_1237 = tpu.vector_load %parallel_loop3A_1234[%parallel_loop3A_1235, %parallel_loop3A_1236] {strides = array<i32>} : memref<40x128xf32, #tpu.memory_space<vmem>>, vector<16xf32>,
        %parallel_loop3A_1238 = arith.mulf %parallel_loop3A_1237, %parallel_loop3A_1140 : vector<16xf32>
        %parallel_loop3A_1239 = arith.constant 0 : i32
        %parallel_loop3A_1240 = arith.constant 0 : i32
        %parallel_loop3A_1241 = tpu.memref_slice %arg10[%parallel_loop3A_791, %parallel_loop3A_1239, %parallel_loop3A_1240] : memref<5x40x128xf32, #tpu.memory_space<vmem>> -> memref<1x40x128xf32, #tpu.memory_space<vmem>>
        %parallel_loop3A_1242 = tpu.memref_squeeze %parallel_loop3A_1241 : memref<1x40x128xf32, #tpu.memory_space<vmem>> -> memref<40x128xf32, #tpu.memory_space<vmem>>
        %parallel_loop3A_1243 = arith.index_cast %parallel_loop3A_1134 : i32 to index
        %parallel_loop3A_1244 = arith.constant 96 : index
        %parallel_loop3A_1245 = tpu.vector_load %parallel_loop3A_1242[%parallel_loop3A_1243, %parallel_loop3A_1244] {strides = array<i32>} : memref<40x128xf32, #tpu.memory_space<vmem>>, vector<16xf32>,
        tpu.vector_store %parallel_loop3A_1242[%parallel_loop3A_1243, %parallel_loop3A_1244], %parallel_loop3A_1238 {strides = array<i32>} : memref<40x128xf32, #tpu.memory_space<vmem>>, vector<16xf32>,
        %parallel_loop3A_1246 = arith.constant 0 : i32
        %parallel_loop3A_1247 = arith.constant 0 : i32
        %parallel_loop3A_1248 = tpu.memref_slice %arg10[%parallel_loop3A_791, %parallel_loop3A_1246, %parallel_loop3A_1247] : memref<5x40x128xf32, #tpu.memory_space<vmem>> -> memref<1x40x128xf32, #tpu.memory_space<vmem>>
        %parallel_loop3A_1249 = tpu.memref_squeeze %parallel_loop3A_1248 : memref<1x40x128xf32, #tpu.memory_space<vmem>> -> memref<40x128xf32, #tpu.memory_space<vmem>>
        %parallel_loop3A_1250 = arith.index_cast %parallel_loop3A_1134 : i32 to index
        %parallel_loop3A_1251 = arith.constant 112 : index
        %parallel_loop3A_1252 = tpu.vector_load %parallel_loop3A_1249[%parallel_loop3A_1250, %parallel_loop3A_1251] {strides = array<i32>} : memref<40x128xf32, #tpu.memory_space<vmem>>, vector<16xf32>,
        %parallel_loop3A_1253 = arith.mulf %parallel_loop3A_1252, %parallel_loop3A_1140 : vector<16xf32>
        %parallel_loop3A_1254 = arith.constant 0 : i32
        %parallel_loop3A_1255 = arith.constant 0 : i32
        %parallel_loop3A_1256 = tpu.memref_slice %arg10[%parallel_loop3A_791, %parallel_loop3A_1254, %parallel_loop3A_1255] : memref<5x40x128xf32, #tpu.memory_space<vmem>> -> memref<1x40x128xf32, #tpu.memory_space<vmem>>
        %parallel_loop3A_1257 = tpu.memref_squeeze %parallel_loop3A_1256 : memref<1x40x128xf32, #tpu.memory_space<vmem>> -> memref<40x128xf32, #tpu.memory_space<vmem>>
        %parallel_loop3A_1258 = arith.index_cast %parallel_loop3A_1134 : i32 to index
        %parallel_loop3A_1259 = arith.constant 112 : index
        %parallel_loop3A_1260 = tpu.vector_load %parallel_loop3A_1257[%parallel_loop3A_1258, %parallel_loop3A_1259] {strides = array<i32>} : memref<40x128xf32, #tpu.memory_space<vmem>>, vector<16xf32>,
        tpu.vector_store %parallel_loop3A_1257[%parallel_loop3A_1258, %parallel_loop3A_1259], %parallel_loop3A_1253 {strides = array<i32>} : memref<40x128xf32, #tpu.memory_space<vmem>>, vector<16xf32>,
      } {sc.loop_unroll_factor = 2 : i64, sc.parallel_access}
      %dma_start3A_792 = arith.constant 4 : i32
      %dma_start3A_793 = arith.constant 4 : i32
      %dma_start3A_794 = arith.constant 0 : i32
      %dma_start3A_795 = arith.constant 0 : i32
      %dma_start3A_796 = tpu.memref_slice %arg10[%dma_start3A_792, %dma_start3A_794, %dma_start3A_795] : memref<5x40x128xf32, #tpu.memory_space<vmem>> -> memref<1x40x128xf32, #tpu.memory_space<vmem>>
      %dma_start3A_797 = tpu.memref_squeeze %dma_start3A_796 : memref<1x40x128xf32, #tpu.memory_space<vmem>> -> memref<40x128xf32, #tpu.memory_space<vmem>>
      %dma_start3A_798 = arith.constant 0 : i32
      %dma_start3A_799 = tpu.memref_slice %arg7[%dma_start3A_793, %dma_start3A_798] : memref<10x40xi32, #tpu.memory_space<vmem>> -> memref<1x40xi32, #tpu.memory_space<vmem>>
      %dma_start3A_800 = tpu.memref_squeeze %dma_start3A_799 : memref<1x40xi32, #tpu.memory_space<vmem>> -> memref<40xi32, #tpu.memory_space<vmem>>
      %dma_start3A_801 = arith.constant 0 : i32
      %dma_start3A_802 = arith.constant 0 : i32
      %dma_start3A_803 = tpu.memref_slice %arg12[%dma_start3A_801, %dma_start3A_802] : memref<10000x128xf32, #tpu.memory_space<vmem_shared>> -> memref<10000x128xf32, #tpu.memory_space<vmem_shared>>
      tpu.enqueue_indirect_dma source(%dma_start3A_797 : memref<40x128xf32, #tpu.memory_space<vmem>>) target(%dma_start3A_803 : memref<10000x128xf32, #tpu.memory_space<vmem_shared>>) offsets(%dma_start3A_800 : memref<40xi32, #tpu.memory_space<vmem>>) semaphore(%arg22 : memref<!tpu.dma_semaphore, #tpu.memory_space<semaphore_mem>>) {add = true}
      %dma_wait3A_804 = arith.constant 3 : i32
      %dma_wait3A_805 = arith.constant 3 : i32
      %dma_wait3A_806 = arith.constant 0 : i32
      %dma_wait3A_807 = arith.constant 0 : i32
      %dma_wait3A_808 = tpu.memref_slice %arg10[%dma_wait3A_804, %dma_wait3A_806, %dma_wait3A_807] : memref<5x40x128xf32, #tpu.memory_space<vmem>> -> memref<1x40x128xf32, #tpu.memory_space<vmem>>
      %dma_wait3A_809 = tpu.memref_squeeze %dma_wait3A_808 : memref<1x40x128xf32, #tpu.memory_space<vmem>> -> memref<40x128xf32, #tpu.memory_space<vmem>>
      %dma_wait3A_810 = arith.constant 0 : i32
      %dma_wait3A_811 = tpu.memref_slice %arg7[%dma_wait3A_805, %dma_wait3A_810] : memref<10x40xi32, #tpu.memory_space<vmem>> -> memref<1x40xi32, #tpu.memory_space<vmem>>
      %dma_wait3A_812 = tpu.memref_squeeze %dma_wait3A_811 : memref<1x40xi32, #tpu.memory_space<vmem>> -> memref<40xi32, #tpu.memory_space<vmem>>
      %dma_wait3A_813 = arith.constant 0 : i32
      %dma_wait3A_814 = arith.constant 0 : i32
      %dma_wait3A_815 = tpu.memref_slice %arg12[%dma_wait3A_813, %dma_wait3A_814] : memref<10000x128xf32, #tpu.memory_space<vmem_shared>> -> memref<10000x128xf32, #tpu.memory_space<vmem_shared>>
      tpu.wait_indirect_dma semaphore(%arg21 : memref<!tpu.dma_semaphore, #tpu.memory_space<semaphore_mem>>) src(%dma_wait3A_809 : memref<40x128xf32, #tpu.memory_space<vmem>>) dst(%dma_wait3A_815 : memref<10000x128xf32, #tpu.memory_space<vmem_shared>>)
      %add3A_816 = arith.constant 5 : i32
      %add3A_817 = arith.addi %add3A_775, %add3A_816 : i32
      %sub3A_818 = arith.constant 1 : i32
      %sub3A_819 = arith.subi %add3A_817, %sub3A_818 : i32
      %lt3A_820 = arith.constant 250 : i32
      %lt3A_821 = arith.cmpi slt, %sub3A_819, %lt3A_820 : i32
      %convert_element_type3A_822 = arith.extui %lt3A_821 : i1 to i32
      %cond3A_823 = arith.constant 0 : i32
      %cond3A_824 = arith.cmpi ne, %convert_element_type3A_822, %cond3A_823 : i32
      scf.if %cond3A_824 {
        %add3A_1134 = arith.constant 5 : i32
        %add3A_1135 = arith.addi %add3A_775, %add3A_1134 : i32
        %sub3A_1136 = arith.constant 1 : i32
        %sub3A_1137 = arith.subi %add3A_1135, %sub3A_1136 : i32
        %add3A_1138 = arith.addi %mul3A_2, %sub3A_1137 : i32
        %mul3A_1139 = arith.constant 40 : i32
        %mul3A_1140 = arith.muli %add3A_1138, %mul3A_1139 : i32
        %dma_wait3A_1141 = arith.constant 8 : i32
        %dma_wait3A_1142 = arith.constant 0 : i32
        %dma_wait3A_1143 = tpu.memref_slice %arg7[%dma_wait3A_1141, %dma_wait3A_1142] : memref<10x40xi32, #tpu.memory_space<vmem>> -> memref<1x40xi32, #tpu.memory_space<vmem>>
        %dma_wait3A_1144 = tpu.memref_squeeze %dma_wait3A_1143 : memref<1x40xi32, #tpu.memory_space<vmem>> -> memref<40xi32, #tpu.memory_space<vmem>>
        %dma_wait3A_1145 = tpu.memref_slice %arg2[%mul3A_1140] : memref<320000xi32, #tpu.memory_space<hbm>> -> memref<40xi32, #tpu.memory_space<hbm>>
        %dma_wait3A_1146 = arith.constant 0 : i32
        %dma_wait3A_1147 = tpu.memref_slice %arg7[%dma_wait3A_1141, %dma_wait3A_1146] : memref<10x40xi32, #tpu.memory_space<vmem>> -> memref<1x40xi32, #tpu.memory_space<vmem>>
        %dma_wait3A_1148 = tpu.memref_squeeze %dma_wait3A_1147 : memref<1x40xi32, #tpu.memory_space<vmem>> -> memref<40xi32, #tpu.memory_space<vmem>>
        %dma_wait3A_1149 = tpu.memref_slice %arg2[%mul3A_1140] : memref<320000xi32, #tpu.memory_space<hbm>> -> memref<40xi32, #tpu.memory_space<hbm>>
        tpu.wait_dma2 semaphore(%arg31 : memref<!tpu.dma_semaphore, #tpu.memory_space<semaphore_mem>>) src(%dma_wait3A_1149 : memref<40xi32, #tpu.memory_space<hbm>>) dst(%dma_wait3A_1148 : memref<40xi32, #tpu.memory_space<vmem>>)
        %dma_wait3A_1150 = arith.constant 8 : i32
        %dma_wait3A_1151 = arith.constant 0 : i32
        %dma_wait3A_1152 = tpu.memref_slice %arg8[%dma_wait3A_1150, %dma_wait3A_1151] : memref<10x40xi32, #tpu.memory_space<vmem>> -> memref<1x40xi32, #tpu.memory_space<vmem>>
        %dma_wait3A_1153 = tpu.memref_squeeze %dma_wait3A_1152 : memref<1x40xi32, #tpu.memory_space<vmem>> -> memref<40xi32, #tpu.memory_space<vmem>>
        %dma_wait3A_1154 = tpu.memref_slice %arg3[%mul3A_1140] : memref<320000xi32, #tpu.memory_space<hbm>> -> memref<40xi32, #tpu.memory_space<hbm>>
        %dma_wait3A_1155 = arith.constant 0 : i32
        %dma_wait3A_1156 = tpu.memref_slice %arg8[%dma_wait3A_1150, %dma_wait3A_1155] : memref<10x40xi32, #tpu.memory_space<vmem>> -> memref<1x40xi32, #tpu.memory_space<vmem>>
        %dma_wait3A_1157 = tpu.memref_squeeze %dma_wait3A_1156 : memref<1x40xi32, #tpu.memory_space<vmem>> -> memref<40xi32, #tpu.memory_space<vmem>>
        %dma_wait3A_1158 = tpu.memref_slice %arg3[%mul3A_1140] : memref<320000xi32, #tpu.memory_space<hbm>> -> memref<40xi32, #tpu.memory_space<hbm>>
        tpu.wait_dma2 semaphore(%arg31 : memref<!tpu.dma_semaphore, #tpu.memory_space<semaphore_mem>>) src(%dma_wait3A_1158 : memref<40xi32, #tpu.memory_space<hbm>>) dst(%dma_wait3A_1157 : memref<40xi32, #tpu.memory_space<vmem>>)
        %dma_wait3A_1159 = arith.constant 8 : i32
        %dma_wait3A_1160 = arith.constant 0 : i32
        %dma_wait3A_1161 = tpu.memref_slice %arg9[%dma_wait3A_1159, %dma_wait3A_1160] : memref<10x40xf32, #tpu.memory_space<vmem>> -> memref<1x40xf32, #tpu.memory_space<vmem>>
        %dma_wait3A_1162 = tpu.memref_squeeze %dma_wait3A_1161 : memref<1x40xf32, #tpu.memory_space<vmem>> -> memref<40xf32, #tpu.memory_space<vmem>>
        %dma_wait3A_1163 = tpu.memref_slice %arg4[%mul3A_1140] : memref<320000xf32, #tpu.memory_space<hbm>> -> memref<40xf32, #tpu.memory_space<hbm>>
        %dma_wait3A_1164 = arith.constant 0 : i32
        %dma_wait3A_1165 = tpu.memref_slice %arg9[%dma_wait3A_1159, %dma_wait3A_1164] : memref<10x40xf32, #tpu.memory_space<vmem>> -> memref<1x40xf32, #tpu.memory_space<vmem>>
        %dma_wait3A_1166 = tpu.memref_squeeze %dma_wait3A_1165 : memref<1x40xf32, #tpu.memory_space<vmem>> -> memref<40xf32, #tpu.memory_space<vmem>>
        %dma_wait3A_1167 = tpu.memref_slice %arg4[%mul3A_1140] : memref<320000xf32, #tpu.memory_space<hbm>> -> memref<40xf32, #tpu.memory_space<hbm>>
        tpu.wait_dma2 semaphore(%arg31 : memref<!tpu.dma_semaphore, #tpu.memory_space<semaphore_mem>>) src(%dma_wait3A_1167 : memref<40xf32, #tpu.memory_space<hbm>>) dst(%dma_wait3A_1166 : memref<40xf32, #tpu.memory_space<vmem>>)
        %dma_start3A_1168 = arith.constant 8 : i32
        %dma_start3A_1169 = arith.constant 3 : i32
        %dma_start3A_1170 = arith.constant 0 : i32
        %dma_start3A_1171 = arith.constant 0 : i32
        %dma_start3A_1172 = tpu.memref_slice %arg10[%dma_start3A_1169, %dma_start3A_1170, %dma_start3A_1171] : memref<5x40x128xf32, #tpu.memory_space<vmem>> -> memref<1x40x128xf32, #tpu.memory_space<vmem>>
        %dma_start3A_1173 = tpu.memref_squeeze %dma_start3A_1172 : memref<1x40x128xf32, #tpu.memory_space<vmem>> -> memref<40x128xf32, #tpu.memory_space<vmem>>
        %dma_start3A_1174 = arith.constant 0 : i32
        %dma_start3A_1175 = tpu.memref_slice %arg8[%dma_start3A_1168, %dma_start3A_1174] : memref<10x40xi32, #tpu.memory_space<vmem>> -> memref<1x40xi32, #tpu.memory_space<vmem>>
        %dma_start3A_1176 = tpu.memref_squeeze %dma_start3A_1175 : memref<1x40xi32, #tpu.memory_space<vmem>> -> memref<40xi32, #tpu.memory_space<vmem>>
        %dma_start3A_1177 = arith.constant 0 : i32
        %dma_start3A_1178 = arith.constant 0 : i32
        %dma_start3A_1179 = tpu.memref_slice %arg5[%dma_start3A_1177, %dma_start3A_1178] : memref<10000x128xf32, #tpu.memory_space<hbm>> -> memref<10000x128xf32, #tpu.memory_space<hbm>>
        tpu.enqueue_indirect_dma source(%dma_start3A_1179 : memref<10000x128xf32, #tpu.memory_space<hbm>>) target(%dma_start3A_1173 : memref<40x128xf32, #tpu.memory_space<vmem>>) offsets(%dma_start3A_1176 : memref<40xi32, #tpu.memory_space<vmem>>) semaphore(%arg16 : memref<!tpu.dma_semaphore, #tpu.memory_space<semaphore_mem>>)
      } else {
      }
      %add3A_825 = arith.constant 10 : i32
      %add3A_826 = arith.addi %add3A_775, %add3A_825 : i32
      %sub3A_827 = arith.constant 1 : i32
      %sub3A_828 = arith.subi %add3A_826, %sub3A_827 : i32
      %lt3A_829 = arith.constant 250 : i32
      %lt3A_830 = arith.cmpi slt, %sub3A_828, %lt3A_829 : i32
      %convert_element_type3A_831 = arith.extui %lt3A_830 : i1 to i32
      %cond3A_832 = arith.constant 0 : i32
      %cond3A_833 = arith.cmpi ne, %convert_element_type3A_831, %cond3A_832 : i32
      scf.if %cond3A_833 {
        %add3A_1134 = arith.constant 10 : i32
        %add3A_1135 = arith.addi %add3A_775, %add3A_1134 : i32
        %sub3A_1136 = arith.constant 1 : i32
        %sub3A_1137 = arith.subi %add3A_1135, %sub3A_1136 : i32
        %add3A_1138 = arith.addi %mul3A_2, %sub3A_1137 : i32
        %mul3A_1139 = arith.constant 40 : i32
        %mul3A_1140 = arith.muli %add3A_1138, %mul3A_1139 : i32
        %dma_start3A_1141 = arith.constant 3 : i32
        %dma_start3A_1142 = arith.constant 0 : i32
        %dma_start3A_1143 = tpu.memref_slice %arg7[%dma_start3A_1141, %dma_start3A_1142] : memref<10x40xi32, #tpu.memory_space<vmem>> -> memref<1x40xi32, #tpu.memory_space<vmem>>
        %dma_start3A_1144 = tpu.memref_squeeze %dma_start3A_1143 : memref<1x40xi32, #tpu.memory_space<vmem>> -> memref<40xi32, #tpu.memory_space<vmem>>
        %dma_start3A_1145 = tpu.memref_slice %arg2[%mul3A_1140] : memref<320000xi32, #tpu.memory_space<hbm>> -> memref<40xi32, #tpu.memory_space<hbm>>
        %dma_start3A_1146 = arith.constant 0 : i32
        %dma_start3A_1147 = tpu.memref_slice %arg7[%dma_start3A_1141, %dma_start3A_1146] : memref<10x40xi32, #tpu.memory_space<vmem>> -> memref<1x40xi32, #tpu.memory_space<vmem>>
        %dma_start3A_1148 = tpu.memref_squeeze %dma_start3A_1147 : memref<1x40xi32, #tpu.memory_space<vmem>> -> memref<40xi32, #tpu.memory_space<vmem>>
        %dma_start3A_1149 = tpu.memref_slice %arg2[%mul3A_1140] : memref<320000xi32, #tpu.memory_space<hbm>> -> memref<40xi32, #tpu.memory_space<hbm>>
        tpu.enqueue_dma source(%dma_start3A_1149 : memref<40xi32, #tpu.memory_space<hbm>>) target(%dma_start3A_1148 : memref<40xi32, #tpu.memory_space<vmem>>) target_semaphore(%arg26 : memref<!tpu.dma_semaphore, #tpu.memory_space<semaphore_mem>>)
        %dma_start3A_1150 = arith.constant 3 : i32
        %dma_start3A_1151 = arith.constant 0 : i32
        %dma_start3A_1152 = tpu.memref_slice %arg8[%dma_start3A_1150, %dma_start3A_1151] : memref<10x40xi32, #tpu.memory_space<vmem>> -> memref<1x40xi32, #tpu.memory_space<vmem>>
        %dma_start3A_1153 = tpu.memref_squeeze %dma_start3A_1152 : memref<1x40xi32, #tpu.memory_space<vmem>> -> memref<40xi32, #tpu.memory_space<vmem>>
        %dma_start3A_1154 = tpu.memref_slice %arg3[%mul3A_1140] : memref<320000xi32, #tpu.memory_space<hbm>> -> memref<40xi32, #tpu.memory_space<hbm>>
        %dma_start3A_1155 = arith.constant 0 : i32
        %dma_start3A_1156 = tpu.memref_slice %arg8[%dma_start3A_1150, %dma_start3A_1155] : memref<10x40xi32, #tpu.memory_space<vmem>> -> memref<1x40xi32, #tpu.memory_space<vmem>>
        %dma_start3A_1157 = tpu.memref_squeeze %dma_start3A_1156 : memref<1x40xi32, #tpu.memory_space<vmem>> -> memref<40xi32, #tpu.memory_space<vmem>>
        %dma_start3A_1158 = tpu.memref_slice %arg3[%mul3A_1140] : memref<320000xi32, #tpu.memory_space<hbm>> -> memref<40xi32, #tpu.memory_space<hbm>>
        tpu.enqueue_dma source(%dma_start3A_1158 : memref<40xi32, #tpu.memory_space<hbm>>) target(%dma_start3A_1157 : memref<40xi32, #tpu.memory_space<vmem>>) target_semaphore(%arg26 : memref<!tpu.dma_semaphore, #tpu.memory_space<semaphore_mem>>)
        %dma_start3A_1159 = arith.constant 3 : i32
        %dma_start3A_1160 = arith.constant 0 : i32
        %dma_start3A_1161 = tpu.memref_slice %arg9[%dma_start3A_1159, %dma_start3A_1160] : memref<10x40xf32, #tpu.memory_space<vmem>> -> memref<1x40xf32, #tpu.memory_space<vmem>>
        %dma_start3A_1162 = tpu.memref_squeeze %dma_start3A_1161 : memref<1x40xf32, #tpu.memory_space<vmem>> -> memref<40xf32, #tpu.memory_space<vmem>>
        %dma_start3A_1163 = tpu.memref_slice %arg4[%mul3A_1140] : memref<320000xf32, #tpu.memory_space<hbm>> -> memref<40xf32, #tpu.memory_space<hbm>>
        %dma_start3A_1164 = arith.constant 0 : i32
        %dma_start3A_1165 = tpu.memref_slice %arg9[%dma_start3A_1159, %dma_start3A_1164] : memref<10x40xf32, #tpu.memory_space<vmem>> -> memref<1x40xf32, #tpu.memory_space<vmem>>
        %dma_start3A_1166 = tpu.memref_squeeze %dma_start3A_1165 : memref<1x40xf32, #tpu.memory_space<vmem>> -> memref<40xf32, #tpu.memory_space<vmem>>
        %dma_start3A_1167 = tpu.memref_slice %arg4[%mul3A_1140] : memref<320000xf32, #tpu.memory_space<hbm>> -> memref<40xf32, #tpu.memory_space<hbm>>
        tpu.enqueue_dma source(%dma_start3A_1167 : memref<40xf32, #tpu.memory_space<hbm>>) target(%dma_start3A_1166 : memref<40xf32, #tpu.memory_space<vmem>>) target_semaphore(%arg26 : memref<!tpu.dma_semaphore, #tpu.memory_space<semaphore_mem>>)
      } else {
      }
      %add3A_834 = arith.constant 5 : i32
      %add3A_835 = arith.addi %mul3A_561, %add3A_834 : i32
      %dma_wait3A_836 = arith.constant 5 : i32
      %dma_wait3A_837 = arith.constant 0 : i32
      %dma_wait3A_838 = arith.constant 0 : i32
      %dma_wait3A_839 = arith.constant 0 : i32
      %dma_wait3A_840 = tpu.memref_slice %arg10[%dma_wait3A_837, %dma_wait3A_838, %dma_wait3A_839] : memref<5x40x128xf32, #tpu.memory_space<vmem>> -> memref<1x40x128xf32, #tpu.memory_space<vmem>>
      %dma_wait3A_841 = tpu.memref_squeeze %dma_wait3A_840 : memref<1x40x128xf32, #tpu.memory_space<vmem>> -> memref<40x128xf32, #tpu.memory_space<vmem>>
      %dma_wait3A_842 = arith.constant 0 : i32
      %dma_wait3A_843 = tpu.memref_slice %arg8[%dma_wait3A_836, %dma_wait3A_842] : memref<10x40xi32, #tpu.memory_space<vmem>> -> memref<1x40xi32, #tpu.memory_space<vmem>>
      %dma_wait3A_844 = tpu.memref_squeeze %dma_wait3A_843 : memref<1x40xi32, #tpu.memory_space<vmem>> -> memref<40xi32, #tpu.memory_space<vmem>>
      %dma_wait3A_845 = arith.constant 0 : i32
      %dma_wait3A_846 = arith.constant 0 : i32
      %dma_wait3A_847 = tpu.memref_slice %arg5[%dma_wait3A_845, %dma_wait3A_846] : memref<10000x128xf32, #tpu.memory_space<hbm>> -> memref<10000x128xf32, #tpu.memory_space<hbm>>
      tpu.wait_indirect_dma semaphore(%arg13 : memref<!tpu.dma_semaphore, #tpu.memory_space<semaphore_mem>>) src(%dma_wait3A_847 : memref<10000x128xf32, #tpu.memory_space<hbm>>) dst(%dma_wait3A_841 : memref<40x128xf32, #tpu.memory_space<vmem>>)
      %parallel_loop3A_848 = arith.constant 0 : i32
      %parallel_loop3A_849 = arith.constant 40 : i32
      %parallel_loop3A_850 = arith.constant 1 : i32
      %parallel_loop3A_851 = arith.constant 0 : i32
      scf.for %parallel_loop3A_1134 = %parallel_loop3A_848 to %parallel_loop3A_849 step %parallel_loop3A_850  : i32 {
        %parallel_loop3A_1135 = vector.broadcast %parallel_loop3A_1134 : i32 to vector<16xi32>
        %parallel_loop3A_1136 = arith.constant 5 : i32
        %parallel_loop3A_1137 = arith.constant 0 : i32
        %parallel_loop3A_1138 = tpu.memref_slice %arg9[%parallel_loop3A_1136, %parallel_loop3A_1137] : memref<10x40xf32, #tpu.memory_space<vmem>> -> memref<1x40xf32, #tpu.memory_space<vmem>>
        %parallel_loop3A_1139 = tpu.memref_squeeze %parallel_loop3A_1138 : memref<1x40xf32, #tpu.memory_space<vmem>> -> memref<40xf32, #tpu.memory_space<vmem>>
        %parallel_loop3A_1140 = tpu.vector_load_idx %parallel_loop3A_1139[%parallel_loop3A_1135] : memref<40xf32, #tpu.memory_space<vmem>>[vector<16xi32>], vector<16xf32>,
        %parallel_loop3A_1141 = arith.constant 0 : i32
        %parallel_loop3A_1142 = arith.constant 0 : i32
        %parallel_loop3A_1143 = tpu.memref_slice %arg10[%parallel_loop3A_851, %parallel_loop3A_1141, %parallel_loop3A_1142] : memref<5x40x128xf32, #tpu.memory_space<vmem>> -> memref<1x40x128xf32, #tpu.memory_space<vmem>>
        %parallel_loop3A_1144 = tpu.memref_squeeze %parallel_loop3A_1143 : memref<1x40x128xf32, #tpu.memory_space<vmem>> -> memref<40x128xf32, #tpu.memory_space<vmem>>
        %parallel_loop3A_1145 = arith.index_cast %parallel_loop3A_1134 : i32 to index
        %parallel_loop3A_1146 = arith.constant 0 : index
        %parallel_loop3A_1147 = tpu.vector_load %parallel_loop3A_1144[%parallel_loop3A_1145, %parallel_loop3A_1146] {strides = array<i32>} : memref<40x128xf32, #tpu.memory_space<vmem>>, vector<16xf32>,
        %parallel_loop3A_1148 = arith.mulf %parallel_loop3A_1147, %parallel_loop3A_1140 : vector<16xf32>
        %parallel_loop3A_1149 = arith.constant 0 : i32
        %parallel_loop3A_1150 = arith.constant 0 : i32
        %parallel_loop3A_1151 = tpu.memref_slice %arg10[%parallel_loop3A_851, %parallel_loop3A_1149, %parallel_loop3A_1150] : memref<5x40x128xf32, #tpu.memory_space<vmem>> -> memref<1x40x128xf32, #tpu.memory_space<vmem>>
        %parallel_loop3A_1152 = tpu.memref_squeeze %parallel_loop3A_1151 : memref<1x40x128xf32, #tpu.memory_space<vmem>> -> memref<40x128xf32, #tpu.memory_space<vmem>>
        %parallel_loop3A_1153 = arith.index_cast %parallel_loop3A_1134 : i32 to index
        %parallel_loop3A_1154 = arith.constant 0 : index
        %parallel_loop3A_1155 = tpu.vector_load %parallel_loop3A_1152[%parallel_loop3A_1153, %parallel_loop3A_1154] {strides = array<i32>} : memref<40x128xf32, #tpu.memory_space<vmem>>, vector<16xf32>,
        tpu.vector_store %parallel_loop3A_1152[%parallel_loop3A_1153, %parallel_loop3A_1154], %parallel_loop3A_1148 {strides = array<i32>} : memref<40x128xf32, #tpu.memory_space<vmem>>, vector<16xf32>,
        %parallel_loop3A_1156 = arith.constant 0 : i32
        %parallel_loop3A_1157 = arith.constant 0 : i32
        %parallel_loop3A_1158 = tpu.memref_slice %arg10[%parallel_loop3A_851, %parallel_loop3A_1156, %parallel_loop3A_1157] : memref<5x40x128xf32, #tpu.memory_space<vmem>> -> memref<1x40x128xf32, #tpu.memory_space<vmem>>
        %parallel_loop3A_1159 = tpu.memref_squeeze %parallel_loop3A_1158 : memref<1x40x128xf32, #tpu.memory_space<vmem>> -> memref<40x128xf32, #tpu.memory_space<vmem>>
        %parallel_loop3A_1160 = arith.index_cast %parallel_loop3A_1134 : i32 to index
        %parallel_loop3A_1161 = arith.constant 16 : index
        %parallel_loop3A_1162 = tpu.vector_load %parallel_loop3A_1159[%parallel_loop3A_1160, %parallel_loop3A_1161] {strides = array<i32>} : memref<40x128xf32, #tpu.memory_space<vmem>>, vector<16xf32>,
        %parallel_loop3A_1163 = arith.mulf %parallel_loop3A_1162, %parallel_loop3A_1140 : vector<16xf32>
        %parallel_loop3A_1164 = arith.constant 0 : i32
        %parallel_loop3A_1165 = arith.constant 0 : i32
        %parallel_loop3A_1166 = tpu.memref_slice %arg10[%parallel_loop3A_851, %parallel_loop3A_1164, %parallel_loop3A_1165] : memref<5x40x128xf32, #tpu.memory_space<vmem>> -> memref<1x40x128xf32, #tpu.memory_space<vmem>>
        %parallel_loop3A_1167 = tpu.memref_squeeze %parallel_loop3A_1166 : memref<1x40x128xf32, #tpu.memory_space<vmem>> -> memref<40x128xf32, #tpu.memory_space<vmem>>
        %parallel_loop3A_1168 = arith.index_cast %parallel_loop3A_1134 : i32 to index
        %parallel_loop3A_1169 = arith.constant 16 : index
        %parallel_loop3A_1170 = tpu.vector_load %parallel_loop3A_1167[%parallel_loop3A_1168, %parallel_loop3A_1169] {strides = array<i32>} : memref<40x128xf32, #tpu.memory_space<vmem>>, vector<16xf32>,
        tpu.vector_store %parallel_loop3A_1167[%parallel_loop3A_1168, %parallel_loop3A_1169], %parallel_loop3A_1163 {strides = array<i32>} : memref<40x128xf32, #tpu.memory_space<vmem>>, vector<16xf32>,
        %parallel_loop3A_1171 = arith.constant 0 : i32
        %parallel_loop3A_1172 = arith.constant 0 : i32
        %parallel_loop3A_1173 = tpu.memref_slice %arg10[%parallel_loop3A_851, %parallel_loop3A_1171, %parallel_loop3A_1172] : memref<5x40x128xf32, #tpu.memory_space<vmem>> -> memref<1x40x128xf32, #tpu.memory_space<vmem>>
        %parallel_loop3A_1174 = tpu.memref_squeeze %parallel_loop3A_1173 : memref<1x40x128xf32, #tpu.memory_space<vmem>> -> memref<40x128xf32, #tpu.memory_space<vmem>>
        %parallel_loop3A_1175 = arith.index_cast %parallel_loop3A_1134 : i32 to index
        %parallel_loop3A_1176 = arith.constant 32 : index
        %parallel_loop3A_1177 = tpu.vector_load %parallel_loop3A_1174[%parallel_loop3A_1175, %parallel_loop3A_1176] {strides = array<i32>} : memref<40x128xf32, #tpu.memory_space<vmem>>, vector<16xf32>,
        %parallel_loop3A_1178 = arith.mulf %parallel_loop3A_1177, %parallel_loop3A_1140 : vector<16xf32>
        %parallel_loop3A_1179 = arith.constant 0 : i32
        %parallel_loop3A_1180 = arith.constant 0 : i32
        %parallel_loop3A_1181 = tpu.memref_slice %arg10[%parallel_loop3A_851, %parallel_loop3A_1179, %parallel_loop3A_1180] : memref<5x40x128xf32, #tpu.memory_space<vmem>> -> memref<1x40x128xf32, #tpu.memory_space<vmem>>
        %parallel_loop3A_1182 = tpu.memref_squeeze %parallel_loop3A_1181 : memref<1x40x128xf32, #tpu.memory_space<vmem>> -> memref<40x128xf32, #tpu.memory_space<vmem>>
        %parallel_loop3A_1183 = arith.index_cast %parallel_loop3A_1134 : i32 to index
        %parallel_loop3A_1184 = arith.constant 32 : index
        %parallel_loop3A_1185 = tpu.vector_load %parallel_loop3A_1182[%parallel_loop3A_1183, %parallel_loop3A_1184] {strides = array<i32>} : memref<40x128xf32, #tpu.memory_space<vmem>>, vector<16xf32>,
        tpu.vector_store %parallel_loop3A_1182[%parallel_loop3A_1183, %parallel_loop3A_1184], %parallel_loop3A_1178 {strides = array<i32>} : memref<40x128xf32, #tpu.memory_space<vmem>>, vector<16xf32>,
        %parallel_loop3A_1186 = arith.constant 0 : i32
        %parallel_loop3A_1187 = arith.constant 0 : i32
        %parallel_loop3A_1188 = tpu.memref_slice %arg10[%parallel_loop3A_851, %parallel_loop3A_1186, %parallel_loop3A_1187] : memref<5x40x128xf32, #tpu.memory_space<vmem>> -> memref<1x40x128xf32, #tpu.memory_space<vmem>>
        %parallel_loop3A_1189 = tpu.memref_squeeze %parallel_loop3A_1188 : memref<1x40x128xf32, #tpu.memory_space<vmem>> -> memref<40x128xf32, #tpu.memory_space<vmem>>
        %parallel_loop3A_1190 = arith.index_cast %parallel_loop3A_1134 : i32 to index
        %parallel_loop3A_1191 = arith.constant 48 : index
        %parallel_loop3A_1192 = tpu.vector_load %parallel_loop3A_1189[%parallel_loop3A_1190, %parallel_loop3A_1191] {strides = array<i32>} : memref<40x128xf32, #tpu.memory_space<vmem>>, vector<16xf32>,
        %parallel_loop3A_1193 = arith.mulf %parallel_loop3A_1192, %parallel_loop3A_1140 : vector<16xf32>
        %parallel_loop3A_1194 = arith.constant 0 : i32
        %parallel_loop3A_1195 = arith.constant 0 : i32
        %parallel_loop3A_1196 = tpu.memref_slice %arg10[%parallel_loop3A_851, %parallel_loop3A_1194, %parallel_loop3A_1195] : memref<5x40x128xf32, #tpu.memory_space<vmem>> -> memref<1x40x128xf32, #tpu.memory_space<vmem>>
        %parallel_loop3A_1197 = tpu.memref_squeeze %parallel_loop3A_1196 : memref<1x40x128xf32, #tpu.memory_space<vmem>> -> memref<40x128xf32, #tpu.memory_space<vmem>>
        %parallel_loop3A_1198 = arith.index_cast %parallel_loop3A_1134 : i32 to index
        %parallel_loop3A_1199 = arith.constant 48 : index
        %parallel_loop3A_1200 = tpu.vector_load %parallel_loop3A_1197[%parallel_loop3A_1198, %parallel_loop3A_1199] {strides = array<i32>} : memref<40x128xf32, #tpu.memory_space<vmem>>, vector<16xf32>,
        tpu.vector_store %parallel_loop3A_1197[%parallel_loop3A_1198, %parallel_loop3A_1199], %parallel_loop3A_1193 {strides = array<i32>} : memref<40x128xf32, #tpu.memory_space<vmem>>, vector<16xf32>,
        %parallel_loop3A_1201 = arith.constant 0 : i32
        %parallel_loop3A_1202 = arith.constant 0 : i32
        %parallel_loop3A_1203 = tpu.memref_slice %arg10[%parallel_loop3A_851, %parallel_loop3A_1201, %parallel_loop3A_1202] : memref<5x40x128xf32, #tpu.memory_space<vmem>> -> memref<1x40x128xf32, #tpu.memory_space<vmem>>
        %parallel_loop3A_1204 = tpu.memref_squeeze %parallel_loop3A_1203 : memref<1x40x128xf32, #tpu.memory_space<vmem>> -> memref<40x128xf32, #tpu.memory_space<vmem>>
        %parallel_loop3A_1205 = arith.index_cast %parallel_loop3A_1134 : i32 to index
        %parallel_loop3A_1206 = arith.constant 64 : index
        %parallel_loop3A_1207 = tpu.vector_load %parallel_loop3A_1204[%parallel_loop3A_1205, %parallel_loop3A_1206] {strides = array<i32>} : memref<40x128xf32, #tpu.memory_space<vmem>>, vector<16xf32>,
        %parallel_loop3A_1208 = arith.mulf %parallel_loop3A_1207, %parallel_loop3A_1140 : vector<16xf32>
        %parallel_loop3A_1209 = arith.constant 0 : i32
        %parallel_loop3A_1210 = arith.constant 0 : i32
        %parallel_loop3A_1211 = tpu.memref_slice %arg10[%parallel_loop3A_851, %parallel_loop3A_1209, %parallel_loop3A_1210] : memref<5x40x128xf32, #tpu.memory_space<vmem>> -> memref<1x40x128xf32, #tpu.memory_space<vmem>>
        %parallel_loop3A_1212 = tpu.memref_squeeze %parallel_loop3A_1211 : memref<1x40x128xf32, #tpu.memory_space<vmem>> -> memref<40x128xf32, #tpu.memory_space<vmem>>
        %parallel_loop3A_1213 = arith.index_cast %parallel_loop3A_1134 : i32 to index
        %parallel_loop3A_1214 = arith.constant 64 : index
        %parallel_loop3A_1215 = tpu.vector_load %parallel_loop3A_1212[%parallel_loop3A_1213, %parallel_loop3A_1214] {strides = array<i32>} : memref<40x128xf32, #tpu.memory_space<vmem>>, vector<16xf32>,
        tpu.vector_store %parallel_loop3A_1212[%parallel_loop3A_1213, %parallel_loop3A_1214], %parallel_loop3A_1208 {strides = array<i32>} : memref<40x128xf32, #tpu.memory_space<vmem>>, vector<16xf32>,
        %parallel_loop3A_1216 = arith.constant 0 : i32
        %parallel_loop3A_1217 = arith.constant 0 : i32
        %parallel_loop3A_1218 = tpu.memref_slice %arg10[%parallel_loop3A_851, %parallel_loop3A_1216, %parallel_loop3A_1217] : memref<5x40x128xf32, #tpu.memory_space<vmem>> -> memref<1x40x128xf32, #tpu.memory_space<vmem>>
        %parallel_loop3A_1219 = tpu.memref_squeeze %parallel_loop3A_1218 : memref<1x40x128xf32, #tpu.memory_space<vmem>> -> memref<40x128xf32, #tpu.memory_space<vmem>>
        %parallel_loop3A_1220 = arith.index_cast %parallel_loop3A_1134 : i32 to index
        %parallel_loop3A_1221 = arith.constant 80 : index
        %parallel_loop3A_1222 = tpu.vector_load %parallel_loop3A_1219[%parallel_loop3A_1220, %parallel_loop3A_1221] {strides = array<i32>} : memref<40x128xf32, #tpu.memory_space<vmem>>, vector<16xf32>,
        %parallel_loop3A_1223 = arith.mulf %parallel_loop3A_1222, %parallel_loop3A_1140 : vector<16xf32>
        %parallel_loop3A_1224 = arith.constant 0 : i32
        %parallel_loop3A_1225 = arith.constant 0 : i32
        %parallel_loop3A_1226 = tpu.memref_slice %arg10[%parallel_loop3A_851, %parallel_loop3A_1224, %parallel_loop3A_1225] : memref<5x40x128xf32, #tpu.memory_space<vmem>> -> memref<1x40x128xf32, #tpu.memory_space<vmem>>
        %parallel_loop3A_1227 = tpu.memref_squeeze %parallel_loop3A_1226 : memref<1x40x128xf32, #tpu.memory_space<vmem>> -> memref<40x128xf32, #tpu.memory_space<vmem>>
        %parallel_loop3A_1228 = arith.index_cast %parallel_loop3A_1134 : i32 to index
        %parallel_loop3A_1229 = arith.constant 80 : index
        %parallel_loop3A_1230 = tpu.vector_load %parallel_loop3A_1227[%parallel_loop3A_1228, %parallel_loop3A_1229] {strides = array<i32>} : memref<40x128xf32, #tpu.memory_space<vmem>>, vector<16xf32>,
        tpu.vector_store %parallel_loop3A_1227[%parallel_loop3A_1228, %parallel_loop3A_1229], %parallel_loop3A_1223 {strides = array<i32>} : memref<40x128xf32, #tpu.memory_space<vmem>>, vector<16xf32>,
        %parallel_loop3A_1231 = arith.constant 0 : i32
        %parallel_loop3A_1232 = arith.constant 0 : i32
        %parallel_loop3A_1233 = tpu.memref_slice %arg10[%parallel_loop3A_851, %parallel_loop3A_1231, %parallel_loop3A_1232] : memref<5x40x128xf32, #tpu.memory_space<vmem>> -> memref<1x40x128xf32, #tpu.memory_space<vmem>>
        %parallel_loop3A_1234 = tpu.memref_squeeze %parallel_loop3A_1233 : memref<1x40x128xf32, #tpu.memory_space<vmem>> -> memref<40x128xf32, #tpu.memory_space<vmem>>
        %parallel_loop3A_1235 = arith.index_cast %parallel_loop3A_1134 : i32 to index
        %parallel_loop3A_1236 = arith.constant 96 : index
        %parallel_loop3A_1237 = tpu.vector_load %parallel_loop3A_1234[%parallel_loop3A_1235, %parallel_loop3A_1236] {strides = array<i32>} : memref<40x128xf32, #tpu.memory_space<vmem>>, vector<16xf32>,
        %parallel_loop3A_1238 = arith.mulf %parallel_loop3A_1237, %parallel_loop3A_1140 : vector<16xf32>
        %parallel_loop3A_1239 = arith.constant 0 : i32
        %parallel_loop3A_1240 = arith.constant 0 : i32
        %parallel_loop3A_1241 = tpu.memref_slice %arg10[%parallel_loop3A_851, %parallel_loop3A_1239, %parallel_loop3A_1240] : memref<5x40x128xf32, #tpu.memory_space<vmem>> -> memref<1x40x128xf32, #tpu.memory_space<vmem>>
        %parallel_loop3A_1242 = tpu.memref_squeeze %parallel_loop3A_1241 : memref<1x40x128xf32, #tpu.memory_space<vmem>> -> memref<40x128xf32, #tpu.memory_space<vmem>>
        %parallel_loop3A_1243 = arith.index_cast %parallel_loop3A_1134 : i32 to index
        %parallel_loop3A_1244 = arith.constant 96 : index
        %parallel_loop3A_1245 = tpu.vector_load %parallel_loop3A_1242[%parallel_loop3A_1243, %parallel_loop3A_1244] {strides = array<i32>} : memref<40x128xf32, #tpu.memory_space<vmem>>, vector<16xf32>,
        tpu.vector_store %parallel_loop3A_1242[%parallel_loop3A_1243, %parallel_loop3A_1244], %parallel_loop3A_1238 {strides = array<i32>} : memref<40x128xf32, #tpu.memory_space<vmem>>, vector<16xf32>,
        %parallel_loop3A_1246 = arith.constant 0 : i32
        %parallel_loop3A_1247 = arith.constant 0 : i32
        %parallel_loop3A_1248 = tpu.memref_slice %arg10[%parallel_loop3A_851, %parallel_loop3A_1246, %parallel_loop3A_1247] : memref<5x40x128xf32, #tpu.memory_space<vmem>> -> memref<1x40x128xf32, #tpu.memory_space<vmem>>
        %parallel_loop3A_1249 = tpu.memref_squeeze %parallel_loop3A_1248 : memref<1x40x128xf32, #tpu.memory_space<vmem>> -> memref<40x128xf32, #tpu.memory_space<vmem>>
        %parallel_loop3A_1250 = arith.index_cast %parallel_loop3A_1134 : i32 to index
        %parallel_loop3A_1251 = arith.constant 112 : index
        %parallel_loop3A_1252 = tpu.vector_load %parallel_loop3A_1249[%parallel_loop3A_1250, %parallel_loop3A_1251] {strides = array<i32>} : memref<40x128xf32, #tpu.memory_space<vmem>>, vector<16xf32>,
        %parallel_loop3A_1253 = arith.mulf %parallel_loop3A_1252, %parallel_loop3A_1140 : vector<16xf32>
        %parallel_loop3A_1254 = arith.constant 0 : i32
        %parallel_loop3A_1255 = arith.constant 0 : i32
        %parallel_loop3A_1256 = tpu.memref_slice %arg10[%parallel_loop3A_851, %parallel_loop3A_1254, %parallel_loop3A_1255] : memref<5x40x128xf32, #tpu.memory_space<vmem>> -> memref<1x40x128xf32, #tpu.memory_space<vmem>>
        %parallel_loop3A_1257 = tpu.memref_squeeze %parallel_loop3A_1256 : memref<1x40x128xf32, #tpu.memory_space<vmem>> -> memref<40x128xf32, #tpu.memory_space<vmem>>
        %parallel_loop3A_1258 = arith.index_cast %parallel_loop3A_1134 : i32 to index
        %parallel_loop3A_1259 = arith.constant 112 : index
        %parallel_loop3A_1260 = tpu.vector_load %parallel_loop3A_1257[%parallel_loop3A_1258, %parallel_loop3A_1259] {strides = array<i32>} : memref<40x128xf32, #tpu.memory_space<vmem>>, vector<16xf32>,
        tpu.vector_store %parallel_loop3A_1257[%parallel_loop3A_1258, %parallel_loop3A_1259], %parallel_loop3A_1253 {strides = array<i32>} : memref<40x128xf32, #tpu.memory_space<vmem>>, vector<16xf32>,
      } {sc.loop_unroll_factor = 2 : i64, sc.parallel_access}
      %dma_start3A_852 = arith.constant 0 : i32
      %dma_start3A_853 = arith.constant 5 : i32
      %dma_start3A_854 = arith.constant 0 : i32
      %dma_start3A_855 = arith.constant 0 : i32
      %dma_start3A_856 = tpu.memref_slice %arg10[%dma_start3A_852, %dma_start3A_854, %dma_start3A_855] : memref<5x40x128xf32, #tpu.memory_space<vmem>> -> memref<1x40x128xf32, #tpu.memory_space<vmem>>
      %dma_start3A_857 = tpu.memref_squeeze %dma_start3A_856 : memref<1x40x128xf32, #tpu.memory_space<vmem>> -> memref<40x128xf32, #tpu.memory_space<vmem>>
      %dma_start3A_858 = arith.constant 0 : i32
      %dma_start3A_859 = tpu.memref_slice %arg7[%dma_start3A_853, %dma_start3A_858] : memref<10x40xi32, #tpu.memory_space<vmem>> -> memref<1x40xi32, #tpu.memory_space<vmem>>
      %dma_start3A_860 = tpu.memref_squeeze %dma_start3A_859 : memref<1x40xi32, #tpu.memory_space<vmem>> -> memref<40xi32, #tpu.memory_space<vmem>>
      %dma_start3A_861 = arith.constant 0 : i32
      %dma_start3A_862 = arith.constant 0 : i32
      %dma_start3A_863 = tpu.memref_slice %arg12[%dma_start3A_861, %dma_start3A_862] : memref<10000x128xf32, #tpu.memory_space<vmem_shared>> -> memref<10000x128xf32, #tpu.memory_space<vmem_shared>>
      tpu.enqueue_indirect_dma source(%dma_start3A_857 : memref<40x128xf32, #tpu.memory_space<vmem>>) target(%dma_start3A_863 : memref<10000x128xf32, #tpu.memory_space<vmem_shared>>) offsets(%dma_start3A_860 : memref<40xi32, #tpu.memory_space<vmem>>) semaphore(%arg18 : memref<!tpu.dma_semaphore, #tpu.memory_space<semaphore_mem>>) {add = true}
      %dma_wait3A_864 = arith.constant 4 : i32
      %dma_wait3A_865 = arith.constant 4 : i32
      %dma_wait3A_866 = arith.constant 0 : i32
      %dma_wait3A_867 = arith.constant 0 : i32
      %dma_wait3A_868 = tpu.memref_slice %arg10[%dma_wait3A_864, %dma_wait3A_866, %dma_wait3A_867] : memref<5x40x128xf32, #tpu.memory_space<vmem>> -> memref<1x40x128xf32, #tpu.memory_space<vmem>>
      %dma_wait3A_869 = tpu.memref_squeeze %dma_wait3A_868 : memref<1x40x128xf32, #tpu.memory_space<vmem>> -> memref<40x128xf32, #tpu.memory_space<vmem>>
      %dma_wait3A_870 = arith.constant 0 : i32
      %dma_wait3A_871 = tpu.memref_slice %arg7[%dma_wait3A_865, %dma_wait3A_870] : memref<10x40xi32, #tpu.memory_space<vmem>> -> memref<1x40xi32, #tpu.memory_space<vmem>>
      %dma_wait3A_872 = tpu.memref_squeeze %dma_wait3A_871 : memref<1x40xi32, #tpu.memory_space<vmem>> -> memref<40xi32, #tpu.memory_space<vmem>>
      %dma_wait3A_873 = arith.constant 0 : i32
      %dma_wait3A_874 = arith.constant 0 : i32
      %dma_wait3A_875 = tpu.memref_slice %arg12[%dma_wait3A_873, %dma_wait3A_874] : memref<10000x128xf32, #tpu.memory_space<vmem_shared>> -> memref<10000x128xf32, #tpu.memory_space<vmem_shared>>
      tpu.wait_indirect_dma semaphore(%arg22 : memref<!tpu.dma_semaphore, #tpu.memory_space<semaphore_mem>>) src(%dma_wait3A_869 : memref<40x128xf32, #tpu.memory_space<vmem>>) dst(%dma_wait3A_875 : memref<10000x128xf32, #tpu.memory_space<vmem_shared>>)
      %add3A_876 = arith.constant 5 : i32
      %add3A_877 = arith.addi %add3A_835, %add3A_876 : i32
      %sub3A_878 = arith.constant 1 : i32
      %sub3A_879 = arith.subi %add3A_877, %sub3A_878 : i32
      %lt3A_880 = arith.constant 250 : i32
      %lt3A_881 = arith.cmpi slt, %sub3A_879, %lt3A_880 : i32
      %convert_element_type3A_882 = arith.extui %lt3A_881 : i1 to i32
      %cond3A_883 = arith.constant 0 : i32
      %cond3A_884 = arith.cmpi ne, %convert_element_type3A_882, %cond3A_883 : i32
      scf.if %cond3A_884 {
        %add3A_1134 = arith.constant 5 : i32
        %add3A_1135 = arith.addi %add3A_835, %add3A_1134 : i32
        %sub3A_1136 = arith.constant 1 : i32
        %sub3A_1137 = arith.subi %add3A_1135, %sub3A_1136 : i32
        %add3A_1138 = arith.addi %mul3A_2, %sub3A_1137 : i32
        %mul3A_1139 = arith.constant 40 : i32
        %mul3A_1140 = arith.muli %add3A_1138, %mul3A_1139 : i32
        %dma_wait3A_1141 = arith.constant 9 : i32
        %dma_wait3A_1142 = arith.constant 0 : i32
        %dma_wait3A_1143 = tpu.memref_slice %arg7[%dma_wait3A_1141, %dma_wait3A_1142] : memref<10x40xi32, #tpu.memory_space<vmem>> -> memref<1x40xi32, #tpu.memory_space<vmem>>
        %dma_wait3A_1144 = tpu.memref_squeeze %dma_wait3A_1143 : memref<1x40xi32, #tpu.memory_space<vmem>> -> memref<40xi32, #tpu.memory_space<vmem>>
        %dma_wait3A_1145 = tpu.memref_slice %arg2[%mul3A_1140] : memref<320000xi32, #tpu.memory_space<hbm>> -> memref<40xi32, #tpu.memory_space<hbm>>
        %dma_wait3A_1146 = arith.constant 0 : i32
        %dma_wait3A_1147 = tpu.memref_slice %arg7[%dma_wait3A_1141, %dma_wait3A_1146] : memref<10x40xi32, #tpu.memory_space<vmem>> -> memref<1x40xi32, #tpu.memory_space<vmem>>
        %dma_wait3A_1148 = tpu.memref_squeeze %dma_wait3A_1147 : memref<1x40xi32, #tpu.memory_space<vmem>> -> memref<40xi32, #tpu.memory_space<vmem>>
        %dma_wait3A_1149 = tpu.memref_slice %arg2[%mul3A_1140] : memref<320000xi32, #tpu.memory_space<hbm>> -> memref<40xi32, #tpu.memory_space<hbm>>
        tpu.wait_dma2 semaphore(%arg32 : memref<!tpu.dma_semaphore, #tpu.memory_space<semaphore_mem>>) src(%dma_wait3A_1149 : memref<40xi32, #tpu.memory_space<hbm>>) dst(%dma_wait3A_1148 : memref<40xi32, #tpu.memory_space<vmem>>)
        %dma_wait3A_1150 = arith.constant 9 : i32
        %dma_wait3A_1151 = arith.constant 0 : i32
        %dma_wait3A_1152 = tpu.memref_slice %arg8[%dma_wait3A_1150, %dma_wait3A_1151] : memref<10x40xi32, #tpu.memory_space<vmem>> -> memref<1x40xi32, #tpu.memory_space<vmem>>
        %dma_wait3A_1153 = tpu.memref_squeeze %dma_wait3A_1152 : memref<1x40xi32, #tpu.memory_space<vmem>> -> memref<40xi32, #tpu.memory_space<vmem>>
        %dma_wait3A_1154 = tpu.memref_slice %arg3[%mul3A_1140] : memref<320000xi32, #tpu.memory_space<hbm>> -> memref<40xi32, #tpu.memory_space<hbm>>
        %dma_wait3A_1155 = arith.constant 0 : i32
        %dma_wait3A_1156 = tpu.memref_slice %arg8[%dma_wait3A_1150, %dma_wait3A_1155] : memref<10x40xi32, #tpu.memory_space<vmem>> -> memref<1x40xi32, #tpu.memory_space<vmem>>
        %dma_wait3A_1157 = tpu.memref_squeeze %dma_wait3A_1156 : memref<1x40xi32, #tpu.memory_space<vmem>> -> memref<40xi32, #tpu.memory_space<vmem>>
        %dma_wait3A_1158 = tpu.memref_slice %arg3[%mul3A_1140] : memref<320000xi32, #tpu.memory_space<hbm>> -> memref<40xi32, #tpu.memory_space<hbm>>
        tpu.wait_dma2 semaphore(%arg32 : memref<!tpu.dma_semaphore, #tpu.memory_space<semaphore_mem>>) src(%dma_wait3A_1158 : memref<40xi32, #tpu.memory_space<hbm>>) dst(%dma_wait3A_1157 : memref<40xi32, #tpu.memory_space<vmem>>)
        %dma_wait3A_1159 = arith.constant 9 : i32
        %dma_wait3A_1160 = arith.constant 0 : i32
        %dma_wait3A_1161 = tpu.memref_slice %arg9[%dma_wait3A_1159, %dma_wait3A_1160] : memref<10x40xf32, #tpu.memory_space<vmem>> -> memref<1x40xf32, #tpu.memory_space<vmem>>
        %dma_wait3A_1162 = tpu.memref_squeeze %dma_wait3A_1161 : memref<1x40xf32, #tpu.memory_space<vmem>> -> memref<40xf32, #tpu.memory_space<vmem>>
        %dma_wait3A_1163 = tpu.memref_slice %arg4[%mul3A_1140] : memref<320000xf32, #tpu.memory_space<hbm>> -> memref<40xf32, #tpu.memory_space<hbm>>
        %dma_wait3A_1164 = arith.constant 0 : i32
        %dma_wait3A_1165 = tpu.memref_slice %arg9[%dma_wait3A_1159, %dma_wait3A_1164] : memref<10x40xf32, #tpu.memory_space<vmem>> -> memref<1x40xf32, #tpu.memory_space<vmem>>
        %dma_wait3A_1166 = tpu.memref_squeeze %dma_wait3A_1165 : memref<1x40xf32, #tpu.memory_space<vmem>> -> memref<40xf32, #tpu.memory_space<vmem>>
        %dma_wait3A_1167 = tpu.memref_slice %arg4[%mul3A_1140] : memref<320000xf32, #tpu.memory_space<hbm>> -> memref<40xf32, #tpu.memory_space<hbm>>
        tpu.wait_dma2 semaphore(%arg32 : memref<!tpu.dma_semaphore, #tpu.memory_space<semaphore_mem>>) src(%dma_wait3A_1167 : memref<40xf32, #tpu.memory_space<hbm>>) dst(%dma_wait3A_1166 : memref<40xf32, #tpu.memory_space<vmem>>)
        %dma_start3A_1168 = arith.constant 9 : i32
        %dma_start3A_1169 = arith.constant 4 : i32
        %dma_start3A_1170 = arith.constant 0 : i32
        %dma_start3A_1171 = arith.constant 0 : i32
        %dma_start3A_1172 = tpu.memref_slice %arg10[%dma_start3A_1169, %dma_start3A_1170, %dma_start3A_1171] : memref<5x40x128xf32, #tpu.memory_space<vmem>> -> memref<1x40x128xf32, #tpu.memory_space<vmem>>
        %dma_start3A_1173 = tpu.memref_squeeze %dma_start3A_1172 : memref<1x40x128xf32, #tpu.memory_space<vmem>> -> memref<40x128xf32, #tpu.memory_space<vmem>>
        %dma_start3A_1174 = arith.constant 0 : i32
        %dma_start3A_1175 = tpu.memref_slice %arg8[%dma_start3A_1168, %dma_start3A_1174] : memref<10x40xi32, #tpu.memory_space<vmem>> -> memref<1x40xi32, #tpu.memory_space<vmem>>
        %dma_start3A_1176 = tpu.memref_squeeze %dma_start3A_1175 : memref<1x40xi32, #tpu.memory_space<vmem>> -> memref<40xi32, #tpu.memory_space<vmem>>
        %dma_start3A_1177 = arith.constant 0 : i32
        %dma_start3A_1178 = arith.constant 0 : i32
        %dma_start3A_1179 = tpu.memref_slice %arg5[%dma_start3A_1177, %dma_start3A_1178] : memref<10000x128xf32, #tpu.memory_space<hbm>> -> memref<10000x128xf32, #tpu.memory_space<hbm>>
        tpu.enqueue_indirect_dma source(%dma_start3A_1179 : memref<10000x128xf32, #tpu.memory_space<hbm>>) target(%dma_start3A_1173 : memref<40x128xf32, #tpu.memory_space<vmem>>) offsets(%dma_start3A_1176 : memref<40xi32, #tpu.memory_space<vmem>>) semaphore(%arg17 : memref<!tpu.dma_semaphore, #tpu.memory_space<semaphore_mem>>)
      } else {
      }
      %add3A_885 = arith.constant 10 : i32
      %add3A_886 = arith.addi %add3A_835, %add3A_885 : i32
      %sub3A_887 = arith.constant 1 : i32
      %sub3A_888 = arith.subi %add3A_886, %sub3A_887 : i32
      %lt3A_889 = arith.constant 250 : i32
      %lt3A_890 = arith.cmpi slt, %sub3A_888, %lt3A_889 : i32
      %convert_element_type3A_891 = arith.extui %lt3A_890 : i1 to i32
      %cond3A_892 = arith.constant 0 : i32
      %cond3A_893 = arith.cmpi ne, %convert_element_type3A_891, %cond3A_892 : i32
      scf.if %cond3A_893 {
        %add3A_1134 = arith.constant 10 : i32
        %add3A_1135 = arith.addi %add3A_835, %add3A_1134 : i32
        %sub3A_1136 = arith.constant 1 : i32
        %sub3A_1137 = arith.subi %add3A_1135, %sub3A_1136 : i32
        %add3A_1138 = arith.addi %mul3A_2, %sub3A_1137 : i32
        %mul3A_1139 = arith.constant 40 : i32
        %mul3A_1140 = arith.muli %add3A_1138, %mul3A_1139 : i32
        %dma_start3A_1141 = arith.constant 4 : i32
        %dma_start3A_1142 = arith.constant 0 : i32
        %dma_start3A_1143 = tpu.memref_slice %arg7[%dma_start3A_1141, %dma_start3A_1142] : memref<10x40xi32, #tpu.memory_space<vmem>> -> memref<1x40xi32, #tpu.memory_space<vmem>>
        %dma_start3A_1144 = tpu.memref_squeeze %dma_start3A_1143 : memref<1x40xi32, #tpu.memory_space<vmem>> -> memref<40xi32, #tpu.memory_space<vmem>>
        %dma_start3A_1145 = tpu.memref_slice %arg2[%mul3A_1140] : memref<320000xi32, #tpu.memory_space<hbm>> -> memref<40xi32, #tpu.memory_space<hbm>>
        %dma_start3A_1146 = arith.constant 0 : i32
        %dma_start3A_1147 = tpu.memref_slice %arg7[%dma_start3A_1141, %dma_start3A_1146] : memref<10x40xi32, #tpu.memory_space<vmem>> -> memref<1x40xi32, #tpu.memory_space<vmem>>
        %dma_start3A_1148 = tpu.memref_squeeze %dma_start3A_1147 : memref<1x40xi32, #tpu.memory_space<vmem>> -> memref<40xi32, #tpu.memory_space<vmem>>
        %dma_start3A_1149 = tpu.memref_slice %arg2[%mul3A_1140] : memref<320000xi32, #tpu.memory_space<hbm>> -> memref<40xi32, #tpu.memory_space<hbm>>
        tpu.enqueue_dma source(%dma_start3A_1149 : memref<40xi32, #tpu.memory_space<hbm>>) target(%dma_start3A_1148 : memref<40xi32, #tpu.memory_space<vmem>>) target_semaphore(%arg27 : memref<!tpu.dma_semaphore, #tpu.memory_space<semaphore_mem>>)
        %dma_start3A_1150 = arith.constant 4 : i32
        %dma_start3A_1151 = arith.constant 0 : i32
        %dma_start3A_1152 = tpu.memref_slice %arg8[%dma_start3A_1150, %dma_start3A_1151] : memref<10x40xi32, #tpu.memory_space<vmem>> -> memref<1x40xi32, #tpu.memory_space<vmem>>
        %dma_start3A_1153 = tpu.memref_squeeze %dma_start3A_1152 : memref<1x40xi32, #tpu.memory_space<vmem>> -> memref<40xi32, #tpu.memory_space<vmem>>
        %dma_start3A_1154 = tpu.memref_slice %arg3[%mul3A_1140] : memref<320000xi32, #tpu.memory_space<hbm>> -> memref<40xi32, #tpu.memory_space<hbm>>
        %dma_start3A_1155 = arith.constant 0 : i32
        %dma_start3A_1156 = tpu.memref_slice %arg8[%dma_start3A_1150, %dma_start3A_1155] : memref<10x40xi32, #tpu.memory_space<vmem>> -> memref<1x40xi32, #tpu.memory_space<vmem>>
        %dma_start3A_1157 = tpu.memref_squeeze %dma_start3A_1156 : memref<1x40xi32, #tpu.memory_space<vmem>> -> memref<40xi32, #tpu.memory_space<vmem>>
        %dma_start3A_1158 = tpu.memref_slice %arg3[%mul3A_1140] : memref<320000xi32, #tpu.memory_space<hbm>> -> memref<40xi32, #tpu.memory_space<hbm>>
        tpu.enqueue_dma source(%dma_start3A_1158 : memref<40xi32, #tpu.memory_space<hbm>>) target(%dma_start3A_1157 : memref<40xi32, #tpu.memory_space<vmem>>) target_semaphore(%arg27 : memref<!tpu.dma_semaphore, #tpu.memory_space<semaphore_mem>>)
        %dma_start3A_1159 = arith.constant 4 : i32
        %dma_start3A_1160 = arith.constant 0 : i32
        %dma_start3A_1161 = tpu.memref_slice %arg9[%dma_start3A_1159, %dma_start3A_1160] : memref<10x40xf32, #tpu.memory_space<vmem>> -> memref<1x40xf32, #tpu.memory_space<vmem>>
        %dma_start3A_1162 = tpu.memref_squeeze %dma_start3A_1161 : memref<1x40xf32, #tpu.memory_space<vmem>> -> memref<40xf32, #tpu.memory_space<vmem>>
        %dma_start3A_1163 = tpu.memref_slice %arg4[%mul3A_1140] : memref<320000xf32, #tpu.memory_space<hbm>> -> memref<40xf32, #tpu.memory_space<hbm>>
        %dma_start3A_1164 = arith.constant 0 : i32
        %dma_start3A_1165 = tpu.memref_slice %arg9[%dma_start3A_1159, %dma_start3A_1164] : memref<10x40xf32, #tpu.memory_space<vmem>> -> memref<1x40xf32, #tpu.memory_space<vmem>>
        %dma_start3A_1166 = tpu.memref_squeeze %dma_start3A_1165 : memref<1x40xf32, #tpu.memory_space<vmem>> -> memref<40xf32, #tpu.memory_space<vmem>>
        %dma_start3A_1167 = tpu.memref_slice %arg4[%mul3A_1140] : memref<320000xf32, #tpu.memory_space<hbm>> -> memref<40xf32, #tpu.memory_space<hbm>>
        tpu.enqueue_dma source(%dma_start3A_1167 : memref<40xf32, #tpu.memory_space<hbm>>) target(%dma_start3A_1166 : memref<40xf32, #tpu.memory_space<vmem>>) target_semaphore(%arg27 : memref<!tpu.dma_semaphore, #tpu.memory_space<semaphore_mem>>)
      } else {
      }
      %add3A_894 = arith.constant 6 : i32
      %add3A_895 = arith.addi %mul3A_561, %add3A_894 : i32
      %dma_wait3A_896 = arith.constant 6 : i32
      %dma_wait3A_897 = arith.constant 1 : i32
      %dma_wait3A_898 = arith.constant 0 : i32
      %dma_wait3A_899 = arith.constant 0 : i32
      %dma_wait3A_900 = tpu.memref_slice %arg10[%dma_wait3A_897, %dma_wait3A_898, %dma_wait3A_899] : memref<5x40x128xf32, #tpu.memory_space<vmem>> -> memref<1x40x128xf32, #tpu.memory_space<vmem>>
      %dma_wait3A_901 = tpu.memref_squeeze %dma_wait3A_900 : memref<1x40x128xf32, #tpu.memory_space<vmem>> -> memref<40x128xf32, #tpu.memory_space<vmem>>
      %dma_wait3A_902 = arith.constant 0 : i32
      %dma_wait3A_903 = tpu.memref_slice %arg8[%dma_wait3A_896, %dma_wait3A_902] : memref<10x40xi32, #tpu.memory_space<vmem>> -> memref<1x40xi32, #tpu.memory_space<vmem>>
      %dma_wait3A_904 = tpu.memref_squeeze %dma_wait3A_903 : memref<1x40xi32, #tpu.memory_space<vmem>> -> memref<40xi32, #tpu.memory_space<vmem>>
      %dma_wait3A_905 = arith.constant 0 : i32
      %dma_wait3A_906 = arith.constant 0 : i32
      %dma_wait3A_907 = tpu.memref_slice %arg5[%dma_wait3A_905, %dma_wait3A_906] : memref<10000x128xf32, #tpu.memory_space<hbm>> -> memref<10000x128xf32, #tpu.memory_space<hbm>>
      tpu.wait_indirect_dma semaphore(%arg14 : memref<!tpu.dma_semaphore, #tpu.memory_space<semaphore_mem>>) src(%dma_wait3A_907 : memref<10000x128xf32, #tpu.memory_space<hbm>>) dst(%dma_wait3A_901 : memref<40x128xf32, #tpu.memory_space<vmem>>)
      %parallel_loop3A_908 = arith.constant 0 : i32
      %parallel_loop3A_909 = arith.constant 40 : i32
      %parallel_loop3A_910 = arith.constant 1 : i32
      %parallel_loop3A_911 = arith.constant 1 : i32
      scf.for %parallel_loop3A_1134 = %parallel_loop3A_908 to %parallel_loop3A_909 step %parallel_loop3A_910  : i32 {
        %parallel_loop3A_1135 = vector.broadcast %parallel_loop3A_1134 : i32 to vector<16xi32>
        %parallel_loop3A_1136 = arith.constant 6 : i32
        %parallel_loop3A_1137 = arith.constant 0 : i32
        %parallel_loop3A_1138 = tpu.memref_slice %arg9[%parallel_loop3A_1136, %parallel_loop3A_1137] : memref<10x40xf32, #tpu.memory_space<vmem>> -> memref<1x40xf32, #tpu.memory_space<vmem>>
        %parallel_loop3A_1139 = tpu.memref_squeeze %parallel_loop3A_1138 : memref<1x40xf32, #tpu.memory_space<vmem>> -> memref<40xf32, #tpu.memory_space<vmem>>
        %parallel_loop3A_1140 = tpu.vector_load_idx %parallel_loop3A_1139[%parallel_loop3A_1135] : memref<40xf32, #tpu.memory_space<vmem>>[vector<16xi32>], vector<16xf32>,
        %parallel_loop3A_1141 = arith.constant 0 : i32
        %parallel_loop3A_1142 = arith.constant 0 : i32
        %parallel_loop3A_1143 = tpu.memref_slice %arg10[%parallel_loop3A_911, %parallel_loop3A_1141, %parallel_loop3A_1142] : memref<5x40x128xf32, #tpu.memory_space<vmem>> -> memref<1x40x128xf32, #tpu.memory_space<vmem>>
        %parallel_loop3A_1144 = tpu.memref_squeeze %parallel_loop3A_1143 : memref<1x40x128xf32, #tpu.memory_space<vmem>> -> memref<40x128xf32, #tpu.memory_space<vmem>>
        %parallel_loop3A_1145 = arith.index_cast %parallel_loop3A_1134 : i32 to index
        %parallel_loop3A_1146 = arith.constant 0 : index
        %parallel_loop3A_1147 = tpu.vector_load %parallel_loop3A_1144[%parallel_loop3A_1145, %parallel_loop3A_1146] {strides = array<i32>} : memref<40x128xf32, #tpu.memory_space<vmem>>, vector<16xf32>,
        %parallel_loop3A_1148 = arith.mulf %parallel_loop3A_1147, %parallel_loop3A_1140 : vector<16xf32>
        %parallel_loop3A_1149 = arith.constant 0 : i32
        %parallel_loop3A_1150 = arith.constant 0 : i32
        %parallel_loop3A_1151 = tpu.memref_slice %arg10[%parallel_loop3A_911, %parallel_loop3A_1149, %parallel_loop3A_1150] : memref<5x40x128xf32, #tpu.memory_space<vmem>> -> memref<1x40x128xf32, #tpu.memory_space<vmem>>
        %parallel_loop3A_1152 = tpu.memref_squeeze %parallel_loop3A_1151 : memref<1x40x128xf32, #tpu.memory_space<vmem>> -> memref<40x128xf32, #tpu.memory_space<vmem>>
        %parallel_loop3A_1153 = arith.index_cast %parallel_loop3A_1134 : i32 to index
        %parallel_loop3A_1154 = arith.constant 0 : index
        %parallel_loop3A_1155 = tpu.vector_load %parallel_loop3A_1152[%parallel_loop3A_1153, %parallel_loop3A_1154] {strides = array<i32>} : memref<40x128xf32, #tpu.memory_space<vmem>>, vector<16xf32>,
        tpu.vector_store %parallel_loop3A_1152[%parallel_loop3A_1153, %parallel_loop3A_1154], %parallel_loop3A_1148 {strides = array<i32>} : memref<40x128xf32, #tpu.memory_space<vmem>>, vector<16xf32>,
        %parallel_loop3A_1156 = arith.constant 0 : i32
        %parallel_loop3A_1157 = arith.constant 0 : i32
        %parallel_loop3A_1158 = tpu.memref_slice %arg10[%parallel_loop3A_911, %parallel_loop3A_1156, %parallel_loop3A_1157] : memref<5x40x128xf32, #tpu.memory_space<vmem>> -> memref<1x40x128xf32, #tpu.memory_space<vmem>>
        %parallel_loop3A_1159 = tpu.memref_squeeze %parallel_loop3A_1158 : memref<1x40x128xf32, #tpu.memory_space<vmem>> -> memref<40x128xf32, #tpu.memory_space<vmem>>
        %parallel_loop3A_1160 = arith.index_cast %parallel_loop3A_1134 : i32 to index
        %parallel_loop3A_1161 = arith.constant 16 : index
        %parallel_loop3A_1162 = tpu.vector_load %parallel_loop3A_1159[%parallel_loop3A_1160, %parallel_loop3A_1161] {strides = array<i32>} : memref<40x128xf32, #tpu.memory_space<vmem>>, vector<16xf32>,
        %parallel_loop3A_1163 = arith.mulf %parallel_loop3A_1162, %parallel_loop3A_1140 : vector<16xf32>
        %parallel_loop3A_1164 = arith.constant 0 : i32
        %parallel_loop3A_1165 = arith.constant 0 : i32
        %parallel_loop3A_1166 = tpu.memref_slice %arg10[%parallel_loop3A_911, %parallel_loop3A_1164, %parallel_loop3A_1165] : memref<5x40x128xf32, #tpu.memory_space<vmem>> -> memref<1x40x128xf32, #tpu.memory_space<vmem>>
        %parallel_loop3A_1167 = tpu.memref_squeeze %parallel_loop3A_1166 : memref<1x40x128xf32, #tpu.memory_space<vmem>> -> memref<40x128xf32, #tpu.memory_space<vmem>>
        %parallel_loop3A_1168 = arith.index_cast %parallel_loop3A_1134 : i32 to index
        %parallel_loop3A_1169 = arith.constant 16 : index
        %parallel_loop3A_1170 = tpu.vector_load %parallel_loop3A_1167[%parallel_loop3A_1168, %parallel_loop3A_1169] {strides = array<i32>} : memref<40x128xf32, #tpu.memory_space<vmem>>, vector<16xf32>,
        tpu.vector_store %parallel_loop3A_1167[%parallel_loop3A_1168, %parallel_loop3A_1169], %parallel_loop3A_1163 {strides = array<i32>} : memref<40x128xf32, #tpu.memory_space<vmem>>, vector<16xf32>,
        %parallel_loop3A_1171 = arith.constant 0 : i32
        %parallel_loop3A_1172 = arith.constant 0 : i32
        %parallel_loop3A_1173 = tpu.memref_slice %arg10[%parallel_loop3A_911, %parallel_loop3A_1171, %parallel_loop3A_1172] : memref<5x40x128xf32, #tpu.memory_space<vmem>> -> memref<1x40x128xf32, #tpu.memory_space<vmem>>
        %parallel_loop3A_1174 = tpu.memref_squeeze %parallel_loop3A_1173 : memref<1x40x128xf32, #tpu.memory_space<vmem>> -> memref<40x128xf32, #tpu.memory_space<vmem>>
        %parallel_loop3A_1175 = arith.index_cast %parallel_loop3A_1134 : i32 to index
        %parallel_loop3A_1176 = arith.constant 32 : index
        %parallel_loop3A_1177 = tpu.vector_load %parallel_loop3A_1174[%parallel_loop3A_1175, %parallel_loop3A_1176] {strides = array<i32>} : memref<40x128xf32, #tpu.memory_space<vmem>>, vector<16xf32>,
        %parallel_loop3A_1178 = arith.mulf %parallel_loop3A_1177, %parallel_loop3A_1140 : vector<16xf32>
        %parallel_loop3A_1179 = arith.constant 0 : i32
        %parallel_loop3A_1180 = arith.constant 0 : i32
        %parallel_loop3A_1181 = tpu.memref_slice %arg10[%parallel_loop3A_911, %parallel_loop3A_1179, %parallel_loop3A_1180] : memref<5x40x128xf32, #tpu.memory_space<vmem>> -> memref<1x40x128xf32, #tpu.memory_space<vmem>>
        %parallel_loop3A_1182 = tpu.memref_squeeze %parallel_loop3A_1181 : memref<1x40x128xf32, #tpu.memory_space<vmem>> -> memref<40x128xf32, #tpu.memory_space<vmem>>
        %parallel_loop3A_1183 = arith.index_cast %parallel_loop3A_1134 : i32 to index
        %parallel_loop3A_1184 = arith.constant 32 : index
        %parallel_loop3A_1185 = tpu.vector_load %parallel_loop3A_1182[%parallel_loop3A_1183, %parallel_loop3A_1184] {strides = array<i32>} : memref<40x128xf32, #tpu.memory_space<vmem>>, vector<16xf32>,
        tpu.vector_store %parallel_loop3A_1182[%parallel_loop3A_1183, %parallel_loop3A_1184], %parallel_loop3A_1178 {strides = array<i32>} : memref<40x128xf32, #tpu.memory_space<vmem>>, vector<16xf32>,
        %parallel_loop3A_1186 = arith.constant 0 : i32
        %parallel_loop3A_1187 = arith.constant 0 : i32
        %parallel_loop3A_1188 = tpu.memref_slice %arg10[%parallel_loop3A_911, %parallel_loop3A_1186, %parallel_loop3A_1187] : memref<5x40x128xf32, #tpu.memory_space<vmem>> -> memref<1x40x128xf32, #tpu.memory_space<vmem>>
        %parallel_loop3A_1189 = tpu.memref_squeeze %parallel_loop3A_1188 : memref<1x40x128xf32, #tpu.memory_space<vmem>> -> memref<40x128xf32, #tpu.memory_space<vmem>>
        %parallel_loop3A_1190 = arith.index_cast %parallel_loop3A_1134 : i32 to index
        %parallel_loop3A_1191 = arith.constant 48 : index
        %parallel_loop3A_1192 = tpu.vector_load %parallel_loop3A_1189[%parallel_loop3A_1190, %parallel_loop3A_1191] {strides = array<i32>} : memref<40x128xf32, #tpu.memory_space<vmem>>, vector<16xf32>,
        %parallel_loop3A_1193 = arith.mulf %parallel_loop3A_1192, %parallel_loop3A_1140 : vector<16xf32>
        %parallel_loop3A_1194 = arith.constant 0 : i32
        %parallel_loop3A_1195 = arith.constant 0 : i32
        %parallel_loop3A_1196 = tpu.memref_slice %arg10[%parallel_loop3A_911, %parallel_loop3A_1194, %parallel_loop3A_1195] : memref<5x40x128xf32, #tpu.memory_space<vmem>> -> memref<1x40x128xf32, #tpu.memory_space<vmem>>
        %parallel_loop3A_1197 = tpu.memref_squeeze %parallel_loop3A_1196 : memref<1x40x128xf32, #tpu.memory_space<vmem>> -> memref<40x128xf32, #tpu.memory_space<vmem>>
        %parallel_loop3A_1198 = arith.index_cast %parallel_loop3A_1134 : i32 to index
        %parallel_loop3A_1199 = arith.constant 48 : index
        %parallel_loop3A_1200 = tpu.vector_load %parallel_loop3A_1197[%parallel_loop3A_1198, %parallel_loop3A_1199] {strides = array<i32>} : memref<40x128xf32, #tpu.memory_space<vmem>>, vector<16xf32>,
        tpu.vector_store %parallel_loop3A_1197[%parallel_loop3A_1198, %parallel_loop3A_1199], %parallel_loop3A_1193 {strides = array<i32>} : memref<40x128xf32, #tpu.memory_space<vmem>>, vector<16xf32>,
        %parallel_loop3A_1201 = arith.constant 0 : i32
        %parallel_loop3A_1202 = arith.constant 0 : i32
        %parallel_loop3A_1203 = tpu.memref_slice %arg10[%parallel_loop3A_911, %parallel_loop3A_1201, %parallel_loop3A_1202] : memref<5x40x128xf32, #tpu.memory_space<vmem>> -> memref<1x40x128xf32, #tpu.memory_space<vmem>>
        %parallel_loop3A_1204 = tpu.memref_squeeze %parallel_loop3A_1203 : memref<1x40x128xf32, #tpu.memory_space<vmem>> -> memref<40x128xf32, #tpu.memory_space<vmem>>
        %parallel_loop3A_1205 = arith.index_cast %parallel_loop3A_1134 : i32 to index
        %parallel_loop3A_1206 = arith.constant 64 : index
        %parallel_loop3A_1207 = tpu.vector_load %parallel_loop3A_1204[%parallel_loop3A_1205, %parallel_loop3A_1206] {strides = array<i32>} : memref<40x128xf32, #tpu.memory_space<vmem>>, vector<16xf32>,
        %parallel_loop3A_1208 = arith.mulf %parallel_loop3A_1207, %parallel_loop3A_1140 : vector<16xf32>
        %parallel_loop3A_1209 = arith.constant 0 : i32
        %parallel_loop3A_1210 = arith.constant 0 : i32
        %parallel_loop3A_1211 = tpu.memref_slice %arg10[%parallel_loop3A_911, %parallel_loop3A_1209, %parallel_loop3A_1210] : memref<5x40x128xf32, #tpu.memory_space<vmem>> -> memref<1x40x128xf32, #tpu.memory_space<vmem>>
        %parallel_loop3A_1212 = tpu.memref_squeeze %parallel_loop3A_1211 : memref<1x40x128xf32, #tpu.memory_space<vmem>> -> memref<40x128xf32, #tpu.memory_space<vmem>>
        %parallel_loop3A_1213 = arith.index_cast %parallel_loop3A_1134 : i32 to index
        %parallel_loop3A_1214 = arith.constant 64 : index
        %parallel_loop3A_1215 = tpu.vector_load %parallel_loop3A_1212[%parallel_loop3A_1213, %parallel_loop3A_1214] {strides = array<i32>} : memref<40x128xf32, #tpu.memory_space<vmem>>, vector<16xf32>,
        tpu.vector_store %parallel_loop3A_1212[%parallel_loop3A_1213, %parallel_loop3A_1214], %parallel_loop3A_1208 {strides = array<i32>} : memref<40x128xf32, #tpu.memory_space<vmem>>, vector<16xf32>,
        %parallel_loop3A_1216 = arith.constant 0 : i32
        %parallel_loop3A_1217 = arith.constant 0 : i32
        %parallel_loop3A_1218 = tpu.memref_slice %arg10[%parallel_loop3A_911, %parallel_loop3A_1216, %parallel_loop3A_1217] : memref<5x40x128xf32, #tpu.memory_space<vmem>> -> memref<1x40x128xf32, #tpu.memory_space<vmem>>
        %parallel_loop3A_1219 = tpu.memref_squeeze %parallel_loop3A_1218 : memref<1x40x128xf32, #tpu.memory_space<vmem>> -> memref<40x128xf32, #tpu.memory_space<vmem>>
        %parallel_loop3A_1220 = arith.index_cast %parallel_loop3A_1134 : i32 to index
        %parallel_loop3A_1221 = arith.constant 80 : index
        %parallel_loop3A_1222 = tpu.vector_load %parallel_loop3A_1219[%parallel_loop3A_1220, %parallel_loop3A_1221] {strides = array<i32>} : memref<40x128xf32, #tpu.memory_space<vmem>>, vector<16xf32>,
        %parallel_loop3A_1223 = arith.mulf %parallel_loop3A_1222, %parallel_loop3A_1140 : vector<16xf32>
        %parallel_loop3A_1224 = arith.constant 0 : i32
        %parallel_loop3A_1225 = arith.constant 0 : i32
        %parallel_loop3A_1226 = tpu.memref_slice %arg10[%parallel_loop3A_911, %parallel_loop3A_1224, %parallel_loop3A_1225] : memref<5x40x128xf32, #tpu.memory_space<vmem>> -> memref<1x40x128xf32, #tpu.memory_space<vmem>>
        %parallel_loop3A_1227 = tpu.memref_squeeze %parallel_loop3A_1226 : memref<1x40x128xf32, #tpu.memory_space<vmem>> -> memref<40x128xf32, #tpu.memory_space<vmem>>
        %parallel_loop3A_1228 = arith.index_cast %parallel_loop3A_1134 : i32 to index
        %parallel_loop3A_1229 = arith.constant 80 : index
        %parallel_loop3A_1230 = tpu.vector_load %parallel_loop3A_1227[%parallel_loop3A_1228, %parallel_loop3A_1229] {strides = array<i32>} : memref<40x128xf32, #tpu.memory_space<vmem>>, vector<16xf32>,
        tpu.vector_store %parallel_loop3A_1227[%parallel_loop3A_1228, %parallel_loop3A_1229], %parallel_loop3A_1223 {strides = array<i32>} : memref<40x128xf32, #tpu.memory_space<vmem>>, vector<16xf32>,
        %parallel_loop3A_1231 = arith.constant 0 : i32
        %parallel_loop3A_1232 = arith.constant 0 : i32
        %parallel_loop3A_1233 = tpu.memref_slice %arg10[%parallel_loop3A_911, %parallel_loop3A_1231, %parallel_loop3A_1232] : memref<5x40x128xf32, #tpu.memory_space<vmem>> -> memref<1x40x128xf32, #tpu.memory_space<vmem>>
        %parallel_loop3A_1234 = tpu.memref_squeeze %parallel_loop3A_1233 : memref<1x40x128xf32, #tpu.memory_space<vmem>> -> memref<40x128xf32, #tpu.memory_space<vmem>>
        %parallel_loop3A_1235 = arith.index_cast %parallel_loop3A_1134 : i32 to index
        %parallel_loop3A_1236 = arith.constant 96 : index
        %parallel_loop3A_1237 = tpu.vector_load %parallel_loop3A_1234[%parallel_loop3A_1235, %parallel_loop3A_1236] {strides = array<i32>} : memref<40x128xf32, #tpu.memory_space<vmem>>, vector<16xf32>,
        %parallel_loop3A_1238 = arith.mulf %parallel_loop3A_1237, %parallel_loop3A_1140 : vector<16xf32>
        %parallel_loop3A_1239 = arith.constant 0 : i32
        %parallel_loop3A_1240 = arith.constant 0 : i32
        %parallel_loop3A_1241 = tpu.memref_slice %arg10[%parallel_loop3A_911, %parallel_loop3A_1239, %parallel_loop3A_1240] : memref<5x40x128xf32, #tpu.memory_space<vmem>> -> memref<1x40x128xf32, #tpu.memory_space<vmem>>
        %parallel_loop3A_1242 = tpu.memref_squeeze %parallel_loop3A_1241 : memref<1x40x128xf32, #tpu.memory_space<vmem>> -> memref<40x128xf32, #tpu.memory_space<vmem>>
        %parallel_loop3A_1243 = arith.index_cast %parallel_loop3A_1134 : i32 to index
        %parallel_loop3A_1244 = arith.constant 96 : index
        %parallel_loop3A_1245 = tpu.vector_load %parallel_loop3A_1242[%parallel_loop3A_1243, %parallel_loop3A_1244] {strides = array<i32>} : memref<40x128xf32, #tpu.memory_space<vmem>>, vector<16xf32>,
        tpu.vector_store %parallel_loop3A_1242[%parallel_loop3A_1243, %parallel_loop3A_1244], %parallel_loop3A_1238 {strides = array<i32>} : memref<40x128xf32, #tpu.memory_space<vmem>>, vector<16xf32>,
        %parallel_loop3A_1246 = arith.constant 0 : i32
        %parallel_loop3A_1247 = arith.constant 0 : i32
        %parallel_loop3A_1248 = tpu.memref_slice %arg10[%parallel_loop3A_911, %parallel_loop3A_1246, %parallel_loop3A_1247] : memref<5x40x128xf32, #tpu.memory_space<vmem>> -> memref<1x40x128xf32, #tpu.memory_space<vmem>>
        %parallel_loop3A_1249 = tpu.memref_squeeze %parallel_loop3A_1248 : memref<1x40x128xf32, #tpu.memory_space<vmem>> -> memref<40x128xf32, #tpu.memory_space<vmem>>
        %parallel_loop3A_1250 = arith.index_cast %parallel_loop3A_1134 : i32 to index
        %parallel_loop3A_1251 = arith.constant 112 : index
        %parallel_loop3A_1252 = tpu.vector_load %parallel_loop3A_1249[%parallel_loop3A_1250, %parallel_loop3A_1251] {strides = array<i32>} : memref<40x128xf32, #tpu.memory_space<vmem>>, vector<16xf32>,
        %parallel_loop3A_1253 = arith.mulf %parallel_loop3A_1252, %parallel_loop3A_1140 : vector<16xf32>
        %parallel_loop3A_1254 = arith.constant 0 : i32
        %parallel_loop3A_1255 = arith.constant 0 : i32
        %parallel_loop3A_1256 = tpu.memref_slice %arg10[%parallel_loop3A_911, %parallel_loop3A_1254, %parallel_loop3A_1255] : memref<5x40x128xf32, #tpu.memory_space<vmem>> -> memref<1x40x128xf32, #tpu.memory_space<vmem>>
        %parallel_loop3A_1257 = tpu.memref_squeeze %parallel_loop3A_1256 : memref<1x40x128xf32, #tpu.memory_space<vmem>> -> memref<40x128xf32, #tpu.memory_space<vmem>>
        %parallel_loop3A_1258 = arith.index_cast %parallel_loop3A_1134 : i32 to index
        %parallel_loop3A_1259 = arith.constant 112 : index
        %parallel_loop3A_1260 = tpu.vector_load %parallel_loop3A_1257[%parallel_loop3A_1258, %parallel_loop3A_1259] {strides = array<i32>} : memref<40x128xf32, #tpu.memory_space<vmem>>, vector<16xf32>,
        tpu.vector_store %parallel_loop3A_1257[%parallel_loop3A_1258, %parallel_loop3A_1259], %parallel_loop3A_1253 {strides = array<i32>} : memref<40x128xf32, #tpu.memory_space<vmem>>, vector<16xf32>,
      } {sc.loop_unroll_factor = 2 : i64, sc.parallel_access}
      %dma_start3A_912 = arith.constant 1 : i32
      %dma_start3A_913 = arith.constant 6 : i32
      %dma_start3A_914 = arith.constant 0 : i32
      %dma_start3A_915 = arith.constant 0 : i32
      %dma_start3A_916 = tpu.memref_slice %arg10[%dma_start3A_912, %dma_start3A_914, %dma_start3A_915] : memref<5x40x128xf32, #tpu.memory_space<vmem>> -> memref<1x40x128xf32, #tpu.memory_space<vmem>>
      %dma_start3A_917 = tpu.memref_squeeze %dma_start3A_916 : memref<1x40x128xf32, #tpu.memory_space<vmem>> -> memref<40x128xf32, #tpu.memory_space<vmem>>
      %dma_start3A_918 = arith.constant 0 : i32
      %dma_start3A_919 = tpu.memref_slice %arg7[%dma_start3A_913, %dma_start3A_918] : memref<10x40xi32, #tpu.memory_space<vmem>> -> memref<1x40xi32, #tpu.memory_space<vmem>>
      %dma_start3A_920 = tpu.memref_squeeze %dma_start3A_919 : memref<1x40xi32, #tpu.memory_space<vmem>> -> memref<40xi32, #tpu.memory_space<vmem>>
      %dma_start3A_921 = arith.constant 0 : i32
      %dma_start3A_922 = arith.constant 0 : i32
      %dma_start3A_923 = tpu.memref_slice %arg12[%dma_start3A_921, %dma_start3A_922] : memref<10000x128xf32, #tpu.memory_space<vmem_shared>> -> memref<10000x128xf32, #tpu.memory_space<vmem_shared>>
      tpu.enqueue_indirect_dma source(%dma_start3A_917 : memref<40x128xf32, #tpu.memory_space<vmem>>) target(%dma_start3A_923 : memref<10000x128xf32, #tpu.memory_space<vmem_shared>>) offsets(%dma_start3A_920 : memref<40xi32, #tpu.memory_space<vmem>>) semaphore(%arg19 : memref<!tpu.dma_semaphore, #tpu.memory_space<semaphore_mem>>) {add = true}
      %dma_wait3A_924 = arith.constant 0 : i32
      %dma_wait3A_925 = arith.constant 5 : i32
      %dma_wait3A_926 = arith.constant 0 : i32
      %dma_wait3A_927 = arith.constant 0 : i32
      %dma_wait3A_928 = tpu.memref_slice %arg10[%dma_wait3A_924, %dma_wait3A_926, %dma_wait3A_927] : memref<5x40x128xf32, #tpu.memory_space<vmem>> -> memref<1x40x128xf32, #tpu.memory_space<vmem>>
      %dma_wait3A_929 = tpu.memref_squeeze %dma_wait3A_928 : memref<1x40x128xf32, #tpu.memory_space<vmem>> -> memref<40x128xf32, #tpu.memory_space<vmem>>
      %dma_wait3A_930 = arith.constant 0 : i32
      %dma_wait3A_931 = tpu.memref_slice %arg7[%dma_wait3A_925, %dma_wait3A_930] : memref<10x40xi32, #tpu.memory_space<vmem>> -> memref<1x40xi32, #tpu.memory_space<vmem>>
      %dma_wait3A_932 = tpu.memref_squeeze %dma_wait3A_931 : memref<1x40xi32, #tpu.memory_space<vmem>> -> memref<40xi32, #tpu.memory_space<vmem>>
      %dma_wait3A_933 = arith.constant 0 : i32
      %dma_wait3A_934 = arith.constant 0 : i32
      %dma_wait3A_935 = tpu.memref_slice %arg12[%dma_wait3A_933, %dma_wait3A_934] : memref<10000x128xf32, #tpu.memory_space<vmem_shared>> -> memref<10000x128xf32, #tpu.memory_space<vmem_shared>>
      tpu.wait_indirect_dma semaphore(%arg18 : memref<!tpu.dma_semaphore, #tpu.memory_space<semaphore_mem>>) src(%dma_wait3A_929 : memref<40x128xf32, #tpu.memory_space<vmem>>) dst(%dma_wait3A_935 : memref<10000x128xf32, #tpu.memory_space<vmem_shared>>)
      %add3A_936 = arith.constant 5 : i32
      %add3A_937 = arith.addi %add3A_895, %add3A_936 : i32
      %sub3A_938 = arith.constant 1 : i32
      %sub3A_939 = arith.subi %add3A_937, %sub3A_938 : i32
      %lt3A_940 = arith.constant 250 : i32
      %lt3A_941 = arith.cmpi slt, %sub3A_939, %lt3A_940 : i32
      %convert_element_type3A_942 = arith.extui %lt3A_941 : i1 to i32
      %cond3A_943 = arith.constant 0 : i32
      %cond3A_944 = arith.cmpi ne, %convert_element_type3A_942, %cond3A_943 : i32
      scf.if %cond3A_944 {
        %add3A_1134 = arith.constant 5 : i32
        %add3A_1135 = arith.addi %add3A_895, %add3A_1134 : i32
        %sub3A_1136 = arith.constant 1 : i32
        %sub3A_1137 = arith.subi %add3A_1135, %sub3A_1136 : i32
        %add3A_1138 = arith.addi %mul3A_2, %sub3A_1137 : i32
        %mul3A_1139 = arith.constant 40 : i32
        %mul3A_1140 = arith.muli %add3A_1138, %mul3A_1139 : i32
        %dma_wait3A_1141 = arith.constant 0 : i32
        %dma_wait3A_1142 = arith.constant 0 : i32
        %dma_wait3A_1143 = tpu.memref_slice %arg7[%dma_wait3A_1141, %dma_wait3A_1142] : memref<10x40xi32, #tpu.memory_space<vmem>> -> memref<1x40xi32, #tpu.memory_space<vmem>>
        %dma_wait3A_1144 = tpu.memref_squeeze %dma_wait3A_1143 : memref<1x40xi32, #tpu.memory_space<vmem>> -> memref<40xi32, #tpu.memory_space<vmem>>
        %dma_wait3A_1145 = tpu.memref_slice %arg2[%mul3A_1140] : memref<320000xi32, #tpu.memory_space<hbm>> -> memref<40xi32, #tpu.memory_space<hbm>>
        %dma_wait3A_1146 = arith.constant 0 : i32
        %dma_wait3A_1147 = tpu.memref_slice %arg7[%dma_wait3A_1141, %dma_wait3A_1146] : memref<10x40xi32, #tpu.memory_space<vmem>> -> memref<1x40xi32, #tpu.memory_space<vmem>>
        %dma_wait3A_1148 = tpu.memref_squeeze %dma_wait3A_1147 : memref<1x40xi32, #tpu.memory_space<vmem>> -> memref<40xi32, #tpu.memory_space<vmem>>
        %dma_wait3A_1149 = tpu.memref_slice %arg2[%mul3A_1140] : memref<320000xi32, #tpu.memory_space<hbm>> -> memref<40xi32, #tpu.memory_space<hbm>>
        tpu.wait_dma2 semaphore(%arg23 : memref<!tpu.dma_semaphore, #tpu.memory_space<semaphore_mem>>) src(%dma_wait3A_1149 : memref<40xi32, #tpu.memory_space<hbm>>) dst(%dma_wait3A_1148 : memref<40xi32, #tpu.memory_space<vmem>>)
        %dma_wait3A_1150 = arith.constant 0 : i32
        %dma_wait3A_1151 = arith.constant 0 : i32
        %dma_wait3A_1152 = tpu.memref_slice %arg8[%dma_wait3A_1150, %dma_wait3A_1151] : memref<10x40xi32, #tpu.memory_space<vmem>> -> memref<1x40xi32, #tpu.memory_space<vmem>>
        %dma_wait3A_1153 = tpu.memref_squeeze %dma_wait3A_1152 : memref<1x40xi32, #tpu.memory_space<vmem>> -> memref<40xi32, #tpu.memory_space<vmem>>
        %dma_wait3A_1154 = tpu.memref_slice %arg3[%mul3A_1140] : memref<320000xi32, #tpu.memory_space<hbm>> -> memref<40xi32, #tpu.memory_space<hbm>>
        %dma_wait3A_1155 = arith.constant 0 : i32
        %dma_wait3A_1156 = tpu.memref_slice %arg8[%dma_wait3A_1150, %dma_wait3A_1155] : memref<10x40xi32, #tpu.memory_space<vmem>> -> memref<1x40xi32, #tpu.memory_space<vmem>>
        %dma_wait3A_1157 = tpu.memref_squeeze %dma_wait3A_1156 : memref<1x40xi32, #tpu.memory_space<vmem>> -> memref<40xi32, #tpu.memory_space<vmem>>
        %dma_wait3A_1158 = tpu.memref_slice %arg3[%mul3A_1140] : memref<320000xi32, #tpu.memory_space<hbm>> -> memref<40xi32, #tpu.memory_space<hbm>>
        tpu.wait_dma2 semaphore(%arg23 : memref<!tpu.dma_semaphore, #tpu.memory_space<semaphore_mem>>) src(%dma_wait3A_1158 : memref<40xi32, #tpu.memory_space<hbm>>) dst(%dma_wait3A_1157 : memref<40xi32, #tpu.memory_space<vmem>>)
        %dma_wait3A_1159 = arith.constant 0 : i32
        %dma_wait3A_1160 = arith.constant 0 : i32
        %dma_wait3A_1161 = tpu.memref_slice %arg9[%dma_wait3A_1159, %dma_wait3A_1160] : memref<10x40xf32, #tpu.memory_space<vmem>> -> memref<1x40xf32, #tpu.memory_space<vmem>>
        %dma_wait3A_1162 = tpu.memref_squeeze %dma_wait3A_1161 : memref<1x40xf32, #tpu.memory_space<vmem>> -> memref<40xf32, #tpu.memory_space<vmem>>
        %dma_wait3A_1163 = tpu.memref_slice %arg4[%mul3A_1140] : memref<320000xf32, #tpu.memory_space<hbm>> -> memref<40xf32, #tpu.memory_space<hbm>>
        %dma_wait3A_1164 = arith.constant 0 : i32
        %dma_wait3A_1165 = tpu.memref_slice %arg9[%dma_wait3A_1159, %dma_wait3A_1164] : memref<10x40xf32, #tpu.memory_space<vmem>> -> memref<1x40xf32, #tpu.memory_space<vmem>>
        %dma_wait3A_1166 = tpu.memref_squeeze %dma_wait3A_1165 : memref<1x40xf32, #tpu.memory_space<vmem>> -> memref<40xf32, #tpu.memory_space<vmem>>
        %dma_wait3A_1167 = tpu.memref_slice %arg4[%mul3A_1140] : memref<320000xf32, #tpu.memory_space<hbm>> -> memref<40xf32, #tpu.memory_space<hbm>>
        tpu.wait_dma2 semaphore(%arg23 : memref<!tpu.dma_semaphore, #tpu.memory_space<semaphore_mem>>) src(%dma_wait3A_1167 : memref<40xf32, #tpu.memory_space<hbm>>) dst(%dma_wait3A_1166 : memref<40xf32, #tpu.memory_space<vmem>>)
        %dma_start3A_1168 = arith.constant 0 : i32
        %dma_start3A_1169 = arith.constant 0 : i32
        %dma_start3A_1170 = arith.constant 0 : i32
        %dma_start3A_1171 = arith.constant 0 : i32
        %dma_start3A_1172 = tpu.memref_slice %arg10[%dma_start3A_1169, %dma_start3A_1170, %dma_start3A_1171] : memref<5x40x128xf32, #tpu.memory_space<vmem>> -> memref<1x40x128xf32, #tpu.memory_space<vmem>>
        %dma_start3A_1173 = tpu.memref_squeeze %dma_start3A_1172 : memref<1x40x128xf32, #tpu.memory_space<vmem>> -> memref<40x128xf32, #tpu.memory_space<vmem>>
        %dma_start3A_1174 = arith.constant 0 : i32
        %dma_start3A_1175 = tpu.memref_slice %arg8[%dma_start3A_1168, %dma_start3A_1174] : memref<10x40xi32, #tpu.memory_space<vmem>> -> memref<1x40xi32, #tpu.memory_space<vmem>>
        %dma_start3A_1176 = tpu.memref_squeeze %dma_start3A_1175 : memref<1x40xi32, #tpu.memory_space<vmem>> -> memref<40xi32, #tpu.memory_space<vmem>>
        %dma_start3A_1177 = arith.constant 0 : i32
        %dma_start3A_1178 = arith.constant 0 : i32
        %dma_start3A_1179 = tpu.memref_slice %arg5[%dma_start3A_1177, %dma_start3A_1178] : memref<10000x128xf32, #tpu.memory_space<hbm>> -> memref<10000x128xf32, #tpu.memory_space<hbm>>
        tpu.enqueue_indirect_dma source(%dma_start3A_1179 : memref<10000x128xf32, #tpu.memory_space<hbm>>) target(%dma_start3A_1173 : memref<40x128xf32, #tpu.memory_space<vmem>>) offsets(%dma_start3A_1176 : memref<40xi32, #tpu.memory_space<vmem>>) semaphore(%arg13 : memref<!tpu.dma_semaphore, #tpu.memory_space<semaphore_mem>>)
      } else {
      }
      %add3A_945 = arith.constant 10 : i32
      %add3A_946 = arith.addi %add3A_895, %add3A_945 : i32
      %sub3A_947 = arith.constant 1 : i32
      %sub3A_948 = arith.subi %add3A_946, %sub3A_947 : i32
      %lt3A_949 = arith.constant 250 : i32
      %lt3A_950 = arith.cmpi slt, %sub3A_948, %lt3A_949 : i32
      %convert_element_type3A_951 = arith.extui %lt3A_950 : i1 to i32
      %cond3A_952 = arith.constant 0 : i32
      %cond3A_953 = arith.cmpi ne, %convert_element_type3A_951, %cond3A_952 : i32
      scf.if %cond3A_953 {
        %add3A_1134 = arith.constant 10 : i32
        %add3A_1135 = arith.addi %add3A_895, %add3A_1134 : i32
        %sub3A_1136 = arith.constant 1 : i32
        %sub3A_1137 = arith.subi %add3A_1135, %sub3A_1136 : i32
        %add3A_1138 = arith.addi %mul3A_2, %sub3A_1137 : i32
        %mul3A_1139 = arith.constant 40 : i32
        %mul3A_1140 = arith.muli %add3A_1138, %mul3A_1139 : i32
        %dma_start3A_1141 = arith.constant 5 : i32
        %dma_start3A_1142 = arith.constant 0 : i32
        %dma_start3A_1143 = tpu.memref_slice %arg7[%dma_start3A_1141, %dma_start3A_1142] : memref<10x40xi32, #tpu.memory_space<vmem>> -> memref<1x40xi32, #tpu.memory_space<vmem>>
        %dma_start3A_1144 = tpu.memref_squeeze %dma_start3A_1143 : memref<1x40xi32, #tpu.memory_space<vmem>> -> memref<40xi32, #tpu.memory_space<vmem>>
        %dma_start3A_1145 = tpu.memref_slice %arg2[%mul3A_1140] : memref<320000xi32, #tpu.memory_space<hbm>> -> memref<40xi32, #tpu.memory_space<hbm>>
        %dma_start3A_1146 = arith.constant 0 : i32
        %dma_start3A_1147 = tpu.memref_slice %arg7[%dma_start3A_1141, %dma_start3A_1146] : memref<10x40xi32, #tpu.memory_space<vmem>> -> memref<1x40xi32, #tpu.memory_space<vmem>>
        %dma_start3A_1148 = tpu.memref_squeeze %dma_start3A_1147 : memref<1x40xi32, #tpu.memory_space<vmem>> -> memref<40xi32, #tpu.memory_space<vmem>>
        %dma_start3A_1149 = tpu.memref_slice %arg2[%mul3A_1140] : memref<320000xi32, #tpu.memory_space<hbm>> -> memref<40xi32, #tpu.memory_space<hbm>>
        tpu.enqueue_dma source(%dma_start3A_1149 : memref<40xi32, #tpu.memory_space<hbm>>) target(%dma_start3A_1148 : memref<40xi32, #tpu.memory_space<vmem>>) target_semaphore(%arg28 : memref<!tpu.dma_semaphore, #tpu.memory_space<semaphore_mem>>)
        %dma_start3A_1150 = arith.constant 5 : i32
        %dma_start3A_1151 = arith.constant 0 : i32
        %dma_start3A_1152 = tpu.memref_slice %arg8[%dma_start3A_1150, %dma_start3A_1151] : memref<10x40xi32, #tpu.memory_space<vmem>> -> memref<1x40xi32, #tpu.memory_space<vmem>>
        %dma_start3A_1153 = tpu.memref_squeeze %dma_start3A_1152 : memref<1x40xi32, #tpu.memory_space<vmem>> -> memref<40xi32, #tpu.memory_space<vmem>>
        %dma_start3A_1154 = tpu.memref_slice %arg3[%mul3A_1140] : memref<320000xi32, #tpu.memory_space<hbm>> -> memref<40xi32, #tpu.memory_space<hbm>>
        %dma_start3A_1155 = arith.constant 0 : i32
        %dma_start3A_1156 = tpu.memref_slice %arg8[%dma_start3A_1150, %dma_start3A_1155] : memref<10x40xi32, #tpu.memory_space<vmem>> -> memref<1x40xi32, #tpu.memory_space<vmem>>
        %dma_start3A_1157 = tpu.memref_squeeze %dma_start3A_1156 : memref<1x40xi32, #tpu.memory_space<vmem>> -> memref<40xi32, #tpu.memory_space<vmem>>
        %dma_start3A_1158 = tpu.memref_slice %arg3[%mul3A_1140] : memref<320000xi32, #tpu.memory_space<hbm>> -> memref<40xi32, #tpu.memory_space<hbm>>
        tpu.enqueue_dma source(%dma_start3A_1158 : memref<40xi32, #tpu.memory_space<hbm>>) target(%dma_start3A_1157 : memref<40xi32, #tpu.memory_space<vmem>>) target_semaphore(%arg28 : memref<!tpu.dma_semaphore, #tpu.memory_space<semaphore_mem>>)
        %dma_start3A_1159 = arith.constant 5 : i32
        %dma_start3A_1160 = arith.constant 0 : i32
        %dma_start3A_1161 = tpu.memref_slice %arg9[%dma_start3A_1159, %dma_start3A_1160] : memref<10x40xf32, #tpu.memory_space<vmem>> -> memref<1x40xf32, #tpu.memory_space<vmem>>
        %dma_start3A_1162 = tpu.memref_squeeze %dma_start3A_1161 : memref<1x40xf32, #tpu.memory_space<vmem>> -> memref<40xf32, #tpu.memory_space<vmem>>
        %dma_start3A_1163 = tpu.memref_slice %arg4[%mul3A_1140] : memref<320000xf32, #tpu.memory_space<hbm>> -> memref<40xf32, #tpu.memory_space<hbm>>
        %dma_start3A_1164 = arith.constant 0 : i32
        %dma_start3A_1165 = tpu.memref_slice %arg9[%dma_start3A_1159, %dma_start3A_1164] : memref<10x40xf32, #tpu.memory_space<vmem>> -> memref<1x40xf32, #tpu.memory_space<vmem>>
        %dma_start3A_1166 = tpu.memref_squeeze %dma_start3A_1165 : memref<1x40xf32, #tpu.memory_space<vmem>> -> memref<40xf32, #tpu.memory_space<vmem>>
        %dma_start3A_1167 = tpu.memref_slice %arg4[%mul3A_1140] : memref<320000xf32, #tpu.memory_space<hbm>> -> memref<40xf32, #tpu.memory_space<hbm>>
        tpu.enqueue_dma source(%dma_start3A_1167 : memref<40xf32, #tpu.memory_space<hbm>>) target(%dma_start3A_1166 : memref<40xf32, #tpu.memory_space<vmem>>) target_semaphore(%arg28 : memref<!tpu.dma_semaphore, #tpu.memory_space<semaphore_mem>>)
      } else {
      }
      %add3A_954 = arith.constant 7 : i32
      %add3A_955 = arith.addi %mul3A_561, %add3A_954 : i32
      %dma_wait3A_956 = arith.constant 7 : i32
      %dma_wait3A_957 = arith.constant 2 : i32
      %dma_wait3A_958 = arith.constant 0 : i32
      %dma_wait3A_959 = arith.constant 0 : i32
      %dma_wait3A_960 = tpu.memref_slice %arg10[%dma_wait3A_957, %dma_wait3A_958, %dma_wait3A_959] : memref<5x40x128xf32, #tpu.memory_space<vmem>> -> memref<1x40x128xf32, #tpu.memory_space<vmem>>
      %dma_wait3A_961 = tpu.memref_squeeze %dma_wait3A_960 : memref<1x40x128xf32, #tpu.memory_space<vmem>> -> memref<40x128xf32, #tpu.memory_space<vmem>>
      %dma_wait3A_962 = arith.constant 0 : i32
      %dma_wait3A_963 = tpu.memref_slice %arg8[%dma_wait3A_956, %dma_wait3A_962] : memref<10x40xi32, #tpu.memory_space<vmem>> -> memref<1x40xi32, #tpu.memory_space<vmem>>
      %dma_wait3A_964 = tpu.memref_squeeze %dma_wait3A_963 : memref<1x40xi32, #tpu.memory_space<vmem>> -> memref<40xi32, #tpu.memory_space<vmem>>
      %dma_wait3A_965 = arith.constant 0 : i32
      %dma_wait3A_966 = arith.constant 0 : i32
      %dma_wait3A_967 = tpu.memref_slice %arg5[%dma_wait3A_965, %dma_wait3A_966] : memref<10000x128xf32, #tpu.memory_space<hbm>> -> memref<10000x128xf32, #tpu.memory_space<hbm>>
      tpu.wait_indirect_dma semaphore(%arg15 : memref<!tpu.dma_semaphore, #tpu.memory_space<semaphore_mem>>) src(%dma_wait3A_967 : memref<10000x128xf32, #tpu.memory_space<hbm>>) dst(%dma_wait3A_961 : memref<40x128xf32, #tpu.memory_space<vmem>>)
      %parallel_loop3A_968 = arith.constant 0 : i32
      %parallel_loop3A_969 = arith.constant 40 : i32
      %parallel_loop3A_970 = arith.constant 1 : i32
      %parallel_loop3A_971 = arith.constant 2 : i32
      scf.for %parallel_loop3A_1134 = %parallel_loop3A_968 to %parallel_loop3A_969 step %parallel_loop3A_970  : i32 {
        %parallel_loop3A_1135 = vector.broadcast %parallel_loop3A_1134 : i32 to vector<16xi32>
        %parallel_loop3A_1136 = arith.constant 7 : i32
        %parallel_loop3A_1137 = arith.constant 0 : i32
        %parallel_loop3A_1138 = tpu.memref_slice %arg9[%parallel_loop3A_1136, %parallel_loop3A_1137] : memref<10x40xf32, #tpu.memory_space<vmem>> -> memref<1x40xf32, #tpu.memory_space<vmem>>
        %parallel_loop3A_1139 = tpu.memref_squeeze %parallel_loop3A_1138 : memref<1x40xf32, #tpu.memory_space<vmem>> -> memref<40xf32, #tpu.memory_space<vmem>>
        %parallel_loop3A_1140 = tpu.vector_load_idx %parallel_loop3A_1139[%parallel_loop3A_1135] : memref<40xf32, #tpu.memory_space<vmem>>[vector<16xi32>], vector<16xf32>,
        %parallel_loop3A_1141 = arith.constant 0 : i32
        %parallel_loop3A_1142 = arith.constant 0 : i32
        %parallel_loop3A_1143 = tpu.memref_slice %arg10[%parallel_loop3A_971, %parallel_loop3A_1141, %parallel_loop3A_1142] : memref<5x40x128xf32, #tpu.memory_space<vmem>> -> memref<1x40x128xf32, #tpu.memory_space<vmem>>
        %parallel_loop3A_1144 = tpu.memref_squeeze %parallel_loop3A_1143 : memref<1x40x128xf32, #tpu.memory_space<vmem>> -> memref<40x128xf32, #tpu.memory_space<vmem>>
        %parallel_loop3A_1145 = arith.index_cast %parallel_loop3A_1134 : i32 to index
        %parallel_loop3A_1146 = arith.constant 0 : index
        %parallel_loop3A_1147 = tpu.vector_load %parallel_loop3A_1144[%parallel_loop3A_1145, %parallel_loop3A_1146] {strides = array<i32>} : memref<40x128xf32, #tpu.memory_space<vmem>>, vector<16xf32>,
        %parallel_loop3A_1148 = arith.mulf %parallel_loop3A_1147, %parallel_loop3A_1140 : vector<16xf32>
        %parallel_loop3A_1149 = arith.constant 0 : i32
        %parallel_loop3A_1150 = arith.constant 0 : i32
        %parallel_loop3A_1151 = tpu.memref_slice %arg10[%parallel_loop3A_971, %parallel_loop3A_1149, %parallel_loop3A_1150] : memref<5x40x128xf32, #tpu.memory_space<vmem>> -> memref<1x40x128xf32, #tpu.memory_space<vmem>>
        %parallel_loop3A_1152 = tpu.memref_squeeze %parallel_loop3A_1151 : memref<1x40x128xf32, #tpu.memory_space<vmem>> -> memref<40x128xf32, #tpu.memory_space<vmem>>
        %parallel_loop3A_1153 = arith.index_cast %parallel_loop3A_1134 : i32 to index
        %parallel_loop3A_1154 = arith.constant 0 : index
        %parallel_loop3A_1155 = tpu.vector_load %parallel_loop3A_1152[%parallel_loop3A_1153, %parallel_loop3A_1154] {strides = array<i32>} : memref<40x128xf32, #tpu.memory_space<vmem>>, vector<16xf32>,
        tpu.vector_store %parallel_loop3A_1152[%parallel_loop3A_1153, %parallel_loop3A_1154], %parallel_loop3A_1148 {strides = array<i32>} : memref<40x128xf32, #tpu.memory_space<vmem>>, vector<16xf32>,
        %parallel_loop3A_1156 = arith.constant 0 : i32
        %parallel_loop3A_1157 = arith.constant 0 : i32
        %parallel_loop3A_1158 = tpu.memref_slice %arg10[%parallel_loop3A_971, %parallel_loop3A_1156, %parallel_loop3A_1157] : memref<5x40x128xf32, #tpu.memory_space<vmem>> -> memref<1x40x128xf32, #tpu.memory_space<vmem>>
        %parallel_loop3A_1159 = tpu.memref_squeeze %parallel_loop3A_1158 : memref<1x40x128xf32, #tpu.memory_space<vmem>> -> memref<40x128xf32, #tpu.memory_space<vmem>>
        %parallel_loop3A_1160 = arith.index_cast %parallel_loop3A_1134 : i32 to index
        %parallel_loop3A_1161 = arith.constant 16 : index
        %parallel_loop3A_1162 = tpu.vector_load %parallel_loop3A_1159[%parallel_loop3A_1160, %parallel_loop3A_1161] {strides = array<i32>} : memref<40x128xf32, #tpu.memory_space<vmem>>, vector<16xf32>,
        %parallel_loop3A_1163 = arith.mulf %parallel_loop3A_1162, %parallel_loop3A_1140 : vector<16xf32>
        %parallel_loop3A_1164 = arith.constant 0 : i32
        %parallel_loop3A_1165 = arith.constant 0 : i32
        %parallel_loop3A_1166 = tpu.memref_slice %arg10[%parallel_loop3A_971, %parallel_loop3A_1164, %parallel_loop3A_1165] : memref<5x40x128xf32, #tpu.memory_space<vmem>> -> memref<1x40x128xf32, #tpu.memory_space<vmem>>
        %parallel_loop3A_1167 = tpu.memref_squeeze %parallel_loop3A_1166 : memref<1x40x128xf32, #tpu.memory_space<vmem>> -> memref<40x128xf32, #tpu.memory_space<vmem>>
        %parallel_loop3A_1168 = arith.index_cast %parallel_loop3A_1134 : i32 to index
        %parallel_loop3A_1169 = arith.constant 16 : index
        %parallel_loop3A_1170 = tpu.vector_load %parallel_loop3A_1167[%parallel_loop3A_1168, %parallel_loop3A_1169] {strides = array<i32>} : memref<40x128xf32, #tpu.memory_space<vmem>>, vector<16xf32>,
        tpu.vector_store %parallel_loop3A_1167[%parallel_loop3A_1168, %parallel_loop3A_1169], %parallel_loop3A_1163 {strides = array<i32>} : memref<40x128xf32, #tpu.memory_space<vmem>>, vector<16xf32>,
        %parallel_loop3A_1171 = arith.constant 0 : i32
        %parallel_loop3A_1172 = arith.constant 0 : i32
        %parallel_loop3A_1173 = tpu.memref_slice %arg10[%parallel_loop3A_971, %parallel_loop3A_1171, %parallel_loop3A_1172] : memref<5x40x128xf32, #tpu.memory_space<vmem>> -> memref<1x40x128xf32, #tpu.memory_space<vmem>>
        %parallel_loop3A_1174 = tpu.memref_squeeze %parallel_loop3A_1173 : memref<1x40x128xf32, #tpu.memory_space<vmem>> -> memref<40x128xf32, #tpu.memory_space<vmem>>
        %parallel_loop3A_1175 = arith.index_cast %parallel_loop3A_1134 : i32 to index
        %parallel_loop3A_1176 = arith.constant 32 : index
        %parallel_loop3A_1177 = tpu.vector_load %parallel_loop3A_1174[%parallel_loop3A_1175, %parallel_loop3A_1176] {strides = array<i32>} : memref<40x128xf32, #tpu.memory_space<vmem>>, vector<16xf32>,
        %parallel_loop3A_1178 = arith.mulf %parallel_loop3A_1177, %parallel_loop3A_1140 : vector<16xf32>
        %parallel_loop3A_1179 = arith.constant 0 : i32
        %parallel_loop3A_1180 = arith.constant 0 : i32
        %parallel_loop3A_1181 = tpu.memref_slice %arg10[%parallel_loop3A_971, %parallel_loop3A_1179, %parallel_loop3A_1180] : memref<5x40x128xf32, #tpu.memory_space<vmem>> -> memref<1x40x128xf32, #tpu.memory_space<vmem>>
        %parallel_loop3A_1182 = tpu.memref_squeeze %parallel_loop3A_1181 : memref<1x40x128xf32, #tpu.memory_space<vmem>> -> memref<40x128xf32, #tpu.memory_space<vmem>>
        %parallel_loop3A_1183 = arith.index_cast %parallel_loop3A_1134 : i32 to index
        %parallel_loop3A_1184 = arith.constant 32 : index
        %parallel_loop3A_1185 = tpu.vector_load %parallel_loop3A_1182[%parallel_loop3A_1183, %parallel_loop3A_1184] {strides = array<i32>} : memref<40x128xf32, #tpu.memory_space<vmem>>, vector<16xf32>,
        tpu.vector_store %parallel_loop3A_1182[%parallel_loop3A_1183, %parallel_loop3A_1184], %parallel_loop3A_1178 {strides = array<i32>} : memref<40x128xf32, #tpu.memory_space<vmem>>, vector<16xf32>,
        %parallel_loop3A_1186 = arith.constant 0 : i32
        %parallel_loop3A_1187 = arith.constant 0 : i32
        %parallel_loop3A_1188 = tpu.memref_slice %arg10[%parallel_loop3A_971, %parallel_loop3A_1186, %parallel_loop3A_1187] : memref<5x40x128xf32, #tpu.memory_space<vmem>> -> memref<1x40x128xf32, #tpu.memory_space<vmem>>
        %parallel_loop3A_1189 = tpu.memref_squeeze %parallel_loop3A_1188 : memref<1x40x128xf32, #tpu.memory_space<vmem>> -> memref<40x128xf32, #tpu.memory_space<vmem>>
        %parallel_loop3A_1190 = arith.index_cast %parallel_loop3A_1134 : i32 to index
        %parallel_loop3A_1191 = arith.constant 48 : index
        %parallel_loop3A_1192 = tpu.vector_load %parallel_loop3A_1189[%parallel_loop3A_1190, %parallel_loop3A_1191] {strides = array<i32>} : memref<40x128xf32, #tpu.memory_space<vmem>>, vector<16xf32>,
        %parallel_loop3A_1193 = arith.mulf %parallel_loop3A_1192, %parallel_loop3A_1140 : vector<16xf32>
        %parallel_loop3A_1194 = arith.constant 0 : i32
        %parallel_loop3A_1195 = arith.constant 0 : i32
        %parallel_loop3A_1196 = tpu.memref_slice %arg10[%parallel_loop3A_971, %parallel_loop3A_1194, %parallel_loop3A_1195] : memref<5x40x128xf32, #tpu.memory_space<vmem>> -> memref<1x40x128xf32, #tpu.memory_space<vmem>>
        %parallel_loop3A_1197 = tpu.memref_squeeze %parallel_loop3A_1196 : memref<1x40x128xf32, #tpu.memory_space<vmem>> -> memref<40x128xf32, #tpu.memory_space<vmem>>
        %parallel_loop3A_1198 = arith.index_cast %parallel_loop3A_1134 : i32 to index
        %parallel_loop3A_1199 = arith.constant 48 : index
        %parallel_loop3A_1200 = tpu.vector_load %parallel_loop3A_1197[%parallel_loop3A_1198, %parallel_loop3A_1199] {strides = array<i32>} : memref<40x128xf32, #tpu.memory_space<vmem>>, vector<16xf32>,
        tpu.vector_store %parallel_loop3A_1197[%parallel_loop3A_1198, %parallel_loop3A_1199], %parallel_loop3A_1193 {strides = array<i32>} : memref<40x128xf32, #tpu.memory_space<vmem>>, vector<16xf32>,
        %parallel_loop3A_1201 = arith.constant 0 : i32
        %parallel_loop3A_1202 = arith.constant 0 : i32
        %parallel_loop3A_1203 = tpu.memref_slice %arg10[%parallel_loop3A_971, %parallel_loop3A_1201, %parallel_loop3A_1202] : memref<5x40x128xf32, #tpu.memory_space<vmem>> -> memref<1x40x128xf32, #tpu.memory_space<vmem>>
        %parallel_loop3A_1204 = tpu.memref_squeeze %parallel_loop3A_1203 : memref<1x40x128xf32, #tpu.memory_space<vmem>> -> memref<40x128xf32, #tpu.memory_space<vmem>>
        %parallel_loop3A_1205 = arith.index_cast %parallel_loop3A_1134 : i32 to index
        %parallel_loop3A_1206 = arith.constant 64 : index
        %parallel_loop3A_1207 = tpu.vector_load %parallel_loop3A_1204[%parallel_loop3A_1205, %parallel_loop3A_1206] {strides = array<i32>} : memref<40x128xf32, #tpu.memory_space<vmem>>, vector<16xf32>,
        %parallel_loop3A_1208 = arith.mulf %parallel_loop3A_1207, %parallel_loop3A_1140 : vector<16xf32>
        %parallel_loop3A_1209 = arith.constant 0 : i32
        %parallel_loop3A_1210 = arith.constant 0 : i32
        %parallel_loop3A_1211 = tpu.memref_slice %arg10[%parallel_loop3A_971, %parallel_loop3A_1209, %parallel_loop3A_1210] : memref<5x40x128xf32, #tpu.memory_space<vmem>> -> memref<1x40x128xf32, #tpu.memory_space<vmem>>
        %parallel_loop3A_1212 = tpu.memref_squeeze %parallel_loop3A_1211 : memref<1x40x128xf32, #tpu.memory_space<vmem>> -> memref<40x128xf32, #tpu.memory_space<vmem>>
        %parallel_loop3A_1213 = arith.index_cast %parallel_loop3A_1134 : i32 to index
        %parallel_loop3A_1214 = arith.constant 64 : index
        %parallel_loop3A_1215 = tpu.vector_load %parallel_loop3A_1212[%parallel_loop3A_1213, %parallel_loop3A_1214] {strides = array<i32>} : memref<40x128xf32, #tpu.memory_space<vmem>>, vector<16xf32>,
        tpu.vector_store %parallel_loop3A_1212[%parallel_loop3A_1213, %parallel_loop3A_1214], %parallel_loop3A_1208 {strides = array<i32>} : memref<40x128xf32, #tpu.memory_space<vmem>>, vector<16xf32>,
        %parallel_loop3A_1216 = arith.constant 0 : i32
        %parallel_loop3A_1217 = arith.constant 0 : i32
        %parallel_loop3A_1218 = tpu.memref_slice %arg10[%parallel_loop3A_971, %parallel_loop3A_1216, %parallel_loop3A_1217] : memref<5x40x128xf32, #tpu.memory_space<vmem>> -> memref<1x40x128xf32, #tpu.memory_space<vmem>>
        %parallel_loop3A_1219 = tpu.memref_squeeze %parallel_loop3A_1218 : memref<1x40x128xf32, #tpu.memory_space<vmem>> -> memref<40x128xf32, #tpu.memory_space<vmem>>
        %parallel_loop3A_1220 = arith.index_cast %parallel_loop3A_1134 : i32 to index
        %parallel_loop3A_1221 = arith.constant 80 : index
        %parallel_loop3A_1222 = tpu.vector_load %parallel_loop3A_1219[%parallel_loop3A_1220, %parallel_loop3A_1221] {strides = array<i32>} : memref<40x128xf32, #tpu.memory_space<vmem>>, vector<16xf32>,
        %parallel_loop3A_1223 = arith.mulf %parallel_loop3A_1222, %parallel_loop3A_1140 : vector<16xf32>
        %parallel_loop3A_1224 = arith.constant 0 : i32
        %parallel_loop3A_1225 = arith.constant 0 : i32
        %parallel_loop3A_1226 = tpu.memref_slice %arg10[%parallel_loop3A_971, %parallel_loop3A_1224, %parallel_loop3A_1225] : memref<5x40x128xf32, #tpu.memory_space<vmem>> -> memref<1x40x128xf32, #tpu.memory_space<vmem>>
        %parallel_loop3A_1227 = tpu.memref_squeeze %parallel_loop3A_1226 : memref<1x40x128xf32, #tpu.memory_space<vmem>> -> memref<40x128xf32, #tpu.memory_space<vmem>>
        %parallel_loop3A_1228 = arith.index_cast %parallel_loop3A_1134 : i32 to index
        %parallel_loop3A_1229 = arith.constant 80 : index
        %parallel_loop3A_1230 = tpu.vector_load %parallel_loop3A_1227[%parallel_loop3A_1228, %parallel_loop3A_1229] {strides = array<i32>} : memref<40x128xf32, #tpu.memory_space<vmem>>, vector<16xf32>,
        tpu.vector_store %parallel_loop3A_1227[%parallel_loop3A_1228, %parallel_loop3A_1229], %parallel_loop3A_1223 {strides = array<i32>} : memref<40x128xf32, #tpu.memory_space<vmem>>, vector<16xf32>,
        %parallel_loop3A_1231 = arith.constant 0 : i32
        %parallel_loop3A_1232 = arith.constant 0 : i32
        %parallel_loop3A_1233 = tpu.memref_slice %arg10[%parallel_loop3A_971, %parallel_loop3A_1231, %parallel_loop3A_1232] : memref<5x40x128xf32, #tpu.memory_space<vmem>> -> memref<1x40x128xf32, #tpu.memory_space<vmem>>
        %parallel_loop3A_1234 = tpu.memref_squeeze %parallel_loop3A_1233 : memref<1x40x128xf32, #tpu.memory_space<vmem>> -> memref<40x128xf32, #tpu.memory_space<vmem>>
        %parallel_loop3A_1235 = arith.index_cast %parallel_loop3A_1134 : i32 to index
        %parallel_loop3A_1236 = arith.constant 96 : index
        %parallel_loop3A_1237 = tpu.vector_load %parallel_loop3A_1234[%parallel_loop3A_1235, %parallel_loop3A_1236] {strides = array<i32>} : memref<40x128xf32, #tpu.memory_space<vmem>>, vector<16xf32>,
        %parallel_loop3A_1238 = arith.mulf %parallel_loop3A_1237, %parallel_loop3A_1140 : vector<16xf32>
        %parallel_loop3A_1239 = arith.constant 0 : i32
        %parallel_loop3A_1240 = arith.constant 0 : i32
        %parallel_loop3A_1241 = tpu.memref_slice %arg10[%parallel_loop3A_971, %parallel_loop3A_1239, %parallel_loop3A_1240] : memref<5x40x128xf32, #tpu.memory_space<vmem>> -> memref<1x40x128xf32, #tpu.memory_space<vmem>>
        %parallel_loop3A_1242 = tpu.memref_squeeze %parallel_loop3A_1241 : memref<1x40x128xf32, #tpu.memory_space<vmem>> -> memref<40x128xf32, #tpu.memory_space<vmem>>
        %parallel_loop3A_1243 = arith.index_cast %parallel_loop3A_1134 : i32 to index
        %parallel_loop3A_1244 = arith.constant 96 : index
        %parallel_loop3A_1245 = tpu.vector_load %parallel_loop3A_1242[%parallel_loop3A_1243, %parallel_loop3A_1244] {strides = array<i32>} : memref<40x128xf32, #tpu.memory_space<vmem>>, vector<16xf32>,
        tpu.vector_store %parallel_loop3A_1242[%parallel_loop3A_1243, %parallel_loop3A_1244], %parallel_loop3A_1238 {strides = array<i32>} : memref<40x128xf32, #tpu.memory_space<vmem>>, vector<16xf32>,
        %parallel_loop3A_1246 = arith.constant 0 : i32
        %parallel_loop3A_1247 = arith.constant 0 : i32
        %parallel_loop3A_1248 = tpu.memref_slice %arg10[%parallel_loop3A_971, %parallel_loop3A_1246, %parallel_loop3A_1247] : memref<5x40x128xf32, #tpu.memory_space<vmem>> -> memref<1x40x128xf32, #tpu.memory_space<vmem>>
        %parallel_loop3A_1249 = tpu.memref_squeeze %parallel_loop3A_1248 : memref<1x40x128xf32, #tpu.memory_space<vmem>> -> memref<40x128xf32, #tpu.memory_space<vmem>>
        %parallel_loop3A_1250 = arith.index_cast %parallel_loop3A_1134 : i32 to index
        %parallel_loop3A_1251 = arith.constant 112 : index
        %parallel_loop3A_1252 = tpu.vector_load %parallel_loop3A_1249[%parallel_loop3A_1250, %parallel_loop3A_1251] {strides = array<i32>} : memref<40x128xf32, #tpu.memory_space<vmem>>, vector<16xf32>,
        %parallel_loop3A_1253 = arith.mulf %parallel_loop3A_1252, %parallel_loop3A_1140 : vector<16xf32>
        %parallel_loop3A_1254 = arith.constant 0 : i32
        %parallel_loop3A_1255 = arith.constant 0 : i32
        %parallel_loop3A_1256 = tpu.memref_slice %arg10[%parallel_loop3A_971, %parallel_loop3A_1254, %parallel_loop3A_1255] : memref<5x40x128xf32, #tpu.memory_space<vmem>> -> memref<1x40x128xf32, #tpu.memory_space<vmem>>
        %parallel_loop3A_1257 = tpu.memref_squeeze %parallel_loop3A_1256 : memref<1x40x128xf32, #tpu.memory_space<vmem>> -> memref<40x128xf32, #tpu.memory_space<vmem>>
        %parallel_loop3A_1258 = arith.index_cast %parallel_loop3A_1134 : i32 to index
        %parallel_loop3A_1259 = arith.constant 112 : index
        %parallel_loop3A_1260 = tpu.vector_load %parallel_loop3A_1257[%parallel_loop3A_1258, %parallel_loop3A_1259] {strides = array<i32>} : memref<40x128xf32, #tpu.memory_space<vmem>>, vector<16xf32>,
        tpu.vector_store %parallel_loop3A_1257[%parallel_loop3A_1258, %parallel_loop3A_1259], %parallel_loop3A_1253 {strides = array<i32>} : memref<40x128xf32, #tpu.memory_space<vmem>>, vector<16xf32>,
      } {sc.loop_unroll_factor = 2 : i64, sc.parallel_access}
      %dma_start3A_972 = arith.constant 2 : i32
      %dma_start3A_973 = arith.constant 7 : i32
      %dma_start3A_974 = arith.constant 0 : i32
      %dma_start3A_975 = arith.constant 0 : i32
      %dma_start3A_976 = tpu.memref_slice %arg10[%dma_start3A_972, %dma_start3A_974, %dma_start3A_975] : memref<5x40x128xf32, #tpu.memory_space<vmem>> -> memref<1x40x128xf32, #tpu.memory_space<vmem>>
      %dma_start3A_977 = tpu.memref_squeeze %dma_start3A_976 : memref<1x40x128xf32, #tpu.memory_space<vmem>> -> memref<40x128xf32, #tpu.memory_space<vmem>>
      %dma_start3A_978 = arith.constant 0 : i32
      %dma_start3A_979 = tpu.memref_slice %arg7[%dma_start3A_973, %dma_start3A_978] : memref<10x40xi32, #tpu.memory_space<vmem>> -> memref<1x40xi32, #tpu.memory_space<vmem>>
      %dma_start3A_980 = tpu.memref_squeeze %dma_start3A_979 : memref<1x40xi32, #tpu.memory_space<vmem>> -> memref<40xi32, #tpu.memory_space<vmem>>
      %dma_start3A_981 = arith.constant 0 : i32
      %dma_start3A_982 = arith.constant 0 : i32
      %dma_start3A_983 = tpu.memref_slice %arg12[%dma_start3A_981, %dma_start3A_982] : memref<10000x128xf32, #tpu.memory_space<vmem_shared>> -> memref<10000x128xf32, #tpu.memory_space<vmem_shared>>
      tpu.enqueue_indirect_dma source(%dma_start3A_977 : memref<40x128xf32, #tpu.memory_space<vmem>>) target(%dma_start3A_983 : memref<10000x128xf32, #tpu.memory_space<vmem_shared>>) offsets(%dma_start3A_980 : memref<40xi32, #tpu.memory_space<vmem>>) semaphore(%arg20 : memref<!tpu.dma_semaphore, #tpu.memory_space<semaphore_mem>>) {add = true}
      %dma_wait3A_984 = arith.constant 1 : i32
      %dma_wait3A_985 = arith.constant 6 : i32
      %dma_wait3A_986 = arith.constant 0 : i32
      %dma_wait3A_987 = arith.constant 0 : i32
      %dma_wait3A_988 = tpu.memref_slice %arg10[%dma_wait3A_984, %dma_wait3A_986, %dma_wait3A_987] : memref<5x40x128xf32, #tpu.memory_space<vmem>> -> memref<1x40x128xf32, #tpu.memory_space<vmem>>
      %dma_wait3A_989 = tpu.memref_squeeze %dma_wait3A_988 : memref<1x40x128xf32, #tpu.memory_space<vmem>> -> memref<40x128xf32, #tpu.memory_space<vmem>>
      %dma_wait3A_990 = arith.constant 0 : i32
      %dma_wait3A_991 = tpu.memref_slice %arg7[%dma_wait3A_985, %dma_wait3A_990] : memref<10x40xi32, #tpu.memory_space<vmem>> -> memref<1x40xi32, #tpu.memory_space<vmem>>
      %dma_wait3A_992 = tpu.memref_squeeze %dma_wait3A_991 : memref<1x40xi32, #tpu.memory_space<vmem>> -> memref<40xi32, #tpu.memory_space<vmem>>
      %dma_wait3A_993 = arith.constant 0 : i32
      %dma_wait3A_994 = arith.constant 0 : i32
      %dma_wait3A_995 = tpu.memref_slice %arg12[%dma_wait3A_993, %dma_wait3A_994] : memref<10000x128xf32, #tpu.memory_space<vmem_shared>> -> memref<10000x128xf32, #tpu.memory_space<vmem_shared>>
      tpu.wait_indirect_dma semaphore(%arg19 : memref<!tpu.dma_semaphore, #tpu.memory_space<semaphore_mem>>) src(%dma_wait3A_989 : memref<40x128xf32, #tpu.memory_space<vmem>>) dst(%dma_wait3A_995 : memref<10000x128xf32, #tpu.memory_space<vmem_shared>>)
      %add3A_996 = arith.constant 5 : i32
      %add3A_997 = arith.addi %add3A_955, %add3A_996 : i32
      %sub3A_998 = arith.constant 1 : i32
      %sub3A_999 = arith.subi %add3A_997, %sub3A_998 : i32
      %lt3A_1000 = arith.constant 250 : i32
      %lt3A_1001 = arith.cmpi slt, %sub3A_999, %lt3A_1000 : i32
      %convert_element_type3A_1002 = arith.extui %lt3A_1001 : i1 to i32
      %cond3A_1003 = arith.constant 0 : i32
      %cond3A_1004 = arith.cmpi ne, %convert_element_type3A_1002, %cond3A_1003 : i32
      scf.if %cond3A_1004 {
        %add3A_1134 = arith.constant 5 : i32
        %add3A_1135 = arith.addi %add3A_955, %add3A_1134 : i32
        %sub3A_1136 = arith.constant 1 : i32
        %sub3A_1137 = arith.subi %add3A_1135, %sub3A_1136 : i32
        %add3A_1138 = arith.addi %mul3A_2, %sub3A_1137 : i32
        %mul3A_1139 = arith.constant 40 : i32
        %mul3A_1140 = arith.muli %add3A_1138, %mul3A_1139 : i32
        %dma_wait3A_1141 = arith.constant 1 : i32
        %dma_wait3A_1142 = arith.constant 0 : i32
        %dma_wait3A_1143 = tpu.memref_slice %arg7[%dma_wait3A_1141, %dma_wait3A_1142] : memref<10x40xi32, #tpu.memory_space<vmem>> -> memref<1x40xi32, #tpu.memory_space<vmem>>
        %dma_wait3A_1144 = tpu.memref_squeeze %dma_wait3A_1143 : memref<1x40xi32, #tpu.memory_space<vmem>> -> memref<40xi32, #tpu.memory_space<vmem>>
        %dma_wait3A_1145 = tpu.memref_slice %arg2[%mul3A_1140] : memref<320000xi32, #tpu.memory_space<hbm>> -> memref<40xi32, #tpu.memory_space<hbm>>
        %dma_wait3A_1146 = arith.constant 0 : i32
        %dma_wait3A_1147 = tpu.memref_slice %arg7[%dma_wait3A_1141, %dma_wait3A_1146] : memref<10x40xi32, #tpu.memory_space<vmem>> -> memref<1x40xi32, #tpu.memory_space<vmem>>
        %dma_wait3A_1148 = tpu.memref_squeeze %dma_wait3A_1147 : memref<1x40xi32, #tpu.memory_space<vmem>> -> memref<40xi32, #tpu.memory_space<vmem>>
        %dma_wait3A_1149 = tpu.memref_slice %arg2[%mul3A_1140] : memref<320000xi32, #tpu.memory_space<hbm>> -> memref<40xi32, #tpu.memory_space<hbm>>
        tpu.wait_dma2 semaphore(%arg24 : memref<!tpu.dma_semaphore, #tpu.memory_space<semaphore_mem>>) src(%dma_wait3A_1149 : memref<40xi32, #tpu.memory_space<hbm>>) dst(%dma_wait3A_1148 : memref<40xi32, #tpu.memory_space<vmem>>)
        %dma_wait3A_1150 = arith.constant 1 : i32
        %dma_wait3A_1151 = arith.constant 0 : i32
        %dma_wait3A_1152 = tpu.memref_slice %arg8[%dma_wait3A_1150, %dma_wait3A_1151] : memref<10x40xi32, #tpu.memory_space<vmem>> -> memref<1x40xi32, #tpu.memory_space<vmem>>
        %dma_wait3A_1153 = tpu.memref_squeeze %dma_wait3A_1152 : memref<1x40xi32, #tpu.memory_space<vmem>> -> memref<40xi32, #tpu.memory_space<vmem>>
        %dma_wait3A_1154 = tpu.memref_slice %arg3[%mul3A_1140] : memref<320000xi32, #tpu.memory_space<hbm>> -> memref<40xi32, #tpu.memory_space<hbm>>
        %dma_wait3A_1155 = arith.constant 0 : i32
        %dma_wait3A_1156 = tpu.memref_slice %arg8[%dma_wait3A_1150, %dma_wait3A_1155] : memref<10x40xi32, #tpu.memory_space<vmem>> -> memref<1x40xi32, #tpu.memory_space<vmem>>
        %dma_wait3A_1157 = tpu.memref_squeeze %dma_wait3A_1156 : memref<1x40xi32, #tpu.memory_space<vmem>> -> memref<40xi32, #tpu.memory_space<vmem>>
        %dma_wait3A_1158 = tpu.memref_slice %arg3[%mul3A_1140] : memref<320000xi32, #tpu.memory_space<hbm>> -> memref<40xi32, #tpu.memory_space<hbm>>
        tpu.wait_dma2 semaphore(%arg24 : memref<!tpu.dma_semaphore, #tpu.memory_space<semaphore_mem>>) src(%dma_wait3A_1158 : memref<40xi32, #tpu.memory_space<hbm>>) dst(%dma_wait3A_1157 : memref<40xi32, #tpu.memory_space<vmem>>)
        %dma_wait3A_1159 = arith.constant 1 : i32
        %dma_wait3A_1160 = arith.constant 0 : i32
        %dma_wait3A_1161 = tpu.memref_slice %arg9[%dma_wait3A_1159, %dma_wait3A_1160] : memref<10x40xf32, #tpu.memory_space<vmem>> -> memref<1x40xf32, #tpu.memory_space<vmem>>
        %dma_wait3A_1162 = tpu.memref_squeeze %dma_wait3A_1161 : memref<1x40xf32, #tpu.memory_space<vmem>> -> memref<40xf32, #tpu.memory_space<vmem>>
        %dma_wait3A_1163 = tpu.memref_slice %arg4[%mul3A_1140] : memref<320000xf32, #tpu.memory_space<hbm>> -> memref<40xf32, #tpu.memory_space<hbm>>
        %dma_wait3A_1164 = arith.constant 0 : i32
        %dma_wait3A_1165 = tpu.memref_slice %arg9[%dma_wait3A_1159, %dma_wait3A_1164] : memref<10x40xf32, #tpu.memory_space<vmem>> -> memref<1x40xf32, #tpu.memory_space<vmem>>
        %dma_wait3A_1166 = tpu.memref_squeeze %dma_wait3A_1165 : memref<1x40xf32, #tpu.memory_space<vmem>> -> memref<40xf32, #tpu.memory_space<vmem>>
        %dma_wait3A_1167 = tpu.memref_slice %arg4[%mul3A_1140] : memref<320000xf32, #tpu.memory_space<hbm>> -> memref<40xf32, #tpu.memory_space<hbm>>
        tpu.wait_dma2 semaphore(%arg24 : memref<!tpu.dma_semaphore, #tpu.memory_space<semaphore_mem>>) src(%dma_wait3A_1167 : memref<40xf32, #tpu.memory_space<hbm>>) dst(%dma_wait3A_1166 : memref<40xf32, #tpu.memory_space<vmem>>)
        %dma_start3A_1168 = arith.constant 1 : i32
        %dma_start3A_1169 = arith.constant 1 : i32
        %dma_start3A_1170 = arith.constant 0 : i32
        %dma_start3A_1171 = arith.constant 0 : i32
        %dma_start3A_1172 = tpu.memref_slice %arg10[%dma_start3A_1169, %dma_start3A_1170, %dma_start3A_1171] : memref<5x40x128xf32, #tpu.memory_space<vmem>> -> memref<1x40x128xf32, #tpu.memory_space<vmem>>
        %dma_start3A_1173 = tpu.memref_squeeze %dma_start3A_1172 : memref<1x40x128xf32, #tpu.memory_space<vmem>> -> memref<40x128xf32, #tpu.memory_space<vmem>>
        %dma_start3A_1174 = arith.constant 0 : i32
        %dma_start3A_1175 = tpu.memref_slice %arg8[%dma_start3A_1168, %dma_start3A_1174] : memref<10x40xi32, #tpu.memory_space<vmem>> -> memref<1x40xi32, #tpu.memory_space<vmem>>
        %dma_start3A_1176 = tpu.memref_squeeze %dma_start3A_1175 : memref<1x40xi32, #tpu.memory_space<vmem>> -> memref<40xi32, #tpu.memory_space<vmem>>
        %dma_start3A_1177 = arith.constant 0 : i32
        %dma_start3A_1178 = arith.constant 0 : i32
        %dma_start3A_1179 = tpu.memref_slice %arg5[%dma_start3A_1177, %dma_start3A_1178] : memref<10000x128xf32, #tpu.memory_space<hbm>> -> memref<10000x128xf32, #tpu.memory_space<hbm>>
        tpu.enqueue_indirect_dma source(%dma_start3A_1179 : memref<10000x128xf32, #tpu.memory_space<hbm>>) target(%dma_start3A_1173 : memref<40x128xf32, #tpu.memory_space<vmem>>) offsets(%dma_start3A_1176 : memref<40xi32, #tpu.memory_space<vmem>>) semaphore(%arg14 : memref<!tpu.dma_semaphore, #tpu.memory_space<semaphore_mem>>)
      } else {
      }
      %add3A_1005 = arith.constant 10 : i32
      %add3A_1006 = arith.addi %add3A_955, %add3A_1005 : i32
      %sub3A_1007 = arith.constant 1 : i32
      %sub3A_1008 = arith.subi %add3A_1006, %sub3A_1007 : i32
      %lt3A_1009 = arith.constant 250 : i32
      %lt3A_1010 = arith.cmpi slt, %sub3A_1008, %lt3A_1009 : i32
      %convert_element_type3A_1011 = arith.extui %lt3A_1010 : i1 to i32
      %cond3A_1012 = arith.constant 0 : i32
      %cond3A_1013 = arith.cmpi ne, %convert_element_type3A_1011, %cond3A_1012 : i32
      scf.if %cond3A_1013 {
        %add3A_1134 = arith.constant 10 : i32
        %add3A_1135 = arith.addi %add3A_955, %add3A_1134 : i32
        %sub3A_1136 = arith.constant 1 : i32
        %sub3A_1137 = arith.subi %add3A_1135, %sub3A_1136 : i32
        %add3A_1138 = arith.addi %mul3A_2, %sub3A_1137 : i32
        %mul3A_1139 = arith.constant 40 : i32
        %mul3A_1140 = arith.muli %add3A_1138, %mul3A_1139 : i32
        %dma_start3A_1141 = arith.constant 6 : i32
        %dma_start3A_1142 = arith.constant 0 : i32
        %dma_start3A_1143 = tpu.memref_slice %arg7[%dma_start3A_1141, %dma_start3A_1142] : memref<10x40xi32, #tpu.memory_space<vmem>> -> memref<1x40xi32, #tpu.memory_space<vmem>>
        %dma_start3A_1144 = tpu.memref_squeeze %dma_start3A_1143 : memref<1x40xi32, #tpu.memory_space<vmem>> -> memref<40xi32, #tpu.memory_space<vmem>>
        %dma_start3A_1145 = tpu.memref_slice %arg2[%mul3A_1140] : memref<320000xi32, #tpu.memory_space<hbm>> -> memref<40xi32, #tpu.memory_space<hbm>>
        %dma_start3A_1146 = arith.constant 0 : i32
        %dma_start3A_1147 = tpu.memref_slice %arg7[%dma_start3A_1141, %dma_start3A_1146] : memref<10x40xi32, #tpu.memory_space<vmem>> -> memref<1x40xi32, #tpu.memory_space<vmem>>
        %dma_start3A_1148 = tpu.memref_squeeze %dma_start3A_1147 : memref<1x40xi32, #tpu.memory_space<vmem>> -> memref<40xi32, #tpu.memory_space<vmem>>
        %dma_start3A_1149 = tpu.memref_slice %arg2[%mul3A_1140] : memref<320000xi32, #tpu.memory_space<hbm>> -> memref<40xi32, #tpu.memory_space<hbm>>
        tpu.enqueue_dma source(%dma_start3A_1149 : memref<40xi32, #tpu.memory_space<hbm>>) target(%dma_start3A_1148 : memref<40xi32, #tpu.memory_space<vmem>>) target_semaphore(%arg29 : memref<!tpu.dma_semaphore, #tpu.memory_space<semaphore_mem>>)
        %dma_start3A_1150 = arith.constant 6 : i32
        %dma_start3A_1151 = arith.constant 0 : i32
        %dma_start3A_1152 = tpu.memref_slice %arg8[%dma_start3A_1150, %dma_start3A_1151] : memref<10x40xi32, #tpu.memory_space<vmem>> -> memref<1x40xi32, #tpu.memory_space<vmem>>
        %dma_start3A_1153 = tpu.memref_squeeze %dma_start3A_1152 : memref<1x40xi32, #tpu.memory_space<vmem>> -> memref<40xi32, #tpu.memory_space<vmem>>
        %dma_start3A_1154 = tpu.memref_slice %arg3[%mul3A_1140] : memref<320000xi32, #tpu.memory_space<hbm>> -> memref<40xi32, #tpu.memory_space<hbm>>
        %dma_start3A_1155 = arith.constant 0 : i32
        %dma_start3A_1156 = tpu.memref_slice %arg8[%dma_start3A_1150, %dma_start3A_1155] : memref<10x40xi32, #tpu.memory_space<vmem>> -> memref<1x40xi32, #tpu.memory_space<vmem>>
        %dma_start3A_1157 = tpu.memref_squeeze %dma_start3A_1156 : memref<1x40xi32, #tpu.memory_space<vmem>> -> memref<40xi32, #tpu.memory_space<vmem>>
        %dma_start3A_1158 = tpu.memref_slice %arg3[%mul3A_1140] : memref<320000xi32, #tpu.memory_space<hbm>> -> memref<40xi32, #tpu.memory_space<hbm>>
        tpu.enqueue_dma source(%dma_start3A_1158 : memref<40xi32, #tpu.memory_space<hbm>>) target(%dma_start3A_1157 : memref<40xi32, #tpu.memory_space<vmem>>) target_semaphore(%arg29 : memref<!tpu.dma_semaphore, #tpu.memory_space<semaphore_mem>>)
        %dma_start3A_1159 = arith.constant 6 : i32
        %dma_start3A_1160 = arith.constant 0 : i32
        %dma_start3A_1161 = tpu.memref_slice %arg9[%dma_start3A_1159, %dma_start3A_1160] : memref<10x40xf32, #tpu.memory_space<vmem>> -> memref<1x40xf32, #tpu.memory_space<vmem>>
        %dma_start3A_1162 = tpu.memref_squeeze %dma_start3A_1161 : memref<1x40xf32, #tpu.memory_space<vmem>> -> memref<40xf32, #tpu.memory_space<vmem>>
        %dma_start3A_1163 = tpu.memref_slice %arg4[%mul3A_1140] : memref<320000xf32, #tpu.memory_space<hbm>> -> memref<40xf32, #tpu.memory_space<hbm>>
        %dma_start3A_1164 = arith.constant 0 : i32
        %dma_start3A_1165 = tpu.memref_slice %arg9[%dma_start3A_1159, %dma_start3A_1164] : memref<10x40xf32, #tpu.memory_space<vmem>> -> memref<1x40xf32, #tpu.memory_space<vmem>>
        %dma_start3A_1166 = tpu.memref_squeeze %dma_start3A_1165 : memref<1x40xf32, #tpu.memory_space<vmem>> -> memref<40xf32, #tpu.memory_space<vmem>>
        %dma_start3A_1167 = tpu.memref_slice %arg4[%mul3A_1140] : memref<320000xf32, #tpu.memory_space<hbm>> -> memref<40xf32, #tpu.memory_space<hbm>>
        tpu.enqueue_dma source(%dma_start3A_1167 : memref<40xf32, #tpu.memory_space<hbm>>) target(%dma_start3A_1166 : memref<40xf32, #tpu.memory_space<vmem>>) target_semaphore(%arg29 : memref<!tpu.dma_semaphore, #tpu.memory_space<semaphore_mem>>)
      } else {
      }
      %add3A_1014 = arith.constant 8 : i32
      %add3A_1015 = arith.addi %mul3A_561, %add3A_1014 : i32
      %dma_wait3A_1016 = arith.constant 8 : i32
      %dma_wait3A_1017 = arith.constant 3 : i32
      %dma_wait3A_1018 = arith.constant 0 : i32
      %dma_wait3A_1019 = arith.constant 0 : i32
      %dma_wait3A_1020 = tpu.memref_slice %arg10[%dma_wait3A_1017, %dma_wait3A_1018, %dma_wait3A_1019] : memref<5x40x128xf32, #tpu.memory_space<vmem>> -> memref<1x40x128xf32, #tpu.memory_space<vmem>>
      %dma_wait3A_1021 = tpu.memref_squeeze %dma_wait3A_1020 : memref<1x40x128xf32, #tpu.memory_space<vmem>> -> memref<40x128xf32, #tpu.memory_space<vmem>>
      %dma_wait3A_1022 = arith.constant 0 : i32
      %dma_wait3A_1023 = tpu.memref_slice %arg8[%dma_wait3A_1016, %dma_wait3A_1022] : memref<10x40xi32, #tpu.memory_space<vmem>> -> memref<1x40xi32, #tpu.memory_space<vmem>>
      %dma_wait3A_1024 = tpu.memref_squeeze %dma_wait3A_1023 : memref<1x40xi32, #tpu.memory_space<vmem>> -> memref<40xi32, #tpu.memory_space<vmem>>
      %dma_wait3A_1025 = arith.constant 0 : i32
      %dma_wait3A_1026 = arith.constant 0 : i32
      %dma_wait3A_1027 = tpu.memref_slice %arg5[%dma_wait3A_1025, %dma_wait3A_1026] : memref<10000x128xf32, #tpu.memory_space<hbm>> -> memref<10000x128xf32, #tpu.memory_space<hbm>>
      tpu.wait_indirect_dma semaphore(%arg16 : memref<!tpu.dma_semaphore, #tpu.memory_space<semaphore_mem>>) src(%dma_wait3A_1027 : memref<10000x128xf32, #tpu.memory_space<hbm>>) dst(%dma_wait3A_1021 : memref<40x128xf32, #tpu.memory_space<vmem>>)
      %parallel_loop3A_1028 = arith.constant 0 : i32
      %parallel_loop3A_1029 = arith.constant 40 : i32
      %parallel_loop3A_1030 = arith.constant 1 : i32
      %parallel_loop3A_1031 = arith.constant 3 : i32
      scf.for %parallel_loop3A_1134 = %parallel_loop3A_1028 to %parallel_loop3A_1029 step %parallel_loop3A_1030  : i32 {
        %parallel_loop3A_1135 = vector.broadcast %parallel_loop3A_1134 : i32 to vector<16xi32>
        %parallel_loop3A_1136 = arith.constant 8 : i32
        %parallel_loop3A_1137 = arith.constant 0 : i32
        %parallel_loop3A_1138 = tpu.memref_slice %arg9[%parallel_loop3A_1136, %parallel_loop3A_1137] : memref<10x40xf32, #tpu.memory_space<vmem>> -> memref<1x40xf32, #tpu.memory_space<vmem>>
        %parallel_loop3A_1139 = tpu.memref_squeeze %parallel_loop3A_1138 : memref<1x40xf32, #tpu.memory_space<vmem>> -> memref<40xf32, #tpu.memory_space<vmem>>
        %parallel_loop3A_1140 = tpu.vector_load_idx %parallel_loop3A_1139[%parallel_loop3A_1135] : memref<40xf32, #tpu.memory_space<vmem>>[vector<16xi32>], vector<16xf32>,
        %parallel_loop3A_1141 = arith.constant 0 : i32
        %parallel_loop3A_1142 = arith.constant 0 : i32
        %parallel_loop3A_1143 = tpu.memref_slice %arg10[%parallel_loop3A_1031, %parallel_loop3A_1141, %parallel_loop3A_1142] : memref<5x40x128xf32, #tpu.memory_space<vmem>> -> memref<1x40x128xf32, #tpu.memory_space<vmem>>
        %parallel_loop3A_1144 = tpu.memref_squeeze %parallel_loop3A_1143 : memref<1x40x128xf32, #tpu.memory_space<vmem>> -> memref<40x128xf32, #tpu.memory_space<vmem>>
        %parallel_loop3A_1145 = arith.index_cast %parallel_loop3A_1134 : i32 to index
        %parallel_loop3A_1146 = arith.constant 0 : index
        %parallel_loop3A_1147 = tpu.vector_load %parallel_loop3A_1144[%parallel_loop3A_1145, %parallel_loop3A_1146] {strides = array<i32>} : memref<40x128xf32, #tpu.memory_space<vmem>>, vector<16xf32>,
        %parallel_loop3A_1148 = arith.mulf %parallel_loop3A_1147, %parallel_loop3A_1140 : vector<16xf32>
        %parallel_loop3A_1149 = arith.constant 0 : i32
        %parallel_loop3A_1150 = arith.constant 0 : i32
        %parallel_loop3A_1151 = tpu.memref_slice %arg10[%parallel_loop3A_1031, %parallel_loop3A_1149, %parallel_loop3A_1150] : memref<5x40x128xf32, #tpu.memory_space<vmem>> -> memref<1x40x128xf32, #tpu.memory_space<vmem>>
        %parallel_loop3A_1152 = tpu.memref_squeeze %parallel_loop3A_1151 : memref<1x40x128xf32, #tpu.memory_space<vmem>> -> memref<40x128xf32, #tpu.memory_space<vmem>>
        %parallel_loop3A_1153 = arith.index_cast %parallel_loop3A_1134 : i32 to index
        %parallel_loop3A_1154 = arith.constant 0 : index
        %parallel_loop3A_1155 = tpu.vector_load %parallel_loop3A_1152[%parallel_loop3A_1153, %parallel_loop3A_1154] {strides = array<i32>} : memref<40x128xf32, #tpu.memory_space<vmem>>, vector<16xf32>,
        tpu.vector_store %parallel_loop3A_1152[%parallel_loop3A_1153, %parallel_loop3A_1154], %parallel_loop3A_1148 {strides = array<i32>} : memref<40x128xf32, #tpu.memory_space<vmem>>, vector<16xf32>,
        %parallel_loop3A_1156 = arith.constant 0 : i32
        %parallel_loop3A_1157 = arith.constant 0 : i32
        %parallel_loop3A_1158 = tpu.memref_slice %arg10[%parallel_loop3A_1031, %parallel_loop3A_1156, %parallel_loop3A_1157] : memref<5x40x128xf32, #tpu.memory_space<vmem>> -> memref<1x40x128xf32, #tpu.memory_space<vmem>>
        %parallel_loop3A_1159 = tpu.memref_squeeze %parallel_loop3A_1158 : memref<1x40x128xf32, #tpu.memory_space<vmem>> -> memref<40x128xf32, #tpu.memory_space<vmem>>
        %parallel_loop3A_1160 = arith.index_cast %parallel_loop3A_1134 : i32 to index
        %parallel_loop3A_1161 = arith.constant 16 : index
        %parallel_loop3A_1162 = tpu.vector_load %parallel_loop3A_1159[%parallel_loop3A_1160, %parallel_loop3A_1161] {strides = array<i32>} : memref<40x128xf32, #tpu.memory_space<vmem>>, vector<16xf32>,
        %parallel_loop3A_1163 = arith.mulf %parallel_loop3A_1162, %parallel_loop3A_1140 : vector<16xf32>
        %parallel_loop3A_1164 = arith.constant 0 : i32
        %parallel_loop3A_1165 = arith.constant 0 : i32
        %parallel_loop3A_1166 = tpu.memref_slice %arg10[%parallel_loop3A_1031, %parallel_loop3A_1164, %parallel_loop3A_1165] : memref<5x40x128xf32, #tpu.memory_space<vmem>> -> memref<1x40x128xf32, #tpu.memory_space<vmem>>
        %parallel_loop3A_1167 = tpu.memref_squeeze %parallel_loop3A_1166 : memref<1x40x128xf32, #tpu.memory_space<vmem>> -> memref<40x128xf32, #tpu.memory_space<vmem>>
        %parallel_loop3A_1168 = arith.index_cast %parallel_loop3A_1134 : i32 to index
        %parallel_loop3A_1169 = arith.constant 16 : index
        %parallel_loop3A_1170 = tpu.vector_load %parallel_loop3A_1167[%parallel_loop3A_1168, %parallel_loop3A_1169] {strides = array<i32>} : memref<40x128xf32, #tpu.memory_space<vmem>>, vector<16xf32>,
        tpu.vector_store %parallel_loop3A_1167[%parallel_loop3A_1168, %parallel_loop3A_1169], %parallel_loop3A_1163 {strides = array<i32>} : memref<40x128xf32, #tpu.memory_space<vmem>>, vector<16xf32>,
        %parallel_loop3A_1171 = arith.constant 0 : i32
        %parallel_loop3A_1172 = arith.constant 0 : i32
        %parallel_loop3A_1173 = tpu.memref_slice %arg10[%parallel_loop3A_1031, %parallel_loop3A_1171, %parallel_loop3A_1172] : memref<5x40x128xf32, #tpu.memory_space<vmem>> -> memref<1x40x128xf32, #tpu.memory_space<vmem>>
        %parallel_loop3A_1174 = tpu.memref_squeeze %parallel_loop3A_1173 : memref<1x40x128xf32, #tpu.memory_space<vmem>> -> memref<40x128xf32, #tpu.memory_space<vmem>>
        %parallel_loop3A_1175 = arith.index_cast %parallel_loop3A_1134 : i32 to index
        %parallel_loop3A_1176 = arith.constant 32 : index
        %parallel_loop3A_1177 = tpu.vector_load %parallel_loop3A_1174[%parallel_loop3A_1175, %parallel_loop3A_1176] {strides = array<i32>} : memref<40x128xf32, #tpu.memory_space<vmem>>, vector<16xf32>,
        %parallel_loop3A_1178 = arith.mulf %parallel_loop3A_1177, %parallel_loop3A_1140 : vector<16xf32>
        %parallel_loop3A_1179 = arith.constant 0 : i32
        %parallel_loop3A_1180 = arith.constant 0 : i32
        %parallel_loop3A_1181 = tpu.memref_slice %arg10[%parallel_loop3A_1031, %parallel_loop3A_1179, %parallel_loop3A_1180] : memref<5x40x128xf32, #tpu.memory_space<vmem>> -> memref<1x40x128xf32, #tpu.memory_space<vmem>>
        %parallel_loop3A_1182 = tpu.memref_squeeze %parallel_loop3A_1181 : memref<1x40x128xf32, #tpu.memory_space<vmem>> -> memref<40x128xf32, #tpu.memory_space<vmem>>
        %parallel_loop3A_1183 = arith.index_cast %parallel_loop3A_1134 : i32 to index
        %parallel_loop3A_1184 = arith.constant 32 : index
        %parallel_loop3A_1185 = tpu.vector_load %parallel_loop3A_1182[%parallel_loop3A_1183, %parallel_loop3A_1184] {strides = array<i32>} : memref<40x128xf32, #tpu.memory_space<vmem>>, vector<16xf32>,
        tpu.vector_store %parallel_loop3A_1182[%parallel_loop3A_1183, %parallel_loop3A_1184], %parallel_loop3A_1178 {strides = array<i32>} : memref<40x128xf32, #tpu.memory_space<vmem>>, vector<16xf32>,
        %parallel_loop3A_1186 = arith.constant 0 : i32
        %parallel_loop3A_1187 = arith.constant 0 : i32
        %parallel_loop3A_1188 = tpu.memref_slice %arg10[%parallel_loop3A_1031, %parallel_loop3A_1186, %parallel_loop3A_1187] : memref<5x40x128xf32, #tpu.memory_space<vmem>> -> memref<1x40x128xf32, #tpu.memory_space<vmem>>
        %parallel_loop3A_1189 = tpu.memref_squeeze %parallel_loop3A_1188 : memref<1x40x128xf32, #tpu.memory_space<vmem>> -> memref<40x128xf32, #tpu.memory_space<vmem>>
        %parallel_loop3A_1190 = arith.index_cast %parallel_loop3A_1134 : i32 to index
        %parallel_loop3A_1191 = arith.constant 48 : index
        %parallel_loop3A_1192 = tpu.vector_load %parallel_loop3A_1189[%parallel_loop3A_1190, %parallel_loop3A_1191] {strides = array<i32>} : memref<40x128xf32, #tpu.memory_space<vmem>>, vector<16xf32>,
        %parallel_loop3A_1193 = arith.mulf %parallel_loop3A_1192, %parallel_loop3A_1140 : vector<16xf32>
        %parallel_loop3A_1194 = arith.constant 0 : i32
        %parallel_loop3A_1195 = arith.constant 0 : i32
        %parallel_loop3A_1196 = tpu.memref_slice %arg10[%parallel_loop3A_1031, %parallel_loop3A_1194, %parallel_loop3A_1195] : memref<5x40x128xf32, #tpu.memory_space<vmem>> -> memref<1x40x128xf32, #tpu.memory_space<vmem>>
        %parallel_loop3A_1197 = tpu.memref_squeeze %parallel_loop3A_1196 : memref<1x40x128xf32, #tpu.memory_space<vmem>> -> memref<40x128xf32, #tpu.memory_space<vmem>>
        %parallel_loop3A_1198 = arith.index_cast %parallel_loop3A_1134 : i32 to index
        %parallel_loop3A_1199 = arith.constant 48 : index
        %parallel_loop3A_1200 = tpu.vector_load %parallel_loop3A_1197[%parallel_loop3A_1198, %parallel_loop3A_1199] {strides = array<i32>} : memref<40x128xf32, #tpu.memory_space<vmem>>, vector<16xf32>,
        tpu.vector_store %parallel_loop3A_1197[%parallel_loop3A_1198, %parallel_loop3A_1199], %parallel_loop3A_1193 {strides = array<i32>} : memref<40x128xf32, #tpu.memory_space<vmem>>, vector<16xf32>,
        %parallel_loop3A_1201 = arith.constant 0 : i32
        %parallel_loop3A_1202 = arith.constant 0 : i32
        %parallel_loop3A_1203 = tpu.memref_slice %arg10[%parallel_loop3A_1031, %parallel_loop3A_1201, %parallel_loop3A_1202] : memref<5x40x128xf32, #tpu.memory_space<vmem>> -> memref<1x40x128xf32, #tpu.memory_space<vmem>>
        %parallel_loop3A_1204 = tpu.memref_squeeze %parallel_loop3A_1203 : memref<1x40x128xf32, #tpu.memory_space<vmem>> -> memref<40x128xf32, #tpu.memory_space<vmem>>
        %parallel_loop3A_1205 = arith.index_cast %parallel_loop3A_1134 : i32 to index
        %parallel_loop3A_1206 = arith.constant 64 : index
        %parallel_loop3A_1207 = tpu.vector_load %parallel_loop3A_1204[%parallel_loop3A_1205, %parallel_loop3A_1206] {strides = array<i32>} : memref<40x128xf32, #tpu.memory_space<vmem>>, vector<16xf32>,
        %parallel_loop3A_1208 = arith.mulf %parallel_loop3A_1207, %parallel_loop3A_1140 : vector<16xf32>
        %parallel_loop3A_1209 = arith.constant 0 : i32
        %parallel_loop3A_1210 = arith.constant 0 : i32
        %parallel_loop3A_1211 = tpu.memref_slice %arg10[%parallel_loop3A_1031, %parallel_loop3A_1209, %parallel_loop3A_1210] : memref<5x40x128xf32, #tpu.memory_space<vmem>> -> memref<1x40x128xf32, #tpu.memory_space<vmem>>
        %parallel_loop3A_1212 = tpu.memref_squeeze %parallel_loop3A_1211 : memref<1x40x128xf32, #tpu.memory_space<vmem>> -> memref<40x128xf32, #tpu.memory_space<vmem>>
        %parallel_loop3A_1213 = arith.index_cast %parallel_loop3A_1134 : i32 to index
        %parallel_loop3A_1214 = arith.constant 64 : index
        %parallel_loop3A_1215 = tpu.vector_load %parallel_loop3A_1212[%parallel_loop3A_1213, %parallel_loop3A_1214] {strides = array<i32>} : memref<40x128xf32, #tpu.memory_space<vmem>>, vector<16xf32>,
        tpu.vector_store %parallel_loop3A_1212[%parallel_loop3A_1213, %parallel_loop3A_1214], %parallel_loop3A_1208 {strides = array<i32>} : memref<40x128xf32, #tpu.memory_space<vmem>>, vector<16xf32>,
        %parallel_loop3A_1216 = arith.constant 0 : i32
        %parallel_loop3A_1217 = arith.constant 0 : i32
        %parallel_loop3A_1218 = tpu.memref_slice %arg10[%parallel_loop3A_1031, %parallel_loop3A_1216, %parallel_loop3A_1217] : memref<5x40x128xf32, #tpu.memory_space<vmem>> -> memref<1x40x128xf32, #tpu.memory_space<vmem>>
        %parallel_loop3A_1219 = tpu.memref_squeeze %parallel_loop3A_1218 : memref<1x40x128xf32, #tpu.memory_space<vmem>> -> memref<40x128xf32, #tpu.memory_space<vmem>>
        %parallel_loop3A_1220 = arith.index_cast %parallel_loop3A_1134 : i32 to index
        %parallel_loop3A_1221 = arith.constant 80 : index
        %parallel_loop3A_1222 = tpu.vector_load %parallel_loop3A_1219[%parallel_loop3A_1220, %parallel_loop3A_1221] {strides = array<i32>} : memref<40x128xf32, #tpu.memory_space<vmem>>, vector<16xf32>,
        %parallel_loop3A_1223 = arith.mulf %parallel_loop3A_1222, %parallel_loop3A_1140 : vector<16xf32>
        %parallel_loop3A_1224 = arith.constant 0 : i32
        %parallel_loop3A_1225 = arith.constant 0 : i32
        %parallel_loop3A_1226 = tpu.memref_slice %arg10[%parallel_loop3A_1031, %parallel_loop3A_1224, %parallel_loop3A_1225] : memref<5x40x128xf32, #tpu.memory_space<vmem>> -> memref<1x40x128xf32, #tpu.memory_space<vmem>>
        %parallel_loop3A_1227 = tpu.memref_squeeze %parallel_loop3A_1226 : memref<1x40x128xf32, #tpu.memory_space<vmem>> -> memref<40x128xf32, #tpu.memory_space<vmem>>
        %parallel_loop3A_1228 = arith.index_cast %parallel_loop3A_1134 : i32 to index
        %parallel_loop3A_1229 = arith.constant 80 : index
        %parallel_loop3A_1230 = tpu.vector_load %parallel_loop3A_1227[%parallel_loop3A_1228, %parallel_loop3A_1229] {strides = array<i32>} : memref<40x128xf32, #tpu.memory_space<vmem>>, vector<16xf32>,
        tpu.vector_store %parallel_loop3A_1227[%parallel_loop3A_1228, %parallel_loop3A_1229], %parallel_loop3A_1223 {strides = array<i32>} : memref<40x128xf32, #tpu.memory_space<vmem>>, vector<16xf32>,
        %parallel_loop3A_1231 = arith.constant 0 : i32
        %parallel_loop3A_1232 = arith.constant 0 : i32
        %parallel_loop3A_1233 = tpu.memref_slice %arg10[%parallel_loop3A_1031, %parallel_loop3A_1231, %parallel_loop3A_1232] : memref<5x40x128xf32, #tpu.memory_space<vmem>> -> memref<1x40x128xf32, #tpu.memory_space<vmem>>
        %parallel_loop3A_1234 = tpu.memref_squeeze %parallel_loop3A_1233 : memref<1x40x128xf32, #tpu.memory_space<vmem>> -> memref<40x128xf32, #tpu.memory_space<vmem>>
        %parallel_loop3A_1235 = arith.index_cast %parallel_loop3A_1134 : i32 to index
        %parallel_loop3A_1236 = arith.constant 96 : index
        %parallel_loop3A_1237 = tpu.vector_load %parallel_loop3A_1234[%parallel_loop3A_1235, %parallel_loop3A_1236] {strides = array<i32>} : memref<40x128xf32, #tpu.memory_space<vmem>>, vector<16xf32>,
        %parallel_loop3A_1238 = arith.mulf %parallel_loop3A_1237, %parallel_loop3A_1140 : vector<16xf32>
        %parallel_loop3A_1239 = arith.constant 0 : i32
        %parallel_loop3A_1240 = arith.constant 0 : i32
        %parallel_loop3A_1241 = tpu.memref_slice %arg10[%parallel_loop3A_1031, %parallel_loop3A_1239, %parallel_loop3A_1240] : memref<5x40x128xf32, #tpu.memory_space<vmem>> -> memref<1x40x128xf32, #tpu.memory_space<vmem>>
        %parallel_loop3A_1242 = tpu.memref_squeeze %parallel_loop3A_1241 : memref<1x40x128xf32, #tpu.memory_space<vmem>> -> memref<40x128xf32, #tpu.memory_space<vmem>>
        %parallel_loop3A_1243 = arith.index_cast %parallel_loop3A_1134 : i32 to index
        %parallel_loop3A_1244 = arith.constant 96 : index
        %parallel_loop3A_1245 = tpu.vector_load %parallel_loop3A_1242[%parallel_loop3A_1243, %parallel_loop3A_1244] {strides = array<i32>} : memref<40x128xf32, #tpu.memory_space<vmem>>, vector<16xf32>,
        tpu.vector_store %parallel_loop3A_1242[%parallel_loop3A_1243, %parallel_loop3A_1244], %parallel_loop3A_1238 {strides = array<i32>} : memref<40x128xf32, #tpu.memory_space<vmem>>, vector<16xf32>,
        %parallel_loop3A_1246 = arith.constant 0 : i32
        %parallel_loop3A_1247 = arith.constant 0 : i32
        %parallel_loop3A_1248 = tpu.memref_slice %arg10[%parallel_loop3A_1031, %parallel_loop3A_1246, %parallel_loop3A_1247] : memref<5x40x128xf32, #tpu.memory_space<vmem>> -> memref<1x40x128xf32, #tpu.memory_space<vmem>>
        %parallel_loop3A_1249 = tpu.memref_squeeze %parallel_loop3A_1248 : memref<1x40x128xf32, #tpu.memory_space<vmem>> -> memref<40x128xf32, #tpu.memory_space<vmem>>
        %parallel_loop3A_1250 = arith.index_cast %parallel_loop3A_1134 : i32 to index
        %parallel_loop3A_1251 = arith.constant 112 : index
        %parallel_loop3A_1252 = tpu.vector_load %parallel_loop3A_1249[%parallel_loop3A_1250, %parallel_loop3A_1251] {strides = array<i32>} : memref<40x128xf32, #tpu.memory_space<vmem>>, vector<16xf32>,
        %parallel_loop3A_1253 = arith.mulf %parallel_loop3A_1252, %parallel_loop3A_1140 : vector<16xf32>
        %parallel_loop3A_1254 = arith.constant 0 : i32
        %parallel_loop3A_1255 = arith.constant 0 : i32
        %parallel_loop3A_1256 = tpu.memref_slice %arg10[%parallel_loop3A_1031, %parallel_loop3A_1254, %parallel_loop3A_1255] : memref<5x40x128xf32, #tpu.memory_space<vmem>> -> memref<1x40x128xf32, #tpu.memory_space<vmem>>
        %parallel_loop3A_1257 = tpu.memref_squeeze %parallel_loop3A_1256 : memref<1x40x128xf32, #tpu.memory_space<vmem>> -> memref<40x128xf32, #tpu.memory_space<vmem>>
        %parallel_loop3A_1258 = arith.index_cast %parallel_loop3A_1134 : i32 to index
        %parallel_loop3A_1259 = arith.constant 112 : index
        %parallel_loop3A_1260 = tpu.vector_load %parallel_loop3A_1257[%parallel_loop3A_1258, %parallel_loop3A_1259] {strides = array<i32>} : memref<40x128xf32, #tpu.memory_space<vmem>>, vector<16xf32>,
        tpu.vector_store %parallel_loop3A_1257[%parallel_loop3A_1258, %parallel_loop3A_1259], %parallel_loop3A_1253 {strides = array<i32>} : memref<40x128xf32, #tpu.memory_space<vmem>>, vector<16xf32>,
      } {sc.loop_unroll_factor = 2 : i64, sc.parallel_access}
      %dma_start3A_1032 = arith.constant 3 : i32
      %dma_start3A_1033 = arith.constant 8 : i32
      %dma_start3A_1034 = arith.constant 0 : i32
      %dma_start3A_1035 = arith.constant 0 : i32
      %dma_start3A_1036 = tpu.memref_slice %arg10[%dma_start3A_1032, %dma_start3A_1034, %dma_start3A_1035] : memref<5x40x128xf32, #tpu.memory_space<vmem>> -> memref<1x40x128xf32, #tpu.memory_space<vmem>>
      %dma_start3A_1037 = tpu.memref_squeeze %dma_start3A_1036 : memref<1x40x128xf32, #tpu.memory_space<vmem>> -> memref<40x128xf32, #tpu.memory_space<vmem>>
      %dma_start3A_1038 = arith.constant 0 : i32
      %dma_start3A_1039 = tpu.memref_slice %arg7[%dma_start3A_1033, %dma_start3A_1038] : memref<10x40xi32, #tpu.memory_space<vmem>> -> memref<1x40xi32, #tpu.memory_space<vmem>>
      %dma_start3A_1040 = tpu.memref_squeeze %dma_start3A_1039 : memref<1x40xi32, #tpu.memory_space<vmem>> -> memref<40xi32, #tpu.memory_space<vmem>>
      %dma_start3A_1041 = arith.constant 0 : i32
      %dma_start3A_1042 = arith.constant 0 : i32
      %dma_start3A_1043 = tpu.memref_slice %arg12[%dma_start3A_1041, %dma_start3A_1042] : memref<10000x128xf32, #tpu.memory_space<vmem_shared>> -> memref<10000x128xf32, #tpu.memory_space<vmem_shared>>
      tpu.enqueue_indirect_dma source(%dma_start3A_1037 : memref<40x128xf32, #tpu.memory_space<vmem>>) target(%dma_start3A_1043 : memref<10000x128xf32, #tpu.memory_space<vmem_shared>>) offsets(%dma_start3A_1040 : memref<40xi32, #tpu.memory_space<vmem>>) semaphore(%arg21 : memref<!tpu.dma_semaphore, #tpu.memory_space<semaphore_mem>>) {add = true}
      %dma_wait3A_1044 = arith.constant 2 : i32
      %dma_wait3A_1045 = arith.constant 7 : i32
      %dma_wait3A_1046 = arith.constant 0 : i32
      %dma_wait3A_1047 = arith.constant 0 : i32
      %dma_wait3A_1048 = tpu.memref_slice %arg10[%dma_wait3A_1044, %dma_wait3A_1046, %dma_wait3A_1047] : memref<5x40x128xf32, #tpu.memory_space<vmem>> -> memref<1x40x128xf32, #tpu.memory_space<vmem>>
      %dma_wait3A_1049 = tpu.memref_squeeze %dma_wait3A_1048 : memref<1x40x128xf32, #tpu.memory_space<vmem>> -> memref<40x128xf32, #tpu.memory_space<vmem>>
      %dma_wait3A_1050 = arith.constant 0 : i32
      %dma_wait3A_1051 = tpu.memref_slice %arg7[%dma_wait3A_1045, %dma_wait3A_1050] : memref<10x40xi32, #tpu.memory_space<vmem>> -> memref<1x40xi32, #tpu.memory_space<vmem>>
      %dma_wait3A_1052 = tpu.memref_squeeze %dma_wait3A_1051 : memref<1x40xi32, #tpu.memory_space<vmem>> -> memref<40xi32, #tpu.memory_space<vmem>>
      %dma_wait3A_1053 = arith.constant 0 : i32
      %dma_wait3A_1054 = arith.constant 0 : i32
      %dma_wait3A_1055 = tpu.memref_slice %arg12[%dma_wait3A_1053, %dma_wait3A_1054] : memref<10000x128xf32, #tpu.memory_space<vmem_shared>> -> memref<10000x128xf32, #tpu.memory_space<vmem_shared>>
      tpu.wait_indirect_dma semaphore(%arg20 : memref<!tpu.dma_semaphore, #tpu.memory_space<semaphore_mem>>) src(%dma_wait3A_1049 : memref<40x128xf32, #tpu.memory_space<vmem>>) dst(%dma_wait3A_1055 : memref<10000x128xf32, #tpu.memory_space<vmem_shared>>)
      %add3A_1056 = arith.constant 5 : i32
      %add3A_1057 = arith.addi %add3A_1015, %add3A_1056 : i32
      %sub3A_1058 = arith.constant 1 : i32
      %sub3A_1059 = arith.subi %add3A_1057, %sub3A_1058 : i32
      %lt3A_1060 = arith.constant 250 : i32
      %lt3A_1061 = arith.cmpi slt, %sub3A_1059, %lt3A_1060 : i32
      %convert_element_type3A_1062 = arith.extui %lt3A_1061 : i1 to i32
      %cond3A_1063 = arith.constant 0 : i32
      %cond3A_1064 = arith.cmpi ne, %convert_element_type3A_1062, %cond3A_1063 : i32
      scf.if %cond3A_1064 {
        %add3A_1134 = arith.constant 5 : i32
        %add3A_1135 = arith.addi %add3A_1015, %add3A_1134 : i32
        %sub3A_1136 = arith.constant 1 : i32
        %sub3A_1137 = arith.subi %add3A_1135, %sub3A_1136 : i32
        %add3A_1138 = arith.addi %mul3A_2, %sub3A_1137 : i32
        %mul3A_1139 = arith.constant 40 : i32
        %mul3A_1140 = arith.muli %add3A_1138, %mul3A_1139 : i32
        %dma_wait3A_1141 = arith.constant 2 : i32
        %dma_wait3A_1142 = arith.constant 0 : i32
        %dma_wait3A_1143 = tpu.memref_slice %arg7[%dma_wait3A_1141, %dma_wait3A_1142] : memref<10x40xi32, #tpu.memory_space<vmem>> -> memref<1x40xi32, #tpu.memory_space<vmem>>
        %dma_wait3A_1144 = tpu.memref_squeeze %dma_wait3A_1143 : memref<1x40xi32, #tpu.memory_space<vmem>> -> memref<40xi32, #tpu.memory_space<vmem>>
        %dma_wait3A_1145 = tpu.memref_slice %arg2[%mul3A_1140] : memref<320000xi32, #tpu.memory_space<hbm>> -> memref<40xi32, #tpu.memory_space<hbm>>
        %dma_wait3A_1146 = arith.constant 0 : i32
        %dma_wait3A_1147 = tpu.memref_slice %arg7[%dma_wait3A_1141, %dma_wait3A_1146] : memref<10x40xi32, #tpu.memory_space<vmem>> -> memref<1x40xi32, #tpu.memory_space<vmem>>
        %dma_wait3A_1148 = tpu.memref_squeeze %dma_wait3A_1147 : memref<1x40xi32, #tpu.memory_space<vmem>> -> memref<40xi32, #tpu.memory_space<vmem>>
        %dma_wait3A_1149 = tpu.memref_slice %arg2[%mul3A_1140] : memref<320000xi32, #tpu.memory_space<hbm>> -> memref<40xi32, #tpu.memory_space<hbm>>
        tpu.wait_dma2 semaphore(%arg25 : memref<!tpu.dma_semaphore, #tpu.memory_space<semaphore_mem>>) src(%dma_wait3A_1149 : memref<40xi32, #tpu.memory_space<hbm>>) dst(%dma_wait3A_1148 : memref<40xi32, #tpu.memory_space<vmem>>)
        %dma_wait3A_1150 = arith.constant 2 : i32
        %dma_wait3A_1151 = arith.constant 0 : i32
        %dma_wait3A_1152 = tpu.memref_slice %arg8[%dma_wait3A_1150, %dma_wait3A_1151] : memref<10x40xi32, #tpu.memory_space<vmem>> -> memref<1x40xi32, #tpu.memory_space<vmem>>
        %dma_wait3A_1153 = tpu.memref_squeeze %dma_wait3A_1152 : memref<1x40xi32, #tpu.memory_space<vmem>> -> memref<40xi32, #tpu.memory_space<vmem>>
        %dma_wait3A_1154 = tpu.memref_slice %arg3[%mul3A_1140] : memref<320000xi32, #tpu.memory_space<hbm>> -> memref<40xi32, #tpu.memory_space<hbm>>
        %dma_wait3A_1155 = arith.constant 0 : i32
        %dma_wait3A_1156 = tpu.memref_slice %arg8[%dma_wait3A_1150, %dma_wait3A_1155] : memref<10x40xi32, #tpu.memory_space<vmem>> -> memref<1x40xi32, #tpu.memory_space<vmem>>
        %dma_wait3A_1157 = tpu.memref_squeeze %dma_wait3A_1156 : memref<1x40xi32, #tpu.memory_space<vmem>> -> memref<40xi32, #tpu.memory_space<vmem>>
        %dma_wait3A_1158 = tpu.memref_slice %arg3[%mul3A_1140] : memref<320000xi32, #tpu.memory_space<hbm>> -> memref<40xi32, #tpu.memory_space<hbm>>
        tpu.wait_dma2 semaphore(%arg25 : memref<!tpu.dma_semaphore, #tpu.memory_space<semaphore_mem>>) src(%dma_wait3A_1158 : memref<40xi32, #tpu.memory_space<hbm>>) dst(%dma_wait3A_1157 : memref<40xi32, #tpu.memory_space<vmem>>)
        %dma_wait3A_1159 = arith.constant 2 : i32
        %dma_wait3A_1160 = arith.constant 0 : i32
        %dma_wait3A_1161 = tpu.memref_slice %arg9[%dma_wait3A_1159, %dma_wait3A_1160] : memref<10x40xf32, #tpu.memory_space<vmem>> -> memref<1x40xf32, #tpu.memory_space<vmem>>
        %dma_wait3A_1162 = tpu.memref_squeeze %dma_wait3A_1161 : memref<1x40xf32, #tpu.memory_space<vmem>> -> memref<40xf32, #tpu.memory_space<vmem>>
        %dma_wait3A_1163 = tpu.memref_slice %arg4[%mul3A_1140] : memref<320000xf32, #tpu.memory_space<hbm>> -> memref<40xf32, #tpu.memory_space<hbm>>
        %dma_wait3A_1164 = arith.constant 0 : i32
        %dma_wait3A_1165 = tpu.memref_slice %arg9[%dma_wait3A_1159, %dma_wait3A_1164] : memref<10x40xf32, #tpu.memory_space<vmem>> -> memref<1x40xf32, #tpu.memory_space<vmem>>
        %dma_wait3A_1166 = tpu.memref_squeeze %dma_wait3A_1165 : memref<1x40xf32, #tpu.memory_space<vmem>> -> memref<40xf32, #tpu.memory_space<vmem>>
        %dma_wait3A_1167 = tpu.memref_slice %arg4[%mul3A_1140] : memref<320000xf32, #tpu.memory_space<hbm>> -> memref<40xf32, #tpu.memory_space<hbm>>
        tpu.wait_dma2 semaphore(%arg25 : memref<!tpu.dma_semaphore, #tpu.memory_space<semaphore_mem>>) src(%dma_wait3A_1167 : memref<40xf32, #tpu.memory_space<hbm>>) dst(%dma_wait3A_1166 : memref<40xf32, #tpu.memory_space<vmem>>)
        %dma_start3A_1168 = arith.constant 2 : i32
        %dma_start3A_1169 = arith.constant 2 : i32
        %dma_start3A_1170 = arith.constant 0 : i32
        %dma_start3A_1171 = arith.constant 0 : i32
        %dma_start3A_1172 = tpu.memref_slice %arg10[%dma_start3A_1169, %dma_start3A_1170, %dma_start3A_1171] : memref<5x40x128xf32, #tpu.memory_space<vmem>> -> memref<1x40x128xf32, #tpu.memory_space<vmem>>
        %dma_start3A_1173 = tpu.memref_squeeze %dma_start3A_1172 : memref<1x40x128xf32, #tpu.memory_space<vmem>> -> memref<40x128xf32, #tpu.memory_space<vmem>>
        %dma_start3A_1174 = arith.constant 0 : i32
        %dma_start3A_1175 = tpu.memref_slice %arg8[%dma_start3A_1168, %dma_start3A_1174] : memref<10x40xi32, #tpu.memory_space<vmem>> -> memref<1x40xi32, #tpu.memory_space<vmem>>
        %dma_start3A_1176 = tpu.memref_squeeze %dma_start3A_1175 : memref<1x40xi32, #tpu.memory_space<vmem>> -> memref<40xi32, #tpu.memory_space<vmem>>
        %dma_start3A_1177 = arith.constant 0 : i32
        %dma_start3A_1178 = arith.constant 0 : i32
        %dma_start3A_1179 = tpu.memref_slice %arg5[%dma_start3A_1177, %dma_start3A_1178] : memref<10000x128xf32, #tpu.memory_space<hbm>> -> memref<10000x128xf32, #tpu.memory_space<hbm>>
        tpu.enqueue_indirect_dma source(%dma_start3A_1179 : memref<10000x128xf32, #tpu.memory_space<hbm>>) target(%dma_start3A_1173 : memref<40x128xf32, #tpu.memory_space<vmem>>) offsets(%dma_start3A_1176 : memref<40xi32, #tpu.memory_space<vmem>>) semaphore(%arg15 : memref<!tpu.dma_semaphore, #tpu.memory_space<semaphore_mem>>)
      } else {
      }
      %add3A_1065 = arith.constant 10 : i32
      %add3A_1066 = arith.addi %add3A_1015, %add3A_1065 : i32
      %sub3A_1067 = arith.constant 1 : i32
      %sub3A_1068 = arith.subi %add3A_1066, %sub3A_1067 : i32
      %lt3A_1069 = arith.constant 250 : i32
      %lt3A_1070 = arith.cmpi slt, %sub3A_1068, %lt3A_1069 : i32
      %convert_element_type3A_1071 = arith.extui %lt3A_1070 : i1 to i32
      %cond3A_1072 = arith.constant 0 : i32
      %cond3A_1073 = arith.cmpi ne, %convert_element_type3A_1071, %cond3A_1072 : i32
      scf.if %cond3A_1073 {
        %add3A_1134 = arith.constant 10 : i32
        %add3A_1135 = arith.addi %add3A_1015, %add3A_1134 : i32
        %sub3A_1136 = arith.constant 1 : i32
        %sub3A_1137 = arith.subi %add3A_1135, %sub3A_1136 : i32
        %add3A_1138 = arith.addi %mul3A_2, %sub3A_1137 : i32
        %mul3A_1139 = arith.constant 40 : i32
        %mul3A_1140 = arith.muli %add3A_1138, %mul3A_1139 : i32
        %dma_start3A_1141 = arith.constant 7 : i32
        %dma_start3A_1142 = arith.constant 0 : i32
        %dma_start3A_1143 = tpu.memref_slice %arg7[%dma_start3A_1141, %dma_start3A_1142] : memref<10x40xi32, #tpu.memory_space<vmem>> -> memref<1x40xi32, #tpu.memory_space<vmem>>
        %dma_start3A_1144 = tpu.memref_squeeze %dma_start3A_1143 : memref<1x40xi32, #tpu.memory_space<vmem>> -> memref<40xi32, #tpu.memory_space<vmem>>
        %dma_start3A_1145 = tpu.memref_slice %arg2[%mul3A_1140] : memref<320000xi32, #tpu.memory_space<hbm>> -> memref<40xi32, #tpu.memory_space<hbm>>
        %dma_start3A_1146 = arith.constant 0 : i32
        %dma_start3A_1147 = tpu.memref_slice %arg7[%dma_start3A_1141, %dma_start3A_1146] : memref<10x40xi32, #tpu.memory_space<vmem>> -> memref<1x40xi32, #tpu.memory_space<vmem>>
        %dma_start3A_1148 = tpu.memref_squeeze %dma_start3A_1147 : memref<1x40xi32, #tpu.memory_space<vmem>> -> memref<40xi32, #tpu.memory_space<vmem>>
        %dma_start3A_1149 = tpu.memref_slice %arg2[%mul3A_1140] : memref<320000xi32, #tpu.memory_space<hbm>> -> memref<40xi32, #tpu.memory_space<hbm>>
        tpu.enqueue_dma source(%dma_start3A_1149 : memref<40xi32, #tpu.memory_space<hbm>>) target(%dma_start3A_1148 : memref<40xi32, #tpu.memory_space<vmem>>) target_semaphore(%arg30 : memref<!tpu.dma_semaphore, #tpu.memory_space<semaphore_mem>>)
        %dma_start3A_1150 = arith.constant 7 : i32
        %dma_start3A_1151 = arith.constant 0 : i32
        %dma_start3A_1152 = tpu.memref_slice %arg8[%dma_start3A_1150, %dma_start3A_1151] : memref<10x40xi32, #tpu.memory_space<vmem>> -> memref<1x40xi32, #tpu.memory_space<vmem>>
        %dma_start3A_1153 = tpu.memref_squeeze %dma_start3A_1152 : memref<1x40xi32, #tpu.memory_space<vmem>> -> memref<40xi32, #tpu.memory_space<vmem>>
        %dma_start3A_1154 = tpu.memref_slice %arg3[%mul3A_1140] : memref<320000xi32, #tpu.memory_space<hbm>> -> memref<40xi32, #tpu.memory_space<hbm>>
        %dma_start3A_1155 = arith.constant 0 : i32
        %dma_start3A_1156 = tpu.memref_slice %arg8[%dma_start3A_1150, %dma_start3A_1155] : memref<10x40xi32, #tpu.memory_space<vmem>> -> memref<1x40xi32, #tpu.memory_space<vmem>>
        %dma_start3A_1157 = tpu.memref_squeeze %dma_start3A_1156 : memref<1x40xi32, #tpu.memory_space<vmem>> -> memref<40xi32, #tpu.memory_space<vmem>>
        %dma_start3A_1158 = tpu.memref_slice %arg3[%mul3A_1140] : memref<320000xi32, #tpu.memory_space<hbm>> -> memref<40xi32, #tpu.memory_space<hbm>>
        tpu.enqueue_dma source(%dma_start3A_1158 : memref<40xi32, #tpu.memory_space<hbm>>) target(%dma_start3A_1157 : memref<40xi32, #tpu.memory_space<vmem>>) target_semaphore(%arg30 : memref<!tpu.dma_semaphore, #tpu.memory_space<semaphore_mem>>)
        %dma_start3A_1159 = arith.constant 7 : i32
        %dma_start3A_1160 = arith.constant 0 : i32
        %dma_start3A_1161 = tpu.memref_slice %arg9[%dma_start3A_1159, %dma_start3A_1160] : memref<10x40xf32, #tpu.memory_space<vmem>> -> memref<1x40xf32, #tpu.memory_space<vmem>>
        %dma_start3A_1162 = tpu.memref_squeeze %dma_start3A_1161 : memref<1x40xf32, #tpu.memory_space<vmem>> -> memref<40xf32, #tpu.memory_space<vmem>>
        %dma_start3A_1163 = tpu.memref_slice %arg4[%mul3A_1140] : memref<320000xf32, #tpu.memory_space<hbm>> -> memref<40xf32, #tpu.memory_space<hbm>>
        %dma_start3A_1164 = arith.constant 0 : i32
        %dma_start3A_1165 = tpu.memref_slice %arg9[%dma_start3A_1159, %dma_start3A_1164] : memref<10x40xf32, #tpu.memory_space<vmem>> -> memref<1x40xf32, #tpu.memory_space<vmem>>
        %dma_start3A_1166 = tpu.memref_squeeze %dma_start3A_1165 : memref<1x40xf32, #tpu.memory_space<vmem>> -> memref<40xf32, #tpu.memory_space<vmem>>
        %dma_start3A_1167 = tpu.memref_slice %arg4[%mul3A_1140] : memref<320000xf32, #tpu.memory_space<hbm>> -> memref<40xf32, #tpu.memory_space<hbm>>
        tpu.enqueue_dma source(%dma_start3A_1167 : memref<40xf32, #tpu.memory_space<hbm>>) target(%dma_start3A_1166 : memref<40xf32, #tpu.memory_space<vmem>>) target_semaphore(%arg30 : memref<!tpu.dma_semaphore, #tpu.memory_space<semaphore_mem>>)
      } else {
      }
      %add3A_1074 = arith.constant 9 : i32
      %add3A_1075 = arith.addi %mul3A_561, %add3A_1074 : i32
      %dma_wait3A_1076 = arith.constant 9 : i32
      %dma_wait3A_1077 = arith.constant 4 : i32
      %dma_wait3A_1078 = arith.constant 0 : i32
      %dma_wait3A_1079 = arith.constant 0 : i32
      %dma_wait3A_1080 = tpu.memref_slice %arg10[%dma_wait3A_1077, %dma_wait3A_1078, %dma_wait3A_1079] : memref<5x40x128xf32, #tpu.memory_space<vmem>> -> memref<1x40x128xf32, #tpu.memory_space<vmem>>
      %dma_wait3A_1081 = tpu.memref_squeeze %dma_wait3A_1080 : memref<1x40x128xf32, #tpu.memory_space<vmem>> -> memref<40x128xf32, #tpu.memory_space<vmem>>
      %dma_wait3A_1082 = arith.constant 0 : i32
      %dma_wait3A_1083 = tpu.memref_slice %arg8[%dma_wait3A_1076, %dma_wait3A_1082] : memref<10x40xi32, #tpu.memory_space<vmem>> -> memref<1x40xi32, #tpu.memory_space<vmem>>
      %dma_wait3A_1084 = tpu.memref_squeeze %dma_wait3A_1083 : memref<1x40xi32, #tpu.memory_space<vmem>> -> memref<40xi32, #tpu.memory_space<vmem>>
      %dma_wait3A_1085 = arith.constant 0 : i32
      %dma_wait3A_1086 = arith.constant 0 : i32
      %dma_wait3A_1087 = tpu.memref_slice %arg5[%dma_wait3A_1085, %dma_wait3A_1086] : memref<10000x128xf32, #tpu.memory_space<hbm>> -> memref<10000x128xf32, #tpu.memory_space<hbm>>
      tpu.wait_indirect_dma semaphore(%arg17 : memref<!tpu.dma_semaphore, #tpu.memory_space<semaphore_mem>>) src(%dma_wait3A_1087 : memref<10000x128xf32, #tpu.memory_space<hbm>>) dst(%dma_wait3A_1081 : memref<40x128xf32, #tpu.memory_space<vmem>>)
      %parallel_loop3A_1088 = arith.constant 0 : i32
      %parallel_loop3A_1089 = arith.constant 40 : i32
      %parallel_loop3A_1090 = arith.constant 1 : i32
      %parallel_loop3A_1091 = arith.constant 4 : i32
      scf.for %parallel_loop3A_1134 = %parallel_loop3A_1088 to %parallel_loop3A_1089 step %parallel_loop3A_1090  : i32 {
        %parallel_loop3A_1135 = vector.broadcast %parallel_loop3A_1134 : i32 to vector<16xi32>
        %parallel_loop3A_1136 = arith.constant 9 : i32
        %parallel_loop3A_1137 = arith.constant 0 : i32
        %parallel_loop3A_1138 = tpu.memref_slice %arg9[%parallel_loop3A_1136, %parallel_loop3A_1137] : memref<10x40xf32, #tpu.memory_space<vmem>> -> memref<1x40xf32, #tpu.memory_space<vmem>>
        %parallel_loop3A_1139 = tpu.memref_squeeze %parallel_loop3A_1138 : memref<1x40xf32, #tpu.memory_space<vmem>> -> memref<40xf32, #tpu.memory_space<vmem>>
        %parallel_loop3A_1140 = tpu.vector_load_idx %parallel_loop3A_1139[%parallel_loop3A_1135] : memref<40xf32, #tpu.memory_space<vmem>>[vector<16xi32>], vector<16xf32>,
        %parallel_loop3A_1141 = arith.constant 0 : i32
        %parallel_loop3A_1142 = arith.constant 0 : i32
        %parallel_loop3A_1143 = tpu.memref_slice %arg10[%parallel_loop3A_1091, %parallel_loop3A_1141, %parallel_loop3A_1142] : memref<5x40x128xf32, #tpu.memory_space<vmem>> -> memref<1x40x128xf32, #tpu.memory_space<vmem>>
        %parallel_loop3A_1144 = tpu.memref_squeeze %parallel_loop3A_1143 : memref<1x40x128xf32, #tpu.memory_space<vmem>> -> memref<40x128xf32, #tpu.memory_space<vmem>>
        %parallel_loop3A_1145 = arith.index_cast %parallel_loop3A_1134 : i32 to index
        %parallel_loop3A_1146 = arith.constant 0 : index
        %parallel_loop3A_1147 = tpu.vector_load %parallel_loop3A_1144[%parallel_loop3A_1145, %parallel_loop3A_1146] {strides = array<i32>} : memref<40x128xf32, #tpu.memory_space<vmem>>, vector<16xf32>,
        %parallel_loop3A_1148 = arith.mulf %parallel_loop3A_1147, %parallel_loop3A_1140 : vector<16xf32>
        %parallel_loop3A_1149 = arith.constant 0 : i32
        %parallel_loop3A_1150 = arith.constant 0 : i32
        %parallel_loop3A_1151 = tpu.memref_slice %arg10[%parallel_loop3A_1091, %parallel_loop3A_1149, %parallel_loop3A_1150] : memref<5x40x128xf32, #tpu.memory_space<vmem>> -> memref<1x40x128xf32, #tpu.memory_space<vmem>>
        %parallel_loop3A_1152 = tpu.memref_squeeze %parallel_loop3A_1151 : memref<1x40x128xf32, #tpu.memory_space<vmem>> -> memref<40x128xf32, #tpu.memory_space<vmem>>
        %parallel_loop3A_1153 = arith.index_cast %parallel_loop3A_1134 : i32 to index
        %parallel_loop3A_1154 = arith.constant 0 : index
        %parallel_loop3A_1155 = tpu.vector_load %parallel_loop3A_1152[%parallel_loop3A_1153, %parallel_loop3A_1154] {strides = array<i32>} : memref<40x128xf32, #tpu.memory_space<vmem>>, vector<16xf32>,
        tpu.vector_store %parallel_loop3A_1152[%parallel_loop3A_1153, %parallel_loop3A_1154], %parallel_loop3A_1148 {strides = array<i32>} : memref<40x128xf32, #tpu.memory_space<vmem>>, vector<16xf32>,
        %parallel_loop3A_1156 = arith.constant 0 : i32
        %parallel_loop3A_1157 = arith.constant 0 : i32
        %parallel_loop3A_1158 = tpu.memref_slice %arg10[%parallel_loop3A_1091, %parallel_loop3A_1156, %parallel_loop3A_1157] : memref<5x40x128xf32, #tpu.memory_space<vmem>> -> memref<1x40x128xf32, #tpu.memory_space<vmem>>
        %parallel_loop3A_1159 = tpu.memref_squeeze %parallel_loop3A_1158 : memref<1x40x128xf32, #tpu.memory_space<vmem>> -> memref<40x128xf32, #tpu.memory_space<vmem>>
        %parallel_loop3A_1160 = arith.index_cast %parallel_loop3A_1134 : i32 to index
        %parallel_loop3A_1161 = arith.constant 16 : index
        %parallel_loop3A_1162 = tpu.vector_load %parallel_loop3A_1159[%parallel_loop3A_1160, %parallel_loop3A_1161] {strides = array<i32>} : memref<40x128xf32, #tpu.memory_space<vmem>>, vector<16xf32>,
        %parallel_loop3A_1163 = arith.mulf %parallel_loop3A_1162, %parallel_loop3A_1140 : vector<16xf32>
        %parallel_loop3A_1164 = arith.constant 0 : i32
        %parallel_loop3A_1165 = arith.constant 0 : i32
        %parallel_loop3A_1166 = tpu.memref_slice %arg10[%parallel_loop3A_1091, %parallel_loop3A_1164, %parallel_loop3A_1165] : memref<5x40x128xf32, #tpu.memory_space<vmem>> -> memref<1x40x128xf32, #tpu.memory_space<vmem>>
        %parallel_loop3A_1167 = tpu.memref_squeeze %parallel_loop3A_1166 : memref<1x40x128xf32, #tpu.memory_space<vmem>> -> memref<40x128xf32, #tpu.memory_space<vmem>>
        %parallel_loop3A_1168 = arith.index_cast %parallel_loop3A_1134 : i32 to index
        %parallel_loop3A_1169 = arith.constant 16 : index
        %parallel_loop3A_1170 = tpu.vector_load %parallel_loop3A_1167[%parallel_loop3A_1168, %parallel_loop3A_1169] {strides = array<i32>} : memref<40x128xf32, #tpu.memory_space<vmem>>, vector<16xf32>,
        tpu.vector_store %parallel_loop3A_1167[%parallel_loop3A_1168, %parallel_loop3A_1169], %parallel_loop3A_1163 {strides = array<i32>} : memref<40x128xf32, #tpu.memory_space<vmem>>, vector<16xf32>,
        %parallel_loop3A_1171 = arith.constant 0 : i32
        %parallel_loop3A_1172 = arith.constant 0 : i32
        %parallel_loop3A_1173 = tpu.memref_slice %arg10[%parallel_loop3A_1091, %parallel_loop3A_1171, %parallel_loop3A_1172] : memref<5x40x128xf32, #tpu.memory_space<vmem>> -> memref<1x40x128xf32, #tpu.memory_space<vmem>>
        %parallel_loop3A_1174 = tpu.memref_squeeze %parallel_loop3A_1173 : memref<1x40x128xf32, #tpu.memory_space<vmem>> -> memref<40x128xf32, #tpu.memory_space<vmem>>
        %parallel_loop3A_1175 = arith.index_cast %parallel_loop3A_1134 : i32 to index
        %parallel_loop3A_1176 = arith.constant 32 : index
        %parallel_loop3A_1177 = tpu.vector_load %parallel_loop3A_1174[%parallel_loop3A_1175, %parallel_loop3A_1176] {strides = array<i32>} : memref<40x128xf32, #tpu.memory_space<vmem>>, vector<16xf32>,
        %parallel_loop3A_1178 = arith.mulf %parallel_loop3A_1177, %parallel_loop3A_1140 : vector<16xf32>
        %parallel_loop3A_1179 = arith.constant 0 : i32
        %parallel_loop3A_1180 = arith.constant 0 : i32
        %parallel_loop3A_1181 = tpu.memref_slice %arg10[%parallel_loop3A_1091, %parallel_loop3A_1179, %parallel_loop3A_1180] : memref<5x40x128xf32, #tpu.memory_space<vmem>> -> memref<1x40x128xf32, #tpu.memory_space<vmem>>
        %parallel_loop3A_1182 = tpu.memref_squeeze %parallel_loop3A_1181 : memref<1x40x128xf32, #tpu.memory_space<vmem>> -> memref<40x128xf32, #tpu.memory_space<vmem>>
        %parallel_loop3A_1183 = arith.index_cast %parallel_loop3A_1134 : i32 to index
        %parallel_loop3A_1184 = arith.constant 32 : index
        %parallel_loop3A_1185 = tpu.vector_load %parallel_loop3A_1182[%parallel_loop3A_1183, %parallel_loop3A_1184] {strides = array<i32>} : memref<40x128xf32, #tpu.memory_space<vmem>>, vector<16xf32>,
        tpu.vector_store %parallel_loop3A_1182[%parallel_loop3A_1183, %parallel_loop3A_1184], %parallel_loop3A_1178 {strides = array<i32>} : memref<40x128xf32, #tpu.memory_space<vmem>>, vector<16xf32>,
        %parallel_loop3A_1186 = arith.constant 0 : i32
        %parallel_loop3A_1187 = arith.constant 0 : i32
        %parallel_loop3A_1188 = tpu.memref_slice %arg10[%parallel_loop3A_1091, %parallel_loop3A_1186, %parallel_loop3A_1187] : memref<5x40x128xf32, #tpu.memory_space<vmem>> -> memref<1x40x128xf32, #tpu.memory_space<vmem>>
        %parallel_loop3A_1189 = tpu.memref_squeeze %parallel_loop3A_1188 : memref<1x40x128xf32, #tpu.memory_space<vmem>> -> memref<40x128xf32, #tpu.memory_space<vmem>>
        %parallel_loop3A_1190 = arith.index_cast %parallel_loop3A_1134 : i32 to index
        %parallel_loop3A_1191 = arith.constant 48 : index
        %parallel_loop3A_1192 = tpu.vector_load %parallel_loop3A_1189[%parallel_loop3A_1190, %parallel_loop3A_1191] {strides = array<i32>} : memref<40x128xf32, #tpu.memory_space<vmem>>, vector<16xf32>,
        %parallel_loop3A_1193 = arith.mulf %parallel_loop3A_1192, %parallel_loop3A_1140 : vector<16xf32>
        %parallel_loop3A_1194 = arith.constant 0 : i32
        %parallel_loop3A_1195 = arith.constant 0 : i32
        %parallel_loop3A_1196 = tpu.memref_slice %arg10[%parallel_loop3A_1091, %parallel_loop3A_1194, %parallel_loop3A_1195] : memref<5x40x128xf32, #tpu.memory_space<vmem>> -> memref<1x40x128xf32, #tpu.memory_space<vmem>>
        %parallel_loop3A_1197 = tpu.memref_squeeze %parallel_loop3A_1196 : memref<1x40x128xf32, #tpu.memory_space<vmem>> -> memref<40x128xf32, #tpu.memory_space<vmem>>
        %parallel_loop3A_1198 = arith.index_cast %parallel_loop3A_1134 : i32 to index
        %parallel_loop3A_1199 = arith.constant 48 : index
        %parallel_loop3A_1200 = tpu.vector_load %parallel_loop3A_1197[%parallel_loop3A_1198, %parallel_loop3A_1199] {strides = array<i32>} : memref<40x128xf32, #tpu.memory_space<vmem>>, vector<16xf32>,
        tpu.vector_store %parallel_loop3A_1197[%parallel_loop3A_1198, %parallel_loop3A_1199], %parallel_loop3A_1193 {strides = array<i32>} : memref<40x128xf32, #tpu.memory_space<vmem>>, vector<16xf32>,
        %parallel_loop3A_1201 = arith.constant 0 : i32
        %parallel_loop3A_1202 = arith.constant 0 : i32
        %parallel_loop3A_1203 = tpu.memref_slice %arg10[%parallel_loop3A_1091, %parallel_loop3A_1201, %parallel_loop3A_1202] : memref<5x40x128xf32, #tpu.memory_space<vmem>> -> memref<1x40x128xf32, #tpu.memory_space<vmem>>
        %parallel_loop3A_1204 = tpu.memref_squeeze %parallel_loop3A_1203 : memref<1x40x128xf32, #tpu.memory_space<vmem>> -> memref<40x128xf32, #tpu.memory_space<vmem>>
        %parallel_loop3A_1205 = arith.index_cast %parallel_loop3A_1134 : i32 to index
        %parallel_loop3A_1206 = arith.constant 64 : index
        %parallel_loop3A_1207 = tpu.vector_load %parallel_loop3A_1204[%parallel_loop3A_1205, %parallel_loop3A_1206] {strides = array<i32>} : memref<40x128xf32, #tpu.memory_space<vmem>>, vector<16xf32>,
        %parallel_loop3A_1208 = arith.mulf %parallel_loop3A_1207, %parallel_loop3A_1140 : vector<16xf32>
        %parallel_loop3A_1209 = arith.constant 0 : i32
        %parallel_loop3A_1210 = arith.constant 0 : i32
        %parallel_loop3A_1211 = tpu.memref_slice %arg10[%parallel_loop3A_1091, %parallel_loop3A_1209, %parallel_loop3A_1210] : memref<5x40x128xf32, #tpu.memory_space<vmem>> -> memref<1x40x128xf32, #tpu.memory_space<vmem>>
        %parallel_loop3A_1212 = tpu.memref_squeeze %parallel_loop3A_1211 : memref<1x40x128xf32, #tpu.memory_space<vmem>> -> memref<40x128xf32, #tpu.memory_space<vmem>>
        %parallel_loop3A_1213 = arith.index_cast %parallel_loop3A_1134 : i32 to index
        %parallel_loop3A_1214 = arith.constant 64 : index
        %parallel_loop3A_1215 = tpu.vector_load %parallel_loop3A_1212[%parallel_loop3A_1213, %parallel_loop3A_1214] {strides = array<i32>} : memref<40x128xf32, #tpu.memory_space<vmem>>, vector<16xf32>,
        tpu.vector_store %parallel_loop3A_1212[%parallel_loop3A_1213, %parallel_loop3A_1214], %parallel_loop3A_1208 {strides = array<i32>} : memref<40x128xf32, #tpu.memory_space<vmem>>, vector<16xf32>,
        %parallel_loop3A_1216 = arith.constant 0 : i32
        %parallel_loop3A_1217 = arith.constant 0 : i32
        %parallel_loop3A_1218 = tpu.memref_slice %arg10[%parallel_loop3A_1091, %parallel_loop3A_1216, %parallel_loop3A_1217] : memref<5x40x128xf32, #tpu.memory_space<vmem>> -> memref<1x40x128xf32, #tpu.memory_space<vmem>>
        %parallel_loop3A_1219 = tpu.memref_squeeze %parallel_loop3A_1218 : memref<1x40x128xf32, #tpu.memory_space<vmem>> -> memref<40x128xf32, #tpu.memory_space<vmem>>
        %parallel_loop3A_1220 = arith.index_cast %parallel_loop3A_1134 : i32 to index
        %parallel_loop3A_1221 = arith.constant 80 : index
        %parallel_loop3A_1222 = tpu.vector_load %parallel_loop3A_1219[%parallel_loop3A_1220, %parallel_loop3A_1221] {strides = array<i32>} : memref<40x128xf32, #tpu.memory_space<vmem>>, vector<16xf32>,
        %parallel_loop3A_1223 = arith.mulf %parallel_loop3A_1222, %parallel_loop3A_1140 : vector<16xf32>
        %parallel_loop3A_1224 = arith.constant 0 : i32
        %parallel_loop3A_1225 = arith.constant 0 : i32
        %parallel_loop3A_1226 = tpu.memref_slice %arg10[%parallel_loop3A_1091, %parallel_loop3A_1224, %parallel_loop3A_1225] : memref<5x40x128xf32, #tpu.memory_space<vmem>> -> memref<1x40x128xf32, #tpu.memory_space<vmem>>
        %parallel_loop3A_1227 = tpu.memref_squeeze %parallel_loop3A_1226 : memref<1x40x128xf32, #tpu.memory_space<vmem>> -> memref<40x128xf32, #tpu.memory_space<vmem>>
        %parallel_loop3A_1228 = arith.index_cast %parallel_loop3A_1134 : i32 to index
        %parallel_loop3A_1229 = arith.constant 80 : index
        %parallel_loop3A_1230 = tpu.vector_load %parallel_loop3A_1227[%parallel_loop3A_1228, %parallel_loop3A_1229] {strides = array<i32>} : memref<40x128xf32, #tpu.memory_space<vmem>>, vector<16xf32>,
        tpu.vector_store %parallel_loop3A_1227[%parallel_loop3A_1228, %parallel_loop3A_1229], %parallel_loop3A_1223 {strides = array<i32>} : memref<40x128xf32, #tpu.memory_space<vmem>>, vector<16xf32>,
        %parallel_loop3A_1231 = arith.constant 0 : i32
        %parallel_loop3A_1232 = arith.constant 0 : i32
        %parallel_loop3A_1233 = tpu.memref_slice %arg10[%parallel_loop3A_1091, %parallel_loop3A_1231, %parallel_loop3A_1232] : memref<5x40x128xf32, #tpu.memory_space<vmem>> -> memref<1x40x128xf32, #tpu.memory_space<vmem>>
        %parallel_loop3A_1234 = tpu.memref_squeeze %parallel_loop3A_1233 : memref<1x40x128xf32, #tpu.memory_space<vmem>> -> memref<40x128xf32, #tpu.memory_space<vmem>>
        %parallel_loop3A_1235 = arith.index_cast %parallel_loop3A_1134 : i32 to index
        %parallel_loop3A_1236 = arith.constant 96 : index
        %parallel_loop3A_1237 = tpu.vector_load %parallel_loop3A_1234[%parallel_loop3A_1235, %parallel_loop3A_1236] {strides = array<i32>} : memref<40x128xf32, #tpu.memory_space<vmem>>, vector<16xf32>,
        %parallel_loop3A_1238 = arith.mulf %parallel_loop3A_1237, %parallel_loop3A_1140 : vector<16xf32>
        %parallel_loop3A_1239 = arith.constant 0 : i32
        %parallel_loop3A_1240 = arith.constant 0 : i32
        %parallel_loop3A_1241 = tpu.memref_slice %arg10[%parallel_loop3A_1091, %parallel_loop3A_1239, %parallel_loop3A_1240] : memref<5x40x128xf32, #tpu.memory_space<vmem>> -> memref<1x40x128xf32, #tpu.memory_space<vmem>>
        %parallel_loop3A_1242 = tpu.memref_squeeze %parallel_loop3A_1241 : memref<1x40x128xf32, #tpu.memory_space<vmem>> -> memref<40x128xf32, #tpu.memory_space<vmem>>
        %parallel_loop3A_1243 = arith.index_cast %parallel_loop3A_1134 : i32 to index
        %parallel_loop3A_1244 = arith.constant 96 : index
        %parallel_loop3A_1245 = tpu.vector_load %parallel_loop3A_1242[%parallel_loop3A_1243, %parallel_loop3A_1244] {strides = array<i32>} : memref<40x128xf32, #tpu.memory_space<vmem>>, vector<16xf32>,
        tpu.vector_store %parallel_loop3A_1242[%parallel_loop3A_1243, %parallel_loop3A_1244], %parallel_loop3A_1238 {strides = array<i32>} : memref<40x128xf32, #tpu.memory_space<vmem>>, vector<16xf32>,
        %parallel_loop3A_1246 = arith.constant 0 : i32
        %parallel_loop3A_1247 = arith.constant 0 : i32
        %parallel_loop3A_1248 = tpu.memref_slice %arg10[%parallel_loop3A_1091, %parallel_loop3A_1246, %parallel_loop3A_1247] : memref<5x40x128xf32, #tpu.memory_space<vmem>> -> memref<1x40x128xf32, #tpu.memory_space<vmem>>
        %parallel_loop3A_1249 = tpu.memref_squeeze %parallel_loop3A_1248 : memref<1x40x128xf32, #tpu.memory_space<vmem>> -> memref<40x128xf32, #tpu.memory_space<vmem>>
        %parallel_loop3A_1250 = arith.index_cast %parallel_loop3A_1134 : i32 to index
        %parallel_loop3A_1251 = arith.constant 112 : index
        %parallel_loop3A_1252 = tpu.vector_load %parallel_loop3A_1249[%parallel_loop3A_1250, %parallel_loop3A_1251] {strides = array<i32>} : memref<40x128xf32, #tpu.memory_space<vmem>>, vector<16xf32>,
        %parallel_loop3A_1253 = arith.mulf %parallel_loop3A_1252, %parallel_loop3A_1140 : vector<16xf32>
        %parallel_loop3A_1254 = arith.constant 0 : i32
        %parallel_loop3A_1255 = arith.constant 0 : i32
        %parallel_loop3A_1256 = tpu.memref_slice %arg10[%parallel_loop3A_1091, %parallel_loop3A_1254, %parallel_loop3A_1255] : memref<5x40x128xf32, #tpu.memory_space<vmem>> -> memref<1x40x128xf32, #tpu.memory_space<vmem>>
        %parallel_loop3A_1257 = tpu.memref_squeeze %parallel_loop3A_1256 : memref<1x40x128xf32, #tpu.memory_space<vmem>> -> memref<40x128xf32, #tpu.memory_space<vmem>>
        %parallel_loop3A_1258 = arith.index_cast %parallel_loop3A_1134 : i32 to index
        %parallel_loop3A_1259 = arith.constant 112 : index
        %parallel_loop3A_1260 = tpu.vector_load %parallel_loop3A_1257[%parallel_loop3A_1258, %parallel_loop3A_1259] {strides = array<i32>} : memref<40x128xf32, #tpu.memory_space<vmem>>, vector<16xf32>,
        tpu.vector_store %parallel_loop3A_1257[%parallel_loop3A_1258, %parallel_loop3A_1259], %parallel_loop3A_1253 {strides = array<i32>} : memref<40x128xf32, #tpu.memory_space<vmem>>, vector<16xf32>,
      } {sc.loop_unroll_factor = 2 : i64, sc.parallel_access}
      %dma_start3A_1092 = arith.constant 4 : i32
      %dma_start3A_1093 = arith.constant 9 : i32
      %dma_start3A_1094 = arith.constant 0 : i32
      %dma_start3A_1095 = arith.constant 0 : i32
      %dma_start3A_1096 = tpu.memref_slice %arg10[%dma_start3A_1092, %dma_start3A_1094, %dma_start3A_1095] : memref<5x40x128xf32, #tpu.memory_space<vmem>> -> memref<1x40x128xf32, #tpu.memory_space<vmem>>
      %dma_start3A_1097 = tpu.memref_squeeze %dma_start3A_1096 : memref<1x40x128xf32, #tpu.memory_space<vmem>> -> memref<40x128xf32, #tpu.memory_space<vmem>>
      %dma_start3A_1098 = arith.constant 0 : i32
      %dma_start3A_1099 = tpu.memref_slice %arg7[%dma_start3A_1093, %dma_start3A_1098] : memref<10x40xi32, #tpu.memory_space<vmem>> -> memref<1x40xi32, #tpu.memory_space<vmem>>
      %dma_start3A_1100 = tpu.memref_squeeze %dma_start3A_1099 : memref<1x40xi32, #tpu.memory_space<vmem>> -> memref<40xi32, #tpu.memory_space<vmem>>
      %dma_start3A_1101 = arith.constant 0 : i32
      %dma_start3A_1102 = arith.constant 0 : i32
      %dma_start3A_1103 = tpu.memref_slice %arg12[%dma_start3A_1101, %dma_start3A_1102] : memref<10000x128xf32, #tpu.memory_space<vmem_shared>> -> memref<10000x128xf32, #tpu.memory_space<vmem_shared>>
      tpu.enqueue_indirect_dma source(%dma_start3A_1097 : memref<40x128xf32, #tpu.memory_space<vmem>>) target(%dma_start3A_1103 : memref<10000x128xf32, #tpu.memory_space<vmem_shared>>) offsets(%dma_start3A_1100 : memref<40xi32, #tpu.memory_space<vmem>>) semaphore(%arg22 : memref<!tpu.dma_semaphore, #tpu.memory_space<semaphore_mem>>) {add = true}
      %dma_wait3A_1104 = arith.constant 3 : i32
      %dma_wait3A_1105 = arith.constant 8 : i32
      %dma_wait3A_1106 = arith.constant 0 : i32
      %dma_wait3A_1107 = arith.constant 0 : i32
      %dma_wait3A_1108 = tpu.memref_slice %arg10[%dma_wait3A_1104, %dma_wait3A_1106, %dma_wait3A_1107] : memref<5x40x128xf32, #tpu.memory_space<vmem>> -> memref<1x40x128xf32, #tpu.memory_space<vmem>>
      %dma_wait3A_1109 = tpu.memref_squeeze %dma_wait3A_1108 : memref<1x40x128xf32, #tpu.memory_space<vmem>> -> memref<40x128xf32, #tpu.memory_space<vmem>>
      %dma_wait3A_1110 = arith.constant 0 : i32
      %dma_wait3A_1111 = tpu.memref_slice %arg7[%dma_wait3A_1105, %dma_wait3A_1110] : memref<10x40xi32, #tpu.memory_space<vmem>> -> memref<1x40xi32, #tpu.memory_space<vmem>>
      %dma_wait3A_1112 = tpu.memref_squeeze %dma_wait3A_1111 : memref<1x40xi32, #tpu.memory_space<vmem>> -> memref<40xi32, #tpu.memory_space<vmem>>
      %dma_wait3A_1113 = arith.constant 0 : i32
      %dma_wait3A_1114 = arith.constant 0 : i32
      %dma_wait3A_1115 = tpu.memref_slice %arg12[%dma_wait3A_1113, %dma_wait3A_1114] : memref<10000x128xf32, #tpu.memory_space<vmem_shared>> -> memref<10000x128xf32, #tpu.memory_space<vmem_shared>>
      tpu.wait_indirect_dma semaphore(%arg21 : memref<!tpu.dma_semaphore, #tpu.memory_space<semaphore_mem>>) src(%dma_wait3A_1109 : memref<40x128xf32, #tpu.memory_space<vmem>>) dst(%dma_wait3A_1115 : memref<10000x128xf32, #tpu.memory_space<vmem_shared>>)
      %add3A_1116 = arith.constant 5 : i32
      %add3A_1117 = arith.addi %add3A_1075, %add3A_1116 : i32
      %sub3A_1118 = arith.constant 1 : i32
      %sub3A_1119 = arith.subi %add3A_1117, %sub3A_1118 : i32
      %lt3A_1120 = arith.constant 250 : i32
      %lt3A_1121 = arith.cmpi slt, %sub3A_1119, %lt3A_1120 : i32
      %convert_element_type3A_1122 = arith.extui %lt3A_1121 : i1 to i32
      %cond3A_1123 = arith.constant 0 : i32
      %cond3A_1124 = arith.cmpi ne, %convert_element_type3A_1122, %cond3A_1123 : i32
      scf.if %cond3A_1124 {
        %add3A_1134 = arith.constant 5 : i32
        %add3A_1135 = arith.addi %add3A_1075, %add3A_1134 : i32
        %sub3A_1136 = arith.constant 1 : i32
        %sub3A_1137 = arith.subi %add3A_1135, %sub3A_1136 : i32
        %add3A_1138 = arith.addi %mul3A_2, %sub3A_1137 : i32
        %mul3A_1139 = arith.constant 40 : i32
        %mul3A_1140 = arith.muli %add3A_1138, %mul3A_1139 : i32
        %dma_wait3A_1141 = arith.constant 3 : i32
        %dma_wait3A_1142 = arith.constant 0 : i32
        %dma_wait3A_1143 = tpu.memref_slice %arg7[%dma_wait3A_1141, %dma_wait3A_1142] : memref<10x40xi32, #tpu.memory_space<vmem>> -> memref<1x40xi32, #tpu.memory_space<vmem>>
        %dma_wait3A_1144 = tpu.memref_squeeze %dma_wait3A_1143 : memref<1x40xi32, #tpu.memory_space<vmem>> -> memref<40xi32, #tpu.memory_space<vmem>>
        %dma_wait3A_1145 = tpu.memref_slice %arg2[%mul3A_1140] : memref<320000xi32, #tpu.memory_space<hbm>> -> memref<40xi32, #tpu.memory_space<hbm>>
        %dma_wait3A_1146 = arith.constant 0 : i32
        %dma_wait3A_1147 = tpu.memref_slice %arg7[%dma_wait3A_1141, %dma_wait3A_1146] : memref<10x40xi32, #tpu.memory_space<vmem>> -> memref<1x40xi32, #tpu.memory_space<vmem>>
        %dma_wait3A_1148 = tpu.memref_squeeze %dma_wait3A_1147 : memref<1x40xi32, #tpu.memory_space<vmem>> -> memref<40xi32, #tpu.memory_space<vmem>>
        %dma_wait3A_1149 = tpu.memref_slice %arg2[%mul3A_1140] : memref<320000xi32, #tpu.memory_space<hbm>> -> memref<40xi32, #tpu.memory_space<hbm>>
        tpu.wait_dma2 semaphore(%arg26 : memref<!tpu.dma_semaphore, #tpu.memory_space<semaphore_mem>>) src(%dma_wait3A_1149 : memref<40xi32, #tpu.memory_space<hbm>>) dst(%dma_wait3A_1148 : memref<40xi32, #tpu.memory_space<vmem>>)
        %dma_wait3A_1150 = arith.constant 3 : i32
        %dma_wait3A_1151 = arith.constant 0 : i32
        %dma_wait3A_1152 = tpu.memref_slice %arg8[%dma_wait3A_1150, %dma_wait3A_1151] : memref<10x40xi32, #tpu.memory_space<vmem>> -> memref<1x40xi32, #tpu.memory_space<vmem>>
        %dma_wait3A_1153 = tpu.memref_squeeze %dma_wait3A_1152 : memref<1x40xi32, #tpu.memory_space<vmem>> -> memref<40xi32, #tpu.memory_space<vmem>>
        %dma_wait3A_1154 = tpu.memref_slice %arg3[%mul3A_1140] : memref<320000xi32, #tpu.memory_space<hbm>> -> memref<40xi32, #tpu.memory_space<hbm>>
        %dma_wait3A_1155 = arith.constant 0 : i32
        %dma_wait3A_1156 = tpu.memref_slice %arg8[%dma_wait3A_1150, %dma_wait3A_1155] : memref<10x40xi32, #tpu.memory_space<vmem>> -> memref<1x40xi32, #tpu.memory_space<vmem>>
        %dma_wait3A_1157 = tpu.memref_squeeze %dma_wait3A_1156 : memref<1x40xi32, #tpu.memory_space<vmem>> -> memref<40xi32, #tpu.memory_space<vmem>>
        %dma_wait3A_1158 = tpu.memref_slice %arg3[%mul3A_1140] : memref<320000xi32, #tpu.memory_space<hbm>> -> memref<40xi32, #tpu.memory_space<hbm>>
        tpu.wait_dma2 semaphore(%arg26 : memref<!tpu.dma_semaphore, #tpu.memory_space<semaphore_mem>>) src(%dma_wait3A_1158 : memref<40xi32, #tpu.memory_space<hbm>>) dst(%dma_wait3A_1157 : memref<40xi32, #tpu.memory_space<vmem>>)
        %dma_wait3A_1159 = arith.constant 3 : i32
        %dma_wait3A_1160 = arith.constant 0 : i32
        %dma_wait3A_1161 = tpu.memref_slice %arg9[%dma_wait3A_1159, %dma_wait3A_1160] : memref<10x40xf32, #tpu.memory_space<vmem>> -> memref<1x40xf32, #tpu.memory_space<vmem>>
        %dma_wait3A_1162 = tpu.memref_squeeze %dma_wait3A_1161 : memref<1x40xf32, #tpu.memory_space<vmem>> -> memref<40xf32, #tpu.memory_space<vmem>>
        %dma_wait3A_1163 = tpu.memref_slice %arg4[%mul3A_1140] : memref<320000xf32, #tpu.memory_space<hbm>> -> memref<40xf32, #tpu.memory_space<hbm>>
        %dma_wait3A_1164 = arith.constant 0 : i32
        %dma_wait3A_1165 = tpu.memref_slice %arg9[%dma_wait3A_1159, %dma_wait3A_1164] : memref<10x40xf32, #tpu.memory_space<vmem>> -> memref<1x40xf32, #tpu.memory_space<vmem>>
        %dma_wait3A_1166 = tpu.memref_squeeze %dma_wait3A_1165 : memref<1x40xf32, #tpu.memory_space<vmem>> -> memref<40xf32, #tpu.memory_space<vmem>>
        %dma_wait3A_1167 = tpu.memref_slice %arg4[%mul3A_1140] : memref<320000xf32, #tpu.memory_space<hbm>> -> memref<40xf32, #tpu.memory_space<hbm>>
        tpu.wait_dma2 semaphore(%arg26 : memref<!tpu.dma_semaphore, #tpu.memory_space<semaphore_mem>>) src(%dma_wait3A_1167 : memref<40xf32, #tpu.memory_space<hbm>>) dst(%dma_wait3A_1166 : memref<40xf32, #tpu.memory_space<vmem>>)
        %dma_start3A_1168 = arith.constant 3 : i32
        %dma_start3A_1169 = arith.constant 3 : i32
        %dma_start3A_1170 = arith.constant 0 : i32
        %dma_start3A_1171 = arith.constant 0 : i32
        %dma_start3A_1172 = tpu.memref_slice %arg10[%dma_start3A_1169, %dma_start3A_1170, %dma_start3A_1171] : memref<5x40x128xf32, #tpu.memory_space<vmem>> -> memref<1x40x128xf32, #tpu.memory_space<vmem>>
        %dma_start3A_1173 = tpu.memref_squeeze %dma_start3A_1172 : memref<1x40x128xf32, #tpu.memory_space<vmem>> -> memref<40x128xf32, #tpu.memory_space<vmem>>
        %dma_start3A_1174 = arith.constant 0 : i32
        %dma_start3A_1175 = tpu.memref_slice %arg8[%dma_start3A_1168, %dma_start3A_1174] : memref<10x40xi32, #tpu.memory_space<vmem>> -> memref<1x40xi32, #tpu.memory_space<vmem>>
        %dma_start3A_1176 = tpu.memref_squeeze %dma_start3A_1175 : memref<1x40xi32, #tpu.memory_space<vmem>> -> memref<40xi32, #tpu.memory_space<vmem>>
        %dma_start3A_1177 = arith.constant 0 : i32
        %dma_start3A_1178 = arith.constant 0 : i32
        %dma_start3A_1179 = tpu.memref_slice %arg5[%dma_start3A_1177, %dma_start3A_1178] : memref<10000x128xf32, #tpu.memory_space<hbm>> -> memref<10000x128xf32, #tpu.memory_space<hbm>>
        tpu.enqueue_indirect_dma source(%dma_start3A_1179 : memref<10000x128xf32, #tpu.memory_space<hbm>>) target(%dma_start3A_1173 : memref<40x128xf32, #tpu.memory_space<vmem>>) offsets(%dma_start3A_1176 : memref<40xi32, #tpu.memory_space<vmem>>) semaphore(%arg16 : memref<!tpu.dma_semaphore, #tpu.memory_space<semaphore_mem>>)
      } else {
      }
      %add3A_1125 = arith.constant 10 : i32
      %add3A_1126 = arith.addi %add3A_1075, %add3A_1125 : i32
      %sub3A_1127 = arith.constant 1 : i32
      %sub3A_1128 = arith.subi %add3A_1126, %sub3A_1127 : i32
      %lt3A_1129 = arith.constant 250 : i32
      %lt3A_1130 = arith.cmpi slt, %sub3A_1128, %lt3A_1129 : i32
      %convert_element_type3A_1131 = arith.extui %lt3A_1130 : i1 to i32
      %cond3A_1132 = arith.constant 0 : i32
      %cond3A_1133 = arith.cmpi ne, %convert_element_type3A_1131, %cond3A_1132 : i32
      scf.if %cond3A_1133 {
        %add3A_1134 = arith.constant 10 : i32
        %add3A_1135 = arith.addi %add3A_1075, %add3A_1134 : i32
        %sub3A_1136 = arith.constant 1 : i32
        %sub3A_1137 = arith.subi %add3A_1135, %sub3A_1136 : i32
        %add3A_1138 = arith.addi %mul3A_2, %sub3A_1137 : i32
        %mul3A_1139 = arith.constant 40 : i32
        %mul3A_1140 = arith.muli %add3A_1138, %mul3A_1139 : i32
        %dma_start3A_1141 = arith.constant 8 : i32
        %dma_start3A_1142 = arith.constant 0 : i32
        %dma_start3A_1143 = tpu.memref_slice %arg7[%dma_start3A_1141, %dma_start3A_1142] : memref<10x40xi32, #tpu.memory_space<vmem>> -> memref<1x40xi32, #tpu.memory_space<vmem>>
        %dma_start3A_1144 = tpu.memref_squeeze %dma_start3A_1143 : memref<1x40xi32, #tpu.memory_space<vmem>> -> memref<40xi32, #tpu.memory_space<vmem>>
        %dma_start3A_1145 = tpu.memref_slice %arg2[%mul3A_1140] : memref<320000xi32, #tpu.memory_space<hbm>> -> memref<40xi32, #tpu.memory_space<hbm>>
        %dma_start3A_1146 = arith.constant 0 : i32
        %dma_start3A_1147 = tpu.memref_slice %arg7[%dma_start3A_1141, %dma_start3A_1146] : memref<10x40xi32, #tpu.memory_space<vmem>> -> memref<1x40xi32, #tpu.memory_space<vmem>>
        %dma_start3A_1148 = tpu.memref_squeeze %dma_start3A_1147 : memref<1x40xi32, #tpu.memory_space<vmem>> -> memref<40xi32, #tpu.memory_space<vmem>>
        %dma_start3A_1149 = tpu.memref_slice %arg2[%mul3A_1140] : memref<320000xi32, #tpu.memory_space<hbm>> -> memref<40xi32, #tpu.memory_space<hbm>>
        tpu.enqueue_dma source(%dma_start3A_1149 : memref<40xi32, #tpu.memory_space<hbm>>) target(%dma_start3A_1148 : memref<40xi32, #tpu.memory_space<vmem>>) target_semaphore(%arg31 : memref<!tpu.dma_semaphore, #tpu.memory_space<semaphore_mem>>)
        %dma_start3A_1150 = arith.constant 8 : i32
        %dma_start3A_1151 = arith.constant 0 : i32
        %dma_start3A_1152 = tpu.memref_slice %arg8[%dma_start3A_1150, %dma_start3A_1151] : memref<10x40xi32, #tpu.memory_space<vmem>> -> memref<1x40xi32, #tpu.memory_space<vmem>>
        %dma_start3A_1153 = tpu.memref_squeeze %dma_start3A_1152 : memref<1x40xi32, #tpu.memory_space<vmem>> -> memref<40xi32, #tpu.memory_space<vmem>>
        %dma_start3A_1154 = tpu.memref_slice %arg3[%mul3A_1140] : memref<320000xi32, #tpu.memory_space<hbm>> -> memref<40xi32, #tpu.memory_space<hbm>>
        %dma_start3A_1155 = arith.constant 0 : i32
        %dma_start3A_1156 = tpu.memref_slice %arg8[%dma_start3A_1150, %dma_start3A_1155] : memref<10x40xi32, #tpu.memory_space<vmem>> -> memref<1x40xi32, #tpu.memory_space<vmem>>
        %dma_start3A_1157 = tpu.memref_squeeze %dma_start3A_1156 : memref<1x40xi32, #tpu.memory_space<vmem>> -> memref<40xi32, #tpu.memory_space<vmem>>
        %dma_start3A_1158 = tpu.memref_slice %arg3[%mul3A_1140] : memref<320000xi32, #tpu.memory_space<hbm>> -> memref<40xi32, #tpu.memory_space<hbm>>
        tpu.enqueue_dma source(%dma_start3A_1158 : memref<40xi32, #tpu.memory_space<hbm>>) target(%dma_start3A_1157 : memref<40xi32, #tpu.memory_space<vmem>>) target_semaphore(%arg31 : memref<!tpu.dma_semaphore, #tpu.memory_space<semaphore_mem>>)
        %dma_start3A_1159 = arith.constant 8 : i32
        %dma_start3A_1160 = arith.constant 0 : i32
        %dma_start3A_1161 = tpu.memref_slice %arg9[%dma_start3A_1159, %dma_start3A_1160] : memref<10x40xf32, #tpu.memory_space<vmem>> -> memref<1x40xf32, #tpu.memory_space<vmem>>
        %dma_start3A_1162 = tpu.memref_squeeze %dma_start3A_1161 : memref<1x40xf32, #tpu.memory_space<vmem>> -> memref<40xf32, #tpu.memory_space<vmem>>
        %dma_start3A_1163 = tpu.memref_slice %arg4[%mul3A_1140] : memref<320000xf32, #tpu.memory_space<hbm>> -> memref<40xf32, #tpu.memory_space<hbm>>
        %dma_start3A_1164 = arith.constant 0 : i32
        %dma_start3A_1165 = tpu.memref_slice %arg9[%dma_start3A_1159, %dma_start3A_1164] : memref<10x40xf32, #tpu.memory_space<vmem>> -> memref<1x40xf32, #tpu.memory_space<vmem>>
        %dma_start3A_1166 = tpu.memref_squeeze %dma_start3A_1165 : memref<1x40xf32, #tpu.memory_space<vmem>> -> memref<40xf32, #tpu.memory_space<vmem>>
        %dma_start3A_1167 = tpu.memref_slice %arg4[%mul3A_1140] : memref<320000xf32, #tpu.memory_space<hbm>> -> memref<40xf32, #tpu.memory_space<hbm>>
        tpu.enqueue_dma source(%dma_start3A_1167 : memref<40xf32, #tpu.memory_space<hbm>>) target(%dma_start3A_1166 : memref<40xf32, #tpu.memory_space<vmem>>) target_semaphore(%arg31 : memref<!tpu.dma_semaphore, #tpu.memory_space<semaphore_mem>>)
      } else {
      }
    }
    %scan3A_539 = arith.constant 25 : i32
    %dma_wait3A_540 = arith.constant 4 : i32
    %dma_wait3A_541 = arith.constant 9 : i32
    %dma_wait3A_542 = arith.constant 0 : i32
    %dma_wait3A_543 = arith.constant 0 : i32
    %dma_wait3A_544 = tpu.memref_slice %arg10[%dma_wait3A_540, %dma_wait3A_542, %dma_wait3A_543] : memref<5x40x128xf32, #tpu.memory_space<vmem>> -> memref<1x40x128xf32, #tpu.memory_space<vmem>>
    %dma_wait3A_545 = tpu.memref_squeeze %dma_wait3A_544 : memref<1x40x128xf32, #tpu.memory_space<vmem>> -> memref<40x128xf32, #tpu.memory_space<vmem>>
    %dma_wait3A_546 = arith.constant 0 : i32
    %dma_wait3A_547 = tpu.memref_slice %arg7[%dma_wait3A_541, %dma_wait3A_546] : memref<10x40xi32, #tpu.memory_space<vmem>> -> memref<1x40xi32, #tpu.memory_space<vmem>>
    %dma_wait3A_548 = tpu.memref_squeeze %dma_wait3A_547 : memref<1x40xi32, #tpu.memory_space<vmem>> -> memref<40xi32, #tpu.memory_space<vmem>>
    %dma_wait3A_549 = arith.constant 0 : i32
    %dma_wait3A_550 = arith.constant 0 : i32
    %dma_wait3A_551 = tpu.memref_slice %arg12[%dma_wait3A_549, %dma_wait3A_550] : memref<10000x128xf32, #tpu.memory_space<vmem_shared>> -> memref<10000x128xf32, #tpu.memory_space<vmem_shared>>
    tpu.wait_indirect_dma semaphore(%arg22 : memref<!tpu.dma_semaphore, #tpu.memory_space<semaphore_mem>>) src(%dma_wait3A_545 : memref<40x128xf32, #tpu.memory_space<vmem>>) dst(%dma_wait3A_551 : memref<10000x128xf32, #tpu.memory_space<vmem_shared>>)
    %barrier3A_552 = arith.constant 0 : index
    tpu.barrier barrier_id(%barrier3A_552)
    %lt3A = arith.constant 10 : i32
    %lt3A_553 = arith.cmpi slt, %arg1, %lt3A : i32
    %convert_element_type3A = arith.extui %lt3A_553 : i1 to i32
    %cond3A = arith.constant 0 : i32
    %cond3A_554 = arith.cmpi ne, %convert_element_type3A, %cond3A : i32
    scf.if %cond3A_554 {
      %mul3A_555 = arith.constant 1000 : i32
      %mul3A_556 = arith.muli %arg1, %mul3A_555 : i32
      %mul3A_557 = arith.constant 1000 : i32
      %mul3A_558 = arith.muli %arg1, %mul3A_557 : i32
      "tpu.region"() ({
        %run_scoped3A = tpu.sem_alloc : memref<!tpu.dma_semaphore, #tpu.memory_space<semaphore_mem>>
        %dma_start3A_559 = arith.constant 0 : i32
        %dma_start3A_560 = tpu.memref_slice %arg6[%arg0, %mul3A_558, %dma_start3A_559] : memref<2x10000x128xf32, #tpu.memory_space<hbm>> -> memref<1x1000x128xf32, #tpu.memory_space<hbm>>
        %dma_start3A_561 = tpu.memref_squeeze %dma_start3A_560 : memref<1x1000x128xf32, #tpu.memory_space<hbm>> -> memref<1000x128xf32, #tpu.memory_space<hbm>>
        %dma_start3A_562 = arith.constant 0 : i32
        %dma_start3A_563 = tpu.memref_slice %arg12[%mul3A_556, %dma_start3A_562] : memref<10000x128xf32, #tpu.memory_space<vmem_shared>> -> memref<1000x128xf32, #tpu.memory_space<vmem_shared>>
        tpu.enqueue_dma source(%dma_start3A_563 : memref<1000x128xf32, #tpu.memory_space<vmem_shared>>) target(%dma_start3A_561 : memref<1000x128xf32, #tpu.memory_space<hbm>>) target_semaphore(%run_scoped3A : memref<!tpu.dma_semaphore, #tpu.memory_space<semaphore_mem>>)
        %dma_wait3A_564 = arith.constant 0 : i32
        %dma_wait3A_565 = tpu.memref_slice %arg6[%arg0, %mul3A_558, %dma_wait3A_564] : memref<2x10000x128xf32, #tpu.memory_space<hbm>> -> memref<1x1000x128xf32, #tpu.memory_space<hbm>>
        %dma_wait3A_566 = tpu.memref_squeeze %dma_wait3A_565 : memref<1x1000x128xf32, #tpu.memory_space<hbm>> -> memref<1000x128xf32, #tpu.memory_space<hbm>>
        %dma_wait3A_567 = arith.constant 0 : i32
        %dma_wait3A_568 = tpu.memref_slice %arg12[%mul3A_556, %dma_wait3A_567] : memref<10000x128xf32, #tpu.memory_space<vmem_shared>> -> memref<1000x128xf32, #tpu.memory_space<vmem_shared>>
        tpu.wait_dma2 semaphore(%run_scoped3A : memref<!tpu.dma_semaphore, #tpu.memory_space<semaphore_mem>>) src(%dma_wait3A_568 : memref<1000x128xf32, #tpu.memory_space<vmem_shared>>) dst(%dma_wait3A_566 : memref<1000x128xf32, #tpu.memory_space<hbm>>)
        tpu.yield
      }) : () -> ()
    } else {
    }
    return
  }
}

module attributes {stable_mosaic.version = 14 : i64} {
  func.func @_combine_body(%arg0: memref<2x10000x128xf32, #tpu.memory_space<vmem>>, %arg1: memref<10000x128xf32, #tpu.memory_space<vmem>>) attributes {dimension_semantics = [], scalar_prefetch = 0 : i64, scratch_operands = 0 : i64, tpu.core_type = #tpu.core_type<tc>} {
    %get3A = arith.constant 0 : index
    %get3A_0 = arith.constant 0 : index
    %get3A_1 = arith.constant 0 : index
    %get3A_2 = vector.load %arg0[%get3A, %get3A_0, %get3A_1] : memref<2x10000x128xf32, #tpu.memory_space<vmem>>, vector<1x10000x128xf32>
    %get3A_3 = vector.shape_cast %get3A_2 : vector<1x10000x128xf32> to vector<10000x128xf32>
    %get3A_4 = arith.constant 1 : index
    %get3A_5 = arith.constant 0 : index
    %get3A_6 = arith.constant 0 : index
    %get3A_7 = vector.load %arg0[%get3A_4, %get3A_5, %get3A_6] : memref<2x10000x128xf32, #tpu.memory_space<vmem>>, vector<1x10000x128xf32>
    %get3A_8 = vector.shape_cast %get3A_7 : vector<1x10000x128xf32> to vector<10000x128xf32>
    %add3A = arith.addf %get3A_3, %get3A_8 : vector<10000x128xf32>
    %swap3A = arith.constant 0 : index
    %swap3A_9 = arith.constant 0 : index
    %swap3A_10 = vector.load %arg1[%swap3A, %swap3A_9] : memref<10000x128xf32, #tpu.memory_space<vmem>>, vector<10000x128xf32>
    tpu.vector_store %arg1[%swap3A, %swap3A_9], %add3A {strides = array<i32>} : memref<10000x128xf32, #tpu.memory_space<vmem>>, vector<10000x128xf32>,
    return
  }
}

</mosaic_0001>

<sc_bundles>
// kernel: kernel.4.cloned.1.call-start
scs
__scs_entry_jumppad:
0x0: {  	(pc) =	sbr.rel $0x88, $3  }
0x1: {  	(tag) =	ssettag $0x0;
	lr =	simm.s32 $0x1  }
0x2: {  	[smem:$0x3F9E] =	sst lr;
	_ =	strace $0xD0000000  }
0x3: {  	_ = 	snop  }
0x4: {  	_ = 	snop  }
0x5: {  	_ = 	snop  }
0x6: {  	_ = 	snop  }
0x7: {  	_ = 	snop  }
__scs_overlays_trampoline_lowered:
0x8: {  	[smem:$0x3FAD] =	sst s0  }
0x9: {  	[smem:$0x3FAE] =	sst s1  }
0xa: {  	[smem:$0x3FAF] =	sst s2  }
0xb: {  	[smem:$0x3FB0] =	sst s3  }
0xc: {  	[smem:$0x3FB1] =	sst s4  }
0xd: {  	[smem:$0x3FB2] =	sst s5  }
0xe: {  	[smem:$0x3FB3] =	sst s6  }
0xf: {  	[smem:$0x3FB4] =	sst s7  }
0x10: {  	[smem:$0x3FB5] =	sst s8  }
0x11: {  	[smem:$0x3FB6] =	sst s9;
	s0 =	simm.s32 @!p0 $0x0  }
0x12: {  	s1 =	sld [smem:$0x3F9C];
	s0 =	simm.s32 @p0 $0x1  }
0x13: {  	[smem:$0x3FB7] =	sst s0;
	s0 =	simm.s32 @!p1 $0x0  }
0x14: {  	s2 =	sld [smem:$0x3F9B];
	s0 =	simm.s32 @p1 $0x1  }
0x15: {  	[smem:$0x3FB8] =	sst s0;
	s0 =	simm.s32 @!p2 $0x0  }
0x16: {  	s3 =	sld [smem:$0x3FDB];
	s0 =	simm.s32 @p2 $0x1  }
0x17: {  	s4 =	simm.s32 $0x1BF5;
	[smem:$0x3FBA] =	sst s0  }
0x18: {  	s0 =	sld [smem:$0x3F9D];
	_ =	swait.ge [sflag:s4], $0x0  }
0x19: {  	s7 =	sld [smem:$0x3F9E]  }
0x1a: {  	s8 =	sadd.s32 $0xFFFFE003, lr  }
0x1b: {  	s9 =	sadd.s32 $0xFFFFFEF7, lr;
	s5 =	simm.s32 $0xFFFFFFFF;
	p2 =	slt.u32 s8, $0xFFFFF086  }
0x1c: {  	p1 =	slt.u32 s9, $0xF7A;
	s5 =	simm.s32 @!p2 $0x0  }
0x1d: {  	s5 =	simm.s32 @p1 $0x1;
	p0 =	seq.s32 s7, s2  }
0x1e: {  	s7 =	smul.u32 @!p0 $0xF7A, s2;
	p2 =	seq.s32 @!p0 s5, $0x0  }
0x1f: {  	s9 =	smul.u32 $0xF7A, s1;
	s8 =	simm.s32 @!p0 $0x1BF5;
	p2 =	por !p2, p0  }
0x20: {  	[sflag:s8] =	ssyncset.s32 @!p0 $0xFFFFF086;
	s6 =	sadd.s32 @!p0 s3, s7;
	s7 =	simm.s32 @!p0 $0x108  }
0x21: {  	s3 =	sadd.s32 s3, s9;
	s6 =	sadd.s32 @!p0 $0x88, s6;
	s7 =	simm.s32 @p2 $0x1082  }
0x22: {  	[simem:s7], [sflag:s8] =	dma.local @!p0 [hbm:s6], $0xF7A  }
0x23: {  	s9 =	sor.u32 $0xD0000000, s2;
	s6 =	simm.s32 $0x108;
	_ =	swait.ge @!p0 [sflag:s8], $0x0  }
0x24: {  	s3 =	sadd.s32 $0x88, s3;
	s6 =	simm.s32 @!p1 $0x1082;
	[sflag:s4] =	ssyncset.s32 $0xFFFFF086  }
0x25: {  	[simem:s6], [sflag:s4] =	dma.local [hbm:s3], $0xF7A  }
0x26: {  	[smem:$0x3F9E] =	sst s1;
	(tag) =	ssettag s2;
	_ =	strace s9  }
0x27: {  	s1 =	sld [smem:$0x3FAE]  }
0x28: {  	s2 =	sld [smem:$0x3FAF]  }
0x29: {  	s4 =	sld [smem:$0x3FB1]  }
0x2a: {  	p0 =	seq.s32 s5, $0x0;
	s5 =	sld [smem:$0x3FB2]  }
0x2b: {  	s6 =	sld [smem:$0x3FB3]  }
0x2c: {  	s7 =	sld [smem:$0x3FB4]  }
0x2d: {  	s3 =	simm.s32 $0x108;
	s8 =	sld [smem:$0x3FB5]  }
0x2e: {  	s3 =	simm.s32 @!p0 $0x1082;
	s9 =	sld [smem:$0x3FB6]  }
0x2f: {  	lr =	sadd.s32 s0, s3;
	s0 =	sld [smem:$0x3FAD]  }
0x30: {  	s3 =	sld [smem:$0x3FB0]  }
0x31: {  	[smem:$0x3FB9] =	sst s10  }
0x32: {  	s10 =	sld [smem:$0x3FB7];
	_ =	sdelay $0x3  }
0x33: {  	p0 =	seq.s32 s10, $0x1;
	s10 =	sld [smem:$0x3FB9];
	_ =	sdelay $0x3  }
0x34: {  	[smem:$0x3FB9] =	sst s10  }
0x35: {  	s10 =	sld [smem:$0x3FB8];
	_ =	sdelay $0x3  }
0x36: {  	p1 =	seq.s32 s10, $0x1;
	s10 =	sld [smem:$0x3FB9];
	_ =	sdelay $0x3  }
0x37: {  	[smem:$0x3FB9] =	sst s10  }
0x38: {  	s10 =	sld [smem:$0x3FBA]  }
0x39: {  	_ = 	snop;
	(pc) =	sbr.ind lr, $3  }
0x3a: {  	_ = 	snop  }
0x3b: {  	_ = 	snop  }
0x3c: {  	p2 =	seq.s32 s10, $0x1;
	s10 =	sld [smem:$0x3FB9]  }
0x3d: {  	_ =	shalt  }
0x3e: {  	_ =	shalt  }
0x3f: {  	_ =	shalt  }
0x40: {  	_ =	shalt  }
0x41: {  	_ =	shalt  }
0x42: {  	_ =	shalt  }
0x43: {  	_ =	shalt  }
0x44: {  	_ =	shalt  }
0x45: {  	_ =	shalt  }
0x46: {  	_ =	shalt  }
0x47: {  	_ =	shalt  }
0x48: {  	_ =	shalt  }
0x49: {  	_ =	shalt  }
0x4a: {  	_ =	shalt  }
0x4b: {  	_ =	shalt  }
0x4c: {  	_ =	shalt  }
0x4d: {  	_ =	shalt  }
0x4e: {  	_ =	shalt  }
0x4f: {  	_ =	shalt  }
0x50: {  	_ =	shalt  }
0x51: {  	_ =	shalt  }
0x52: {  	_ =	shalt  }
0x53: {  	_ =	shalt  }
0x54: {  	_ =	shalt  }
0x55: {  	_ =	shalt  }
0x56: {  	_ =	shalt  }
0x57: {  	_ =	shalt  }
0x58: {  	_ =	shalt  }
0x59: {  	_ =	shalt  }
0x5a: {  	_ =	shalt  }
0x5b: {  	_ =	shalt  }
0x5c: {  	_ =	shalt  }
0x5d: {  	_ =	shalt  }
0x5e: {  	_ =	shalt  }
0x5f: {  	_ =	shalt  }
0x60: {  	_ =	shalt  }
0x61: {  	_ =	shalt  }
0x62: {  	_ =	shalt  }
0x63: {  	_ =	shalt  }
0x64: {  	_ =	shalt  }
0x65: {  	_ =	shalt  }
0x66: {  	_ =	shalt  }
0x67: {  	_ =	shalt  }
0x68: {  	_ =	shalt  }
0x69: {  	_ =	shalt  }
0x6a: {  	_ =	shalt  }
0x6b: {  	_ =	shalt  }
0x6c: {  	_ =	shalt  }
0x6d: {  	_ =	shalt  }
0x6e: {  	_ =	shalt  }
0x6f: {  	_ =	shalt  }
0x70: {  	_ =	shalt  }
0x71: {  	_ =	shalt  }
0x72: {  	_ =	shalt  }
0x73: {  	_ =	shalt  }
0x74: {  	_ =	shalt  }
0x75: {  	_ =	shalt  }
0x76: {  	_ =	shalt  }
0x77: {  	_ =	shalt  }
0x78: {  	_ =	shalt  }
0x79: {  	_ =	shalt  }
0x7a: {  	_ =	shalt  }
0x7b: {  	_ =	shalt  }
0x7c: {  	_ =	shalt  }
0x7d: {  	_ =	shalt  }
0x7e: {  	_ =	shalt  }
0x7f: {  	_ =	shalt  }
0x80: {  	_ =	shalt  }
0x81: {  	_ =	shalt  }
0x82: {  	_ =	shalt  }
0x83: {  	_ =	shalt  }
0x84: {  	_ =	shalt  }
0x85: {  	_ =	shalt  }
0x86: {  	_ =	shalt  }
0x87: {  	_ =	shalt  }
.Lfunc_end0:
.L_simem_size_0:
called_computation_lowered:
.L_overlay_start_0:
0x88: {  	s2 =	sld [smem:$0x3FD9]  }
0x89: {  	s3 =	sld [smem:$0x3FFE];
	_ =	sdelay $0x1  }
0x8a: {  	s1 =	srdreg.scid  }
0x8b: {  	s0 =	sand.u32 $0x1, s1  }
0x8c: {  	s17 =	sshll.u32 s0, $0xA;
	s2 =	sadd.s32 s3, s2  }
0x8d: {  	s2 =	sadd.s32 s2, s17  }
0x8e: {  	[smem:$0x3FC5] =	sst s2  }
0x8f: {  	_ = 	snop  }
0x90: {  	s2 =	sld [smem:$0x3FC8]  }
0x91: {  	s18 =	sld [smem:$0x3FC7]  }
0x92: {  	s4 =	sld [smem:$0x3FD0];
	(tm) =	ssettm $0x1  }
0x93: {  	s5 =	sld [smem:$0x3FFB];
	_ =	sdelay $0x3  }
0x94: {  	_ =	strace s5  }
0x95: {  	s5 =	sld [smem:$0x3FFC];
	_ =	sdelay $0x3  }
0x96: {  	_ =	strace s5  }
0x97: {  	s5 =	sld [smem:$0x3FFD];
	_ =	sdelay $0x3  }
0x98: {  	_ =	strace s5  }
0x99: {  	_ =	strace $0x8FFFFFFF  }
0x9a: {  	s19 =	sld [smem:$0x3FDB];
	_ =	sdelay $0x1  }
0x9b: {  	s6 =	simm.s32 $_scs_section_size  }
0x9c: {  	s7 =	simm.s32 $_size__tile_overlayer_lowered;
	s8 =	simm.s32 $_tile_overlayer_lowered  }
0x9d: {  	s22 =	simm.s32 $0x1BFF;
	s21 =	sshll.u32 s8, $0x1;
	s5 =	sadd.s32 s6, s19  }
0x9e: {  	s9 =	simm.s32 $0x0;
	s20 =	sshll.u32 s7, $0x1;
	s7 =	sadd.s32 s21, s5  }
0x9f: {  	[timem:s9], [sflag:s22] =	dma.local [hbm:s7], s20  }
0xa0: {  	_ =	swait.ge [sflag:s22], s20  }
0xa1: {  	s6 =	ssub.s32 $0x0, s20;
	[sflag:s22] =	ssyncset.done $0x0  }
0xa2: {  	[sflag:s22] =	ssyncadd.s32 s6;
	_ =	sdelay $0x1  }
0xa3: {  	s23 =	simm.s32 $0x1B8B  }
0xa4: {  	_ =	swait.ge [sflag:s23], $0x1  }
0xa5: {  	[sflag:s23] =	ssyncset.done $0x0  }
0xa6: {  	s25 =	simm.s32 $0x1B8E;
	s24 =	sld [smem:$0x3FFE];
	[sflag:s23] =	ssyncadd.s32 $0xFFFFFFFF  }
0xa7: {  	s26 =	simm.s32 $execute0_lowered;
	[smem:$0x3FD2] =	sst s25  }
0xa8: {  	s7 =	sshll.u32 s26, $0x1;
	_ =	strace $0x80000046;
	[dreg:$0x1] =	wrdreg $0xFFFFFFFF  }
0xa9: {  	s28 =	simm.s32 $_size_execute0_lowered;
	s5 =	sadd.s32 s5, s7;
	[dreg:$0x0] =	wrdreg $0x0  }
0xaa: {  	s7 =	sshll.u32 s28, $0x1;
	[dreg:$0x2] =	wrdreg s5  }
0xab: {  	[dreg:$0x3] =	wrdreg s7  }
0xac: {  	[dreg:$0x4] =	wrdreg $0xC0  }
0xad: {  	_ =	task [dreg:s9], $0x5FFFF  }
0xae: {  	[dreg:$0x1] =	wrdreg $0xFFFFFFFF  }
0xaf: {  	[dreg:$0x0] =	wrdreg $0x60  }
0xb0: {  	[dreg:$0x2] =	wrdreg s24  }
0xb1: {  	[dreg:$0x3] =	wrdreg s4  }
0xb2: {  	[dreg:$0x4] =	wrdreg s2  }
0xb3: {  	[dreg:$0x5] =	wrdreg s18  }
0xb4: {  	[dreg:$0x6] =	wrdreg $0x8C000  }
0xb5: {  	[dreg:$0x7] =	wrdreg $0x9  }
0xb6: {  	_ =	task.clear_ibuf [dreg:s9], $0x8FFFF;
	_ =	strace $0x90000046  }
0xb7: {  	s29 =	simm.s32 $0x9;
	_ =	strace $0x80000048  }
0xb8: {  	_ =	swait.ge [sflag:s29], $0x1  }
0xb9: {  	[sflag:s29] =	ssyncadd.s32 $0xFFFFFFFF  }
0xba: {  	_ =	strace $0x90000048  }
0xbb: {  	_ =	sfence  }
0xbc: {  	s30 =	sld [smem:$0x0];
	_ =	sdelay $0x2  }
0xbd: {  	s31 =	sshll.u32 s1, $0xD;
	s1 =	sshrl.u32 s1, $0x2  }
0xbe: {  	s3 =	sand.u32 $0x4000, s31;
	s1 =	sadd.s32 s1, s30  }
0xbf: {  	s0 =	sor.u32 s3, s0;
	s1 =	sshll.u32 s1, $0x11  }
0xc0: {  	s0 =	sor.u32 s1, s0  }
0xc1: {  	s0 =	sadd.s32 $0x8F2B, s0  }
0xc2: {  	[sflag:s0] =	ssyncadd.remote.s32 $0x1  }
0xc3: {  	_ =	sfence.sel $0xFFFF  }
0xc4: {  	[dreg:$0x0] =	wrdreg $0xFFFFFFFF;
	(pc) =	sbr.abs _section_cstart, $3  }
0xc5: {  	[dreg:$0x1] =	wrdreg $0xFFFFFFFF  }
0xc6: {  	_ =	task.clear_ibuf [dreg:s9], $0x2FFFF;
	_ =	strace $0x9FFFFFFF  }
0xc7: {  	(tm) =	ssettm $0x7FFFFFFF  }
tec
execute0_lowered:
.L_overlay_start_1:
0x0: {  	(tag) =	ssettag $0x1  }
0x1: {  	s1 =	rddreg [dreg:$0x0]  }
0x2: {  	s2 =	rddreg [dreg:$0x1]  }
0x3: {  	s3 =	rddreg [dreg:$0x2]  }
0x4: {  	s4 =	rddreg [dreg:$0x3]  }
0x5: {  	s5 =	rddreg [dreg:$0x4]  }
0x6: {  	s0 =	srdreg.scid;
	s12 =	stileid.u32  }
0x7: {  	s0 =	sand.u32 $0x1, s0;
	s10 =	smul.u32 $0x1F400, s12;
	s8 =	sshll.u32 s12, $0x1  }
0x8: {  	s7 =	simm.s32 $0x0;
	s6 =	smul.u32 $0x138800, s0;
	s8 =	sor.u32 s0, s8  }
0x9: {  	[smem:$0x7FF] =	sst s7;
	s0 =	ssub.s32 $0x2, s0;
	s11 =	smul.u32 $0x4E2, s8  }
0xa: {  	_ =	strace $0x80000047;
	s9 =	sshrl.u32 s0, $0x1;
	s6 =	sadd.s32 s10, s6  }
0xb: {  	s10 =	smul.u32 $0x2710, s8;
	s0 =	ssub.s32 s0, s9;
	s13 =	sadd.s32 s1, s11  }
0xc: {  	s6 =	sshrl.u32 s6, $0x3;
	s14 =	sadd.s32 s2, s11;
	[dreg:$0x6] =	wrdreg s13  }
0xd: {  	s7 =	sadd.s32 s3, s11;
	s0 =	smax.u32 s0, $0x1;
	[dreg:$0x7] =	wrdreg s14  }
0xe: {  	s6 =	sadd.s32 s6, s1;
	s15 =	sadd.s32 $0x28, s10;
	[dreg:$0x8] =	wrdreg s7  }
0xf: {  	[smem:$0x7FC] =	sst s0;
	s16 =	sshrl.u32 s15, $0x3;
	s6 =	sadd.s32 $0x9E00, s6  }
0x10: {  	s11 =	sadd.s32 s1, s16;
	[smem:$0x7FB] =	sst s6  }
0x11: {  	s9 =	sshrl.u32 s10, $0x3;
	s17 =	sadd.s32 s2, s16;
	[dreg:$0x9] =	wrdreg s11  }
0x12: {  	s18 =	sadd.s32 $0xA, s9;
	s7 =	sadd.s32 s3, s16;
	[dreg:$0xa] =	wrdreg s17  }
0x13: {  	s19 =	sadd.s32 s1, s18;
	[dreg:$0xb] =	wrdreg s7  }
0x14: {  	s23 =	sadd.s32 $0x14, s9;
	s13 =	sadd.s32 s2, s18;
	[dreg:$0xc] =	wrdreg s19  }
0x15: {  	s24 =	sadd.s32 s1, s23;
	[dreg:$0xd] =	wrdreg s13  }
0x16: {  	s26 =	sadd.s32 s2, s23;
	[dreg:$0x12] =	wrdreg s24  }
0x17: {  	s16 =	sadd.s32 $0x1E, s9;
	s11 =	sadd.s32 s3, s18;
	[dreg:$0x13] =	wrdreg s26  }
0x18: {  	s20 =	sadd.s32 $0x78, s10;
	s17 =	sadd.s32 s1, s16;
	[dreg:$0xe] =	wrdreg s11  }
0x19: {  	s7 =	sshrl.u32 s20, $0x3;
	s19 =	sadd.s32 s2, s16;
	[dreg:$0x18] =	wrdreg s17  }
0x1a: {  	s21 =	sadd.s32 s1, s7;
	[dreg:$0x19] =	wrdreg s19  }
0x1b: {  	s22 =	sadd.s32 s2, s7;
	[dreg:$0xf] =	wrdreg s21  }
0x1c: {  	s8 =	smul.u32 $0xFA, s8;
	s7 =	sadd.s32 s3, s7;
	[dreg:$0x10] =	wrdreg s22  }
0x1d: {  	s25 =	sadd.s32 $0xC8, s10;
	s11 =	sadd.s32 s3, s23;
	[dreg:$0x11] =	wrdreg s7  }
0x1e: {  	s18 =	sadd.s32 $0x118, s10;
	s17 =	sadd.s32 $0xA, s8;
	[dreg:$0x14] =	wrdreg s11  }
0x1f: {  	s10 =	sadd.s32 $0x168, s10;
	s19 =	sadd.s32 $0xC, s8;
	[smem:$0x7F2] =	sst s17  }
0x20: {  	s23 =	sshrl.u32 s10, $0x3;
	s11 =	sadd.s32 s3, s16;
	[smem:$0x7F4] =	sst s19  }
0x21: {  	s28 =	simm.s32 $0x7C00;
	s13 =	sadd.s32 s2, s23;
	[dreg:$0x1a] =	wrdreg s11  }
0x22: {  	s7 =	sshrl.u32 s25, $0x3;
	s16 =	sadd.s32 $0x9, s8;
	[smem:$0x7EF] =	sst s13  }
0x23: {  	s29 =	simm.s32 $0x15;
	s14 =	sadd.s32 s1, s7;
	[smem:$0x7F1] =	sst s16  }
0x24: {  	s30 =	simm.s32 $0x1000;
	s15 =	sadd.s32 s2, s7;
	[dreg:$0x15] =	wrdreg s14  }
0x25: {  	s22 =	sadd.s32 $0x28, s9;
	s7 =	sadd.s32 s3, s7;
	[dreg:$0x16] =	wrdreg s15  }
0x26: {  	s31 =	simm.s32 $0x1280;
	s24 =	sadd.s32 s1, s22;
	[dreg:$0x17] =	wrdreg s7  }
0x27: {  	p0 =	sgt.u32 s12, $0x9;
	s25 =	sadd.s32 s2, s22;
	[dreg:$0x1e] =	wrdreg s24  }
0x28: {  	s26 =	smul.u32 $0x7D000, s12;
	s11 =	sadd.s32 s1, s23;
	[dreg:$0x1f] =	wrdreg s25  }
0x29: {  	s10 =	simm.s32 $0x1300;
	[smem:$0x7EE] =	sst s11;
	s14 =	sadd.s32 s3, s23  }
0x2a: {  	s7 =	sshrl.u32 s18, $0x3;
	s18 =	sadd.s32 $0xB, s8;
	[smem:$0x7F0] =	sst s14  }
0x2b: {  	s15 =	sshrl.u32 s26, $0x2;
	s23 =	sadd.s32 $0x10, s8;
	[smem:$0x7F3] =	sst s18  }
0x2c: {  	s24 =	sadd.s32 $0x11, s8;
	s25 =	smul.u32 $0x4E200, s12;
	[smem:$0x7F8] =	sst s23  }
0x2d: {  	s11 =	simm.s32 $0x1180;
	s20 =	sadd.s32 s1, s7;
	[smem:$0x7F9] =	sst s24  }
0x2e: {  	s12 =	simm.s32 $0x1400;
	s21 =	sadd.s32 s2, s7;
	[dreg:$0x1b] =	wrdreg s20  }
0x2f: {  	s7 =	sadd.s32 s3, s7;
	s6 =	sadd.s32 s15, s5;
	[dreg:$0x1c] =	wrdreg s21  }
0x30: {  	s23 =	simm.s32 $0x1200;
	[dreg:$0x1d] =	wrdreg s7;
	s7 =	sadd.s32 s3, s22  }
0x31: {  	s24 =	simm.s32 $0x1480;
	s20 =	sadd.s32 $0xD, s8;
	[smem:$0x7ED] =	sst s7  }
0x32: {  	s14 =	simm.s32 $0x11;
	s21 =	sadd.s32 $0xE, s8;
	[smem:$0x7F5] =	sst s20  }
0x33: {  	s15 =	simm.s32 $0x0;
	s22 =	sadd.s32 $0xF, s8;
	[smem:$0x7F6] =	sst s21  }
.Ltmp0:
0x34: {  	s8 =	sadd.s32 $0x12, s8;
	[smem:$0x7F7] =	sst s22;
	(pc) =	sbr.rel .LBB2_1-.Ltmp0, $4  }
0x35: {  	s26 =	sshrl.u32 s25, $0x2;
	s0 =	sshrl.u32 @!p0 s6, $0x3;
	[smem:$0x7FA] =	sst s8  }
0x36: {  	s25 =	sadd.s32 s26, s5;
	[smem:$0x7FD] =	sst s0;
	s0 =	simm.s32 $0x1080  }
0x37: {  	s8 =	simm.s32 $0x1100;
	s26 =	simm.s32 $0x1380;
	s22 =	simm.s32 $0x28  }
0x38: {  	v0 =	vimm.f32 $0.0e+00;
	s7 =	simm.s32 $0x12;
	s20 =	simm.s32 $0x13;
	s21 =	simm.s32 $0x14  }
.LBB2_28:
0x39: {  	s9 =	simm.s32 $0xA  }
0x3a: {  	_ =	swait.ge [sflag:s9], $0x1400  }
0x3b: {  	[sflag:s9] =	ssyncset.done $0x0  }
0x3c: {  	[sflag:s9] =	ssyncadd.s32 $0xFFFFEC00  }
0x3d: {  	[bflag:$0x0] =	sbarrier.arrive $0xFFFF  }
0x3e: {  	s13 =	sld [smem:$0x7FB]  }
0x3f: {  	s9 =	stileid.u32;
	s15 =	sld [smem:$0x7FD]  }
0x40: {  	s9 =	sshll.u32 @!p0 s9, $0x6  }
0x41: {  	s9 =	sor.u32 @!p0 $0x1C15, s9  }
0x42: {  	[hbm:s13], [sflag:s9] =	dma.local @!p0 [spmem:s15], $0x3E80  }
0x43: {  	s9 =	simm.s32 @!p0 $0x15  }
0x44: {  	_ =	swait.ge @!p0 [sflag:s9], $0x3E80  }
0x45: {  	s18 =	sld [smem:$0x7EC]  }
0x46: {  	s19 =	sld [smem:$0x7FC];
	_ =	sdelay $0x1  }
0x47: {  	s15 =	sadd.s32 $0x1, s18  }
0x48: {  	p1 =	sne.s32 s15, s19  }
.Ltmp1:
0x49: {  	_ = 	snop;
	(pc) =	sbr.rel @!p1 .LBB2_29-.Ltmp1, $3  }
0x4a: {  	_ =	sdelay $0x1  }
0x4b: {  	[sflag:s9] =	ssyncset.done @!p0 $0x0  }
0x4c: {  	[sflag:s9] =	ssyncadd.s32 @!p0 $0xFFFFC180  }
.LBB2_1:
0x4d: {  	s9 =	simm.s32 $0x70;
	s13 =	simm.s32 $0x3C0  }
.LBB2_2:
0x4e: {  	p1 =	sne.s32 s13, $0x31C0;
	[tilespmem:s9+$0x7C00] =	vst v0  }
0x4f: {  	[tilespmem:s9+$0x7B90] =	vst v0  }
0x50: {  	[tilespmem:s9+$0x7BA0] =	vst v0  }
.Ltmp2:
0x51: {  	[tilespmem:s9+$0x7BB0] =	vst v0;
	(pc) =	sbr.rel @p1 .LBB2_2-.Ltmp2, $4  }
0x52: {  	[tilespmem:s9+$0x7BC0] =	vst v0  }
0x53: {  	[tilespmem:s9+$0x7BD0] =	vst v0  }
0x54: {  	[tilespmem:s9+$0x7BE0] =	vst v0  }
0x55: {  	[tilespmem:s9+$0x7BF0] =	vst v0;
	s9 =	sshra.s32 s13, $0x2;
	s13 =	sadd.s32 $0x200, s13  }
0x56: {  	[tilespmem:s9+$0x7C00] =	vst v0  }
0x57: {  	[tilespmem:s9+$0x7B90] =	vst v0  }
0x58: {  	[tilespmem:s9+$0x7BA0] =	vst v0  }
0x59: {  	[tilespmem:s9+$0x7BB0] =	vst v0  }
0x5a: {  	[tilespmem:s9+$0x7BC0] =	vst v0  }
0x5b: {  	[tilespmem:s9+$0x7BD0] =	vst v0  }
0x5c: {  	[tilespmem:s9+$0x7BE0] =	vst v0  }
0x5d: {  	[smem:$0x7EC] =	sst s15;
	[tilespmem:s9+$0x7BF0] =	vst v0;
	s19 =	sadd.s32 $0x0, s25  }
0x5e: {  	[spmem:s19] =	stream.linear.scatter [tilespmem:s28], [sflag:$0x15], $0xC80, $0x38;
	[tilespmem:$0x1C480] =	vst v63  }
0x5f: {  	s9 =	simm.s32 $0x3200;
	_ =	swait.ge [sflag:s29], $0xC80  }
.LBB2_4:
0x60: {  	s13 =	sshra.s32 s9, $0x2;
	[sflag:s29] =	ssyncset.done $0x0;
	p1 =	sne.s32 s9, $0x4B000  }
.Ltmp3:
0x61: {  	s13 =	sadd.s32 s13, s25;
	[sflag:s29] =	ssyncadd.s32 $0xFFFFF380;
	(pc) =	sbr.rel @p1 .LBB2_4-.Ltmp3, $3  }
0x62: {  	[spmem:s13] =	stream.linear.scatter [tilespmem:s28], [sflag:$0x15], $0xC80, $0x38;
	[tilespmem:$0x1C480] =	vst v63  }
0x63: {  	s9 =	sadd.s32 $0x3200, s9;
	_ =	sdelay $0x1  }
0x64: {  	_ =	swait.ge [sflag:s29], $0xC80  }
0x65: {  	[sflag:s29] =	ssyncset.done $0x0  }
0x66: {  	s6 =	simm.s32 $0x0;
	s9 =	rddreg [dreg:$0x6];
	[sflag:s29] =	ssyncadd.s32 $0xFFFFF380  }
0x67: {  	[tilespmem:s6], [sflag:$0xB] =	stream.linear.gather [hbm4b:s9+s6], $0x28, $0x38;
	[tilespmem:$0x1C480] =	vst v63  }
0x68: {  	s17 =	rddreg [dreg:$0x7];
	s13 =	simm.s32 $0x800  }
0x69: {  	[tilespmem:s13], [sflag:$0xB] =	stream.linear.gather [hbm4b:s17+s6], $0x28, $0x38;
	[tilespmem:$0x1C480] =	vst v63  }
0x6a: {  	s18 =	rddreg [dreg:$0x8]  }
0x6b: {  	[tilespmem:s30], [sflag:$0xB] =	stream.linear.gather [hbm4b:s18+s6], $0x28, $0x38;
	[tilespmem:$0x1C480] =	vst v63  }
0x6c: {  	s19 =	rddreg [dreg:$0x9];
	s15 =	simm.s32 $0x80  }
0x6d: {  	[tilespmem:s15], [sflag:$0xC] =	stream.linear.gather [hbm4b:s19+s6], $0x28, $0x38;
	[tilespmem:$0x1C480] =	vst v63  }
0x6e: {  	s16 =	rddreg [dreg:$0xa];
	s15 =	simm.s32 $0x880  }
0x6f: {  	[tilespmem:s15], [sflag:$0xC] =	stream.linear.gather [hbm4b:s16+s6], $0x28, $0x38;
	[tilespmem:$0x1C480] =	vst v63  }
0x70: {  	s17 =	rddreg [dreg:$0xb]  }
0x71: {  	[tilespmem:s0], [sflag:$0xC] =	stream.linear.gather [hbm4b:s17+s6], $0x28, $0x38;
	[tilespmem:$0x1C480] =	vst v63  }
0x72: {  	s18 =	rddreg [dreg:$0xc];
	s16 =	simm.s32 $0x100  }
0x73: {  	[tilespmem:s16], [sflag:$0xD] =	stream.linear.gather [hbm4b:s18+s6], $0x28, $0x38;
	[tilespmem:$0x1C480] =	vst v63  }
0x74: {  	s19 =	rddreg [dreg:$0xd];
	s16 =	simm.s32 $0x900  }
0x75: {  	[tilespmem:s16], [sflag:$0xD] =	stream.linear.gather [hbm4b:s19+s6], $0x28, $0x38;
	[tilespmem:$0x1C480] =	vst v63  }
0x76: {  	s17 =	rddreg [dreg:$0xe]  }
0x77: {  	[tilespmem:s8], [sflag:$0xD] =	stream.linear.gather [hbm4b:s17+s6], $0x28, $0x38;
	[tilespmem:$0x1C480] =	vst v63  }
0x78: {  	s18 =	rddreg [dreg:$0xf];
	s17 =	simm.s32 $0x180  }
0x79: {  	[tilespmem:s17], [sflag:$0xE] =	stream.linear.gather [hbm4b:s18+s6], $0x28, $0x38;
	[tilespmem:$0x1C480] =	vst v63  }
0x7a: {  	s19 =	rddreg [dreg:$0x10];
	s17 =	simm.s32 $0x980  }
0x7b: {  	[tilespmem:s17], [sflag:$0xE] =	stream.linear.gather [hbm4b:s19+s6], $0x28, $0x38;
	[tilespmem:$0x1C480] =	vst v63  }
0x7c: {  	s18 =	rddreg [dreg:$0x11]  }
0x7d: {  	[tilespmem:s11], [sflag:$0xE] =	stream.linear.gather [hbm4b:s18+s6], $0x28, $0x38;
	[tilespmem:$0x1C480] =	vst v63  }
0x7e: {  	s19 =	rddreg [dreg:$0x12];
	s18 =	simm.s32 $0x200  }
0x7f: {  	[tilespmem:s18], [sflag:$0xF] =	stream.linear.gather [hbm4b:s19+s6], $0x28, $0x38;
	[tilespmem:$0x1C480] =	vst v63  }
0x80: {  	s19 =	rddreg [dreg:$0x13];
	s18 =	simm.s32 $0xA00  }
0x81: {  	[tilespmem:s18], [sflag:$0xF] =	stream.linear.gather [hbm4b:s19+s6], $0x28, $0x38;
	[tilespmem:$0x1C480] =	vst v63  }
0x82: {  	s19 =	rddreg [dreg:$0x14]  }
0x83: {  	[tilespmem:s23], [sflag:$0xF] =	stream.linear.gather [hbm4b:s19+s6], $0x28, $0x38;
	[tilespmem:$0x1C480] =	vst v63  }
0x84: {  	s9 =	rddreg [dreg:$0x15];
	s19 =	simm.s32 $0x280  }
0x85: {  	[tilespmem:s19], [sflag:$0x10] =	stream.linear.gather [hbm4b:s9+s6], $0x28, $0x38;
	[tilespmem:$0x1C480] =	vst v63  }
0x86: {  	s9 =	rddreg [dreg:$0x16];
	s19 =	simm.s32 $0xA80  }
0x87: {  	[tilespmem:s19], [sflag:$0x10] =	stream.linear.gather [hbm4b:s9+s6], $0x28, $0x38;
	[tilespmem:$0x1C480] =	vst v63  }
0x88: {  	s19 =	rddreg [dreg:$0x17]  }
0x89: {  	[tilespmem:s31], [sflag:$0x10] =	stream.linear.gather [hbm4b:s19+s6], $0x28, $0x38;
	[tilespmem:$0x1C480] =	vst v63  }
0x8a: {  	s9 =	rddreg [dreg:$0x18];
	s19 =	simm.s32 $0x300  }
0x8b: {  	[tilespmem:s19], [sflag:$0x11] =	stream.linear.gather [hbm4b:s9+s6], $0x28, $0x38;
	[tilespmem:$0x1C480] =	vst v63  }
0x8c: {  	s9 =	rddreg [dreg:$0x19];
	s19 =	simm.s32 $0xB00  }
0x8d: {  	[tilespmem:s19], [sflag:$0x11] =	stream.linear.gather [hbm4b:s9+s6], $0x28, $0x38;
	[tilespmem:$0x1C480] =	vst v63  }
0x8e: {  	s19 =	rddreg [dreg:$0x1a]  }
0x8f: {  	[tilespmem:s10], [sflag:$0x11] =	stream.linear.gather [hbm4b:s19+s6], $0x28, $0x38;
	[tilespmem:$0x1C480] =	vst v63  }
0x90: {  	s9 =	rddreg [dreg:$0x1b];
	s19 =	simm.s32 $0x380  }
0x91: {  	[tilespmem:s19], [sflag:$0x12] =	stream.linear.gather [hbm4b:s9+s6], $0x28, $0x38;
	[tilespmem:$0x1C480] =	vst v63  }
0x92: {  	s9 =	rddreg [dreg:$0x1c];
	s19 =	simm.s32 $0xB80  }
0x93: {  	[tilespmem:s19], [sflag:$0x12] =	stream.linear.gather [hbm4b:s9+s6], $0x28, $0x38;
	[tilespmem:$0x1C480] =	vst v63  }
0x94: {  	s19 =	rddreg [dreg:$0x1d]  }
0x95: {  	[tilespmem:s26], [sflag:$0x12] =	stream.linear.gather [hbm4b:s19+s6], $0x28, $0x38;
	[tilespmem:$0x1C480] =	vst v63  }
0x96: {  	s9 =	rddreg [dreg:$0x1e];
	s19 =	simm.s32 $0x400  }
0x97: {  	[tilespmem:s19], [sflag:$0x13] =	stream.linear.gather [hbm4b:s9+s6], $0x28, $0x38;
	[tilespmem:$0x1C480] =	vst v63  }
0x98: {  	s9 =	rddreg [dreg:$0x1f];
	s19 =	simm.s32 $0xC00  }
0x99: {  	[tilespmem:s19], [sflag:$0x13] =	stream.linear.gather [hbm4b:s9+s6], $0x28, $0x38;
	[tilespmem:$0x1C480] =	vst v63  }
0x9a: {  	s19 =	sld [smem:$0x7ED];
	_ =	sdelay $0x1  }
0x9b: {  	s9 =	sld [smem:$0x7EE]  }
0x9c: {  	[tilespmem:s12], [sflag:$0x13] =	stream.linear.gather [hbm4b:s19+s6], $0x28, $0x38;
	[tilespmem:$0x1C480] =	vst v63  }
0x9d: {  	s19 =	simm.s32 $0x480  }
0x9e: {  	[tilespmem:s19], [sflag:$0x14] =	stream.linear.gather [hbm4b:s9+s6], $0x28, $0x38;
	[tilespmem:$0x1C480] =	vst v63  }
0x9f: {  	s9 =	sld [smem:$0x7EF];
	_ =	sdelay $0x1  }
0xa0: {  	s19 =	simm.s32 $0xC80  }
0xa1: {  	[tilespmem:s19], [sflag:$0x14] =	stream.linear.gather [hbm4b:s9+s6], $0x28, $0x38;
	[tilespmem:$0x1C480] =	vst v63  }
0xa2: {  	s19 =	sld [smem:$0x7F0];
	_ =	sdelay $0x2  }
0xa3: {  	[tilespmem:s24], [sflag:$0x14] =	stream.linear.gather [hbm4b:s19+s6], $0x28, $0x38;
	[tilespmem:$0x1C480] =	vst v63  }
0xa4: {  	s19 =	simm.s32 $0xB  }
0xa5: {  	_ =	swait.ge [sflag:s19], $0x28  }
0xa6: {  	[sflag:s19] =	ssyncset.done $0x0  }
0xa7: {  	[sflag:s19] =	ssyncadd.s32 $0xFFFFFFD8  }
0xa8: {  	_ =	swait.ge [sflag:s19], $0x28  }
0xa9: {  	[sflag:s19] =	ssyncset.done $0x0  }
0xaa: {  	[sflag:s19] =	ssyncadd.s32 $0xFFFFFFD8  }
0xab: {  	_ =	swait.ge [sflag:s19], $0x28  }
0xac: {  	[sflag:s19] =	ssyncset.done $0x0  }
0xad: {  	s6 =	simm.s32 $0x1800;
	[sflag:s19] =	ssyncadd.s32 $0xFFFFFFD8  }
0xae: {  	[tilespmem:s6], [sflag:$0x1] =	stream.indirect.gather [hbm4b:s4+s22], $0x80, s13, s22, $0xb8;
	[tilespmem:$0x1C480] =	vst v63  }
0xaf: {  	s13 =	simm.s32 $0xC  }
0xb0: {  	_ =	swait.ge [sflag:s13], $0x28  }
0xb1: {  	[sflag:s13] =	ssyncset.done $0x0  }
0xb2: {  	[sflag:s13] =	ssyncadd.s32 $0xFFFFFFD8  }
0xb3: {  	_ =	swait.ge [sflag:s13], $0x28  }
0xb4: {  	[sflag:s13] =	ssyncset.done $0x0  }
0xb5: {  	[sflag:s13] =	ssyncadd.s32 $0xFFFFFFD8  }
0xb6: {  	_ =	swait.ge [sflag:s13], $0x28  }
0xb7: {  	[sflag:s13] =	ssyncset.done $0x0  }
0xb8: {  	s19 =	simm.s32 $0x2C00;
	s6 =	simm.s32 $0xD;
	[sflag:s13] =	ssyncadd.s32 $0xFFFFFFD8  }
0xb9: {  	[tilespmem:s19], [sflag:$0x2] =	stream.indirect.gather [hbm4b:s4+s22], $0x80, s15, s22, $0xb8;
	[tilespmem:$0x1C480] =	vst v63  }
0xba: {  	_ =	swait.ge [sflag:s6], $0x28  }
0xbb: {  	[sflag:s6] =	ssyncset.done $0x0  }
0xbc: {  	[sflag:s6] =	ssyncadd.s32 $0xFFFFFFD8  }
0xbd: {  	_ =	swait.ge [sflag:s6], $0x28  }
0xbe: {  	[sflag:s6] =	ssyncset.done $0x0  }
0xbf: {  	[sflag:s6] =	ssyncadd.s32 $0xFFFFFFD8  }
0xc0: {  	_ =	swait.ge [sflag:s6], $0x28  }
0xc1: {  	[sflag:s6] =	ssyncset.done $0x0  }
0xc2: {  	s13 =	simm.s32 $0x4000;
	s15 =	simm.s32 $0xE;
	[sflag:s6] =	ssyncadd.s32 $0xFFFFFFD8  }
0xc3: {  	[tilespmem:s13], [sflag:$0x3] =	stream.indirect.gather [hbm4b:s4+s22], $0x80, s16, s22, $0xb8;
	[tilespmem:$0x1C480] =	vst v63  }
0xc4: {  	_ =	swait.ge [sflag:s15], $0x28  }
0xc5: {  	[sflag:s15] =	ssyncset.done $0x0  }
0xc6: {  	[sflag:s15] =	ssyncadd.s32 $0xFFFFFFD8  }
0xc7: {  	_ =	swait.ge [sflag:s15], $0x28  }
0xc8: {  	[sflag:s15] =	ssyncset.done $0x0  }
0xc9: {  	[sflag:s15] =	ssyncadd.s32 $0xFFFFFFD8  }
0xca: {  	_ =	swait.ge [sflag:s15], $0x28  }
0xcb: {  	[sflag:s15] =	ssyncset.done $0x0  }
0xcc: {  	s16 =	simm.s32 $0x5400;
	[sflag:s15] =	ssyncadd.s32 $0xFFFFFFD8  }
0xcd: {  	[tilespmem:s16], [sflag:$0x4] =	stream.indirect.gather [hbm4b:s4+s22], $0x80, s17, s22, $0xb8;
	[tilespmem:$0x1C480] =	vst v63  }
0xce: {  	s17 =	simm.s32 $0xF  }
0xcf: {  	_ =	swait.ge [sflag:s17], $0x28  }
0xd0: {  	[sflag:s17] =	ssyncset.done $0x0  }
0xd1: {  	[sflag:s17] =	ssyncadd.s32 $0xFFFFFFD8  }
0xd2: {  	_ =	swait.ge [sflag:s17], $0x28  }
0xd3: {  	[sflag:s17] =	ssyncset.done $0x0  }
0xd4: {  	[sflag:s17] =	ssyncadd.s32 $0xFFFFFFD8  }
0xd5: {  	_ =	swait.ge [sflag:s17], $0x28  }
0xd6: {  	[sflag:s17] =	ssyncset.done $0x0  }
0xd7: {  	s19 =	simm.s32 $0x6800;
	[sflag:s17] =	ssyncadd.s32 $0xFFFFFFD8  }
0xd8: {  	[tilespmem:s19], [sflag:$0x5] =	stream.indirect.gather [hbm4b:s4+s22], $0x80, s18, s22, $0xb8;
	[tilespmem:$0x1C480] =	vst v63  }
0xd9: {  	s9 =	simm.s32 $0x0;
	s6 =	simm.s32 $0x10;
	[bflag:$0x0] =	sbarrier.arrive $0xFFFF  }
.LBB2_6:
0xda: {  	s13 =	simm.s32 $0x0  }
0xdb: {  	v1 =	vmov s13  }
0xdc: {  	v1 =	vand.u32 $0xFFFFFFFE, v1  }
0xdd: {  	v1 =	vbroadcast v1, $0x0  }
0xde: {  	s19 =	simm.s32 $0x1  }
0xdf: {  	_ =	swait.ge [sflag:s19], $0x1400  }
0xe0: {  	[sflag:s19] =	ssyncset.done $0x0  }
0xe1: {  	s13 =	simm.s32 $0x1880;
	[sflag:s19] =	ssyncadd.s32 $0xFFFFEC00  }
0xe2: {  	v3 =	vld [tilespmem:s13+$0xFFFFFF80]  }
0xe3: {  	v2 =	vld.idx.msk [tilespmem:v1+s30+$0x0], $0xffff  }
0xe4: {  	v1 =	vld [tilespmem:s13+$0xFFFFFFF0]  }
0xe5: {  	s15 =	simm.s32 $0x1;
	v6 =	vld [tilespmem:s13+$0xFFFFFF90]  }
0xe6: {  	v7 =	vmov s15;
	v8 =	vld [tilespmem:s13+$0xFFFFFFA0]  }
0xe7: {  	v11 =	vld [tilespmem:s13+$0xFFFFFFB0]  }
0xe8: {  	v5 =	vld [tilespmem:s13+$0xFFFFFFC0]  }
0xe9: {  	v4 =	vld [tilespmem:s13+$0xFFFFFFD0];
	v9 =	vmul.f32 v1, v2  }
0xea: {  	v10 =	vmul.f32 v3, v2;
	v3 =	vld [tilespmem:s13+$0xFFFFFFE0]  }
0xeb: {  	v1 =	vld.idx.msk [tilespmem:v7+s30+$0x0], $0xffff;
	v6 =	vmul.f32 v6, v2;
	[tilespmem:s13+$0xFFFFFFF0] =	vst v9  }
0xec: {  	s18 =	simm.s32 $0x2;
	v7 =	vld [tilespmem:s13+$0x0];
	[tilespmem:s13+$0xFFFFFF80] =	vst v10;
	v9 =	vmul.f32 v8, v2  }
0xed: {  	s17 =	simm.s32 $0x4;
	s15 =	simm.s32 $0x1880;
	v10 =	vmov s18;
	[tilespmem:s13+$0xFFFFFF90] =	vst v6;
	v8 =	vmul.f32 v11, v2;
	v6 =	vld [tilespmem:s13+$0x10]  }
.LBB2_7:
0xee: {  	p1 =	slt.u32 s17, $0x26;
	v10 =	vand.u32 $0xFFFFFFFE, v10;
	s19 =	sadd.s32 $0x1, s18;
	[tilespmem:s13+$0xFFFFFFA0] =	vst v9;
	v5 =	vmul.f32 v5, v2;
	v9 =	vld [tilespmem:s13+$0x20];
	s18 =	smov.u32 s17  }
0xef: {  	v10 =	vbroadcast v10, $0x0;
	v11 =	vmov s19;
	[tilespmem:s13+$0xFFFFFFB0] =	vst v8;
	v4 =	vmul.f32 v4, v2;
	v8 =	vld [tilespmem:s13+$0x30]  }
0xf0: {  	[tilespmem:s13+$0xFFFFFFC0] =	vst v5;
	v2 =	vmul.f32 v3, v2;
	v3 =	vld [tilespmem:s13+$0x40]  }
0xf1: {  	[tilespmem:s13+$0xFFFFFFD0] =	vst v4;
	v4 =	vmul.f32 v7, v1;
	v5 =	vld [tilespmem:s13+$0x50]  }
0xf2: {  	[tilespmem:s13+$0xFFFFFFE0] =	vst v2;
	v2 =	vmul.f32 v6, v1;
	v6 =	vld [tilespmem:s13+$0x60]  }
0xf3: {  	[tilespmem:s13+$0x0] =	vst v4;
	v4 =	vmul.f32 v9, v1;
	v7 =	vld [tilespmem:s13+$0x70]  }
0xf4: {  	v9 =	vld.idx.msk [tilespmem:v11+s30+$0x0], $0xffff;
	[tilespmem:s13+$0x10] =	vst v2;
	v8 =	vmul.f32 v8, v1  }
0xf5: {  	s13 =	sadd.s32 $0x100, s13;
	v2 =	vld.idx.msk [tilespmem:v10+s30+$0x0], $0xffff;
	[tilespmem:s15+$0x20] =	vst v4;
	v3 =	vmul.f32 v3, v1  }
0xf6: {  	v4 =	vld [tilespmem:s13+$0xFFFFFFF0];
	[tilespmem:s15+$0x30] =	vst v8;
	v5 =	vmul.f32 v5, v1  }
0xf7: {  	v8 =	vld [tilespmem:s13+$0xFFFFFF80];
	[tilespmem:s15+$0x40] =	vst v3;
	v3 =	vmul.f32 v6, v1  }
0xf8: {  	v6 =	vld [tilespmem:s13+$0xFFFFFF90];
	[tilespmem:s15+$0x50] =	vst v5;
	v5 =	vmul.f32 v7, v1  }
0xf9: {  	v7 =	vld [tilespmem:s13+$0xFFFFFFA0];
	[tilespmem:s15+$0x60] =	vst v3  }
0xfa: {  	v1 =	vmov v9;
	v11 =	vld [tilespmem:s13+$0xFFFFFFB0];
	[tilespmem:s15+$0x70] =	vst v5;
	s15 =	smov.u32 s13  }
.Ltmp4:
0xfb: {  	v5 =	vld [tilespmem:s13+$0xFFFFFFC0];
	v9 =	vmul.f32 v4, v2;
	(pc) =	sbr.rel @p1 .LBB2_7-.Ltmp4, $4  }
0xfc: {  	v8 =	vmul.f32 v8, v2;
	v4 =	vld [tilespmem:s13+$0xFFFFFFD0]  }
0xfd: {  	v6 =	vmul.f32 v6, v2;
	v3 =	vld [tilespmem:s13+$0xFFFFFFE0];
	[tilespmem:s13+$0xFFFFFFF0] =	vst v9  }
0xfe: {  	[tilespmem:s13+$0xFFFFFF80] =	vst v8;
	v9 =	vmul.f32 v7, v2;
	v7 =	vld [tilespmem:s13+$0x0]  }
0xff: {  	s17 =	sadd.s32 $0x2, s17;
	v10 =	vmov s18;
	[tilespmem:s13+$0xFFFFFF90] =	vst v6;
	v8 =	vmul.f32 v11, v2;
	v6 =	vld [tilespmem:s13+$0x10]  }
0x100: {  	v11 =	vld [tilespmem:s13+$0x20]  }
0x101: {  	v10 =	vand.u32 $0xFFFFFFFE, v10;
	s17 =	sadd.s32 $0x1, s18;
	v12 =	vld [tilespmem:s13+$0x30]  }
0x102: {  	v14 =	vld [tilespmem:s13+$0x40];
	[tilespmem:s13+$0xFFFFFFA0] =	vst v9;
	v5 =	vmul.f32 v5, v2;
	v10 =	vbroadcast v10, $0x0;
	v13 =	vmov s17  }
0x103: {  	v9 =	vld [tilespmem:s13+$0x50];
	[tilespmem:s13+$0xFFFFFFB0] =	vst v8;
	v4 =	vmul.f32 v4, v2  }
0x104: {  	v8 =	vld [tilespmem:s13+$0x60];
	[tilespmem:s13+$0xFFFFFFC0] =	vst v5;
	v7 =	vmul.f32 v7, v1  }
0x105: {  	s19 =	sadd.s32 $0x100, s13;
	v2 =	vmul.f32 v3, v2;
	v3 =	vld [tilespmem:s13+$0x70];
	[tilespmem:s13+$0xFFFFFFD0] =	vst v4  }
0x106: {  	v4 =	vmul.f32 v6, v1;
	[tilespmem:s13+$0x0] =	vst v7;
	v7 =	vld [tilespmem:s19+$0xFFFFFFF0]  }
0x107: {  	[tilespmem:s13+$0xFFFFFFE0] =	vst v2;
	v2 =	vmul.f32 v11, v1;
	v5 =	vld.idx.msk [tilespmem:v13+s30+$0x0], $0xffff  }
0x108: {  	[tilespmem:s13+$0x10] =	vst v4;
	v4 =	vmul.f32 v12, v1;
	v6 =	vld.idx.msk [tilespmem:v10+s30+$0x0], $0xffff  }
0x109: {  	[tilespmem:s15+$0x20] =	vst v2;
	v2 =	vmul.f32 v14, v1;
	v10 =	vld [tilespmem:s19+$0xFFFFFF80]  }
0x10a: {  	[tilespmem:s15+$0x30] =	vst v4;
	v4 =	vmul.f32 v9, v1;
	v9 =	vld [tilespmem:s19+$0xFFFFFF90]  }
0x10b: {  	[tilespmem:s15+$0x40] =	vst v2;
	v2 =	vmul.f32 v8, v1;
	v8 =	vld [tilespmem:s19+$0xFFFFFFA0]  }
0x10c: {  	v1 =	vmul.f32 v3, v1;
	v3 =	vld [tilespmem:s19+$0xFFFFFFB0];
	[tilespmem:s15+$0x50] =	vst v4  }
0x10d: {  	[tilespmem:s15+$0x60] =	vst v2;
	v2 =	vld [tilespmem:s19+$0xFFFFFFC0];
	v4 =	vmul.f32 v7, v6  }
0x10e: {  	[tilespmem:s15+$0x70] =	vst v1;
	v1 =	vmul.f32 v10, v6;
	v7 =	vld [tilespmem:s19+$0xFFFFFFD0]  }
0x10f: {  	v10 =	vld [tilespmem:s19+$0xFFFFFFE0];
	v9 =	vmul.f32 v9, v6;
	[tilespmem:s19+$0xFFFFFFF0] =	vst v4  }
0x110: {  	[tilespmem:s19+$0xFFFFFF80] =	vst v1;
	v1 =	vmul.f32 v8, v6;
	v4 =	vld [tilespmem:s19+$0x0]  }
0x111: {  	v3 =	vmul.f32 v3, v6;
	v8 =	vld [tilespmem:s19+$0x10];
	[tilespmem:s19+$0xFFFFFF90] =	vst v9  }
0x112: {  	[tilespmem:s19+$0xFFFFFFA0] =	vst v1;
	v1 =	vmul.f32 v2, v6;
	v2 =	vld [tilespmem:s19+$0x20]  }
0x113: {  	[tilespmem:s19+$0xFFFFFFB0] =	vst v3;
	v3 =	vmul.f32 v7, v6;
	v7 =	vld [tilespmem:s19+$0x30]  }
0x114: {  	[tilespmem:s19+$0xFFFFFFC0] =	vst v1;
	v1 =	vmul.f32 v10, v6;
	v6 =	vld [tilespmem:s19+$0x40]  }
0x115: {  	[tilespmem:s19+$0xFFFFFFD0] =	vst v3;
	v3 =	vmul.f32 v4, v5;
	v4 =	vld [tilespmem:s19+$0x50]  }
0x116: {  	[tilespmem:s19+$0xFFFFFFE0] =	vst v1;
	v1 =	vmul.f32 v8, v5;
	v8 =	vld [tilespmem:s19+$0x60]  }
0x117: {  	[tilespmem:s19+$0x0] =	vst v3;
	v2 =	vmul.f32 v2, v5;
	v3 =	vld [tilespmem:s19+$0x70]  }
0x118: {  	[tilespmem:s19+$0x10] =	vst v1;
	v1 =	vmul.f32 v7, v5  }
0x119: {  	[tilespmem:s19+$0x20] =	vst v2;
	v2 =	vmul.f32 v6, v5  }
0x11a: {  	[tilespmem:s19+$0x30] =	vst v1;
	v1 =	vmul.f32 v4, v5  }
0x11b: {  	[tilespmem:s19+$0x40] =	vst v2;
	v2 =	vmul.f32 v8, v5  }
0x11c: {  	[tilespmem:s19+$0x50] =	vst v1;
	v1 =	vmul.f32 v3, v5  }
0x11d: {  	p1 =	seq.s32 s9, $0x0;
	[tilespmem:s19+$0x60] =	vst v2  }
0x11e: {  	s16 =	simm.s32 $0x0;
	s17 =	simm.s32 $0x1800;
	s13 =	simm.s32 @!p1 $0xA;
	[tilespmem:s19+$0x70] =	vst v1  }
0x11f: {  	[spmem:s5] =	stream.indirect.scatter.add.f32 [tilespmem:s17], [sflag:$0x6], $0x80, s16, s22, $0xb8;
	[tilespmem:$0x1C480] =	vst v63  }
0x120: {  	_ =	swait.ge @!p1 [sflag:s13], $0x1400  }
0x121: {  	[sflag:s13] =	ssyncset.done @!p1 $0x0  }
0x122: {  	s15 =	simm.s32 @!p1 $0xF;
	[sflag:s13] =	ssyncadd.s32 @!p1 $0xFFFFEC00  }
0x123: {  	_ =	swait.ge @!p1 [sflag:s15], $0x28  }
0x124: {  	[sflag:s15] =	ssyncset.done @!p1 $0x0  }
0x125: {  	[sflag:s15] =	ssyncadd.s32 @!p1 $0xFFFFFFD8  }
0x126: {  	_ =	swait.ge @!p1 [sflag:s15], $0x28  }
0x127: {  	[sflag:s15] =	ssyncset.done @!p1 $0x0  }
0x128: {  	[sflag:s15] =	ssyncadd.s32 @!p1 $0xFFFFFFD8  }
0x129: {  	s18 =	simm.s32 @!p1 $0xA00;
	_ =	swait.ge @!p1 [sflag:s15], $0x28  }
0x12a: {  	s19 =	simm.s32 @!p1 $0x6800;
	[sflag:s15] =	ssyncset.done @!p1 $0x0;
	s16 =	sld [smem:$0x7F1]  }
0x12b: {  	s13 =	smul.u32 $0xA, s9;
	[sflag:s15] =	ssyncadd.s32 @!p1 $0xFFFFFFD8;
	s15 =	simm.s32 @!p1 $0x28  }
0x12c: {  	[tilespmem:s19], [sflag:$0x5] =	stream.indirect.gather @!p1 [hbm4b:s4+s15], $0x80, s18, s15, $0xb8;
	[tilespmem:$0x1C480] =	vst v63  }
0x12d: {  	s17 =	sadd.s32 @!p1 s13, s16  }
0x12e: {  	s17 =	smul.u32 @!p1 $0x5, s17  }
0x12f: {  	s18 =	simm.s32 @!p1 $0x0  }
0x130: {  	s19 =	simm.s32 @!p1 $0x480;
	s16 =	simm.s32 $0x0;
	s15 =	sadd.s32 @!p1 s1, s17  }
0x131: {  	[tilespmem:s19], [sflag:$0x14] =	stream.linear.gather @!p1 [hbm4b:s15+s18], $0x28, $0x38;
	[tilespmem:$0x1C480] =	vst v63  }
0x132: {  	v1 =	vmov s16;
	s16 =	simm.s32 @!p1 $0xC80;
	s15 =	sadd.s32 @!p1 s2, s17  }
0x133: {  	v1 =	vand.u32 $0xFFFFFFFE, v1;
	[tilespmem:s16], [sflag:$0x14] =	stream.linear.gather @!p1 [hbm4b:s15+s18], $0x28, $0x38;
	[tilespmem:$0x1C480] =	vst v63  }
0x134: {  	v1 =	vbroadcast v1, $0x0;
	s15 =	sadd.s32 @!p1 s3, s17;
	s16 =	simm.s32 @!p1 $0x1480  }
0x135: {  	[tilespmem:s16], [sflag:$0x14] =	stream.linear.gather @!p1 [hbm4b:s15+s18], $0x28, $0x38;
	[tilespmem:$0x1C480] =	vst v63  }
0x136: {  	s18 =	simm.s32 $0x2  }
0x137: {  	_ =	swait.ge [sflag:s18], $0x1400  }
0x138: {  	[sflag:s18] =	ssyncset.done $0x0  }
0x139: {  	[sflag:s18] =	ssyncadd.s32 $0xFFFFEC00  }
0x13a: {  	s15 =	simm.s32 $0x2CF0;
	v2 =	vld.idx.msk [tilespmem:v1+s0+$0x0], $0xffff  }
0x13b: {  	v1 =	vld [tilespmem:s15+$0xFFFFFF80]  }
0x13c: {  	v3 =	vld [tilespmem:s15+$0xFFFFFF10]  }
0x13d: {  	s19 =	simm.s32 $0x1;
	v6 =	vld [tilespmem:s15+$0xFFFFFF20]  }
0x13e: {  	v7 =	vmov s19;
	v8 =	vld [tilespmem:s15+$0xFFFFFF30]  }
0x13f: {  	v11 =	vld [tilespmem:s15+$0xFFFFFF40]  }
0x140: {  	v5 =	vld [tilespmem:s15+$0xFFFFFF50]  }
0x141: {  	v4 =	vld [tilespmem:s15+$0xFFFFFF60];
	v9 =	vmul.f32 v1, v2  }
0x142: {  	v10 =	vmul.f32 v3, v2;
	v3 =	vld [tilespmem:s15+$0xFFFFFF70]  }
0x143: {  	v1 =	vld.idx.msk [tilespmem:v7+s0+$0x0], $0xffff;
	v6 =	vmul.f32 v6, v2;
	[tilespmem:s15+$0xFFFFFF80] =	vst v9  }
0x144: {  	s17 =	simm.s32 $0x2;
	v7 =	vld [tilespmem:s15+$0xFFFFFF90];
	[tilespmem:s15+$0xFFFFFF10] =	vst v10;
	v9 =	vmul.f32 v8, v2  }
0x145: {  	s19 =	simm.s32 $0x4;
	s18 =	simm.s32 $0x2CF0;
	v10 =	vmov s17;
	[tilespmem:s15+$0xFFFFFF20] =	vst v6;
	v8 =	vmul.f32 v11, v2;
	v6 =	vld [tilespmem:s15+$0xFFFFFFA0]  }
.LBB2_9:
0x146: {  	p1 =	slt.u32 s19, $0x26;
	v10 =	vand.u32 $0xFFFFFFFE, v10;
	s16 =	sadd.s32 $0x1, s17;
	[tilespmem:s15+$0xFFFFFF30] =	vst v9;
	v5 =	vmul.f32 v5, v2;
	v9 =	vld [tilespmem:s15+$0xFFFFFFB0];
	s17 =	smov.u32 s19  }
0x147: {  	v10 =	vbroadcast v10, $0x0;
	v11 =	vmov s16;
	[tilespmem:s15+$0xFFFFFF40] =	vst v8;
	v4 =	vmul.f32 v4, v2;
	v8 =	vld [tilespmem:s15+$0xFFFFFFC0]  }
0x148: {  	[tilespmem:s15+$0xFFFFFF50] =	vst v5;
	v2 =	vmul.f32 v3, v2;
	v3 =	vld [tilespmem:s15+$0xFFFFFFD0]  }
0x149: {  	[tilespmem:s15+$0xFFFFFF60] =	vst v4;
	v4 =	vmul.f32 v7, v1;
	v5 =	vld [tilespmem:s15+$0xFFFFFFE0]  }
0x14a: {  	[tilespmem:s15+$0xFFFFFF70] =	vst v2;
	v2 =	vmul.f32 v6, v1;
	v6 =	vld [tilespmem:s15+$0xFFFFFFF0]  }
0x14b: {  	[tilespmem:s15+$0xFFFFFF90] =	vst v4;
	v4 =	vmul.f32 v9, v1;
	v7 =	vld [tilespmem:s15+$0x0]  }
0x14c: {  	v9 =	vld.idx.msk [tilespmem:v11+s0+$0x0], $0xffff;
	[tilespmem:s15+$0xFFFFFFA0] =	vst v2;
	v8 =	vmul.f32 v8, v1  }
0x14d: {  	s15 =	sadd.s32 $0x100, s15;
	v2 =	vld.idx.msk [tilespmem:v10+s0+$0x0], $0xffff;
	[tilespmem:s18+$0xFFFFFFB0] =	vst v4;
	v3 =	vmul.f32 v3, v1  }
0x14e: {  	v4 =	vld [tilespmem:s15+$0xFFFFFF80];
	[tilespmem:s18+$0xFFFFFFC0] =	vst v8;
	v5 =	vmul.f32 v5, v1  }
0x14f: {  	v8 =	vld [tilespmem:s15+$0xFFFFFF10];
	[tilespmem:s18+$0xFFFFFFD0] =	vst v3;
	v3 =	vmul.f32 v6, v1  }
0x150: {  	v6 =	vld [tilespmem:s15+$0xFFFFFF20];
	[tilespmem:s18+$0xFFFFFFE0] =	vst v5;
	v5 =	vmul.f32 v7, v1  }
0x151: {  	v7 =	vld [tilespmem:s15+$0xFFFFFF30];
	[tilespmem:s18+$0xFFFFFFF0] =	vst v3  }
0x152: {  	v1 =	vmov v9;
	v11 =	vld [tilespmem:s15+$0xFFFFFF40];
	[tilespmem:s18+$0x0] =	vst v5;
	s18 =	smov.u32 s15  }
.Ltmp5:
0x153: {  	v5 =	vld [tilespmem:s15+$0xFFFFFF50];
	v9 =	vmul.f32 v4, v2;
	(pc) =	sbr.rel @p1 .LBB2_9-.Ltmp5, $4  }
0x154: {  	v8 =	vmul.f32 v8, v2;
	v4 =	vld [tilespmem:s15+$0xFFFFFF60]  }
0x155: {  	v6 =	vmul.f32 v6, v2;
	v3 =	vld [tilespmem:s15+$0xFFFFFF70];
	[tilespmem:s15+$0xFFFFFF80] =	vst v9  }
0x156: {  	[tilespmem:s15+$0xFFFFFF10] =	vst v8;
	v9 =	vmul.f32 v7, v2;
	v7 =	vld [tilespmem:s15+$0xFFFFFF90]  }
0x157: {  	s19 =	sadd.s32 $0x2, s19;
	v10 =	vmov s17;
	[tilespmem:s15+$0xFFFFFF20] =	vst v6;
	v8 =	vmul.f32 v11, v2;
	v6 =	vld [tilespmem:s15+$0xFFFFFFA0]  }
0x158: {  	v11 =	vld [tilespmem:s15+$0xFFFFFFB0]  }
0x159: {  	v10 =	vand.u32 $0xFFFFFFFE, v10;
	s16 =	sadd.s32 $0x1, s17;
	v12 =	vld [tilespmem:s15+$0xFFFFFFC0]  }
0x15a: {  	v14 =	vld [tilespmem:s15+$0xFFFFFFD0];
	[tilespmem:s15+$0xFFFFFF30] =	vst v9;
	v5 =	vmul.f32 v5, v2;
	v10 =	vbroadcast v10, $0x0;
	v13 =	vmov s16  }
0x15b: {  	v9 =	vld [tilespmem:s15+$0xFFFFFFE0];
	[tilespmem:s15+$0xFFFFFF40] =	vst v8;
	v4 =	vmul.f32 v4, v2  }
0x15c: {  	v8 =	vld [tilespmem:s15+$0xFFFFFFF0];
	[tilespmem:s15+$0xFFFFFF50] =	vst v5;
	v7 =	vmul.f32 v7, v1  }
0x15d: {  	s17 =	sadd.s32 $0x100, s15;
	v2 =	vmul.f32 v3, v2;
	v3 =	vld [tilespmem:s15+$0x0];
	[tilespmem:s15+$0xFFFFFF60] =	vst v4  }
0x15e: {  	v4 =	vmul.f32 v6, v1;
	[tilespmem:s15+$0xFFFFFF90] =	vst v7;
	v7 =	vld [tilespmem:s17+$0xFFFFFF80]  }
0x15f: {  	[tilespmem:s15+$0xFFFFFF70] =	vst v2;
	v2 =	vmul.f32 v11, v1;
	v5 =	vld.idx.msk [tilespmem:v13+s0+$0x0], $0xffff  }
0x160: {  	[tilespmem:s15+$0xFFFFFFA0] =	vst v4;
	v4 =	vmul.f32 v12, v1;
	v6 =	vld.idx.msk [tilespmem:v10+s0+$0x0], $0xffff  }
0x161: {  	[tilespmem:s18+$0xFFFFFFB0] =	vst v2;
	v2 =	vmul.f32 v14, v1;
	v10 =	vld [tilespmem:s17+$0xFFFFFF10]  }
0x162: {  	[tilespmem:s18+$0xFFFFFFC0] =	vst v4;
	v4 =	vmul.f32 v9, v1;
	v9 =	vld [tilespmem:s17+$0xFFFFFF20]  }
0x163: {  	[tilespmem:s18+$0xFFFFFFD0] =	vst v2;
	v2 =	vmul.f32 v8, v1;
	v8 =	vld [tilespmem:s17+$0xFFFFFF30]  }
0x164: {  	v1 =	vmul.f32 v3, v1;
	v3 =	vld [tilespmem:s17+$0xFFFFFF40];
	[tilespmem:s18+$0xFFFFFFE0] =	vst v4  }
0x165: {  	[tilespmem:s18+$0xFFFFFFF0] =	vst v2;
	v2 =	vld [tilespmem:s17+$0xFFFFFF50];
	v4 =	vmul.f32 v7, v6  }
0x166: {  	[tilespmem:s18+$0x0] =	vst v1;
	v1 =	vmul.f32 v10, v6;
	v7 =	vld [tilespmem:s17+$0xFFFFFF60]  }
0x167: {  	v10 =	vld [tilespmem:s17+$0xFFFFFF70];
	v9 =	vmul.f32 v9, v6;
	[tilespmem:s17+$0xFFFFFF80] =	vst v4  }
0x168: {  	[tilespmem:s17+$0xFFFFFF10] =	vst v1;
	v1 =	vmul.f32 v8, v6;
	v4 =	vld [tilespmem:s17+$0xFFFFFF90]  }
0x169: {  	v3 =	vmul.f32 v3, v6;
	v8 =	vld [tilespmem:s17+$0xFFFFFFA0];
	[tilespmem:s17+$0xFFFFFF20] =	vst v9  }
0x16a: {  	[tilespmem:s17+$0xFFFFFF30] =	vst v1;
	v1 =	vmul.f32 v2, v6;
	v2 =	vld [tilespmem:s17+$0xFFFFFFB0]  }
0x16b: {  	[tilespmem:s17+$0xFFFFFF40] =	vst v3;
	v3 =	vmul.f32 v7, v6;
	v7 =	vld [tilespmem:s17+$0xFFFFFFC0]  }
0x16c: {  	[tilespmem:s17+$0xFFFFFF50] =	vst v1;
	v1 =	vmul.f32 v10, v6;
	v6 =	vld [tilespmem:s17+$0xFFFFFFD0]  }
0x16d: {  	[tilespmem:s17+$0xFFFFFF60] =	vst v3;
	v3 =	vmul.f32 v4, v5;
	v4 =	vld [tilespmem:s17+$0xFFFFFFE0]  }
0x16e: {  	[tilespmem:s17+$0xFFFFFF70] =	vst v1;
	v1 =	vmul.f32 v8, v5;
	v8 =	vld [tilespmem:s17+$0xFFFFFFF0]  }
0x16f: {  	[tilespmem:s17+$0xFFFFFF90] =	vst v3;
	v2 =	vmul.f32 v2, v5;
	v3 =	vld [tilespmem:s17+$0x0]  }
0x170: {  	[tilespmem:s17+$0xFFFFFFA0] =	vst v1;
	v1 =	vmul.f32 v7, v5  }
0x171: {  	[tilespmem:s17+$0xFFFFFFB0] =	vst v2;
	v2 =	vmul.f32 v6, v5  }
0x172: {  	[tilespmem:s17+$0xFFFFFFC0] =	vst v1;
	v1 =	vmul.f32 v4, v5  }
0x173: {  	[tilespmem:s17+$0xFFFFFFD0] =	vst v2;
	v2 =	vmul.f32 v8, v5  }
0x174: {  	[tilespmem:s17+$0xFFFFFFE0] =	vst v1;
	v1 =	vmul.f32 v3, v5  }
0x175: {  	[tilespmem:s17+$0xFFFFFFF0] =	vst v2  }
0x176: {  	s19 =	simm.s32 $0x2C00;
	s16 =	simm.s32 $0x6;
	s18 =	simm.s32 $0x80;
	[tilespmem:s17+$0x0] =	vst v1  }
0x177: {  	[spmem:s5] =	stream.indirect.scatter.add.f32 [tilespmem:s19], [sflag:$0x7], $0x80, s18, s22, $0xb8;
	[tilespmem:$0x1C480] =	vst v63  }
0x178: {  	_ =	swait.ge [sflag:s16], $0x1400  }
0x179: {  	[sflag:s16] =	ssyncset.done $0x0  }
0x17a: {  	[sflag:s16] =	ssyncadd.s32 $0xFFFFEC00  }
0x17b: {  	_ =	swait.ge [sflag:s6], $0x28  }
0x17c: {  	[sflag:s6] =	ssyncset.done $0x0  }
0x17d: {  	[sflag:s6] =	ssyncadd.s32 $0xFFFFFFD8  }
0x17e: {  	_ =	swait.ge [sflag:s6], $0x28  }
0x17f: {  	[sflag:s6] =	ssyncset.done $0x0  }
0x180: {  	[sflag:s6] =	ssyncadd.s32 $0xFFFFFFD8  }
0x181: {  	_ =	swait.ge [sflag:s6], $0x28  }
0x182: {  	s15 =	sld [smem:$0x7F2];
	_ =	sdelay $0x1  }
0x183: {  	p1 =	seq.s32 s9, $0x18  }
0x184: {  	s17 =	simm.s32 $0xA80;
	[sflag:s6] =	ssyncset.done $0x0;
	s15 =	sadd.s32 @!p1 s13, s15  }
0x185: {  	s18 =	simm.s32 $0x1800;
	[sflag:s6] =	ssyncadd.s32 $0xFFFFFFD8;
	s15 =	smul.u32 @!p1 $0x5, s15  }
0x186: {  	[tilespmem:s18], [sflag:$0x1] =	stream.indirect.gather [hbm4b:s4+s22], $0x80, s17, s22, $0xb8;
	[tilespmem:$0x1C480] =	vst v63  }
0x187: {  	s19 =	simm.s32 $0x0;
	s17 =	simm.s32 @!p1 $0x0;
	s16 =	sadd.s32 @!p1 s1, s15  }
0x188: {  	v1 =	vmov s19;
	[tilespmem:s17], [sflag:$0xB] =	stream.linear.gather @!p1 [hbm4b:s16+s17], $0x28, $0x38;
	[tilespmem:$0x1C480] =	vst v63  }
0x189: {  	v1 =	vand.u32 $0xFFFFFFFE, v1;
	s18 =	simm.s32 @!p1 $0x800;
	s16 =	sadd.s32 @!p1 s2, s15  }
0x18a: {  	v1 =	vbroadcast v1, $0x0;
	[tilespmem:s18], [sflag:$0xB] =	stream.linear.gather @!p1 [hbm4b:s16+s17], $0x28, $0x38;
	[tilespmem:$0x1C480] =	vst v63  }
0x18b: {  	s15 =	sadd.s32 @!p1 s3, s15;
	s16 =	simm.s32 @!p1 $0x1000;
	s18 =	simm.s32 $0x3  }
0x18c: {  	[tilespmem:s16], [sflag:$0xB] =	stream.linear.gather @!p1 [hbm4b:s15+s17], $0x28, $0x38;
	[tilespmem:$0x1C480] =	vst v63  }
0x18d: {  	_ =	swait.ge [sflag:s18], $0x1400  }
0x18e: {  	[sflag:s18] =	ssyncset.done $0x0  }
0x18f: {  	[sflag:s18] =	ssyncadd.s32 $0xFFFFEC00  }
0x190: {  	s15 =	simm.s32 $0x40F0;
	v2 =	vld.idx.msk [tilespmem:v1+s8+$0x0], $0xffff  }
0x191: {  	v1 =	vld [tilespmem:s15+$0xFFFFFF80]  }
0x192: {  	v3 =	vld [tilespmem:s15+$0xFFFFFF10]  }
0x193: {  	s19 =	simm.s32 $0x1;
	v6 =	vld [tilespmem:s15+$0xFFFFFF20]  }
0x194: {  	v7 =	vmov s19;
	v8 =	vld [tilespmem:s15+$0xFFFFFF30]  }
0x195: {  	v11 =	vld [tilespmem:s15+$0xFFFFFF40]  }
0x196: {  	v5 =	vld [tilespmem:s15+$0xFFFFFF50]  }
0x197: {  	v4 =	vld [tilespmem:s15+$0xFFFFFF60];
	v9 =	vmul.f32 v1, v2  }
0x198: {  	v10 =	vmul.f32 v3, v2;
	v3 =	vld [tilespmem:s15+$0xFFFFFF70]  }
0x199: {  	v1 =	vld.idx.msk [tilespmem:v7+s8+$0x0], $0xffff;
	v6 =	vmul.f32 v6, v2;
	[tilespmem:s15+$0xFFFFFF80] =	vst v9  }
0x19a: {  	s17 =	simm.s32 $0x2;
	v7 =	vld [tilespmem:s15+$0xFFFFFF90];
	[tilespmem:s15+$0xFFFFFF10] =	vst v10;
	v9 =	vmul.f32 v8, v2  }
0x19b: {  	s19 =	simm.s32 $0x4;
	s18 =	simm.s32 $0x40F0;
	v10 =	vmov s17;
	[tilespmem:s15+$0xFFFFFF20] =	vst v6;
	v8 =	vmul.f32 v11, v2;
	v6 =	vld [tilespmem:s15+$0xFFFFFFA0]  }
.LBB2_11:
0x19c: {  	p2 =	slt.u32 s19, $0x26;
	v10 =	vand.u32 $0xFFFFFFFE, v10;
	s16 =	sadd.s32 $0x1, s17;
	[tilespmem:s15+$0xFFFFFF30] =	vst v9;
	v5 =	vmul.f32 v5, v2;
	v9 =	vld [tilespmem:s15+$0xFFFFFFB0];
	s17 =	smov.u32 s19  }
0x19d: {  	v10 =	vbroadcast v10, $0x0;
	v11 =	vmov s16;
	[tilespmem:s15+$0xFFFFFF40] =	vst v8;
	v4 =	vmul.f32 v4, v2;
	v8 =	vld [tilespmem:s15+$0xFFFFFFC0]  }
0x19e: {  	[tilespmem:s15+$0xFFFFFF50] =	vst v5;
	v2 =	vmul.f32 v3, v2;
	v3 =	vld [tilespmem:s15+$0xFFFFFFD0]  }
0x19f: {  	[tilespmem:s15+$0xFFFFFF60] =	vst v4;
	v4 =	vmul.f32 v7, v1;
	v5 =	vld [tilespmem:s15+$0xFFFFFFE0]  }
0x1a0: {  	[tilespmem:s15+$0xFFFFFF70] =	vst v2;
	v2 =	vmul.f32 v6, v1;
	v6 =	vld [tilespmem:s15+$0xFFFFFFF0]  }
0x1a1: {  	[tilespmem:s15+$0xFFFFFF90] =	vst v4;
	v4 =	vmul.f32 v9, v1;
	v7 =	vld [tilespmem:s15+$0x0]  }
0x1a2: {  	v9 =	vld.idx.msk [tilespmem:v11+s8+$0x0], $0xffff;
	[tilespmem:s15+$0xFFFFFFA0] =	vst v2;
	v8 =	vmul.f32 v8, v1  }
0x1a3: {  	s15 =	sadd.s32 $0x100, s15;
	v2 =	vld.idx.msk [tilespmem:v10+s8+$0x0], $0xffff;
	[tilespmem:s18+$0xFFFFFFB0] =	vst v4;
	v3 =	vmul.f32 v3, v1  }
0x1a4: {  	v4 =	vld [tilespmem:s15+$0xFFFFFF80];
	[tilespmem:s18+$0xFFFFFFC0] =	vst v8;
	v5 =	vmul.f32 v5, v1  }
0x1a5: {  	v8 =	vld [tilespmem:s15+$0xFFFFFF10];
	[tilespmem:s18+$0xFFFFFFD0] =	vst v3;
	v3 =	vmul.f32 v6, v1  }
0x1a6: {  	v6 =	vld [tilespmem:s15+$0xFFFFFF20];
	[tilespmem:s18+$0xFFFFFFE0] =	vst v5;
	v5 =	vmul.f32 v7, v1  }
0x1a7: {  	v7 =	vld [tilespmem:s15+$0xFFFFFF30];
	[tilespmem:s18+$0xFFFFFFF0] =	vst v3  }
0x1a8: {  	v1 =	vmov v9;
	v11 =	vld [tilespmem:s15+$0xFFFFFF40];
	[tilespmem:s18+$0x0] =	vst v5;
	s18 =	smov.u32 s15  }
.Ltmp6:
0x1a9: {  	v5 =	vld [tilespmem:s15+$0xFFFFFF50];
	v9 =	vmul.f32 v4, v2;
	(pc) =	sbr.rel @p2 .LBB2_11-.Ltmp6, $4  }
0x1aa: {  	v8 =	vmul.f32 v8, v2;
	v4 =	vld [tilespmem:s15+$0xFFFFFF60]  }
0x1ab: {  	v6 =	vmul.f32 v6, v2;
	v3 =	vld [tilespmem:s15+$0xFFFFFF70];
	[tilespmem:s15+$0xFFFFFF80] =	vst v9  }
0x1ac: {  	[tilespmem:s15+$0xFFFFFF10] =	vst v8;
	v9 =	vmul.f32 v7, v2;
	v7 =	vld [tilespmem:s15+$0xFFFFFF90]  }
0x1ad: {  	s19 =	sadd.s32 $0x2, s19;
	v10 =	vmov s17;
	[tilespmem:s15+$0xFFFFFF20] =	vst v6;
	v8 =	vmul.f32 v11, v2;
	v6 =	vld [tilespmem:s15+$0xFFFFFFA0]  }
0x1ae: {  	v11 =	vld [tilespmem:s15+$0xFFFFFFB0]  }
0x1af: {  	v10 =	vand.u32 $0xFFFFFFFE, v10;
	s16 =	sadd.s32 $0x1, s17;
	v12 =	vld [tilespmem:s15+$0xFFFFFFC0]  }
0x1b0: {  	v14 =	vld [tilespmem:s15+$0xFFFFFFD0];
	[tilespmem:s15+$0xFFFFFF30] =	vst v9;
	v5 =	vmul.f32 v5, v2;
	v10 =	vbroadcast v10, $0x0;
	v13 =	vmov s16  }
0x1b1: {  	v9 =	vld [tilespmem:s15+$0xFFFFFFE0];
	[tilespmem:s15+$0xFFFFFF40] =	vst v8;
	v4 =	vmul.f32 v4, v2  }
0x1b2: {  	v8 =	vld [tilespmem:s15+$0xFFFFFFF0];
	[tilespmem:s15+$0xFFFFFF50] =	vst v5;
	v7 =	vmul.f32 v7, v1  }
0x1b3: {  	s17 =	sadd.s32 $0x100, s15;
	v2 =	vmul.f32 v3, v2;
	v3 =	vld [tilespmem:s15+$0x0];
	[tilespmem:s15+$0xFFFFFF60] =	vst v4  }
0x1b4: {  	v4 =	vmul.f32 v6, v1;
	[tilespmem:s15+$0xFFFFFF90] =	vst v7;
	v7 =	vld [tilespmem:s17+$0xFFFFFF80]  }
0x1b5: {  	[tilespmem:s15+$0xFFFFFF70] =	vst v2;
	v2 =	vmul.f32 v11, v1;
	v5 =	vld.idx.msk [tilespmem:v13+s8+$0x0], $0xffff  }
0x1b6: {  	[tilespmem:s15+$0xFFFFFFA0] =	vst v4;
	v4 =	vmul.f32 v12, v1;
	v6 =	vld.idx.msk [tilespmem:v10+s8+$0x0], $0xffff  }
0x1b7: {  	[tilespmem:s18+$0xFFFFFFB0] =	vst v2;
	v2 =	vmul.f32 v14, v1;
	v10 =	vld [tilespmem:s17+$0xFFFFFF10]  }
0x1b8: {  	[tilespmem:s18+$0xFFFFFFC0] =	vst v4;
	v4 =	vmul.f32 v9, v1;
	v9 =	vld [tilespmem:s17+$0xFFFFFF20]  }
0x1b9: {  	[tilespmem:s18+$0xFFFFFFD0] =	vst v2;
	v2 =	vmul.f32 v8, v1;
	v8 =	vld [tilespmem:s17+$0xFFFFFF30]  }
0x1ba: {  	v1 =	vmul.f32 v3, v1;
	v3 =	vld [tilespmem:s17+$0xFFFFFF40];
	[tilespmem:s18+$0xFFFFFFE0] =	vst v4  }
0x1bb: {  	[tilespmem:s18+$0xFFFFFFF0] =	vst v2;
	v2 =	vld [tilespmem:s17+$0xFFFFFF50];
	v4 =	vmul.f32 v7, v6  }
0x1bc: {  	[tilespmem:s18+$0x0] =	vst v1;
	v1 =	vmul.f32 v10, v6;
	v7 =	vld [tilespmem:s17+$0xFFFFFF60]  }
0x1bd: {  	v10 =	vld [tilespmem:s17+$0xFFFFFF70];
	v9 =	vmul.f32 v9, v6;
	[tilespmem:s17+$0xFFFFFF80] =	vst v4  }
0x1be: {  	[tilespmem:s17+$0xFFFFFF10] =	vst v1;
	v1 =	vmul.f32 v8, v6;
	v4 =	vld [tilespmem:s17+$0xFFFFFF90]  }
0x1bf: {  	v3 =	vmul.f32 v3, v6;
	v8 =	vld [tilespmem:s17+$0xFFFFFFA0];
	[tilespmem:s17+$0xFFFFFF20] =	vst v9  }
0x1c0: {  	[tilespmem:s17+$0xFFFFFF30] =	vst v1;
	v1 =	vmul.f32 v2, v6;
	v2 =	vld [tilespmem:s17+$0xFFFFFFB0]  }
0x1c1: {  	[tilespmem:s17+$0xFFFFFF40] =	vst v3;
	v3 =	vmul.f32 v7, v6;
	v7 =	vld [tilespmem:s17+$0xFFFFFFC0]  }
0x1c2: {  	[tilespmem:s17+$0xFFFFFF50] =	vst v1;
	v1 =	vmul.f32 v10, v6;
	v6 =	vld [tilespmem:s17+$0xFFFFFFD0]  }
0x1c3: {  	[tilespmem:s17+$0xFFFFFF60] =	vst v3;
	v3 =	vmul.f32 v4, v5;
	v4 =	vld [tilespmem:s17+$0xFFFFFFE0]  }
0x1c4: {  	[tilespmem:s17+$0xFFFFFF70] =	vst v1;
	v1 =	vmul.f32 v8, v5;
	v8 =	vld [tilespmem:s17+$0xFFFFFFF0]  }
0x1c5: {  	[tilespmem:s17+$0xFFFFFF90] =	vst v3;
	v2 =	vmul.f32 v2, v5;
	v3 =	vld [tilespmem:s17+$0x0]  }
0x1c6: {  	[tilespmem:s17+$0xFFFFFFA0] =	vst v1;
	v1 =	vmul.f32 v7, v5  }
0x1c7: {  	[tilespmem:s17+$0xFFFFFFB0] =	vst v2;
	v2 =	vmul.f32 v6, v5  }
0x1c8: {  	[tilespmem:s17+$0xFFFFFFC0] =	vst v1;
	v1 =	vmul.f32 v4, v5  }
0x1c9: {  	[tilespmem:s17+$0xFFFFFFD0] =	vst v2;
	v2 =	vmul.f32 v8, v5  }
0x1ca: {  	[tilespmem:s17+$0xFFFFFFE0] =	vst v1;
	v1 =	vmul.f32 v3, v5  }
0x1cb: {  	[tilespmem:s17+$0xFFFFFFF0] =	vst v2  }
0x1cc: {  	s19 =	simm.s32 $0x4000;
	s18 =	simm.s32 $0x100;
	[tilespmem:s17+$0x0] =	vst v1;
	s17 =	simm.s32 $0x7  }
0x1cd: {  	[spmem:s5] =	stream.indirect.scatter.add.f32 [tilespmem:s19], [sflag:$0x8], $0x80, s18, s22, $0xb8;
	[tilespmem:$0x1C480] =	vst v63  }
0x1ce: {  	_ =	swait.ge [sflag:s17], $0x1400  }
0x1cf: {  	[sflag:s17] =	ssyncset.done $0x0  }
0x1d0: {  	[sflag:s17] =	ssyncadd.s32 $0xFFFFEC00  }
0x1d1: {  	_ =	swait.ge [sflag:s14], $0x28  }
0x1d2: {  	[sflag:s14] =	ssyncset.done $0x0  }
0x1d3: {  	[sflag:s14] =	ssyncadd.s32 $0xFFFFFFD8  }
0x1d4: {  	_ =	swait.ge [sflag:s14], $0x28  }
0x1d5: {  	[sflag:s14] =	ssyncset.done $0x0  }
0x1d6: {  	[sflag:s14] =	ssyncadd.s32 $0xFFFFFFD8  }
0x1d7: {  	_ =	swait.ge [sflag:s14], $0x28  }
0x1d8: {  	s15 =	sld [smem:$0x7F3];
	_ =	sdelay $0x1  }
0x1d9: {  	s18 =	simm.s32 $0xB00  }
0x1da: {  	s19 =	simm.s32 $0x2C00;
	[sflag:s14] =	ssyncset.done $0x0;
	s15 =	sadd.s32 @!p1 s13, s15  }
0x1db: {  	s17 =	simm.s32 @!p1 $0x0;
	[sflag:s14] =	ssyncadd.s32 $0xFFFFFFD8;
	s15 =	smul.u32 @!p1 $0x5, s15  }
0x1dc: {  	[tilespmem:s19], [sflag:$0x2] =	stream.indirect.gather [hbm4b:s4+s22], $0x80, s18, s22, $0xb8;
	[tilespmem:$0x1C480] =	vst v63  }
0x1dd: {  	s18 =	simm.s32 @!p1 $0x80;
	s19 =	simm.s32 $0x0;
	s16 =	sadd.s32 @!p1 s1, s15  }
0x1de: {  	v1 =	vmov s19;
	[tilespmem:s18], [sflag:$0xC] =	stream.linear.gather @!p1 [hbm4b:s16+s17], $0x28, $0x38;
	[tilespmem:$0x1C480] =	vst v63  }
0x1df: {  	v1 =	vand.u32 $0xFFFFFFFE, v1;
	s16 =	sadd.s32 @!p1 s2, s15;
	s18 =	simm.s32 @!p1 $0x880  }
0x1e0: {  	v1 =	vbroadcast v1, $0x0;
	[tilespmem:s18], [sflag:$0xC] =	stream.linear.gather @!p1 [hbm4b:s16+s17], $0x28, $0x38;
	[tilespmem:$0x1C480] =	vst v63  }
0x1e1: {  	s15 =	sadd.s32 @!p1 s3, s15;
	s16 =	simm.s32 @!p1 $0x1080;
	s18 =	simm.s32 $0x4  }
0x1e2: {  	[tilespmem:s16], [sflag:$0xC] =	stream.linear.gather @!p1 [hbm4b:s15+s17], $0x28, $0x38;
	[tilespmem:$0x1C480] =	vst v63  }
0x1e3: {  	_ =	swait.ge [sflag:s18], $0x1400  }
0x1e4: {  	[sflag:s18] =	ssyncset.done $0x0  }
0x1e5: {  	[sflag:s18] =	ssyncadd.s32 $0xFFFFEC00  }
0x1e6: {  	s15 =	simm.s32 $0x54F0;
	v2 =	vld.idx.msk [tilespmem:v1+s11+$0x0], $0xffff  }
0x1e7: {  	v1 =	vld [tilespmem:s15+$0xFFFFFF80]  }
0x1e8: {  	v3 =	vld [tilespmem:s15+$0xFFFFFF10]  }
0x1e9: {  	s19 =	simm.s32 $0x1;
	v6 =	vld [tilespmem:s15+$0xFFFFFF20]  }
0x1ea: {  	v7 =	vmov s19;
	v8 =	vld [tilespmem:s15+$0xFFFFFF30]  }
0x1eb: {  	v11 =	vld [tilespmem:s15+$0xFFFFFF40]  }
0x1ec: {  	v5 =	vld [tilespmem:s15+$0xFFFFFF50]  }
0x1ed: {  	v4 =	vld [tilespmem:s15+$0xFFFFFF60];
	v9 =	vmul.f32 v1, v2  }
0x1ee: {  	v10 =	vmul.f32 v3, v2;
	v3 =	vld [tilespmem:s15+$0xFFFFFF70]  }
0x1ef: {  	v1 =	vld.idx.msk [tilespmem:v7+s11+$0x0], $0xffff;
	v6 =	vmul.f32 v6, v2;
	[tilespmem:s15+$0xFFFFFF80] =	vst v9  }
0x1f0: {  	s17 =	simm.s32 $0x2;
	v7 =	vld [tilespmem:s15+$0xFFFFFF90];
	[tilespmem:s15+$0xFFFFFF10] =	vst v10;
	v9 =	vmul.f32 v8, v2  }
0x1f1: {  	s19 =	simm.s32 $0x4;
	s18 =	simm.s32 $0x54F0;
	v10 =	vmov s17;
	[tilespmem:s15+$0xFFFFFF20] =	vst v6;
	v8 =	vmul.f32 v11, v2;
	v6 =	vld [tilespmem:s15+$0xFFFFFFA0]  }
.LBB2_13:
0x1f2: {  	p2 =	slt.u32 s19, $0x26;
	v10 =	vand.u32 $0xFFFFFFFE, v10;
	s16 =	sadd.s32 $0x1, s17;
	[tilespmem:s15+$0xFFFFFF30] =	vst v9;
	v5 =	vmul.f32 v5, v2;
	v9 =	vld [tilespmem:s15+$0xFFFFFFB0];
	s17 =	smov.u32 s19  }
0x1f3: {  	v10 =	vbroadcast v10, $0x0;
	v11 =	vmov s16;
	[tilespmem:s15+$0xFFFFFF40] =	vst v8;
	v4 =	vmul.f32 v4, v2;
	v8 =	vld [tilespmem:s15+$0xFFFFFFC0]  }
0x1f4: {  	[tilespmem:s15+$0xFFFFFF50] =	vst v5;
	v2 =	vmul.f32 v3, v2;
	v3 =	vld [tilespmem:s15+$0xFFFFFFD0]  }
0x1f5: {  	[tilespmem:s15+$0xFFFFFF60] =	vst v4;
	v4 =	vmul.f32 v7, v1;
	v5 =	vld [tilespmem:s15+$0xFFFFFFE0]  }
0x1f6: {  	[tilespmem:s15+$0xFFFFFF70] =	vst v2;
	v2 =	vmul.f32 v6, v1;
	v6 =	vld [tilespmem:s15+$0xFFFFFFF0]  }
0x1f7: {  	[tilespmem:s15+$0xFFFFFF90] =	vst v4;
	v4 =	vmul.f32 v9, v1;
	v7 =	vld [tilespmem:s15+$0x0]  }
0x1f8: {  	v9 =	vld.idx.msk [tilespmem:v11+s11+$0x0], $0xffff;
	[tilespmem:s15+$0xFFFFFFA0] =	vst v2;
	v8 =	vmul.f32 v8, v1  }
0x1f9: {  	s15 =	sadd.s32 $0x100, s15;
	v2 =	vld.idx.msk [tilespmem:v10+s11+$0x0], $0xffff;
	[tilespmem:s18+$0xFFFFFFB0] =	vst v4;
	v3 =	vmul.f32 v3, v1  }
0x1fa: {  	v4 =	vld [tilespmem:s15+$0xFFFFFF80];
	[tilespmem:s18+$0xFFFFFFC0] =	vst v8;
	v5 =	vmul.f32 v5, v1  }
0x1fb: {  	v8 =	vld [tilespmem:s15+$0xFFFFFF10];
	[tilespmem:s18+$0xFFFFFFD0] =	vst v3;
	v3 =	vmul.f32 v6, v1  }
0x1fc: {  	v6 =	vld [tilespmem:s15+$0xFFFFFF20];
	[tilespmem:s18+$0xFFFFFFE0] =	vst v5;
	v5 =	vmul.f32 v7, v1  }
0x1fd: {  	v7 =	vld [tilespmem:s15+$0xFFFFFF30];
	[tilespmem:s18+$0xFFFFFFF0] =	vst v3  }
0x1fe: {  	v1 =	vmov v9;
	v11 =	vld [tilespmem:s15+$0xFFFFFF40];
	[tilespmem:s18+$0x0] =	vst v5;
	s18 =	smov.u32 s15  }
.Ltmp7:
0x1ff: {  	v5 =	vld [tilespmem:s15+$0xFFFFFF50];
	v9 =	vmul.f32 v4, v2;
	(pc) =	sbr.rel @p2 .LBB2_13-.Ltmp7, $4  }
0x200: {  	v8 =	vmul.f32 v8, v2;
	v4 =	vld [tilespmem:s15+$0xFFFFFF60]  }
0x201: {  	v6 =	vmul.f32 v6, v2;
	v3 =	vld [tilespmem:s15+$0xFFFFFF70];
	[tilespmem:s15+$0xFFFFFF80] =	vst v9  }
0x202: {  	[tilespmem:s15+$0xFFFFFF10] =	vst v8;
	v9 =	vmul.f32 v7, v2;
	v7 =	vld [tilespmem:s15+$0xFFFFFF90]  }
0x203: {  	s19 =	sadd.s32 $0x2, s19;
	v10 =	vmov s17;
	[tilespmem:s15+$0xFFFFFF20] =	vst v6;
	v8 =	vmul.f32 v11, v2;
	v6 =	vld [tilespmem:s15+$0xFFFFFFA0]  }
0x204: {  	v11 =	vld [tilespmem:s15+$0xFFFFFFB0]  }
0x205: {  	v10 =	vand.u32 $0xFFFFFFFE, v10;
	s16 =	sadd.s32 $0x1, s17;
	v12 =	vld [tilespmem:s15+$0xFFFFFFC0]  }
0x206: {  	v14 =	vld [tilespmem:s15+$0xFFFFFFD0];
	[tilespmem:s15+$0xFFFFFF30] =	vst v9;
	v5 =	vmul.f32 v5, v2;
	v10 =	vbroadcast v10, $0x0;
	v13 =	vmov s16  }
0x207: {  	v9 =	vld [tilespmem:s15+$0xFFFFFFE0];
	[tilespmem:s15+$0xFFFFFF40] =	vst v8;
	v4 =	vmul.f32 v4, v2  }
0x208: {  	v8 =	vld [tilespmem:s15+$0xFFFFFFF0];
	[tilespmem:s15+$0xFFFFFF50] =	vst v5;
	v7 =	vmul.f32 v7, v1  }
0x209: {  	s17 =	sadd.s32 $0x100, s15;
	v2 =	vmul.f32 v3, v2;
	v3 =	vld [tilespmem:s15+$0x0];
	[tilespmem:s15+$0xFFFFFF60] =	vst v4  }
0x20a: {  	v4 =	vmul.f32 v6, v1;
	[tilespmem:s15+$0xFFFFFF90] =	vst v7;
	v7 =	vld [tilespmem:s17+$0xFFFFFF80]  }
0x20b: {  	[tilespmem:s15+$0xFFFFFF70] =	vst v2;
	v2 =	vmul.f32 v11, v1;
	v5 =	vld.idx.msk [tilespmem:v13+s11+$0x0], $0xffff  }
0x20c: {  	[tilespmem:s15+$0xFFFFFFA0] =	vst v4;
	v4 =	vmul.f32 v12, v1;
	v6 =	vld.idx.msk [tilespmem:v10+s11+$0x0], $0xffff  }
0x20d: {  	[tilespmem:s18+$0xFFFFFFB0] =	vst v2;
	v2 =	vmul.f32 v14, v1;
	v10 =	vld [tilespmem:s17+$0xFFFFFF10]  }
0x20e: {  	[tilespmem:s18+$0xFFFFFFC0] =	vst v4;
	v4 =	vmul.f32 v9, v1;
	v9 =	vld [tilespmem:s17+$0xFFFFFF20]  }
0x20f: {  	[tilespmem:s18+$0xFFFFFFD0] =	vst v2;
	v2 =	vmul.f32 v8, v1;
	v8 =	vld [tilespmem:s17+$0xFFFFFF30]  }
0x210: {  	v1 =	vmul.f32 v3, v1;
	v3 =	vld [tilespmem:s17+$0xFFFFFF40];
	[tilespmem:s18+$0xFFFFFFE0] =	vst v4  }
0x211: {  	[tilespmem:s18+$0xFFFFFFF0] =	vst v2;
	v2 =	vld [tilespmem:s17+$0xFFFFFF50];
	v4 =	vmul.f32 v7, v6  }
0x212: {  	[tilespmem:s18+$0x0] =	vst v1;
	v1 =	vmul.f32 v10, v6;
	v7 =	vld [tilespmem:s17+$0xFFFFFF60]  }
0x213: {  	v10 =	vld [tilespmem:s17+$0xFFFFFF70];
	v9 =	vmul.f32 v9, v6;
	[tilespmem:s17+$0xFFFFFF80] =	vst v4  }
0x214: {  	[tilespmem:s17+$0xFFFFFF10] =	vst v1;
	v1 =	vmul.f32 v8, v6;
	v4 =	vld [tilespmem:s17+$0xFFFFFF90]  }
0x215: {  	v3 =	vmul.f32 v3, v6;
	v8 =	vld [tilespmem:s17+$0xFFFFFFA0];
	[tilespmem:s17+$0xFFFFFF20] =	vst v9  }
0x216: {  	[tilespmem:s17+$0xFFFFFF30] =	vst v1;
	v1 =	vmul.f32 v2, v6;
	v2 =	vld [tilespmem:s17+$0xFFFFFFB0]  }
0x217: {  	[tilespmem:s17+$0xFFFFFF40] =	vst v3;
	v3 =	vmul.f32 v7, v6;
	v7 =	vld [tilespmem:s17+$0xFFFFFFC0]  }
0x218: {  	[tilespmem:s17+$0xFFFFFF50] =	vst v1;
	v1 =	vmul.f32 v10, v6;
	v6 =	vld [tilespmem:s17+$0xFFFFFFD0]  }
0x219: {  	[tilespmem:s17+$0xFFFFFF60] =	vst v3;
	v3 =	vmul.f32 v4, v5;
	v4 =	vld [tilespmem:s17+$0xFFFFFFE0]  }
0x21a: {  	[tilespmem:s17+$0xFFFFFF70] =	vst v1;
	v1 =	vmul.f32 v8, v5;
	v8 =	vld [tilespmem:s17+$0xFFFFFFF0]  }
0x21b: {  	[tilespmem:s17+$0xFFFFFF90] =	vst v3;
	v2 =	vmul.f32 v2, v5;
	v3 =	vld [tilespmem:s17+$0x0]  }
0x21c: {  	[tilespmem:s17+$0xFFFFFFA0] =	vst v1;
	v1 =	vmul.f32 v7, v5  }
0x21d: {  	[tilespmem:s17+$0xFFFFFFB0] =	vst v2;
	v2 =	vmul.f32 v6, v5  }
0x21e: {  	[tilespmem:s17+$0xFFFFFFC0] =	vst v1;
	v1 =	vmul.f32 v4, v5  }
0x21f: {  	[tilespmem:s17+$0xFFFFFFD0] =	vst v2;
	v2 =	vmul.f32 v8, v5  }
0x220: {  	[tilespmem:s17+$0xFFFFFFE0] =	vst v1;
	v1 =	vmul.f32 v3, v5  }
0x221: {  	[tilespmem:s17+$0xFFFFFFF0] =	vst v2  }
0x222: {  	s19 =	simm.s32 $0x5400;
	s18 =	simm.s32 $0x180;
	[tilespmem:s17+$0x0] =	vst v1;
	s17 =	simm.s32 $0x8  }
0x223: {  	[spmem:s5] =	stream.indirect.scatter.add.f32 [tilespmem:s19], [sflag:$0x9], $0x80, s18, s22, $0xb8;
	[tilespmem:$0x1C480] =	vst v63  }
0x224: {  	_ =	swait.ge [sflag:s17], $0x1400  }
0x225: {  	[sflag:s17] =	ssyncset.done $0x0  }
0x226: {  	[sflag:s17] =	ssyncadd.s32 $0xFFFFEC00  }
0x227: {  	_ =	swait.ge [sflag:s7], $0x28  }
0x228: {  	[sflag:s7] =	ssyncset.done $0x0  }
0x229: {  	[sflag:s7] =	ssyncadd.s32 $0xFFFFFFD8  }
0x22a: {  	_ =	swait.ge [sflag:s7], $0x28  }
0x22b: {  	[sflag:s7] =	ssyncset.done $0x0  }
0x22c: {  	[sflag:s7] =	ssyncadd.s32 $0xFFFFFFD8  }
0x22d: {  	_ =	swait.ge [sflag:s7], $0x28  }
0x22e: {  	s15 =	sld [smem:$0x7F4];
	_ =	sdelay $0x1  }
0x22f: {  	s18 =	simm.s32 $0xB80  }
0x230: {  	s19 =	simm.s32 $0x4000;
	[sflag:s7] =	ssyncset.done $0x0;
	s15 =	sadd.s32 @!p1 s13, s15  }
0x231: {  	s17 =	simm.s32 @!p1 $0x0;
	[sflag:s7] =	ssyncadd.s32 $0xFFFFFFD8;
	s15 =	smul.u32 @!p1 $0x5, s15  }
0x232: {  	[tilespmem:s19], [sflag:$0x3] =	stream.indirect.gather [hbm4b:s4+s22], $0x80, s18, s22, $0xb8;
	[tilespmem:$0x1C480] =	vst v63  }
0x233: {  	s18 =	simm.s32 @!p1 $0x100;
	s19 =	simm.s32 $0x0;
	s16 =	sadd.s32 @!p1 s1, s15  }
0x234: {  	v1 =	vmov s19;
	[tilespmem:s18], [sflag:$0xD] =	stream.linear.gather @!p1 [hbm4b:s16+s17], $0x28, $0x38;
	[tilespmem:$0x1C480] =	vst v63  }
0x235: {  	v1 =	vand.u32 $0xFFFFFFFE, v1;
	s16 =	sadd.s32 @!p1 s2, s15;
	s18 =	simm.s32 @!p1 $0x900  }
0x236: {  	v1 =	vbroadcast v1, $0x0;
	[tilespmem:s18], [sflag:$0xD] =	stream.linear.gather @!p1 [hbm4b:s16+s17], $0x28, $0x38;
	[tilespmem:$0x1C480] =	vst v63  }
0x237: {  	s15 =	sadd.s32 @!p1 s3, s15;
	s16 =	simm.s32 @!p1 $0x1100;
	s18 =	simm.s32 $0x5  }
0x238: {  	[tilespmem:s16], [sflag:$0xD] =	stream.linear.gather @!p1 [hbm4b:s15+s17], $0x28, $0x38;
	[tilespmem:$0x1C480] =	vst v63  }
0x239: {  	_ =	swait.ge [sflag:s18], $0x1400  }
0x23a: {  	[sflag:s18] =	ssyncset.done $0x0  }
0x23b: {  	[sflag:s18] =	ssyncadd.s32 $0xFFFFEC00  }
0x23c: {  	s15 =	simm.s32 $0x68F0;
	v2 =	vld.idx.msk [tilespmem:v1+s23+$0x0], $0xffff  }
0x23d: {  	v1 =	vld [tilespmem:s15+$0xFFFFFF80]  }
0x23e: {  	v3 =	vld [tilespmem:s15+$0xFFFFFF10]  }
0x23f: {  	s19 =	simm.s32 $0x1;
	v6 =	vld [tilespmem:s15+$0xFFFFFF20]  }
0x240: {  	v7 =	vmov s19;
	v8 =	vld [tilespmem:s15+$0xFFFFFF30]  }
0x241: {  	v11 =	vld [tilespmem:s15+$0xFFFFFF40]  }
0x242: {  	v5 =	vld [tilespmem:s15+$0xFFFFFF50]  }
0x243: {  	v4 =	vld [tilespmem:s15+$0xFFFFFF60];
	v9 =	vmul.f32 v1, v2  }
0x244: {  	v10 =	vmul.f32 v3, v2;
	v3 =	vld [tilespmem:s15+$0xFFFFFF70]  }
0x245: {  	v1 =	vld.idx.msk [tilespmem:v7+s23+$0x0], $0xffff;
	v6 =	vmul.f32 v6, v2;
	[tilespmem:s15+$0xFFFFFF80] =	vst v9  }
0x246: {  	s17 =	simm.s32 $0x2;
	v7 =	vld [tilespmem:s15+$0xFFFFFF90];
	[tilespmem:s15+$0xFFFFFF10] =	vst v10;
	v9 =	vmul.f32 v8, v2  }
0x247: {  	s19 =	simm.s32 $0x4;
	s18 =	simm.s32 $0x68F0;
	v10 =	vmov s17;
	[tilespmem:s15+$0xFFFFFF20] =	vst v6;
	v8 =	vmul.f32 v11, v2;
	v6 =	vld [tilespmem:s15+$0xFFFFFFA0]  }
.LBB2_15:
0x248: {  	p2 =	slt.u32 s19, $0x26;
	v10 =	vand.u32 $0xFFFFFFFE, v10;
	s16 =	sadd.s32 $0x1, s17;
	[tilespmem:s15+$0xFFFFFF30] =	vst v9;
	v5 =	vmul.f32 v5, v2;
	v9 =	vld [tilespmem:s15+$0xFFFFFFB0];
	s17 =	smov.u32 s19  }
0x249: {  	v10 =	vbroadcast v10, $0x0;
	v11 =	vmov s16;
	[tilespmem:s15+$0xFFFFFF40] =	vst v8;
	v4 =	vmul.f32 v4, v2;
	v8 =	vld [tilespmem:s15+$0xFFFFFFC0]  }
0x24a: {  	[tilespmem:s15+$0xFFFFFF50] =	vst v5;
	v2 =	vmul.f32 v3, v2;
	v3 =	vld [tilespmem:s15+$0xFFFFFFD0]  }
0x24b: {  	[tilespmem:s15+$0xFFFFFF60] =	vst v4;
	v4 =	vmul.f32 v7, v1;
	v5 =	vld [tilespmem:s15+$0xFFFFFFE0]  }
0x24c: {  	[tilespmem:s15+$0xFFFFFF70] =	vst v2;
	v2 =	vmul.f32 v6, v1;
	v6 =	vld [tilespmem:s15+$0xFFFFFFF0]  }
0x24d: {  	[tilespmem:s15+$0xFFFFFF90] =	vst v4;
	v4 =	vmul.f32 v9, v1;
	v7 =	vld [tilespmem:s15+$0x0]  }
0x24e: {  	v9 =	vld.idx.msk [tilespmem:v11+s23+$0x0], $0xffff;
	[tilespmem:s15+$0xFFFFFFA0] =	vst v2;
	v8 =	vmul.f32 v8, v1  }
0x24f: {  	s15 =	sadd.s32 $0x100, s15;
	v2 =	vld.idx.msk [tilespmem:v10+s23+$0x0], $0xffff;
	[tilespmem:s18+$0xFFFFFFB0] =	vst v4;
	v3 =	vmul.f32 v3, v1  }
0x250: {  	v4 =	vld [tilespmem:s15+$0xFFFFFF80];
	[tilespmem:s18+$0xFFFFFFC0] =	vst v8;
	v5 =	vmul.f32 v5, v1  }
0x251: {  	v8 =	vld [tilespmem:s15+$0xFFFFFF10];
	[tilespmem:s18+$0xFFFFFFD0] =	vst v3;
	v3 =	vmul.f32 v6, v1  }
0x252: {  	v6 =	vld [tilespmem:s15+$0xFFFFFF20];
	[tilespmem:s18+$0xFFFFFFE0] =	vst v5;
	v5 =	vmul.f32 v7, v1  }
0x253: {  	v7 =	vld [tilespmem:s15+$0xFFFFFF30];
	[tilespmem:s18+$0xFFFFFFF0] =	vst v3  }
0x254: {  	v1 =	vmov v9;
	v11 =	vld [tilespmem:s15+$0xFFFFFF40];
	[tilespmem:s18+$0x0] =	vst v5;
	s18 =	smov.u32 s15  }
.Ltmp8:
0x255: {  	v5 =	vld [tilespmem:s15+$0xFFFFFF50];
	v9 =	vmul.f32 v4, v2;
	(pc) =	sbr.rel @p2 .LBB2_15-.Ltmp8, $4  }
0x256: {  	v8 =	vmul.f32 v8, v2;
	v4 =	vld [tilespmem:s15+$0xFFFFFF60]  }
0x257: {  	v6 =	vmul.f32 v6, v2;
	v3 =	vld [tilespmem:s15+$0xFFFFFF70];
	[tilespmem:s15+$0xFFFFFF80] =	vst v9  }
0x258: {  	[tilespmem:s15+$0xFFFFFF10] =	vst v8;
	v9 =	vmul.f32 v7, v2;
	v7 =	vld [tilespmem:s15+$0xFFFFFF90]  }
0x259: {  	s19 =	sadd.s32 $0x2, s19;
	v10 =	vmov s17;
	[tilespmem:s15+$0xFFFFFF20] =	vst v6;
	v8 =	vmul.f32 v11, v2;
	v6 =	vld [tilespmem:s15+$0xFFFFFFA0]  }
0x25a: {  	v11 =	vld [tilespmem:s15+$0xFFFFFFB0]  }
0x25b: {  	v10 =	vand.u32 $0xFFFFFFFE, v10;
	s16 =	sadd.s32 $0x1, s17;
	v12 =	vld [tilespmem:s15+$0xFFFFFFC0]  }
0x25c: {  	v14 =	vld [tilespmem:s15+$0xFFFFFFD0];
	[tilespmem:s15+$0xFFFFFF30] =	vst v9;
	v5 =	vmul.f32 v5, v2;
	v10 =	vbroadcast v10, $0x0;
	v13 =	vmov s16  }
0x25d: {  	v9 =	vld [tilespmem:s15+$0xFFFFFFE0];
	[tilespmem:s15+$0xFFFFFF40] =	vst v8;
	v4 =	vmul.f32 v4, v2  }
0x25e: {  	v8 =	vld [tilespmem:s15+$0xFFFFFFF0];
	[tilespmem:s15+$0xFFFFFF50] =	vst v5;
	v7 =	vmul.f32 v7, v1  }
0x25f: {  	s17 =	sadd.s32 $0x100, s15;
	v2 =	vmul.f32 v3, v2;
	v3 =	vld [tilespmem:s15+$0x0];
	[tilespmem:s15+$0xFFFFFF60] =	vst v4  }
0x260: {  	v4 =	vmul.f32 v6, v1;
	[tilespmem:s15+$0xFFFFFF90] =	vst v7;
	v7 =	vld [tilespmem:s17+$0xFFFFFF80]  }
0x261: {  	[tilespmem:s15+$0xFFFFFF70] =	vst v2;
	v2 =	vmul.f32 v11, v1;
	v5 =	vld.idx.msk [tilespmem:v13+s23+$0x0], $0xffff  }
0x262: {  	[tilespmem:s15+$0xFFFFFFA0] =	vst v4;
	v4 =	vmul.f32 v12, v1;
	v6 =	vld.idx.msk [tilespmem:v10+s23+$0x0], $0xffff  }
0x263: {  	[tilespmem:s18+$0xFFFFFFB0] =	vst v2;
	v2 =	vmul.f32 v14, v1;
	v10 =	vld [tilespmem:s17+$0xFFFFFF10]  }
0x264: {  	[tilespmem:s18+$0xFFFFFFC0] =	vst v4;
	v4 =	vmul.f32 v9, v1;
	v9 =	vld [tilespmem:s17+$0xFFFFFF20]  }
0x265: {  	[tilespmem:s18+$0xFFFFFFD0] =	vst v2;
	v2 =	vmul.f32 v8, v1;
	v8 =	vld [tilespmem:s17+$0xFFFFFF30]  }
0x266: {  	v1 =	vmul.f32 v3, v1;
	v3 =	vld [tilespmem:s17+$0xFFFFFF40];
	[tilespmem:s18+$0xFFFFFFE0] =	vst v4  }
0x267: {  	[tilespmem:s18+$0xFFFFFFF0] =	vst v2;
	v2 =	vld [tilespmem:s17+$0xFFFFFF50];
	v4 =	vmul.f32 v7, v6  }
0x268: {  	[tilespmem:s18+$0x0] =	vst v1;
	v1 =	vmul.f32 v10, v6;
	v7 =	vld [tilespmem:s17+$0xFFFFFF60]  }
0x269: {  	v10 =	vld [tilespmem:s17+$0xFFFFFF70];
	v9 =	vmul.f32 v9, v6;
	[tilespmem:s17+$0xFFFFFF80] =	vst v4  }
0x26a: {  	[tilespmem:s17+$0xFFFFFF10] =	vst v1;
	v1 =	vmul.f32 v8, v6;
	v4 =	vld [tilespmem:s17+$0xFFFFFF90]  }
0x26b: {  	v3 =	vmul.f32 v3, v6;
	v8 =	vld [tilespmem:s17+$0xFFFFFFA0];
	[tilespmem:s17+$0xFFFFFF20] =	vst v9  }
0x26c: {  	[tilespmem:s17+$0xFFFFFF30] =	vst v1;
	v1 =	vmul.f32 v2, v6;
	v2 =	vld [tilespmem:s17+$0xFFFFFFB0]  }
0x26d: {  	[tilespmem:s17+$0xFFFFFF40] =	vst v3;
	v3 =	vmul.f32 v7, v6;
	v7 =	vld [tilespmem:s17+$0xFFFFFFC0]  }
0x26e: {  	[tilespmem:s17+$0xFFFFFF50] =	vst v1;
	v1 =	vmul.f32 v10, v6;
	v6 =	vld [tilespmem:s17+$0xFFFFFFD0]  }
0x26f: {  	[tilespmem:s17+$0xFFFFFF60] =	vst v3;
	v3 =	vmul.f32 v4, v5;
	v4 =	vld [tilespmem:s17+$0xFFFFFFE0]  }
0x270: {  	[tilespmem:s17+$0xFFFFFF70] =	vst v1;
	v1 =	vmul.f32 v8, v5;
	v8 =	vld [tilespmem:s17+$0xFFFFFFF0]  }
0x271: {  	[tilespmem:s17+$0xFFFFFF90] =	vst v3;
	v2 =	vmul.f32 v2, v5;
	v3 =	vld [tilespmem:s17+$0x0]  }
0x272: {  	[tilespmem:s17+$0xFFFFFFA0] =	vst v1;
	v1 =	vmul.f32 v7, v5  }
0x273: {  	[tilespmem:s17+$0xFFFFFFB0] =	vst v2;
	v2 =	vmul.f32 v6, v5  }
0x274: {  	[tilespmem:s17+$0xFFFFFFC0] =	vst v1;
	v1 =	vmul.f32 v4, v5  }
0x275: {  	[tilespmem:s17+$0xFFFFFFD0] =	vst v2;
	v2 =	vmul.f32 v8, v5  }
0x276: {  	[tilespmem:s17+$0xFFFFFFE0] =	vst v1;
	v1 =	vmul.f32 v3, v5  }
0x277: {  	[tilespmem:s17+$0xFFFFFFF0] =	vst v2  }
0x278: {  	s19 =	simm.s32 $0x6800;
	s18 =	simm.s32 $0x200;
	[tilespmem:s17+$0x0] =	vst v1;
	s17 =	simm.s32 $0x9  }
0x279: {  	[spmem:s5] =	stream.indirect.scatter.add.f32 [tilespmem:s19], [sflag:$0xA], $0x80, s18, s22, $0xb8;
	[tilespmem:$0x1C480] =	vst v63  }
0x27a: {  	_ =	swait.ge [sflag:s17], $0x1400  }
0x27b: {  	[sflag:s17] =	ssyncset.done $0x0  }
0x27c: {  	[sflag:s17] =	ssyncadd.s32 $0xFFFFEC00  }
0x27d: {  	_ =	swait.ge [sflag:s20], $0x28  }
0x27e: {  	[sflag:s20] =	ssyncset.done $0x0  }
0x27f: {  	[sflag:s20] =	ssyncadd.s32 $0xFFFFFFD8  }
0x280: {  	_ =	swait.ge [sflag:s20], $0x28  }
0x281: {  	[sflag:s20] =	ssyncset.done $0x0  }
0x282: {  	[sflag:s20] =	ssyncadd.s32 $0xFFFFFFD8  }
0x283: {  	_ =	swait.ge [sflag:s20], $0x28  }
0x284: {  	s15 =	sld [smem:$0x7F5];
	_ =	sdelay $0x1  }
0x285: {  	s18 =	simm.s32 $0xC00  }
0x286: {  	s19 =	simm.s32 $0x5400;
	[sflag:s20] =	ssyncset.done $0x0;
	s15 =	sadd.s32 @!p1 s13, s15  }
0x287: {  	s17 =	simm.s32 @!p1 $0x0;
	[sflag:s20] =	ssyncadd.s32 $0xFFFFFFD8;
	s15 =	smul.u32 @!p1 $0x5, s15  }
0x288: {  	[tilespmem:s19], [sflag:$0x4] =	stream.indirect.gather [hbm4b:s4+s22], $0x80, s18, s22, $0xb8;
	[tilespmem:$0x1C480] =	vst v63  }
0x289: {  	s18 =	simm.s32 @!p1 $0x180;
	s19 =	simm.s32 $0x0;
	s16 =	sadd.s32 @!p1 s1, s15  }
0x28a: {  	v1 =	vmov s19;
	[tilespmem:s18], [sflag:$0xE] =	stream.linear.gather @!p1 [hbm4b:s16+s17], $0x28, $0x38;
	[tilespmem:$0x1C480] =	vst v63  }
0x28b: {  	v1 =	vand.u32 $0xFFFFFFFE, v1;
	s16 =	sadd.s32 @!p1 s2, s15;
	s18 =	simm.s32 @!p1 $0x980  }
0x28c: {  	v1 =	vbroadcast v1, $0x0;
	[tilespmem:s18], [sflag:$0xE] =	stream.linear.gather @!p1 [hbm4b:s16+s17], $0x28, $0x38;
	[tilespmem:$0x1C480] =	vst v63  }
0x28d: {  	s15 =	sadd.s32 @!p1 s3, s15;
	s16 =	simm.s32 @!p1 $0x1180;
	s18 =	simm.s32 $0x1  }
0x28e: {  	[tilespmem:s16], [sflag:$0xE] =	stream.linear.gather @!p1 [hbm4b:s15+s17], $0x28, $0x38;
	[tilespmem:$0x1C480] =	vst v63  }
0x28f: {  	_ =	swait.ge [sflag:s18], $0x1400  }
0x290: {  	[sflag:s18] =	ssyncset.done $0x0  }
0x291: {  	[sflag:s18] =	ssyncadd.s32 $0xFFFFEC00  }
0x292: {  	s15 =	simm.s32 $0x1880;
	v2 =	vld.idx.msk [tilespmem:v1+s31+$0x0], $0xffff  }
0x293: {  	v1 =	vld [tilespmem:s15+$0xFFFFFFF0]  }
0x294: {  	v3 =	vld [tilespmem:s15+$0xFFFFFF80]  }
0x295: {  	s19 =	simm.s32 $0x1;
	v6 =	vld [tilespmem:s15+$0xFFFFFF90]  }
0x296: {  	v7 =	vmov s19;
	v8 =	vld [tilespmem:s15+$0xFFFFFFA0]  }
0x297: {  	v11 =	vld [tilespmem:s15+$0xFFFFFFB0]  }
0x298: {  	v5 =	vld [tilespmem:s15+$0xFFFFFFC0]  }
0x299: {  	v4 =	vld [tilespmem:s15+$0xFFFFFFD0];
	v9 =	vmul.f32 v1, v2  }
0x29a: {  	v10 =	vmul.f32 v3, v2;
	v3 =	vld [tilespmem:s15+$0xFFFFFFE0]  }
0x29b: {  	v1 =	vld.idx.msk [tilespmem:v7+s31+$0x0], $0xffff;
	v6 =	vmul.f32 v6, v2;
	[tilespmem:s15+$0xFFFFFFF0] =	vst v9  }
0x29c: {  	s17 =	simm.s32 $0x2;
	v7 =	vld [tilespmem:s15+$0x0];
	[tilespmem:s15+$0xFFFFFF80] =	vst v10;
	v9 =	vmul.f32 v8, v2  }
0x29d: {  	s19 =	simm.s32 $0x4;
	s18 =	simm.s32 $0x1880;
	v10 =	vmov s17;
	[tilespmem:s15+$0xFFFFFF90] =	vst v6;
	v8 =	vmul.f32 v11, v2;
	v6 =	vld [tilespmem:s15+$0x10]  }
.LBB2_17:
0x29e: {  	p2 =	slt.u32 s19, $0x26;
	v10 =	vand.u32 $0xFFFFFFFE, v10;
	s16 =	sadd.s32 $0x1, s17;
	[tilespmem:s15+$0xFFFFFFA0] =	vst v9;
	v5 =	vmul.f32 v5, v2;
	v9 =	vld [tilespmem:s15+$0x20];
	s17 =	smov.u32 s19  }
0x29f: {  	v10 =	vbroadcast v10, $0x0;
	v11 =	vmov s16;
	[tilespmem:s15+$0xFFFFFFB0] =	vst v8;
	v4 =	vmul.f32 v4, v2;
	v8 =	vld [tilespmem:s15+$0x30]  }
0x2a0: {  	[tilespmem:s15+$0xFFFFFFC0] =	vst v5;
	v2 =	vmul.f32 v3, v2;
	v3 =	vld [tilespmem:s15+$0x40]  }
0x2a1: {  	[tilespmem:s15+$0xFFFFFFD0] =	vst v4;
	v4 =	vmul.f32 v7, v1;
	v5 =	vld [tilespmem:s15+$0x50]  }
0x2a2: {  	[tilespmem:s15+$0xFFFFFFE0] =	vst v2;
	v2 =	vmul.f32 v6, v1;
	v6 =	vld [tilespmem:s15+$0x60]  }
0x2a3: {  	[tilespmem:s15+$0x0] =	vst v4;
	v4 =	vmul.f32 v9, v1;
	v7 =	vld [tilespmem:s15+$0x70]  }
0x2a4: {  	v9 =	vld.idx.msk [tilespmem:v11+s31+$0x0], $0xffff;
	[tilespmem:s15+$0x10] =	vst v2;
	v8 =	vmul.f32 v8, v1  }
0x2a5: {  	s15 =	sadd.s32 $0x100, s15;
	v2 =	vld.idx.msk [tilespmem:v10+s31+$0x0], $0xffff;
	[tilespmem:s18+$0x20] =	vst v4;
	v3 =	vmul.f32 v3, v1  }
0x2a6: {  	v4 =	vld [tilespmem:s15+$0xFFFFFFF0];
	[tilespmem:s18+$0x30] =	vst v8;
	v5 =	vmul.f32 v5, v1  }
0x2a7: {  	v8 =	vld [tilespmem:s15+$0xFFFFFF80];
	[tilespmem:s18+$0x40] =	vst v3;
	v3 =	vmul.f32 v6, v1  }
0x2a8: {  	v6 =	vld [tilespmem:s15+$0xFFFFFF90];
	[tilespmem:s18+$0x50] =	vst v5;
	v5 =	vmul.f32 v7, v1  }
0x2a9: {  	v7 =	vld [tilespmem:s15+$0xFFFFFFA0];
	[tilespmem:s18+$0x60] =	vst v3  }
0x2aa: {  	v1 =	vmov v9;
	v11 =	vld [tilespmem:s15+$0xFFFFFFB0];
	[tilespmem:s18+$0x70] =	vst v5;
	s18 =	smov.u32 s15  }
.Ltmp9:
0x2ab: {  	v5 =	vld [tilespmem:s15+$0xFFFFFFC0];
	v9 =	vmul.f32 v4, v2;
	(pc) =	sbr.rel @p2 .LBB2_17-.Ltmp9, $4  }
0x2ac: {  	v8 =	vmul.f32 v8, v2;
	v4 =	vld [tilespmem:s15+$0xFFFFFFD0]  }
0x2ad: {  	v6 =	vmul.f32 v6, v2;
	v3 =	vld [tilespmem:s15+$0xFFFFFFE0];
	[tilespmem:s15+$0xFFFFFFF0] =	vst v9  }
0x2ae: {  	[tilespmem:s15+$0xFFFFFF80] =	vst v8;
	v9 =	vmul.f32 v7, v2;
	v7 =	vld [tilespmem:s15+$0x0]  }
0x2af: {  	s19 =	sadd.s32 $0x2, s19;
	v10 =	vmov s17;
	[tilespmem:s15+$0xFFFFFF90] =	vst v6;
	v8 =	vmul.f32 v11, v2;
	v6 =	vld [tilespmem:s15+$0x10]  }
0x2b0: {  	v11 =	vld [tilespmem:s15+$0x20]  }
0x2b1: {  	v10 =	vand.u32 $0xFFFFFFFE, v10;
	s16 =	sadd.s32 $0x1, s17;
	v12 =	vld [tilespmem:s15+$0x30]  }
0x2b2: {  	v14 =	vld [tilespmem:s15+$0x40];
	[tilespmem:s15+$0xFFFFFFA0] =	vst v9;
	v5 =	vmul.f32 v5, v2;
	v10 =	vbroadcast v10, $0x0;
	v13 =	vmov s16  }
0x2b3: {  	v9 =	vld [tilespmem:s15+$0x50];
	[tilespmem:s15+$0xFFFFFFB0] =	vst v8;
	v4 =	vmul.f32 v4, v2  }
0x2b4: {  	v8 =	vld [tilespmem:s15+$0x60];
	[tilespmem:s15+$0xFFFFFFC0] =	vst v5;
	v7 =	vmul.f32 v7, v1  }
0x2b5: {  	s17 =	sadd.s32 $0x100, s15;
	v2 =	vmul.f32 v3, v2;
	v3 =	vld [tilespmem:s15+$0x70];
	[tilespmem:s15+$0xFFFFFFD0] =	vst v4  }
0x2b6: {  	v4 =	vmul.f32 v6, v1;
	[tilespmem:s15+$0x0] =	vst v7;
	v7 =	vld [tilespmem:s17+$0xFFFFFFF0]  }
0x2b7: {  	[tilespmem:s15+$0xFFFFFFE0] =	vst v2;
	v2 =	vmul.f32 v11, v1;
	v5 =	vld.idx.msk [tilespmem:v13+s31+$0x0], $0xffff  }
0x2b8: {  	[tilespmem:s15+$0x10] =	vst v4;
	v4 =	vmul.f32 v12, v1;
	v6 =	vld.idx.msk [tilespmem:v10+s31+$0x0], $0xffff  }
0x2b9: {  	[tilespmem:s18+$0x20] =	vst v2;
	v2 =	vmul.f32 v14, v1;
	v10 =	vld [tilespmem:s17+$0xFFFFFF80]  }
0x2ba: {  	[tilespmem:s18+$0x30] =	vst v4;
	v4 =	vmul.f32 v9, v1;
	v9 =	vld [tilespmem:s17+$0xFFFFFF90]  }
0x2bb: {  	[tilespmem:s18+$0x40] =	vst v2;
	v2 =	vmul.f32 v8, v1;
	v8 =	vld [tilespmem:s17+$0xFFFFFFA0]  }
0x2bc: {  	v1 =	vmul.f32 v3, v1;
	v3 =	vld [tilespmem:s17+$0xFFFFFFB0];
	[tilespmem:s18+$0x50] =	vst v4  }
0x2bd: {  	[tilespmem:s18+$0x60] =	vst v2;
	v2 =	vld [tilespmem:s17+$0xFFFFFFC0];
	v4 =	vmul.f32 v7, v6  }
0x2be: {  	[tilespmem:s18+$0x70] =	vst v1;
	v1 =	vmul.f32 v10, v6;
	v7 =	vld [tilespmem:s17+$0xFFFFFFD0]  }
0x2bf: {  	v10 =	vld [tilespmem:s17+$0xFFFFFFE0];
	v9 =	vmul.f32 v9, v6;
	[tilespmem:s17+$0xFFFFFFF0] =	vst v4  }
0x2c0: {  	[tilespmem:s17+$0xFFFFFF80] =	vst v1;
	v1 =	vmul.f32 v8, v6;
	v4 =	vld [tilespmem:s17+$0x0]  }
0x2c1: {  	v3 =	vmul.f32 v3, v6;
	v8 =	vld [tilespmem:s17+$0x10];
	[tilespmem:s17+$0xFFFFFF90] =	vst v9  }
0x2c2: {  	[tilespmem:s17+$0xFFFFFFA0] =	vst v1;
	v1 =	vmul.f32 v2, v6;
	v2 =	vld [tilespmem:s17+$0x20]  }
0x2c3: {  	[tilespmem:s17+$0xFFFFFFB0] =	vst v3;
	v3 =	vmul.f32 v7, v6;
	v7 =	vld [tilespmem:s17+$0x30]  }
0x2c4: {  	[tilespmem:s17+$0xFFFFFFC0] =	vst v1;
	v1 =	vmul.f32 v10, v6;
	v6 =	vld [tilespmem:s17+$0x40]  }
0x2c5: {  	[tilespmem:s17+$0xFFFFFFD0] =	vst v3;
	v3 =	vmul.f32 v4, v5;
	v4 =	vld [tilespmem:s17+$0x50]  }
0x2c6: {  	[tilespmem:s17+$0xFFFFFFE0] =	vst v1;
	v1 =	vmul.f32 v8, v5;
	v8 =	vld [tilespmem:s17+$0x60]  }
0x2c7: {  	[tilespmem:s17+$0x0] =	vst v3;
	v2 =	vmul.f32 v2, v5;
	v3 =	vld [tilespmem:s17+$0x70]  }
0x2c8: {  	[tilespmem:s17+$0x10] =	vst v1;
	v1 =	vmul.f32 v7, v5  }
0x2c9: {  	[tilespmem:s17+$0x20] =	vst v2;
	v2 =	vmul.f32 v6, v5  }
0x2ca: {  	[tilespmem:s17+$0x30] =	vst v1;
	v1 =	vmul.f32 v4, v5  }
0x2cb: {  	[tilespmem:s17+$0x40] =	vst v2;
	v2 =	vmul.f32 v8, v5  }
0x2cc: {  	[tilespmem:s17+$0x50] =	vst v1;
	v1 =	vmul.f32 v3, v5  }
0x2cd: {  	[tilespmem:s17+$0x60] =	vst v2  }
0x2ce: {  	s19 =	simm.s32 $0x1800;
	s18 =	simm.s32 $0x280;
	[tilespmem:s17+$0x70] =	vst v1;
	s17 =	simm.s32 $0xA  }
0x2cf: {  	[spmem:s5] =	stream.indirect.scatter.add.f32 [tilespmem:s19], [sflag:$0x6], $0x80, s18, s22, $0xb8;
	[tilespmem:$0x1C480] =	vst v63  }
0x2d0: {  	_ =	swait.ge [sflag:s17], $0x1400  }
0x2d1: {  	[sflag:s17] =	ssyncset.done $0x0  }
0x2d2: {  	[sflag:s17] =	ssyncadd.s32 $0xFFFFEC00  }
0x2d3: {  	_ =	swait.ge [sflag:s21], $0x28  }
0x2d4: {  	[sflag:s21] =	ssyncset.done $0x0  }
0x2d5: {  	[sflag:s21] =	ssyncadd.s32 $0xFFFFFFD8  }
0x2d6: {  	_ =	swait.ge [sflag:s21], $0x28  }
0x2d7: {  	[sflag:s21] =	ssyncset.done $0x0  }
0x2d8: {  	[sflag:s21] =	ssyncadd.s32 $0xFFFFFFD8  }
0x2d9: {  	_ =	swait.ge [sflag:s21], $0x28  }
0x2da: {  	s15 =	sld [smem:$0x7F6];
	_ =	sdelay $0x1  }
0x2db: {  	s18 =	simm.s32 $0xC80  }
0x2dc: {  	s19 =	simm.s32 $0x6800;
	[sflag:s21] =	ssyncset.done $0x0;
	s15 =	sadd.s32 @!p1 s13, s15  }
0x2dd: {  	s17 =	simm.s32 @!p1 $0x0;
	[sflag:s21] =	ssyncadd.s32 $0xFFFFFFD8;
	s15 =	smul.u32 @!p1 $0x5, s15  }
0x2de: {  	[tilespmem:s19], [sflag:$0x5] =	stream.indirect.gather [hbm4b:s4+s22], $0x80, s18, s22, $0xb8;
	[tilespmem:$0x1C480] =	vst v63  }
0x2df: {  	s18 =	simm.s32 @!p1 $0x200;
	s19 =	simm.s32 $0x0;
	s16 =	sadd.s32 @!p1 s1, s15  }
0x2e0: {  	v1 =	vmov s19;
	[tilespmem:s18], [sflag:$0xF] =	stream.linear.gather @!p1 [hbm4b:s16+s17], $0x28, $0x38;
	[tilespmem:$0x1C480] =	vst v63  }
0x2e1: {  	v1 =	vand.u32 $0xFFFFFFFE, v1;
	s16 =	sadd.s32 @!p1 s2, s15;
	s18 =	simm.s32 @!p1 $0xA00  }
0x2e2: {  	v1 =	vbroadcast v1, $0x0;
	[tilespmem:s18], [sflag:$0xF] =	stream.linear.gather @!p1 [hbm4b:s16+s17], $0x28, $0x38;
	[tilespmem:$0x1C480] =	vst v63  }
0x2e3: {  	s15 =	sadd.s32 @!p1 s3, s15;
	s16 =	simm.s32 @!p1 $0x1200;
	s18 =	simm.s32 $0x2  }
0x2e4: {  	[tilespmem:s16], [sflag:$0xF] =	stream.linear.gather @!p1 [hbm4b:s15+s17], $0x28, $0x38;
	[tilespmem:$0x1C480] =	vst v63  }
0x2e5: {  	_ =	swait.ge [sflag:s18], $0x1400  }
0x2e6: {  	[sflag:s18] =	ssyncset.done $0x0  }
0x2e7: {  	[sflag:s18] =	ssyncadd.s32 $0xFFFFEC00  }
0x2e8: {  	s15 =	simm.s32 $0x2CF0;
	v2 =	vld.idx.msk [tilespmem:v1+s10+$0x0], $0xffff  }
0x2e9: {  	v1 =	vld [tilespmem:s15+$0xFFFFFF80]  }
0x2ea: {  	v3 =	vld [tilespmem:s15+$0xFFFFFF10]  }
0x2eb: {  	s19 =	simm.s32 $0x1;
	v6 =	vld [tilespmem:s15+$0xFFFFFF20]  }
0x2ec: {  	v7 =	vmov s19;
	v8 =	vld [tilespmem:s15+$0xFFFFFF30]  }
0x2ed: {  	v11 =	vld [tilespmem:s15+$0xFFFFFF40]  }
0x2ee: {  	v5 =	vld [tilespmem:s15+$0xFFFFFF50]  }
0x2ef: {  	v4 =	vld [tilespmem:s15+$0xFFFFFF60];
	v9 =	vmul.f32 v1, v2  }
0x2f0: {  	v10 =	vmul.f32 v3, v2;
	v3 =	vld [tilespmem:s15+$0xFFFFFF70]  }
0x2f1: {  	v1 =	vld.idx.msk [tilespmem:v7+s10+$0x0], $0xffff;
	v6 =	vmul.f32 v6, v2;
	[tilespmem:s15+$0xFFFFFF80] =	vst v9  }
0x2f2: {  	s17 =	simm.s32 $0x2;
	v7 =	vld [tilespmem:s15+$0xFFFFFF90];
	[tilespmem:s15+$0xFFFFFF10] =	vst v10;
	v9 =	vmul.f32 v8, v2  }
0x2f3: {  	s19 =	simm.s32 $0x4;
	s18 =	simm.s32 $0x2CF0;
	v10 =	vmov s17;
	[tilespmem:s15+$0xFFFFFF20] =	vst v6;
	v8 =	vmul.f32 v11, v2;
	v6 =	vld [tilespmem:s15+$0xFFFFFFA0]  }
.LBB2_19:
0x2f4: {  	p2 =	slt.u32 s19, $0x26;
	v10 =	vand.u32 $0xFFFFFFFE, v10;
	s16 =	sadd.s32 $0x1, s17;
	[tilespmem:s15+$0xFFFFFF30] =	vst v9;
	v5 =	vmul.f32 v5, v2;
	v9 =	vld [tilespmem:s15+$0xFFFFFFB0];
	s17 =	smov.u32 s19  }
0x2f5: {  	v10 =	vbroadcast v10, $0x0;
	v11 =	vmov s16;
	[tilespmem:s15+$0xFFFFFF40] =	vst v8;
	v4 =	vmul.f32 v4, v2;
	v8 =	vld [tilespmem:s15+$0xFFFFFFC0]  }
0x2f6: {  	[tilespmem:s15+$0xFFFFFF50] =	vst v5;
	v2 =	vmul.f32 v3, v2;
	v3 =	vld [tilespmem:s15+$0xFFFFFFD0]  }
0x2f7: {  	[tilespmem:s15+$0xFFFFFF60] =	vst v4;
	v4 =	vmul.f32 v7, v1;
	v5 =	vld [tilespmem:s15+$0xFFFFFFE0]  }
0x2f8: {  	[tilespmem:s15+$0xFFFFFF70] =	vst v2;
	v2 =	vmul.f32 v6, v1;
	v6 =	vld [tilespmem:s15+$0xFFFFFFF0]  }
0x2f9: {  	[tilespmem:s15+$0xFFFFFF90] =	vst v4;
	v4 =	vmul.f32 v9, v1;
	v7 =	vld [tilespmem:s15+$0x0]  }
0x2fa: {  	v9 =	vld.idx.msk [tilespmem:v11+s10+$0x0], $0xffff;
	[tilespmem:s15+$0xFFFFFFA0] =	vst v2;
	v8 =	vmul.f32 v8, v1  }
0x2fb: {  	s15 =	sadd.s32 $0x100, s15;
	v2 =	vld.idx.msk [tilespmem:v10+s10+$0x0], $0xffff;
	[tilespmem:s18+$0xFFFFFFB0] =	vst v4;
	v3 =	vmul.f32 v3, v1  }
0x2fc: {  	v4 =	vld [tilespmem:s15+$0xFFFFFF80];
	[tilespmem:s18+$0xFFFFFFC0] =	vst v8;
	v5 =	vmul.f32 v5, v1  }
0x2fd: {  	v8 =	vld [tilespmem:s15+$0xFFFFFF10];
	[tilespmem:s18+$0xFFFFFFD0] =	vst v3;
	v3 =	vmul.f32 v6, v1  }
0x2fe: {  	v6 =	vld [tilespmem:s15+$0xFFFFFF20];
	[tilespmem:s18+$0xFFFFFFE0] =	vst v5;
	v5 =	vmul.f32 v7, v1  }
0x2ff: {  	v7 =	vld [tilespmem:s15+$0xFFFFFF30];
	[tilespmem:s18+$0xFFFFFFF0] =	vst v3  }
0x300: {  	v1 =	vmov v9;
	v11 =	vld [tilespmem:s15+$0xFFFFFF40];
	[tilespmem:s18+$0x0] =	vst v5;
	s18 =	smov.u32 s15  }
.Ltmp10:
0x301: {  	v5 =	vld [tilespmem:s15+$0xFFFFFF50];
	v9 =	vmul.f32 v4, v2;
	(pc) =	sbr.rel @p2 .LBB2_19-.Ltmp10, $4  }
0x302: {  	v8 =	vmul.f32 v8, v2;
	v4 =	vld [tilespmem:s15+$0xFFFFFF60]  }
0x303: {  	v6 =	vmul.f32 v6, v2;
	v3 =	vld [tilespmem:s15+$0xFFFFFF70];
	[tilespmem:s15+$0xFFFFFF80] =	vst v9  }
0x304: {  	[tilespmem:s15+$0xFFFFFF10] =	vst v8;
	v9 =	vmul.f32 v7, v2;
	v7 =	vld [tilespmem:s15+$0xFFFFFF90]  }
0x305: {  	s19 =	sadd.s32 $0x2, s19;
	v10 =	vmov s17;
	[tilespmem:s15+$0xFFFFFF20] =	vst v6;
	v8 =	vmul.f32 v11, v2;
	v6 =	vld [tilespmem:s15+$0xFFFFFFA0]  }
0x306: {  	v11 =	vld [tilespmem:s15+$0xFFFFFFB0]  }
0x307: {  	v10 =	vand.u32 $0xFFFFFFFE, v10;
	s16 =	sadd.s32 $0x1, s17;
	v12 =	vld [tilespmem:s15+$0xFFFFFFC0]  }
0x308: {  	v14 =	vld [tilespmem:s15+$0xFFFFFFD0];
	[tilespmem:s15+$0xFFFFFF30] =	vst v9;
	v5 =	vmul.f32 v5, v2;
	v10 =	vbroadcast v10, $0x0;
	v13 =	vmov s16  }
0x309: {  	v9 =	vld [tilespmem:s15+$0xFFFFFFE0];
	[tilespmem:s15+$0xFFFFFF40] =	vst v8;
	v4 =	vmul.f32 v4, v2  }
0x30a: {  	v8 =	vld [tilespmem:s15+$0xFFFFFFF0];
	[tilespmem:s15+$0xFFFFFF50] =	vst v5;
	v7 =	vmul.f32 v7, v1  }
0x30b: {  	s17 =	sadd.s32 $0x100, s15;
	v2 =	vmul.f32 v3, v2;
	v3 =	vld [tilespmem:s15+$0x0];
	[tilespmem:s15+$0xFFFFFF60] =	vst v4  }
0x30c: {  	v4 =	vmul.f32 v6, v1;
	[tilespmem:s15+$0xFFFFFF90] =	vst v7;
	v7 =	vld [tilespmem:s17+$0xFFFFFF80]  }
0x30d: {  	[tilespmem:s15+$0xFFFFFF70] =	vst v2;
	v2 =	vmul.f32 v11, v1;
	v5 =	vld.idx.msk [tilespmem:v13+s10+$0x0], $0xffff  }
0x30e: {  	[tilespmem:s15+$0xFFFFFFA0] =	vst v4;
	v4 =	vmul.f32 v12, v1;
	v6 =	vld.idx.msk [tilespmem:v10+s10+$0x0], $0xffff  }
0x30f: {  	[tilespmem:s18+$0xFFFFFFB0] =	vst v2;
	v2 =	vmul.f32 v14, v1;
	v10 =	vld [tilespmem:s17+$0xFFFFFF10]  }
0x310: {  	[tilespmem:s18+$0xFFFFFFC0] =	vst v4;
	v4 =	vmul.f32 v9, v1;
	v9 =	vld [tilespmem:s17+$0xFFFFFF20]  }
0x311: {  	[tilespmem:s18+$0xFFFFFFD0] =	vst v2;
	v2 =	vmul.f32 v8, v1;
	v8 =	vld [tilespmem:s17+$0xFFFFFF30]  }
0x312: {  	v1 =	vmul.f32 v3, v1;
	v3 =	vld [tilespmem:s17+$0xFFFFFF40];
	[tilespmem:s18+$0xFFFFFFE0] =	vst v4  }
0x313: {  	[tilespmem:s18+$0xFFFFFFF0] =	vst v2;
	v2 =	vld [tilespmem:s17+$0xFFFFFF50];
	v4 =	vmul.f32 v7, v6  }
0x314: {  	[tilespmem:s18+$0x0] =	vst v1;
	v1 =	vmul.f32 v10, v6;
	v7 =	vld [tilespmem:s17+$0xFFFFFF60]  }
0x315: {  	v10 =	vld [tilespmem:s17+$0xFFFFFF70];
	v9 =	vmul.f32 v9, v6;
	[tilespmem:s17+$0xFFFFFF80] =	vst v4  }
0x316: {  	[tilespmem:s17+$0xFFFFFF10] =	vst v1;
	v1 =	vmul.f32 v8, v6;
	v4 =	vld [tilespmem:s17+$0xFFFFFF90]  }
0x317: {  	v3 =	vmul.f32 v3, v6;
	v8 =	vld [tilespmem:s17+$0xFFFFFFA0];
	[tilespmem:s17+$0xFFFFFF20] =	vst v9  }
0x318: {  	[tilespmem:s17+$0xFFFFFF30] =	vst v1;
	v1 =	vmul.f32 v2, v6;
	v2 =	vld [tilespmem:s17+$0xFFFFFFB0]  }
0x319: {  	[tilespmem:s17+$0xFFFFFF40] =	vst v3;
	v3 =	vmul.f32 v7, v6;
	v7 =	vld [tilespmem:s17+$0xFFFFFFC0]  }
0x31a: {  	[tilespmem:s17+$0xFFFFFF50] =	vst v1;
	v1 =	vmul.f32 v10, v6;
	v6 =	vld [tilespmem:s17+$0xFFFFFFD0]  }
0x31b: {  	[tilespmem:s17+$0xFFFFFF60] =	vst v3;
	v3 =	vmul.f32 v4, v5;
	v4 =	vld [tilespmem:s17+$0xFFFFFFE0]  }
0x31c: {  	[tilespmem:s17+$0xFFFFFF70] =	vst v1;
	v1 =	vmul.f32 v8, v5;
	v8 =	vld [tilespmem:s17+$0xFFFFFFF0]  }
0x31d: {  	[tilespmem:s17+$0xFFFFFF90] =	vst v3;
	v2 =	vmul.f32 v2, v5;
	v3 =	vld [tilespmem:s17+$0x0]  }
0x31e: {  	[tilespmem:s17+$0xFFFFFFA0] =	vst v1;
	v1 =	vmul.f32 v7, v5  }
0x31f: {  	[tilespmem:s17+$0xFFFFFFB0] =	vst v2;
	v2 =	vmul.f32 v6, v5  }
0x320: {  	[tilespmem:s17+$0xFFFFFFC0] =	vst v1;
	v1 =	vmul.f32 v4, v5  }
0x321: {  	[tilespmem:s17+$0xFFFFFFD0] =	vst v2;
	v2 =	vmul.f32 v8, v5  }
0x322: {  	[tilespmem:s17+$0xFFFFFFE0] =	vst v1;
	v1 =	vmul.f32 v3, v5  }
0x323: {  	[tilespmem:s17+$0xFFFFFFF0] =	vst v2  }
0x324: {  	s19 =	simm.s32 $0x2C00;
	s18 =	simm.s32 $0x300;
	[tilespmem:s17+$0x0] =	vst v1;
	s17 =	simm.s32 $0x6  }
0x325: {  	[spmem:s5] =	stream.indirect.scatter.add.f32 [tilespmem:s19], [sflag:$0x7], $0x80, s18, s22, $0xb8;
	[tilespmem:$0x1C480] =	vst v63  }
0x326: {  	_ =	swait.ge [sflag:s17], $0x1400  }
0x327: {  	[sflag:s17] =	ssyncset.done $0x0  }
0x328: {  	s15 =	simm.s32 @!p1 $0xB;
	[sflag:s17] =	ssyncadd.s32 $0xFFFFEC00  }
0x329: {  	_ =	swait.ge @!p1 [sflag:s15], $0x28  }
0x32a: {  	[sflag:s15] =	ssyncset.done @!p1 $0x0  }
0x32b: {  	[sflag:s15] =	ssyncadd.s32 @!p1 $0xFFFFFFD8  }
0x32c: {  	_ =	swait.ge @!p1 [sflag:s15], $0x28  }
0x32d: {  	[sflag:s15] =	ssyncset.done @!p1 $0x0  }
0x32e: {  	[sflag:s15] =	ssyncadd.s32 @!p1 $0xFFFFFFD8  }
0x32f: {  	_ =	swait.ge @!p1 [sflag:s15], $0x28  }
0x330: {  	s16 =	sld [smem:$0x7F7];
	_ =	sdelay $0x1  }
0x331: {  	s18 =	simm.s32 @!p1 $0x1800;
	s19 =	simm.s32 $0x0  }
0x332: {  	s17 =	simm.s32 @!p1 $0x800;
	[sflag:s15] =	ssyncset.done @!p1 $0x0;
	s16 =	sadd.s32 @!p1 s13, s16  }
0x333: {  	[sflag:s15] =	ssyncadd.s32 @!p1 $0xFFFFFFD8;
	s15 =	simm.s32 @!p1 $0x28;
	s16 =	smul.u32 @!p1 $0x5, s16  }
0x334: {  	[tilespmem:s18], [sflag:$0x1] =	stream.indirect.gather @!p1 [hbm4b:s4+s15], $0x80, s17, s15, $0xb8;
	[tilespmem:$0x1C480] =	vst v63  }
0x335: {  	s17 =	simm.s32 @!p1 $0x0;
	s18 =	simm.s32 @!p1 $0x280;
	s15 =	sadd.s32 @!p1 s1, s16  }
0x336: {  	v1 =	vmov s19;
	[tilespmem:s18], [sflag:$0x10] =	stream.linear.gather @!p1 [hbm4b:s15+s17], $0x28, $0x38;
	[tilespmem:$0x1C480] =	vst v63  }
0x337: {  	v1 =	vand.u32 $0xFFFFFFFE, v1;
	s15 =	sadd.s32 @!p1 s2, s16;
	s18 =	simm.s32 @!p1 $0xA80  }
0x338: {  	v1 =	vbroadcast v1, $0x0;
	[tilespmem:s18], [sflag:$0x10] =	stream.linear.gather @!p1 [hbm4b:s15+s17], $0x28, $0x38;
	[tilespmem:$0x1C480] =	vst v63  }
0x339: {  	s15 =	sadd.s32 @!p1 s3, s16;
	s16 =	simm.s32 @!p1 $0x1280;
	s18 =	simm.s32 $0x3  }
0x33a: {  	[tilespmem:s16], [sflag:$0x10] =	stream.linear.gather @!p1 [hbm4b:s15+s17], $0x28, $0x38;
	[tilespmem:$0x1C480] =	vst v63  }
0x33b: {  	_ =	swait.ge [sflag:s18], $0x1400  }
0x33c: {  	[sflag:s18] =	ssyncset.done $0x0  }
0x33d: {  	[sflag:s18] =	ssyncadd.s32 $0xFFFFEC00  }
0x33e: {  	s15 =	simm.s32 $0x40F0;
	v2 =	vld.idx.msk [tilespmem:v1+s26+$0x0], $0xffff  }
0x33f: {  	v1 =	vld [tilespmem:s15+$0xFFFFFF80]  }
0x340: {  	v3 =	vld [tilespmem:s15+$0xFFFFFF10]  }
0x341: {  	s19 =	simm.s32 $0x1;
	v6 =	vld [tilespmem:s15+$0xFFFFFF20]  }
0x342: {  	v7 =	vmov s19;
	v8 =	vld [tilespmem:s15+$0xFFFFFF30]  }
0x343: {  	v11 =	vld [tilespmem:s15+$0xFFFFFF40]  }
0x344: {  	v5 =	vld [tilespmem:s15+$0xFFFFFF50]  }
0x345: {  	v4 =	vld [tilespmem:s15+$0xFFFFFF60];
	v9 =	vmul.f32 v1, v2  }
0x346: {  	v10 =	vmul.f32 v3, v2;
	v3 =	vld [tilespmem:s15+$0xFFFFFF70]  }
0x347: {  	v1 =	vld.idx.msk [tilespmem:v7+s26+$0x0], $0xffff;
	v6 =	vmul.f32 v6, v2;
	[tilespmem:s15+$0xFFFFFF80] =	vst v9  }
0x348: {  	s17 =	simm.s32 $0x2;
	v7 =	vld [tilespmem:s15+$0xFFFFFF90];
	[tilespmem:s15+$0xFFFFFF10] =	vst v10;
	v9 =	vmul.f32 v8, v2  }
0x349: {  	s19 =	simm.s32 $0x4;
	s18 =	simm.s32 $0x40F0;
	v10 =	vmov s17;
	[tilespmem:s15+$0xFFFFFF20] =	vst v6;
	v8 =	vmul.f32 v11, v2;
	v6 =	vld [tilespmem:s15+$0xFFFFFFA0]  }
.LBB2_21:
0x34a: {  	p2 =	slt.u32 s19, $0x26;
	v10 =	vand.u32 $0xFFFFFFFE, v10;
	s16 =	sadd.s32 $0x1, s17;
	[tilespmem:s15+$0xFFFFFF30] =	vst v9;
	v5 =	vmul.f32 v5, v2;
	v9 =	vld [tilespmem:s15+$0xFFFFFFB0];
	s17 =	smov.u32 s19  }
0x34b: {  	v10 =	vbroadcast v10, $0x0;
	v11 =	vmov s16;
	[tilespmem:s15+$0xFFFFFF40] =	vst v8;
	v4 =	vmul.f32 v4, v2;
	v8 =	vld [tilespmem:s15+$0xFFFFFFC0]  }
0x34c: {  	[tilespmem:s15+$0xFFFFFF50] =	vst v5;
	v2 =	vmul.f32 v3, v2;
	v3 =	vld [tilespmem:s15+$0xFFFFFFD0]  }
0x34d: {  	[tilespmem:s15+$0xFFFFFF60] =	vst v4;
	v4 =	vmul.f32 v7, v1;
	v5 =	vld [tilespmem:s15+$0xFFFFFFE0]  }
0x34e: {  	[tilespmem:s15+$0xFFFFFF70] =	vst v2;
	v2 =	vmul.f32 v6, v1;
	v6 =	vld [tilespmem:s15+$0xFFFFFFF0]  }
0x34f: {  	[tilespmem:s15+$0xFFFFFF90] =	vst v4;
	v4 =	vmul.f32 v9, v1;
	v7 =	vld [tilespmem:s15+$0x0]  }
0x350: {  	v9 =	vld.idx.msk [tilespmem:v11+s26+$0x0], $0xffff;
	[tilespmem:s15+$0xFFFFFFA0] =	vst v2;
	v8 =	vmul.f32 v8, v1  }
0x351: {  	s15 =	sadd.s32 $0x100, s15;
	v2 =	vld.idx.msk [tilespmem:v10+s26+$0x0], $0xffff;
	[tilespmem:s18+$0xFFFFFFB0] =	vst v4;
	v3 =	vmul.f32 v3, v1  }
0x352: {  	v4 =	vld [tilespmem:s15+$0xFFFFFF80];
	[tilespmem:s18+$0xFFFFFFC0] =	vst v8;
	v5 =	vmul.f32 v5, v1  }
0x353: {  	v8 =	vld [tilespmem:s15+$0xFFFFFF10];
	[tilespmem:s18+$0xFFFFFFD0] =	vst v3;
	v3 =	vmul.f32 v6, v1  }
0x354: {  	v6 =	vld [tilespmem:s15+$0xFFFFFF20];
	[tilespmem:s18+$0xFFFFFFE0] =	vst v5;
	v5 =	vmul.f32 v7, v1  }
0x355: {  	v7 =	vld [tilespmem:s15+$0xFFFFFF30];
	[tilespmem:s18+$0xFFFFFFF0] =	vst v3  }
0x356: {  	v1 =	vmov v9;
	v11 =	vld [tilespmem:s15+$0xFFFFFF40];
	[tilespmem:s18+$0x0] =	vst v5;
	s18 =	smov.u32 s15  }
.Ltmp11:
0x357: {  	v5 =	vld [tilespmem:s15+$0xFFFFFF50];
	v9 =	vmul.f32 v4, v2;
	(pc) =	sbr.rel @p2 .LBB2_21-.Ltmp11, $4  }
0x358: {  	v8 =	vmul.f32 v8, v2;
	v4 =	vld [tilespmem:s15+$0xFFFFFF60]  }
0x359: {  	v6 =	vmul.f32 v6, v2;
	v3 =	vld [tilespmem:s15+$0xFFFFFF70];
	[tilespmem:s15+$0xFFFFFF80] =	vst v9  }
0x35a: {  	[tilespmem:s15+$0xFFFFFF10] =	vst v8;
	v9 =	vmul.f32 v7, v2;
	v7 =	vld [tilespmem:s15+$0xFFFFFF90]  }
0x35b: {  	s19 =	sadd.s32 $0x2, s19;
	v10 =	vmov s17;
	[tilespmem:s15+$0xFFFFFF20] =	vst v6;
	v8 =	vmul.f32 v11, v2;
	v6 =	vld [tilespmem:s15+$0xFFFFFFA0]  }
0x35c: {  	v11 =	vld [tilespmem:s15+$0xFFFFFFB0]  }
0x35d: {  	v10 =	vand.u32 $0xFFFFFFFE, v10;
	s16 =	sadd.s32 $0x1, s17;
	v12 =	vld [tilespmem:s15+$0xFFFFFFC0]  }
0x35e: {  	v14 =	vld [tilespmem:s15+$0xFFFFFFD0];
	[tilespmem:s15+$0xFFFFFF30] =	vst v9;
	v5 =	vmul.f32 v5, v2;
	v10 =	vbroadcast v10, $0x0;
	v13 =	vmov s16  }
0x35f: {  	v9 =	vld [tilespmem:s15+$0xFFFFFFE0];
	[tilespmem:s15+$0xFFFFFF40] =	vst v8;
	v4 =	vmul.f32 v4, v2  }
0x360: {  	v8 =	vld [tilespmem:s15+$0xFFFFFFF0];
	[tilespmem:s15+$0xFFFFFF50] =	vst v5;
	v7 =	vmul.f32 v7, v1  }
0x361: {  	s17 =	sadd.s32 $0x100, s15;
	v2 =	vmul.f32 v3, v2;
	v3 =	vld [tilespmem:s15+$0x0];
	[tilespmem:s15+$0xFFFFFF60] =	vst v4  }
0x362: {  	v4 =	vmul.f32 v6, v1;
	[tilespmem:s15+$0xFFFFFF90] =	vst v7;
	v7 =	vld [tilespmem:s17+$0xFFFFFF80]  }
0x363: {  	[tilespmem:s15+$0xFFFFFF70] =	vst v2;
	v2 =	vmul.f32 v11, v1;
	v5 =	vld.idx.msk [tilespmem:v13+s26+$0x0], $0xffff  }
0x364: {  	[tilespmem:s15+$0xFFFFFFA0] =	vst v4;
	v4 =	vmul.f32 v12, v1;
	v6 =	vld.idx.msk [tilespmem:v10+s26+$0x0], $0xffff  }
0x365: {  	[tilespmem:s18+$0xFFFFFFB0] =	vst v2;
	v2 =	vmul.f32 v14, v1;
	v10 =	vld [tilespmem:s17+$0xFFFFFF10]  }
0x366: {  	[tilespmem:s18+$0xFFFFFFC0] =	vst v4;
	v4 =	vmul.f32 v9, v1;
	v9 =	vld [tilespmem:s17+$0xFFFFFF20]  }
0x367: {  	[tilespmem:s18+$0xFFFFFFD0] =	vst v2;
	v2 =	vmul.f32 v8, v1;
	v8 =	vld [tilespmem:s17+$0xFFFFFF30]  }
0x368: {  	v1 =	vmul.f32 v3, v1;
	v3 =	vld [tilespmem:s17+$0xFFFFFF40];
	[tilespmem:s18+$0xFFFFFFE0] =	vst v4  }
0x369: {  	[tilespmem:s18+$0xFFFFFFF0] =	vst v2;
	v2 =	vld [tilespmem:s17+$0xFFFFFF50];
	v4 =	vmul.f32 v7, v6  }
0x36a: {  	[tilespmem:s18+$0x0] =	vst v1;
	v1 =	vmul.f32 v10, v6;
	v7 =	vld [tilespmem:s17+$0xFFFFFF60]  }
0x36b: {  	v10 =	vld [tilespmem:s17+$0xFFFFFF70];
	v9 =	vmul.f32 v9, v6;
	[tilespmem:s17+$0xFFFFFF80] =	vst v4  }
0x36c: {  	[tilespmem:s17+$0xFFFFFF10] =	vst v1;
	v1 =	vmul.f32 v8, v6;
	v4 =	vld [tilespmem:s17+$0xFFFFFF90]  }
0x36d: {  	v3 =	vmul.f32 v3, v6;
	v8 =	vld [tilespmem:s17+$0xFFFFFFA0];
	[tilespmem:s17+$0xFFFFFF20] =	vst v9  }
0x36e: {  	[tilespmem:s17+$0xFFFFFF30] =	vst v1;
	v1 =	vmul.f32 v2, v6;
	v2 =	vld [tilespmem:s17+$0xFFFFFFB0]  }
0x36f: {  	[tilespmem:s17+$0xFFFFFF40] =	vst v3;
	v3 =	vmul.f32 v7, v6;
	v7 =	vld [tilespmem:s17+$0xFFFFFFC0]  }
0x370: {  	[tilespmem:s17+$0xFFFFFF50] =	vst v1;
	v1 =	vmul.f32 v10, v6;
	v6 =	vld [tilespmem:s17+$0xFFFFFFD0]  }
0x371: {  	[tilespmem:s17+$0xFFFFFF60] =	vst v3;
	v3 =	vmul.f32 v4, v5;
	v4 =	vld [tilespmem:s17+$0xFFFFFFE0]  }
0x372: {  	[tilespmem:s17+$0xFFFFFF70] =	vst v1;
	v1 =	vmul.f32 v8, v5;
	v8 =	vld [tilespmem:s17+$0xFFFFFFF0]  }
0x373: {  	[tilespmem:s17+$0xFFFFFF90] =	vst v3;
	v2 =	vmul.f32 v2, v5;
	v3 =	vld [tilespmem:s17+$0x0]  }
0x374: {  	[tilespmem:s17+$0xFFFFFFA0] =	vst v1;
	v1 =	vmul.f32 v7, v5  }
0x375: {  	[tilespmem:s17+$0xFFFFFFB0] =	vst v2;
	v2 =	vmul.f32 v6, v5  }
0x376: {  	[tilespmem:s17+$0xFFFFFFC0] =	vst v1;
	v1 =	vmul.f32 v4, v5  }
0x377: {  	[tilespmem:s17+$0xFFFFFFD0] =	vst v2;
	v2 =	vmul.f32 v8, v5  }
0x378: {  	[tilespmem:s17+$0xFFFFFFE0] =	vst v1;
	v1 =	vmul.f32 v3, v5  }
0x379: {  	[tilespmem:s17+$0xFFFFFFF0] =	vst v2  }
0x37a: {  	s19 =	simm.s32 $0x4000;
	s18 =	simm.s32 $0x380;
	[tilespmem:s17+$0x0] =	vst v1;
	s17 =	simm.s32 $0x7  }
0x37b: {  	[spmem:s5] =	stream.indirect.scatter.add.f32 [tilespmem:s19], [sflag:$0x8], $0x80, s18, s22, $0xb8;
	[tilespmem:$0x1C480] =	vst v63  }
0x37c: {  	_ =	swait.ge [sflag:s17], $0x1400  }
0x37d: {  	[sflag:s17] =	ssyncset.done $0x0  }
0x37e: {  	s15 =	simm.s32 @!p1 $0xC;
	[sflag:s17] =	ssyncadd.s32 $0xFFFFEC00  }
0x37f: {  	_ =	swait.ge @!p1 [sflag:s15], $0x28  }
0x380: {  	[sflag:s15] =	ssyncset.done @!p1 $0x0  }
0x381: {  	[sflag:s15] =	ssyncadd.s32 @!p1 $0xFFFFFFD8  }
0x382: {  	_ =	swait.ge @!p1 [sflag:s15], $0x28  }
0x383: {  	[sflag:s15] =	ssyncset.done @!p1 $0x0  }
0x384: {  	[sflag:s15] =	ssyncadd.s32 @!p1 $0xFFFFFFD8  }
0x385: {  	_ =	swait.ge @!p1 [sflag:s15], $0x28  }
0x386: {  	s16 =	sld [smem:$0x7F8];
	_ =	sdelay $0x1  }
0x387: {  	s18 =	simm.s32 @!p1 $0x2C00;
	s19 =	simm.s32 $0x0  }
0x388: {  	s17 =	simm.s32 @!p1 $0x880;
	[sflag:s15] =	ssyncset.done @!p1 $0x0;
	s16 =	sadd.s32 @!p1 s13, s16  }
0x389: {  	[sflag:s15] =	ssyncadd.s32 @!p1 $0xFFFFFFD8;
	s15 =	simm.s32 @!p1 $0x28;
	s16 =	smul.u32 @!p1 $0x5, s16  }
0x38a: {  	[tilespmem:s18], [sflag:$0x2] =	stream.indirect.gather @!p1 [hbm4b:s4+s15], $0x80, s17, s15, $0xb8;
	[tilespmem:$0x1C480] =	vst v63  }
0x38b: {  	s17 =	simm.s32 @!p1 $0x0;
	s18 =	simm.s32 @!p1 $0x300;
	s15 =	sadd.s32 @!p1 s1, s16  }
0x38c: {  	v1 =	vmov s19;
	[tilespmem:s18], [sflag:$0x11] =	stream.linear.gather @!p1 [hbm4b:s15+s17], $0x28, $0x38;
	[tilespmem:$0x1C480] =	vst v63  }
0x38d: {  	v1 =	vand.u32 $0xFFFFFFFE, v1;
	s15 =	sadd.s32 @!p1 s2, s16;
	s18 =	simm.s32 @!p1 $0xB00  }
0x38e: {  	v1 =	vbroadcast v1, $0x0;
	[tilespmem:s18], [sflag:$0x11] =	stream.linear.gather @!p1 [hbm4b:s15+s17], $0x28, $0x38;
	[tilespmem:$0x1C480] =	vst v63  }
0x38f: {  	s15 =	sadd.s32 @!p1 s3, s16;
	s16 =	simm.s32 @!p1 $0x1300;
	s18 =	simm.s32 $0x4  }
0x390: {  	[tilespmem:s16], [sflag:$0x11] =	stream.linear.gather @!p1 [hbm4b:s15+s17], $0x28, $0x38;
	[tilespmem:$0x1C480] =	vst v63  }
0x391: {  	_ =	swait.ge [sflag:s18], $0x1400  }
0x392: {  	[sflag:s18] =	ssyncset.done $0x0  }
0x393: {  	[sflag:s18] =	ssyncadd.s32 $0xFFFFEC00  }
0x394: {  	s15 =	simm.s32 $0x54F0;
	v2 =	vld.idx.msk [tilespmem:v1+s12+$0x0], $0xffff  }
0x395: {  	v1 =	vld [tilespmem:s15+$0xFFFFFF80]  }
0x396: {  	v3 =	vld [tilespmem:s15+$0xFFFFFF10]  }
0x397: {  	s19 =	simm.s32 $0x1;
	v6 =	vld [tilespmem:s15+$0xFFFFFF20]  }
0x398: {  	v7 =	vmov s19;
	v8 =	vld [tilespmem:s15+$0xFFFFFF30]  }
0x399: {  	v11 =	vld [tilespmem:s15+$0xFFFFFF40]  }
0x39a: {  	v5 =	vld [tilespmem:s15+$0xFFFFFF50]  }
0x39b: {  	v4 =	vld [tilespmem:s15+$0xFFFFFF60];
	v9 =	vmul.f32 v1, v2  }
0x39c: {  	v10 =	vmul.f32 v3, v2;
	v3 =	vld [tilespmem:s15+$0xFFFFFF70]  }
0x39d: {  	v1 =	vld.idx.msk [tilespmem:v7+s12+$0x0], $0xffff;
	v6 =	vmul.f32 v6, v2;
	[tilespmem:s15+$0xFFFFFF80] =	vst v9  }
0x39e: {  	s17 =	simm.s32 $0x2;
	v7 =	vld [tilespmem:s15+$0xFFFFFF90];
	[tilespmem:s15+$0xFFFFFF10] =	vst v10;
	v9 =	vmul.f32 v8, v2  }
0x39f: {  	s19 =	simm.s32 $0x4;
	s18 =	simm.s32 $0x54F0;
	v10 =	vmov s17;
	[tilespmem:s15+$0xFFFFFF20] =	vst v6;
	v8 =	vmul.f32 v11, v2;
	v6 =	vld [tilespmem:s15+$0xFFFFFFA0]  }
.LBB2_23:
0x3a0: {  	p2 =	slt.u32 s19, $0x26;
	v10 =	vand.u32 $0xFFFFFFFE, v10;
	s16 =	sadd.s32 $0x1, s17;
	[tilespmem:s15+$0xFFFFFF30] =	vst v9;
	v5 =	vmul.f32 v5, v2;
	v9 =	vld [tilespmem:s15+$0xFFFFFFB0];
	s17 =	smov.u32 s19  }
0x3a1: {  	v10 =	vbroadcast v10, $0x0;
	v11 =	vmov s16;
	[tilespmem:s15+$0xFFFFFF40] =	vst v8;
	v4 =	vmul.f32 v4, v2;
	v8 =	vld [tilespmem:s15+$0xFFFFFFC0]  }
0x3a2: {  	[tilespmem:s15+$0xFFFFFF50] =	vst v5;
	v2 =	vmul.f32 v3, v2;
	v3 =	vld [tilespmem:s15+$0xFFFFFFD0]  }
0x3a3: {  	[tilespmem:s15+$0xFFFFFF60] =	vst v4;
	v4 =	vmul.f32 v7, v1;
	v5 =	vld [tilespmem:s15+$0xFFFFFFE0]  }
0x3a4: {  	[tilespmem:s15+$0xFFFFFF70] =	vst v2;
	v2 =	vmul.f32 v6, v1;
	v6 =	vld [tilespmem:s15+$0xFFFFFFF0]  }
0x3a5: {  	[tilespmem:s15+$0xFFFFFF90] =	vst v4;
	v4 =	vmul.f32 v9, v1;
	v7 =	vld [tilespmem:s15+$0x0]  }
0x3a6: {  	v9 =	vld.idx.msk [tilespmem:v11+s12+$0x0], $0xffff;
	[tilespmem:s15+$0xFFFFFFA0] =	vst v2;
	v8 =	vmul.f32 v8, v1  }
0x3a7: {  	s15 =	sadd.s32 $0x100, s15;
	v2 =	vld.idx.msk [tilespmem:v10+s12+$0x0], $0xffff;
	[tilespmem:s18+$0xFFFFFFB0] =	vst v4;
	v3 =	vmul.f32 v3, v1  }
0x3a8: {  	v4 =	vld [tilespmem:s15+$0xFFFFFF80];
	[tilespmem:s18+$0xFFFFFFC0] =	vst v8;
	v5 =	vmul.f32 v5, v1  }
0x3a9: {  	v8 =	vld [tilespmem:s15+$0xFFFFFF10];
	[tilespmem:s18+$0xFFFFFFD0] =	vst v3;
	v3 =	vmul.f32 v6, v1  }
0x3aa: {  	v6 =	vld [tilespmem:s15+$0xFFFFFF20];
	[tilespmem:s18+$0xFFFFFFE0] =	vst v5;
	v5 =	vmul.f32 v7, v1  }
0x3ab: {  	v7 =	vld [tilespmem:s15+$0xFFFFFF30];
	[tilespmem:s18+$0xFFFFFFF0] =	vst v3  }
0x3ac: {  	v1 =	vmov v9;
	v11 =	vld [tilespmem:s15+$0xFFFFFF40];
	[tilespmem:s18+$0x0] =	vst v5;
	s18 =	smov.u32 s15  }
.Ltmp12:
0x3ad: {  	v5 =	vld [tilespmem:s15+$0xFFFFFF50];
	v9 =	vmul.f32 v4, v2;
	(pc) =	sbr.rel @p2 .LBB2_23-.Ltmp12, $4  }
0x3ae: {  	v8 =	vmul.f32 v8, v2;
	v4 =	vld [tilespmem:s15+$0xFFFFFF60]  }
0x3af: {  	v6 =	vmul.f32 v6, v2;
	v3 =	vld [tilespmem:s15+$0xFFFFFF70];
	[tilespmem:s15+$0xFFFFFF80] =	vst v9  }
0x3b0: {  	[tilespmem:s15+$0xFFFFFF10] =	vst v8;
	v9 =	vmul.f32 v7, v2;
	v7 =	vld [tilespmem:s15+$0xFFFFFF90]  }
0x3b1: {  	s19 =	sadd.s32 $0x2, s19;
	v10 =	vmov s17;
	[tilespmem:s15+$0xFFFFFF20] =	vst v6;
	v8 =	vmul.f32 v11, v2;
	v6 =	vld [tilespmem:s15+$0xFFFFFFA0]  }
0x3b2: {  	v11 =	vld [tilespmem:s15+$0xFFFFFFB0]  }
0x3b3: {  	v10 =	vand.u32 $0xFFFFFFFE, v10;
	s16 =	sadd.s32 $0x1, s17;
	v12 =	vld [tilespmem:s15+$0xFFFFFFC0]  }
0x3b4: {  	v14 =	vld [tilespmem:s15+$0xFFFFFFD0];
	[tilespmem:s15+$0xFFFFFF30] =	vst v9;
	v5 =	vmul.f32 v5, v2;
	v10 =	vbroadcast v10, $0x0;
	v13 =	vmov s16  }
0x3b5: {  	v9 =	vld [tilespmem:s15+$0xFFFFFFE0];
	[tilespmem:s15+$0xFFFFFF40] =	vst v8;
	v4 =	vmul.f32 v4, v2  }
0x3b6: {  	v8 =	vld [tilespmem:s15+$0xFFFFFFF0];
	[tilespmem:s15+$0xFFFFFF50] =	vst v5;
	v7 =	vmul.f32 v7, v1  }
0x3b7: {  	s17 =	sadd.s32 $0x100, s15;
	v2 =	vmul.f32 v3, v2;
	v3 =	vld [tilespmem:s15+$0x0];
	[tilespmem:s15+$0xFFFFFF60] =	vst v4  }
0x3b8: {  	v4 =	vmul.f32 v6, v1;
	[tilespmem:s15+$0xFFFFFF90] =	vst v7;
	v7 =	vld [tilespmem:s17+$0xFFFFFF80]  }
0x3b9: {  	[tilespmem:s15+$0xFFFFFF70] =	vst v2;
	v2 =	vmul.f32 v11, v1;
	v5 =	vld.idx.msk [tilespmem:v13+s12+$0x0], $0xffff  }
0x3ba: {  	[tilespmem:s15+$0xFFFFFFA0] =	vst v4;
	v4 =	vmul.f32 v12, v1;
	v6 =	vld.idx.msk [tilespmem:v10+s12+$0x0], $0xffff  }
0x3bb: {  	[tilespmem:s18+$0xFFFFFFB0] =	vst v2;
	v2 =	vmul.f32 v14, v1;
	v10 =	vld [tilespmem:s17+$0xFFFFFF10]  }
0x3bc: {  	[tilespmem:s18+$0xFFFFFFC0] =	vst v4;
	v4 =	vmul.f32 v9, v1;
	v9 =	vld [tilespmem:s17+$0xFFFFFF20]  }
0x3bd: {  	[tilespmem:s18+$0xFFFFFFD0] =	vst v2;
	v2 =	vmul.f32 v8, v1;
	v8 =	vld [tilespmem:s17+$0xFFFFFF30]  }
0x3be: {  	v1 =	vmul.f32 v3, v1;
	v3 =	vld [tilespmem:s17+$0xFFFFFF40];
	[tilespmem:s18+$0xFFFFFFE0] =	vst v4  }
0x3bf: {  	[tilespmem:s18+$0xFFFFFFF0] =	vst v2;
	v2 =	vld [tilespmem:s17+$0xFFFFFF50];
	v4 =	vmul.f32 v7, v6  }
0x3c0: {  	[tilespmem:s18+$0x0] =	vst v1;
	v1 =	vmul.f32 v10, v6;
	v7 =	vld [tilespmem:s17+$0xFFFFFF60]  }
0x3c1: {  	v10 =	vld [tilespmem:s17+$0xFFFFFF70];
	v9 =	vmul.f32 v9, v6;
	[tilespmem:s17+$0xFFFFFF80] =	vst v4  }
0x3c2: {  	[tilespmem:s17+$0xFFFFFF10] =	vst v1;
	v1 =	vmul.f32 v8, v6;
	v4 =	vld [tilespmem:s17+$0xFFFFFF90]  }
0x3c3: {  	v3 =	vmul.f32 v3, v6;
	v8 =	vld [tilespmem:s17+$0xFFFFFFA0];
	[tilespmem:s17+$0xFFFFFF20] =	vst v9  }
0x3c4: {  	[tilespmem:s17+$0xFFFFFF30] =	vst v1;
	v1 =	vmul.f32 v2, v6;
	v2 =	vld [tilespmem:s17+$0xFFFFFFB0]  }
0x3c5: {  	[tilespmem:s17+$0xFFFFFF40] =	vst v3;
	v3 =	vmul.f32 v7, v6;
	v7 =	vld [tilespmem:s17+$0xFFFFFFC0]  }
0x3c6: {  	[tilespmem:s17+$0xFFFFFF50] =	vst v1;
	v1 =	vmul.f32 v10, v6;
	v6 =	vld [tilespmem:s17+$0xFFFFFFD0]  }
0x3c7: {  	[tilespmem:s17+$0xFFFFFF60] =	vst v3;
	v3 =	vmul.f32 v4, v5;
	v4 =	vld [tilespmem:s17+$0xFFFFFFE0]  }
0x3c8: {  	[tilespmem:s17+$0xFFFFFF70] =	vst v1;
	v1 =	vmul.f32 v8, v5;
	v8 =	vld [tilespmem:s17+$0xFFFFFFF0]  }
0x3c9: {  	[tilespmem:s17+$0xFFFFFF90] =	vst v3;
	v2 =	vmul.f32 v2, v5;
	v3 =	vld [tilespmem:s17+$0x0]  }
0x3ca: {  	[tilespmem:s17+$0xFFFFFFA0] =	vst v1;
	v1 =	vmul.f32 v7, v5  }
0x3cb: {  	[tilespmem:s17+$0xFFFFFFB0] =	vst v2;
	v2 =	vmul.f32 v6, v5  }
0x3cc: {  	[tilespmem:s17+$0xFFFFFFC0] =	vst v1;
	v1 =	vmul.f32 v4, v5  }
0x3cd: {  	[tilespmem:s17+$0xFFFFFFD0] =	vst v2;
	v2 =	vmul.f32 v8, v5  }
0x3ce: {  	[tilespmem:s17+$0xFFFFFFE0] =	vst v1;
	v1 =	vmul.f32 v3, v5  }
0x3cf: {  	[tilespmem:s17+$0xFFFFFFF0] =	vst v2  }
0x3d0: {  	s19 =	simm.s32 $0x5400;
	s18 =	simm.s32 $0x400;
	[tilespmem:s17+$0x0] =	vst v1;
	s17 =	simm.s32 $0x8  }
0x3d1: {  	[spmem:s5] =	stream.indirect.scatter.add.f32 [tilespmem:s19], [sflag:$0x9], $0x80, s18, s22, $0xb8;
	[tilespmem:$0x1C480] =	vst v63  }
0x3d2: {  	_ =	swait.ge [sflag:s17], $0x1400  }
0x3d3: {  	[sflag:s17] =	ssyncset.done $0x0  }
0x3d4: {  	s15 =	simm.s32 @!p1 $0xD;
	[sflag:s17] =	ssyncadd.s32 $0xFFFFEC00  }
0x3d5: {  	_ =	swait.ge @!p1 [sflag:s15], $0x28  }
0x3d6: {  	[sflag:s15] =	ssyncset.done @!p1 $0x0  }
0x3d7: {  	[sflag:s15] =	ssyncadd.s32 @!p1 $0xFFFFFFD8  }
0x3d8: {  	_ =	swait.ge @!p1 [sflag:s15], $0x28  }
0x3d9: {  	[sflag:s15] =	ssyncset.done @!p1 $0x0  }
0x3da: {  	[sflag:s15] =	ssyncadd.s32 @!p1 $0xFFFFFFD8  }
0x3db: {  	_ =	swait.ge @!p1 [sflag:s15], $0x28  }
0x3dc: {  	s16 =	sld [smem:$0x7F9];
	_ =	sdelay $0x1  }
0x3dd: {  	s18 =	simm.s32 @!p1 $0x4000;
	s19 =	simm.s32 $0x0  }
0x3de: {  	s17 =	simm.s32 @!p1 $0x900;
	[sflag:s15] =	ssyncset.done @!p1 $0x0;
	s16 =	sadd.s32 @!p1 s13, s16  }
0x3df: {  	[sflag:s15] =	ssyncadd.s32 @!p1 $0xFFFFFFD8;
	s15 =	simm.s32 @!p1 $0x28;
	s16 =	smul.u32 @!p1 $0x5, s16  }
0x3e0: {  	[tilespmem:s18], [sflag:$0x3] =	stream.indirect.gather @!p1 [hbm4b:s4+s15], $0x80, s17, s15, $0xb8;
	[tilespmem:$0x1C480] =	vst v63  }
0x3e1: {  	s17 =	simm.s32 @!p1 $0x0;
	s18 =	simm.s32 @!p1 $0x380;
	s15 =	sadd.s32 @!p1 s1, s16  }
0x3e2: {  	v1 =	vmov s19;
	[tilespmem:s18], [sflag:$0x12] =	stream.linear.gather @!p1 [hbm4b:s15+s17], $0x28, $0x38;
	[tilespmem:$0x1C480] =	vst v63  }
0x3e3: {  	v1 =	vand.u32 $0xFFFFFFFE, v1;
	s15 =	sadd.s32 @!p1 s2, s16;
	s18 =	simm.s32 @!p1 $0xB80  }
0x3e4: {  	v1 =	vbroadcast v1, $0x0;
	[tilespmem:s18], [sflag:$0x12] =	stream.linear.gather @!p1 [hbm4b:s15+s17], $0x28, $0x38;
	[tilespmem:$0x1C480] =	vst v63  }
0x3e5: {  	s15 =	sadd.s32 @!p1 s3, s16;
	s16 =	simm.s32 @!p1 $0x1380;
	s18 =	simm.s32 $0x5  }
0x3e6: {  	[tilespmem:s16], [sflag:$0x12] =	stream.linear.gather @!p1 [hbm4b:s15+s17], $0x28, $0x38;
	[tilespmem:$0x1C480] =	vst v63  }
0x3e7: {  	_ =	swait.ge [sflag:s18], $0x1400  }
0x3e8: {  	[sflag:s18] =	ssyncset.done $0x0  }
0x3e9: {  	[sflag:s18] =	ssyncadd.s32 $0xFFFFEC00  }
0x3ea: {  	s15 =	simm.s32 $0x68F0;
	v2 =	vld.idx.msk [tilespmem:v1+s24+$0x0], $0xffff  }
0x3eb: {  	v1 =	vld [tilespmem:s15+$0xFFFFFF80]  }
0x3ec: {  	v3 =	vld [tilespmem:s15+$0xFFFFFF10]  }
0x3ed: {  	s19 =	simm.s32 $0x1;
	v6 =	vld [tilespmem:s15+$0xFFFFFF20]  }
0x3ee: {  	v7 =	vmov s19;
	v8 =	vld [tilespmem:s15+$0xFFFFFF30]  }
0x3ef: {  	v11 =	vld [tilespmem:s15+$0xFFFFFF40]  }
0x3f0: {  	v5 =	vld [tilespmem:s15+$0xFFFFFF50]  }
0x3f1: {  	v4 =	vld [tilespmem:s15+$0xFFFFFF60];
	v9 =	vmul.f32 v1, v2  }
0x3f2: {  	v10 =	vmul.f32 v3, v2;
	v3 =	vld [tilespmem:s15+$0xFFFFFF70]  }
0x3f3: {  	v1 =	vld.idx.msk [tilespmem:v7+s24+$0x0], $0xffff;
	v6 =	vmul.f32 v6, v2;
	[tilespmem:s15+$0xFFFFFF80] =	vst v9  }
0x3f4: {  	s17 =	simm.s32 $0x2;
	v7 =	vld [tilespmem:s15+$0xFFFFFF90];
	[tilespmem:s15+$0xFFFFFF10] =	vst v10;
	v9 =	vmul.f32 v8, v2  }
0x3f5: {  	s19 =	simm.s32 $0x4;
	s18 =	simm.s32 $0x68F0;
	v10 =	vmov s17;
	[tilespmem:s15+$0xFFFFFF20] =	vst v6;
	v8 =	vmul.f32 v11, v2;
	v6 =	vld [tilespmem:s15+$0xFFFFFFA0]  }
.LBB2_25:
0x3f6: {  	p2 =	slt.u32 s19, $0x26;
	v10 =	vand.u32 $0xFFFFFFFE, v10;
	s16 =	sadd.s32 $0x1, s17;
	[tilespmem:s15+$0xFFFFFF30] =	vst v9;
	v5 =	vmul.f32 v5, v2;
	v9 =	vld [tilespmem:s15+$0xFFFFFFB0];
	s17 =	smov.u32 s19  }
0x3f7: {  	v10 =	vbroadcast v10, $0x0;
	v11 =	vmov s16;
	[tilespmem:s15+$0xFFFFFF40] =	vst v8;
	v4 =	vmul.f32 v4, v2;
	v8 =	vld [tilespmem:s15+$0xFFFFFFC0]  }
0x3f8: {  	[tilespmem:s15+$0xFFFFFF50] =	vst v5;
	v2 =	vmul.f32 v3, v2;
	v3 =	vld [tilespmem:s15+$0xFFFFFFD0]  }
0x3f9: {  	[tilespmem:s15+$0xFFFFFF60] =	vst v4;
	v4 =	vmul.f32 v7, v1;
	v5 =	vld [tilespmem:s15+$0xFFFFFFE0]  }
0x3fa: {  	[tilespmem:s15+$0xFFFFFF70] =	vst v2;
	v2 =	vmul.f32 v6, v1;
	v6 =	vld [tilespmem:s15+$0xFFFFFFF0]  }
0x3fb: {  	[tilespmem:s15+$0xFFFFFF90] =	vst v4;
	v4 =	vmul.f32 v9, v1;
	v7 =	vld [tilespmem:s15+$0x0]  }
0x3fc: {  	v9 =	vld.idx.msk [tilespmem:v11+s24+$0x0], $0xffff;
	[tilespmem:s15+$0xFFFFFFA0] =	vst v2;
	v8 =	vmul.f32 v8, v1  }
0x3fd: {  	s15 =	sadd.s32 $0x100, s15;
	v2 =	vld.idx.msk [tilespmem:v10+s24+$0x0], $0xffff;
	[tilespmem:s18+$0xFFFFFFB0] =	vst v4;
	v3 =	vmul.f32 v3, v1  }
0x3fe: {  	v4 =	vld [tilespmem:s15+$0xFFFFFF80];
	[tilespmem:s18+$0xFFFFFFC0] =	vst v8;
	v5 =	vmul.f32 v5, v1  }
0x3ff: {  	v8 =	vld [tilespmem:s15+$0xFFFFFF10];
	[tilespmem:s18+$0xFFFFFFD0] =	vst v3;
	v3 =	vmul.f32 v6, v1  }
0x400: {  	v6 =	vld [tilespmem:s15+$0xFFFFFF20];
	[tilespmem:s18+$0xFFFFFFE0] =	vst v5;
	v5 =	vmul.f32 v7, v1  }
0x401: {  	v7 =	vld [tilespmem:s15+$0xFFFFFF30];
	[tilespmem:s18+$0xFFFFFFF0] =	vst v3  }
0x402: {  	v1 =	vmov v9;
	v11 =	vld [tilespmem:s15+$0xFFFFFF40];
	[tilespmem:s18+$0x0] =	vst v5;
	s18 =	smov.u32 s15  }
.Ltmp13:
0x403: {  	v5 =	vld [tilespmem:s15+$0xFFFFFF50];
	v9 =	vmul.f32 v4, v2;
	(pc) =	sbr.rel @p2 .LBB2_25-.Ltmp13, $4  }
0x404: {  	v8 =	vmul.f32 v8, v2;
	v4 =	vld [tilespmem:s15+$0xFFFFFF60]  }
0x405: {  	v6 =	vmul.f32 v6, v2;
	v3 =	vld [tilespmem:s15+$0xFFFFFF70];
	[tilespmem:s15+$0xFFFFFF80] =	vst v9  }
0x406: {  	[tilespmem:s15+$0xFFFFFF10] =	vst v8;
	v9 =	vmul.f32 v7, v2;
	v7 =	vld [tilespmem:s15+$0xFFFFFF90]  }
0x407: {  	s19 =	sadd.s32 $0x2, s19;
	v10 =	vmov s17;
	[tilespmem:s15+$0xFFFFFF20] =	vst v6;
	v8 =	vmul.f32 v11, v2;
	v6 =	vld [tilespmem:s15+$0xFFFFFFA0]  }
0x408: {  	v11 =	vld [tilespmem:s15+$0xFFFFFFB0]  }
0x409: {  	v10 =	vand.u32 $0xFFFFFFFE, v10;
	v12 =	vld [tilespmem:s15+$0xFFFFFFC0]  }
0x40a: {  	v14 =	vld [tilespmem:s15+$0xFFFFFFD0];
	[tilespmem:s15+$0xFFFFFF30] =	vst v9;
	v5 =	vmul.f32 v5, v2;
	v10 =	vbroadcast v10, $0x0  }
0x40b: {  	v44 =	vld [tilespmem:s15+$0xFFFFFFE0];
	[tilespmem:s15+$0xFFFFFF40] =	vst v8;
	v4 =	vmul.f32 v4, v2  }
0x40c: {  	v45 =	vld [tilespmem:s15+$0xFFFFFFF0];
	s19 =	sadd.s32 $0x100, s15;
	[tilespmem:s15+$0xFFFFFF50] =	vst v5;
	v2 =	vmul.f32 v3, v2  }
0x40d: {  	v50 =	vld [tilespmem:s19+$0xFFFFFF80];
	v7 =	vmul.f32 v7, v1;
	[tilespmem:s15+$0xFFFFFF60] =	vst v4  }
0x40e: {  	v51 =	vld [tilespmem:s19+$0xFFFFFF10];
	v46 =	vmul.f32 v6, v1;
	[tilespmem:s15+$0xFFFFFF70] =	vst v2  }
0x40f: {  	v3 =	vld [tilespmem:s15+$0x0];
	[tilespmem:s15+$0xFFFFFF90] =	vst v7;
	v2 =	vmul.f32 v11, v1  }
0x410: {  	v49 =	vmul.f32 v12, v1;
	[tilespmem:s15+$0xFFFFFFA0] =	vst v46;
	v48 =	vld.idx.msk [tilespmem:v10+s24+$0x0], $0xffff  }
0x411: {  	v53 =	vld [tilespmem:s19+$0xFFFFFF20];
	[tilespmem:s18+$0xFFFFFFB0] =	vst v2;
	v2 =	vmul.f32 v14, v1  }
0x412: {  	s16 =	sadd.s32 $0x1, s17;
	v54 =	vld [tilespmem:s19+$0xFFFFFF30];
	v52 =	vmul.f32 v44, v1;
	[tilespmem:s18+$0xFFFFFFC0] =	vst v49  }
0x413: {  	v13 =	vmov s16;
	v56 =	vld [tilespmem:s19+$0xFFFFFF60];
	[tilespmem:s18+$0xFFFFFFD0] =	vst v2;
	v2 =	vmul.f32 v45, v1  }
0x414: {  	[tilespmem:s18+$0xFFFFFFE0] =	vst v52;
	v1 =	vmul.f32 v3, v1;
	v3 =	vld [tilespmem:s19+$0xFFFFFF40]  }
0x415: {  	[tilespmem:s18+$0xFFFFFFF0] =	vst v2;
	v2 =	vld [tilespmem:s19+$0xFFFFFF50];
	v55 =	vmul.f32 v50, v48  }
0x416: {  	v57 =	vld [tilespmem:s19+$0xFFFFFF70];
	[tilespmem:s18+$0x0] =	vst v1;
	v1 =	vmul.f32 v51, v48  }
0x417: {  	v58 =	vld [tilespmem:s19+$0xFFFFFF90];
	v9 =	vmul.f32 v53, v48;
	[tilespmem:s19+$0xFFFFFF80] =	vst v55  }
0x418: {  	v47 =	vld.idx.msk [tilespmem:v13+s24+$0x0], $0xffff;
	[tilespmem:s19+$0xFFFFFF10] =	vst v1;
	v1 =	vmul.f32 v54, v48  }
0x419: {  	v59 =	vld [tilespmem:s19+$0xFFFFFFA0];
	[tilespmem:s19+$0xFFFFFF20] =	vst v9;
	v3 =	vmul.f32 v3, v48  }
0x41a: {  	[tilespmem:s19+$0xFFFFFF30] =	vst v1;
	v1 =	vmul.f32 v2, v48;
	v2 =	vld [tilespmem:s19+$0xFFFFFFB0]  }
0x41b: {  	v60 =	vld [tilespmem:s19+$0xFFFFFFC0];
	[tilespmem:s19+$0xFFFFFF40] =	vst v3;
	v3 =	vmul.f32 v56, v48  }
0x41c: {  	v61 =	vld [tilespmem:s19+$0xFFFFFFD0];
	[tilespmem:s19+$0xFFFFFF50] =	vst v1;
	v1 =	vmul.f32 v57, v48  }
0x41d: {  	v62 =	vld [tilespmem:s19+$0xFFFFFFE0];
	[tilespmem:s19+$0xFFFFFF60] =	vst v3;
	v3 =	vmul.f32 v58, v47  }
0x41e: {  	v63 =	vld [tilespmem:s19+$0xFFFFFFF0];
	[tilespmem:s19+$0xFFFFFF70] =	vst v1;
	v1 =	vmul.f32 v59, v47  }
0x41f: {  	[tilespmem:s19+$0xFFFFFF90] =	vst v3;
	v3 =	vld [tilespmem:s19+$0x0];
	v2 =	vmul.f32 v2, v47  }
0x420: {  	[tilespmem:s19+$0xFFFFFFA0] =	vst v1;
	v1 =	vmul.f32 v60, v47  }
0x421: {  	[tilespmem:s19+$0xFFFFFFB0] =	vst v2;
	v2 =	vmul.f32 v61, v47  }
0x422: {  	[tilespmem:s19+$0xFFFFFFC0] =	vst v1;
	v1 =	vmul.f32 v62, v47  }
0x423: {  	[tilespmem:s19+$0xFFFFFFD0] =	vst v2;
	v2 =	vmul.f32 v63, v47  }
0x424: {  	[tilespmem:s19+$0xFFFFFFE0] =	vst v1;
	v1 =	vmul.f32 v3, v47  }
0x425: {  	s17 =	simm.s32 $0x480;
	[tilespmem:s19+$0xFFFFFFF0] =	vst v2  }
.Ltmp14:
0x426: {  	s18 =	simm.s32 $0x6800;
	[tilespmem:s19+$0x0] =	vst v1;
	s19 =	simm.s32 $0x9;
	(pc) =	sbr.rel @p1 .LBB2_28-.Ltmp14, $4  }
0x427: {  	[spmem:s5] =	stream.indirect.scatter.add.f32 [tilespmem:s18], [sflag:$0xA], $0x80, s17, s22, $0xb8;
	[tilespmem:$0x1C480] =	vst v63  }
0x428: {  	_ =	swait.ge [sflag:s19], $0x1400  }
0x429: {  	[sflag:s19] =	ssyncset.done $0x0  }
0x42a: {  	[sflag:s19] =	ssyncadd.s32 $0xFFFFEC00  }
0x42b: {  	s16 =	simm.s32 $0xE  }
0x42c: {  	_ =	swait.ge [sflag:s16], $0x28  }
0x42d: {  	[sflag:s16] =	ssyncset.done $0x0  }
0x42e: {  	[sflag:s16] =	ssyncadd.s32 $0xFFFFFFD8  }
0x42f: {  	_ =	swait.ge [sflag:s16], $0x28  }
0x430: {  	[sflag:s16] =	ssyncset.done $0x0  }
0x431: {  	[sflag:s16] =	ssyncadd.s32 $0xFFFFFFD8  }
0x432: {  	_ =	swait.ge [sflag:s16], $0x28  }
0x433: {  	s15 =	sld [smem:$0x7FA];
	_ =	sdelay $0x2  }
0x434: {  	s17 =	simm.s32 $0x980;
	[sflag:s16] =	ssyncset.done $0x0;
	s13 =	sadd.s32 s13, s15  }
0x435: {  	s18 =	simm.s32 $0x5400;
	[sflag:s16] =	ssyncadd.s32 $0xFFFFFFD8;
	s13 =	smul.u32 $0x5, s13  }
0x436: {  	[tilespmem:s18], [sflag:$0x4] =	stream.indirect.gather [hbm4b:s4+s22], $0x80, s17, s22, $0xb8;
	[tilespmem:$0x1C480] =	vst v63  }
0x437: {  	s16 =	simm.s32 $0x0;
	s17 =	simm.s32 $0x400;
	s19 =	sadd.s32 s1, s13  }
0x438: {  	[tilespmem:s17], [sflag:$0x13] =	stream.linear.gather [hbm4b:s19+s16], $0x28, $0x38;
	[tilespmem:$0x1C480] =	vst v63  }
.Ltmp15:
0x439: {  	_ = 	snop;
	(pc) =	sbr.rel .LBB2_6-.Ltmp15, $4  }
0x43a: {  	s18 =	sadd.s32 s2, s13;
	s19 =	simm.s32 $0xC00  }
0x43b: {  	[tilespmem:s19], [sflag:$0x13] =	stream.linear.gather [hbm4b:s18+s16], $0x28, $0x38;
	[tilespmem:$0x1C480] =	vst v63  }
0x43c: {  	s9 =	sadd.s32 $0x1, s9;
	s13 =	sadd.s32 s3, s13  }
0x43d: {  	[tilespmem:s12], [sflag:$0x13] =	stream.linear.gather [hbm4b:s13+s16], $0x28, $0x38;
	[tilespmem:$0x1C480] =	vst v63  }
.LBB2_29:
0x43e: {  	_ =	sfence.sel $0x180000  }
0x43f: {  	[bflag:$0x0] =	sbarrier.arrive $0xFFFF  }
0x440: {  	_ =	strace $0x90000047  }
0x441: {  	s0 =	stileid.u32;
	[bflag:$0x2] =	sbarrier.arrive $0xFFFF  }
0x442: {  	p0 =	sne.s32 s0, $0x0;
	s0 =	rddreg [dreg:$0x5]  }
0x443: {  	s0 =	sadd.s32 @!p0 $0x100000, s0  }
0x444: {  	[sflag:s0] =	ssyncadd.tile.s32 @!p0 $0x1;
	_ =	shalt  }
.Lfunc_end2:
_tile_overlayer_lowered:
.L_overlay_start_2:
0x445: {  	(tag) =	ssettag $0x2  }
0x446: {  	s0 =	rddreg [dreg:$0x0];
	s2 =	stileid.u32  }
0x447: {  	s1 =	rddreg [dreg:$0x1];
	p0 =	sne.s32 s2, $0x0  }
0x448: {  	s3 =	rddreg [dreg:$0x2];
	[bflag:$0x3] =	sbarrier.arrive $0xFFFF;
	s2 =	simm.s32 @!p0 $0x1C15  }
0x449: {  	[timem:s3], [sflag:s2] =	dma.local @!p0 [hbm:s0], s1  }
0x44a: {  	s0 =	simm.s32 @!p0 $0x15  }
0x44b: {  	_ =	swait.ge @!p0 [sflag:s0], s1  }
0x44c: {  	s1 =	ssub.s32 @!p0 $0x0, s1;
	[sflag:s0] =	ssyncset.done @!p0 $0x0  }
0x44d: {  	[sflag:s0] =	ssyncadd.s32 @!p0 s1  }
0x44e: {  	[bflag:$0x3] =	sbarrier.arrive $0xFFFF  }
0x44f: {  	_ =	shalt  }

</sc_bundles>
